<compile_context>
chip_gen: v7x
topology: tpu7x:2x2x1
jax: 0.10.2.dev20260603
libtpu: 0.0.44.dev20260713+nightly
codegen_flags: <defaults>
</compile_context>

<pallas_src>
import functools

import jax
import jax.numpy as jnp
from jax import lax
from jax.experimental import pallas as pl
from jax.experimental.pallas import tpu as pltpu
from jax.experimental.pallas import tpu_sc as plsc

D = 128
LANES = 16
COLB = D // LANES
NBUF = 4


def _make_sc_kernel(b, t, dp, vocab):
    info = plsc.get_sparse_core_info()
    nw = info.num_cores * info.num_subcores
    bpw = b // nw
    th = t // 2
    kh = th * dp
    nch = bpw * 2
    nfull = kh // LANES
    ktail = kh - nfull * LANES
    npw = bpw * t * dp
    assert nch % NBUF == 0

    mesh = plsc.VectorSubcoreMesh(core_axis_name="c", subcore_axis_name="s")

    @functools.partial(
        pl.kernel,
        mesh=mesh,
        out_type=jax.ShapeDtypeStruct((b * t, dp, D), jnp.float32),
        compiler_params=pltpu.CompilerParams(needs_layout_passes=False),
        scratch_types=[
            pltpu.VMEM((npw,), jnp.int32),
            pltpu.VMEM((npw,), jnp.float32),
            [pltpu.VMEM((kh,), jnp.int32)] * NBUF,
            [pltpu.VMEM((kh, D), jnp.float32)] * NBUF,
            pltpu.VMEM_SHARED((vocab, D), jnp.float32),
            [pltpu.SemaphoreType.DMA] * NBUF,
            [pltpu.SemaphoreType.DMA] * NBUF,
        ],
    )
    def sc_embed(table_hbm, idx_hbm, num_hbm, out_hbm,
                 idx_all, num_all, st, g, table_sp, gsem, wsem):
        wid = lax.axis_index("s") * info.num_cores + lax.axis_index("c")
        wbase = wid * npw
        bt0 = wid * bpw * t
        sid = lax.axis_index("s")
        vpt = vocab // info.num_subcores
        pltpu.sync_copy(table_hbm.at[pl.ds(sid * vpt, vpt)],
                        table_sp.at[pl.ds(sid * vpt, vpt)])
        pltpu.sync_copy(idx_hbm.at[pl.ds(wbase, npw)], idx_all)
        pltpu.sync_copy(num_hbm.at[pl.ds(wbase, npw)], num_all)
        plsc.subcore_barrier()
        lanes = lax.iota(jnp.int32, LANES)

        def stage(h, sp):
            cbase = h * kh
            for gg in range(nfull):
                pos = lanes + (cbase + gg * LANES)
                sp[pl.ds(gg * LANES, LANES)] = plsc.load_gather(idx_all, [pos])
            pos = jnp.minimum(lanes + (cbase + nfull * LANES), npw - 1)
            v = plsc.load_gather(idx_all, [pos])
            plsc.store_scatter(sp, [lanes + nfull * LANES], v, mask=lanes < ktail)

        def start_gather(h, r):
            stage(h, st[r])
            pltpu.async_copy(table_sp.at[st[r]], g[r], gsem[r])

        def drain_write(h, r):
            pltpu.make_async_copy(
                g[r].reshape(th, dp, D),
                out_hbm.at[pl.ds(bt0 + h * th, th)], wsem[r]).wait()

        start_gather(0, 0)
        start_gather(1, 1)

        def quad_body(s, _):
            for hh in range(NBUF):
                h = NBUF * s + hh
                r = hh
                r2 = (hh + 2) % NBUF

                if hh < 2:
                    @pl.when(s >= 1)
                    def _():
                        drain_write(h - 2, r2)
                    start_gather(h + 2, r2)
                else:
                    @pl.when(s < nch // NBUF - 1)
                    def _():
                        drain_write(h - 2, r2)
                        start_gather(h + 2, r2)

                pltpu.make_async_copy(table_sp.at[st[r]], g[r], gsem[r]).wait()

                def t_body(tt, _):
                    for d in range(dp):
                        row = tt * dp + d
                        s16 = plsc.load_gather(
                            num_all,
                            [jnp.full((LANES,), h * kh + row, jnp.int32)])
                        for kk in range(COLB):
                            blk = g[r][row, pl.ds(kk * LANES, LANES)]
                            g[r][row, pl.ds(kk * LANES, LANES)] = blk * s16
                    return 0

                lax.fori_loop(0, th, t_body, 0)
                pltpu.async_copy(
                    g[r].reshape(th, dp, D),
                    out_hbm.at[pl.ds(bt0 + h * th, th)], wsem[r])
            return 0

        lax.fori_loop(0, nch // NBUF, quad_body, 0)

        for j in range(NBUF):
            drain_write(nch - NBUF + j, j)

    return sc_embed


def kernel(idx, num, table):
    b, t, dp = idx.shape
    n = b * t * dp
    idx_flat = idx.reshape(n).astype(jnp.int32)
    num_flat = num.reshape(n)
    out = _make_sc_kernel(b, t, dp, table.shape[0])(table, idx_flat, num_flat)
    return out.reshape(b, t, dp, D)

# --- scband reference (transcript-rebuilt; emitter-appended) ---
"""Pipeline reference for scband-sym-former-embedder-27711128994512 (READ-ONLY COPY).

The authoritative reference and input builder live on the scoring server;
editing this copy changes nothing except your own understanding.
"""

import jax, jax.numpy as jnp
import numpy as np

VOCAB_SZ = 1024
EMBED_DIM = 128
B, T, DP = 1024, 50, 7
PAD_IDX = 0


def setup_inputs(seed: int = 0) -> dict:
    key = jax.random.key(seed)
    k1, k2, k3 = jax.random.split(key, 3)
    idx = jax.random.randint(k1, (B, T, DP), 0, VOCAB_SZ, dtype=jnp.int64 if jax.config.read('jax_enable_x64') else jnp.int32)
    num = jax.random.normal(k2, (B, T, DP), dtype=jnp.float32)
    table = jax.random.normal(k3, (VOCAB_SZ, EMBED_DIM), dtype=jnp.float32) * 0.02
    # nn.Embedding padding_idx='<pad>' (index 0): padding row is zeros
    table = table.at[PAD_IDX].set(0.0)
    return {"idx": idx, "num": num, "table": table}


def reference(idx, num, table):
    # SymFormerEmbedder.embed_numbers core: self.embed(idx) * num[..., None]
    emb = jnp.take(table, idx, axis=0)  # [B, T, D', embed_dim] gather
    out = emb * num[..., None]
    return out

if __name__ == "__main__":
    import jax
    _d = setup_inputs()
    print(jax.jit(kernel)(*tuple(_d.values())))

</pallas_src>

<mosaic_0001>
#map = affine_map<(d0, d1) -> (0, 0)>
#map1 = affine_map<(d0, d1) -> (0)>
#map2 = affine_map<(d0, d1) -> (0, 0, 0)>
module attributes {stable_mosaic.version = 14 : i64} {
  func.func @sc_embed(%arg0: i32, %arg1: i32, %arg2: memref<1024x128xf32, #tpu.memory_space<hbm>>, %arg3: memref<358400xi32, #tpu.memory_space<hbm>>, %arg4: memref<358400xf32, #tpu.memory_space<hbm>>, %arg5: memref<51200x7x128xf32, #tpu.memory_space<hbm>>, %arg6: memref<11200xi32, #tpu.memory_space<vmem>>, %arg7: memref<11200xf32, #tpu.memory_space<vmem>>, %arg8: memref<175xi32, #tpu.memory_space<vmem>>, %arg9: memref<175xi32, #tpu.memory_space<vmem>>, %arg10: memref<175xi32, #tpu.memory_space<vmem>>, %arg11: memref<175xi32, #tpu.memory_space<vmem>>, %arg12: memref<175x128xf32, #tpu.memory_space<vmem>>, %arg13: memref<175x128xf32, #tpu.memory_space<vmem>>, %arg14: memref<175x128xf32, #tpu.memory_space<vmem>>, %arg15: memref<175x128xf32, #tpu.memory_space<vmem>>, %arg16: memref<1024x128xf32, #tpu.memory_space<vmem_shared>>, %arg17: memref<!tpu.dma_semaphore, #tpu.memory_space<semaphore_mem>>, %arg18: memref<!tpu.dma_semaphore, #tpu.memory_space<semaphore_mem>>, %arg19: memref<!tpu.dma_semaphore, #tpu.memory_space<semaphore_mem>>, %arg20: memref<!tpu.dma_semaphore, #tpu.memory_space<semaphore_mem>>, %arg21: memref<!tpu.dma_semaphore, #tpu.memory_space<semaphore_mem>>, %arg22: memref<!tpu.dma_semaphore, #tpu.memory_space<semaphore_mem>>, %arg23: memref<!tpu.dma_semaphore, #tpu.memory_space<semaphore_mem>>, %arg24: memref<!tpu.dma_semaphore, #tpu.memory_space<semaphore_mem>>) attributes {dimension_semantics = [#tpu.dimension_semantics<core_parallel>, #tpu.dimension_semantics<subcore_parallel>], iteration_bounds = array<i64: 2, 16>, scalar_prefetch = 0 : i64, scratch_operands = 19 : i64, tpu.core_type = #tpu.core_type<sc_vector_subcore>, window_params = [{transform_indices = #map}, {transform_indices = #map1}, {transform_indices = #map1}, {transform_indices = #map2}]} {
    %mul3A = arith.constant 2 : i32
    %mul3A_0 = arith.muli %arg1, %mul3A : i32
    %add3A = arith.addi %mul3A_0, %arg0 : i32
    %mul3A_1 = arith.constant 11200 : i32
    %mul3A_2 = arith.muli %add3A, %mul3A_1 : i32
    %mul3A_3 = arith.constant 32 : i32
    %mul3A_4 = arith.muli %add3A, %mul3A_3 : i32
    %mul3A_5 = arith.constant 50 : i32
    %mul3A_6 = arith.muli %mul3A_4, %mul3A_5 : i32
    %mul3A_7 = arith.constant 64 : i32
    %mul3A_8 = arith.muli %arg1, %mul3A_7 : i32
    %mul3A_9 = arith.constant 64 : i32
    %mul3A_10 = arith.muli %arg1, %mul3A_9 : i32
    "tpu.region"() ({
      %run_scoped3A = tpu.sem_alloc : memref<!tpu.dma_semaphore, #tpu.memory_space<semaphore_mem>>
      %dma_start3A_203 = arith.constant 0 : i32
      %dma_start3A_204 = tpu.memref_slice %arg16[%mul3A_10, %dma_start3A_203] : memref<1024x128xf32, #tpu.memory_space<vmem_shared>> -> memref<64x128xf32, #tpu.memory_space<vmem_shared>>
      %dma_start3A_205 = arith.constant 0 : i32
      %dma_start3A_206 = tpu.memref_slice %arg2[%mul3A_8, %dma_start3A_205] : memref<1024x128xf32, #tpu.memory_space<hbm>> -> memref<64x128xf32, #tpu.memory_space<hbm>>
      tpu.enqueue_dma source(%dma_start3A_206 : memref<64x128xf32, #tpu.memory_space<hbm>>) target(%dma_start3A_204 : memref<64x128xf32, #tpu.memory_space<vmem_shared>>) target_semaphore(%run_scoped3A : memref<!tpu.dma_semaphore, #tpu.memory_space<semaphore_mem>>)
      %dma_wait3A_207 = arith.constant 0 : i32
      %dma_wait3A_208 = tpu.memref_slice %arg16[%mul3A_10, %dma_wait3A_207] : memref<1024x128xf32, #tpu.memory_space<vmem_shared>> -> memref<64x128xf32, #tpu.memory_space<vmem_shared>>
      %dma_wait3A_209 = arith.constant 0 : i32
      %dma_wait3A_210 = tpu.memref_slice %arg2[%mul3A_8, %dma_wait3A_209] : memref<1024x128xf32, #tpu.memory_space<hbm>> -> memref<64x128xf32, #tpu.memory_space<hbm>>
      tpu.wait_dma2 semaphore(%run_scoped3A : memref<!tpu.dma_semaphore, #tpu.memory_space<semaphore_mem>>) src(%dma_wait3A_210 : memref<64x128xf32, #tpu.memory_space<hbm>>) dst(%dma_wait3A_208 : memref<64x128xf32, #tpu.memory_space<vmem_shared>>)
      tpu.yield
    }) : () -> ()
    "tpu.region"() ({
      %run_scoped3A = tpu.sem_alloc : memref<!tpu.dma_semaphore, #tpu.memory_space<semaphore_mem>>
      %dma_start3A_203 = tpu.memref_slice %arg3[%mul3A_2] : memref<358400xi32, #tpu.memory_space<hbm>> -> memref<11200xi32, #tpu.memory_space<hbm>>
      %dma_start3A_204 = tpu.memref_slice %arg3[%mul3A_2] : memref<358400xi32, #tpu.memory_space<hbm>> -> memref<11200xi32, #tpu.memory_space<hbm>>
      tpu.enqueue_dma source(%dma_start3A_204 : memref<11200xi32, #tpu.memory_space<hbm>>) target(%arg6 : memref<11200xi32, #tpu.memory_space<vmem>>) target_semaphore(%run_scoped3A : memref<!tpu.dma_semaphore, #tpu.memory_space<semaphore_mem>>)
      %dma_wait3A_205 = tpu.memref_slice %arg3[%mul3A_2] : memref<358400xi32, #tpu.memory_space<hbm>> -> memref<11200xi32, #tpu.memory_space<hbm>>
      %dma_wait3A_206 = tpu.memref_slice %arg3[%mul3A_2] : memref<358400xi32, #tpu.memory_space<hbm>> -> memref<11200xi32, #tpu.memory_space<hbm>>
      tpu.wait_dma2 semaphore(%run_scoped3A : memref<!tpu.dma_semaphore, #tpu.memory_space<semaphore_mem>>) src(%dma_wait3A_206 : memref<11200xi32, #tpu.memory_space<hbm>>) dst(%arg6 : memref<11200xi32, #tpu.memory_space<vmem>>)
      tpu.yield
    }) : () -> ()
    "tpu.region"() ({
      %run_scoped3A = tpu.sem_alloc : memref<!tpu.dma_semaphore, #tpu.memory_space<semaphore_mem>>
      %dma_start3A_203 = tpu.memref_slice %arg4[%mul3A_2] : memref<358400xf32, #tpu.memory_space<hbm>> -> memref<11200xf32, #tpu.memory_space<hbm>>
      %dma_start3A_204 = tpu.memref_slice %arg4[%mul3A_2] : memref<358400xf32, #tpu.memory_space<hbm>> -> memref<11200xf32, #tpu.memory_space<hbm>>
      tpu.enqueue_dma source(%dma_start3A_204 : memref<11200xf32, #tpu.memory_space<hbm>>) target(%arg7 : memref<11200xf32, #tpu.memory_space<vmem>>) target_semaphore(%run_scoped3A : memref<!tpu.dma_semaphore, #tpu.memory_space<semaphore_mem>>)
      %dma_wait3A_205 = tpu.memref_slice %arg4[%mul3A_2] : memref<358400xf32, #tpu.memory_space<hbm>> -> memref<11200xf32, #tpu.memory_space<hbm>>
      %dma_wait3A_206 = tpu.memref_slice %arg4[%mul3A_2] : memref<358400xf32, #tpu.memory_space<hbm>> -> memref<11200xf32, #tpu.memory_space<hbm>>
      tpu.wait_dma2 semaphore(%run_scoped3A : memref<!tpu.dma_semaphore, #tpu.memory_space<semaphore_mem>>) src(%dma_wait3A_206 : memref<11200xf32, #tpu.memory_space<hbm>>) dst(%arg7 : memref<11200xf32, #tpu.memory_space<vmem>>)
      tpu.yield
    }) : () -> ()
    %barrier3A = arith.constant 0 : index
    tpu.barrier barrier_id(%barrier3A)
    %iota3A = tpu.iota {dimensions = array<i32: 0>} : vector<16xi32>
    %add3A_11 = arith.constant 0 : i32
    %add3A_12 = vector.broadcast %add3A_11 : i32 to vector<16xi32>
    %add3A_13 = arith.addi %iota3A, %add3A_12 : vector<16xi32>
    %gather3A = tpu.vector_load_idx %arg6[%add3A_13] : memref<11200xi32, #tpu.memory_space<vmem>>[vector<16xi32>], vector<16xi32>,
    %swap3A = arith.constant 0 : index
    %swap3A_14 = tpu.vector_load %arg8[%swap3A] {strides = array<i32>} : memref<175xi32, #tpu.memory_space<vmem>>, vector<16xi32>,
    tpu.vector_store %arg8[%swap3A], %gather3A {strides = array<i32>} : memref<175xi32, #tpu.memory_space<vmem>>, vector<16xi32>,
    %add3A_15 = arith.constant 16 : i32
    %add3A_16 = vector.broadcast %add3A_15 : i32 to vector<16xi32>
    %add3A_17 = arith.addi %iota3A, %add3A_16 : vector<16xi32>
    %gather3A_18 = tpu.vector_load_idx %arg6[%add3A_17] : memref<11200xi32, #tpu.memory_space<vmem>>[vector<16xi32>], vector<16xi32>,
    %swap3A_19 = arith.constant 16 : index
    %swap3A_20 = tpu.vector_load %arg8[%swap3A_19] {strides = array<i32>} : memref<175xi32, #tpu.memory_space<vmem>>, vector<16xi32>,
    tpu.vector_store %arg8[%swap3A_19], %gather3A_18 {strides = array<i32>} : memref<175xi32, #tpu.memory_space<vmem>>, vector<16xi32>,
    %add3A_21 = arith.constant 32 : i32
    %add3A_22 = vector.broadcast %add3A_21 : i32 to vector<16xi32>
    %add3A_23 = arith.addi %iota3A, %add3A_22 : vector<16xi32>
    %gather3A_24 = tpu.vector_load_idx %arg6[%add3A_23] : memref<11200xi32, #tpu.memory_space<vmem>>[vector<16xi32>], vector<16xi32>,
    %swap3A_25 = arith.constant 32 : index
    %swap3A_26 = tpu.vector_load %arg8[%swap3A_25] {strides = array<i32>} : memref<175xi32, #tpu.memory_space<vmem>>, vector<16xi32>,
    tpu.vector_store %arg8[%swap3A_25], %gather3A_24 {strides = array<i32>} : memref<175xi32, #tpu.memory_space<vmem>>, vector<16xi32>,
    %add3A_27 = arith.constant 48 : i32
    %add3A_28 = vector.broadcast %add3A_27 : i32 to vector<16xi32>
    %add3A_29 = arith.addi %iota3A, %add3A_28 : vector<16xi32>
    %gather3A_30 = tpu.vector_load_idx %arg6[%add3A_29] : memref<11200xi32, #tpu.memory_space<vmem>>[vector<16xi32>], vector<16xi32>,
    %swap3A_31 = arith.constant 48 : index
    %swap3A_32 = tpu.vector_load %arg8[%swap3A_31] {strides = array<i32>} : memref<175xi32, #tpu.memory_space<vmem>>, vector<16xi32>,
    tpu.vector_store %arg8[%swap3A_31], %gather3A_30 {strides = array<i32>} : memref<175xi32, #tpu.memory_space<vmem>>, vector<16xi32>,
    %add3A_33 = arith.constant 64 : i32
    %add3A_34 = vector.broadcast %add3A_33 : i32 to vector<16xi32>
    %add3A_35 = arith.addi %iota3A, %add3A_34 : vector<16xi32>
    %gather3A_36 = tpu.vector_load_idx %arg6[%add3A_35] : memref<11200xi32, #tpu.memory_space<vmem>>[vector<16xi32>], vector<16xi32>,
    %swap3A_37 = arith.constant 64 : index
    %swap3A_38 = tpu.vector_load %arg8[%swap3A_37] {strides = array<i32>} : memref<175xi32, #tpu.memory_space<vmem>>, vector<16xi32>,
    tpu.vector_store %arg8[%swap3A_37], %gather3A_36 {strides = array<i32>} : memref<175xi32, #tpu.memory_space<vmem>>, vector<16xi32>,
    %add3A_39 = arith.constant 80 : i32
    %add3A_40 = vector.broadcast %add3A_39 : i32 to vector<16xi32>
    %add3A_41 = arith.addi %iota3A, %add3A_40 : vector<16xi32>
    %gather3A_42 = tpu.vector_load_idx %arg6[%add3A_41] : memref<11200xi32, #tpu.memory_space<vmem>>[vector<16xi32>], vector<16xi32>,
    %swap3A_43 = arith.constant 80 : index
    %swap3A_44 = tpu.vector_load %arg8[%swap3A_43] {strides = array<i32>} : memref<175xi32, #tpu.memory_space<vmem>>, vector<16xi32>,
    tpu.vector_store %arg8[%swap3A_43], %gather3A_42 {strides = array<i32>} : memref<175xi32, #tpu.memory_space<vmem>>, vector<16xi32>,
    %add3A_45 = arith.constant 96 : i32
    %add3A_46 = vector.broadcast %add3A_45 : i32 to vector<16xi32>
    %add3A_47 = arith.addi %iota3A, %add3A_46 : vector<16xi32>
    %gather3A_48 = tpu.vector_load_idx %arg6[%add3A_47] : memref<11200xi32, #tpu.memory_space<vmem>>[vector<16xi32>], vector<16xi32>,
    %swap3A_49 = arith.constant 96 : index
    %swap3A_50 = tpu.vector_load %arg8[%swap3A_49] {strides = array<i32>} : memref<175xi32, #tpu.memory_space<vmem>>, vector<16xi32>,
    tpu.vector_store %arg8[%swap3A_49], %gather3A_48 {strides = array<i32>} : memref<175xi32, #tpu.memory_space<vmem>>, vector<16xi32>,
    %add3A_51 = arith.constant 112 : i32
    %add3A_52 = vector.broadcast %add3A_51 : i32 to vector<16xi32>
    %add3A_53 = arith.addi %iota3A, %add3A_52 : vector<16xi32>
    %gather3A_54 = tpu.vector_load_idx %arg6[%add3A_53] : memref<11200xi32, #tpu.memory_space<vmem>>[vector<16xi32>], vector<16xi32>,
    %swap3A_55 = arith.constant 112 : index
    %swap3A_56 = tpu.vector_load %arg8[%swap3A_55] {strides = array<i32>} : memref<175xi32, #tpu.memory_space<vmem>>, vector<16xi32>,
    tpu.vector_store %arg8[%swap3A_55], %gather3A_54 {strides = array<i32>} : memref<175xi32, #tpu.memory_space<vmem>>, vector<16xi32>,
    %add3A_57 = arith.constant 128 : i32
    %add3A_58 = vector.broadcast %add3A_57 : i32 to vector<16xi32>
    %add3A_59 = arith.addi %iota3A, %add3A_58 : vector<16xi32>
    %gather3A_60 = tpu.vector_load_idx %arg6[%add3A_59] : memref<11200xi32, #tpu.memory_space<vmem>>[vector<16xi32>], vector<16xi32>,
    %swap3A_61 = arith.constant 128 : index
    %swap3A_62 = tpu.vector_load %arg8[%swap3A_61] {strides = array<i32>} : memref<175xi32, #tpu.memory_space<vmem>>, vector<16xi32>,
    tpu.vector_store %arg8[%swap3A_61], %gather3A_60 {strides = array<i32>} : memref<175xi32, #tpu.memory_space<vmem>>, vector<16xi32>,
    %add3A_63 = arith.constant 144 : i32
    %add3A_64 = vector.broadcast %add3A_63 : i32 to vector<16xi32>
    %add3A_65 = arith.addi %iota3A, %add3A_64 : vector<16xi32>
    %gather3A_66 = tpu.vector_load_idx %arg6[%add3A_65] : memref<11200xi32, #tpu.memory_space<vmem>>[vector<16xi32>], vector<16xi32>,
    %swap3A_67 = arith.constant 144 : index
    %swap3A_68 = tpu.vector_load %arg8[%swap3A_67] {strides = array<i32>} : memref<175xi32, #tpu.memory_space<vmem>>, vector<16xi32>,
    tpu.vector_store %arg8[%swap3A_67], %gather3A_66 {strides = array<i32>} : memref<175xi32, #tpu.memory_space<vmem>>, vector<16xi32>,
    %add3A_69 = arith.constant 160 : i32
    %add3A_70 = vector.broadcast %add3A_69 : i32 to vector<16xi32>
    %add3A_71 = arith.addi %iota3A, %add3A_70 : vector<16xi32>
    %min3A = arith.constant 11199 : i32
    %min3A_72 = vector.broadcast %min3A : i32 to vector<16xi32>
    %min3A_73 = arith.minsi %add3A_71, %min3A_72 : vector<16xi32>
    %gather3A_74 = tpu.vector_load_idx %arg6[%min3A_73] : memref<11200xi32, #tpu.memory_space<vmem>>[vector<16xi32>], vector<16xi32>,
    %add3A_75 = arith.constant 160 : i32
    %add3A_76 = vector.broadcast %add3A_75 : i32 to vector<16xi32>
    %add3A_77 = arith.addi %iota3A, %add3A_76 : vector<16xi32>
    %lt3A = arith.constant 15 : i32
    %lt3A_78 = vector.broadcast %lt3A : i32 to vector<16xi32>
    %lt3A_79 = arith.cmpi slt, %iota3A, %lt3A_78 : vector<16xi32>
    tpu.vector_store_idx %arg8[%add3A_77], %gather3A_74 masked %lt3A_79 : memref<175xi32, #tpu.memory_space<vmem>>[vector<16xi32>], vector<16xi32>, vector<16xi1>
    %dma_start3A = arith.constant 0 : i32
    %dma_start3A_80 = arith.constant 0 : i32
    %dma_start3A_81 = tpu.memref_slice %arg16[%dma_start3A, %dma_start3A_80] : memref<1024x128xf32, #tpu.memory_space<vmem_shared>> -> memref<1024x128xf32, #tpu.memory_space<vmem_shared>>
    tpu.enqueue_indirect_dma source(%dma_start3A_81 : memref<1024x128xf32, #tpu.memory_space<vmem_shared>>) target(%arg12 : memref<175x128xf32, #tpu.memory_space<vmem>>) offsets(%arg8 : memref<175xi32, #tpu.memory_space<vmem>>) semaphore(%arg17 : memref<!tpu.dma_semaphore, #tpu.memory_space<semaphore_mem>>)
    %add3A_82 = arith.constant 175 : i32
    %add3A_83 = vector.broadcast %add3A_82 : i32 to vector<16xi32>
    %add3A_84 = arith.addi %iota3A, %add3A_83 : vector<16xi32>
    %gather3A_85 = tpu.vector_load_idx %arg6[%add3A_84] : memref<11200xi32, #tpu.memory_space<vmem>>[vector<16xi32>], vector<16xi32>,
    %swap3A_86 = arith.constant 0 : index
    %swap3A_87 = tpu.vector_load %arg9[%swap3A_86] {strides = array<i32>} : memref<175xi32, #tpu.memory_space<vmem>>, vector<16xi32>,
    tpu.vector_store %arg9[%swap3A_86], %gather3A_85 {strides = array<i32>} : memref<175xi32, #tpu.memory_space<vmem>>, vector<16xi32>,
    %add3A_88 = arith.constant 191 : i32
    %add3A_89 = vector.broadcast %add3A_88 : i32 to vector<16xi32>
    %add3A_90 = arith.addi %iota3A, %add3A_89 : vector<16xi32>
    %gather3A_91 = tpu.vector_load_idx %arg6[%add3A_90] : memref<11200xi32, #tpu.memory_space<vmem>>[vector<16xi32>], vector<16xi32>,
    %swap3A_92 = arith.constant 16 : index
    %swap3A_93 = tpu.vector_load %arg9[%swap3A_92] {strides = array<i32>} : memref<175xi32, #tpu.memory_space<vmem>>, vector<16xi32>,
    tpu.vector_store %arg9[%swap3A_92], %gather3A_91 {strides = array<i32>} : memref<175xi32, #tpu.memory_space<vmem>>, vector<16xi32>,
    %add3A_94 = arith.constant 207 : i32
    %add3A_95 = vector.broadcast %add3A_94 : i32 to vector<16xi32>
    %add3A_96 = arith.addi %iota3A, %add3A_95 : vector<16xi32>
    %gather3A_97 = tpu.vector_load_idx %arg6[%add3A_96] : memref<11200xi32, #tpu.memory_space<vmem>>[vector<16xi32>], vector<16xi32>,
    %swap3A_98 = arith.constant 32 : index
    %swap3A_99 = tpu.vector_load %arg9[%swap3A_98] {strides = array<i32>} : memref<175xi32, #tpu.memory_space<vmem>>, vector<16xi32>,
    tpu.vector_store %arg9[%swap3A_98], %gather3A_97 {strides = array<i32>} : memref<175xi32, #tpu.memory_space<vmem>>, vector<16xi32>,
    %add3A_100 = arith.constant 223 : i32
    %add3A_101 = vector.broadcast %add3A_100 : i32 to vector<16xi32>
    %add3A_102 = arith.addi %iota3A, %add3A_101 : vector<16xi32>
    %gather3A_103 = tpu.vector_load_idx %arg6[%add3A_102] : memref<11200xi32, #tpu.memory_space<vmem>>[vector<16xi32>], vector<16xi32>,
    %swap3A_104 = arith.constant 48 : index
    %swap3A_105 = tpu.vector_load %arg9[%swap3A_104] {strides = array<i32>} : memref<175xi32, #tpu.memory_space<vmem>>, vector<16xi32>,
    tpu.vector_store %arg9[%swap3A_104], %gather3A_103 {strides = array<i32>} : memref<175xi32, #tpu.memory_space<vmem>>, vector<16xi32>,
    %add3A_106 = arith.constant 239 : i32
    %add3A_107 = vector.broadcast %add3A_106 : i32 to vector<16xi32>
    %add3A_108 = arith.addi %iota3A, %add3A_107 : vector<16xi32>
    %gather3A_109 = tpu.vector_load_idx %arg6[%add3A_108] : memref<11200xi32, #tpu.memory_space<vmem>>[vector<16xi32>], vector<16xi32>,
    %swap3A_110 = arith.constant 64 : index
    %swap3A_111 = tpu.vector_load %arg9[%swap3A_110] {strides = array<i32>} : memref<175xi32, #tpu.memory_space<vmem>>, vector<16xi32>,
    tpu.vector_store %arg9[%swap3A_110], %gather3A_109 {strides = array<i32>} : memref<175xi32, #tpu.memory_space<vmem>>, vector<16xi32>,
    %add3A_112 = arith.constant 255 : i32
    %add3A_113 = vector.broadcast %add3A_112 : i32 to vector<16xi32>
    %add3A_114 = arith.addi %iota3A, %add3A_113 : vector<16xi32>
    %gather3A_115 = tpu.vector_load_idx %arg6[%add3A_114] : memref<11200xi32, #tpu.memory_space<vmem>>[vector<16xi32>], vector<16xi32>,
    %swap3A_116 = arith.constant 80 : index
    %swap3A_117 = tpu.vector_load %arg9[%swap3A_116] {strides = array<i32>} : memref<175xi32, #tpu.memory_space<vmem>>, vector<16xi32>,
    tpu.vector_store %arg9[%swap3A_116], %gather3A_115 {strides = array<i32>} : memref<175xi32, #tpu.memory_space<vmem>>, vector<16xi32>,
    %add3A_118 = arith.constant 271 : i32
    %add3A_119 = vector.broadcast %add3A_118 : i32 to vector<16xi32>
    %add3A_120 = arith.addi %iota3A, %add3A_119 : vector<16xi32>
    %gather3A_121 = tpu.vector_load_idx %arg6[%add3A_120] : memref<11200xi32, #tpu.memory_space<vmem>>[vector<16xi32>], vector<16xi32>,
    %swap3A_122 = arith.constant 96 : index
    %swap3A_123 = tpu.vector_load %arg9[%swap3A_122] {strides = array<i32>} : memref<175xi32, #tpu.memory_space<vmem>>, vector<16xi32>,
    tpu.vector_store %arg9[%swap3A_122], %gather3A_121 {strides = array<i32>} : memref<175xi32, #tpu.memory_space<vmem>>, vector<16xi32>,
    %add3A_124 = arith.constant 287 : i32
    %add3A_125 = vector.broadcast %add3A_124 : i32 to vector<16xi32>
    %add3A_126 = arith.addi %iota3A, %add3A_125 : vector<16xi32>
    %gather3A_127 = tpu.vector_load_idx %arg6[%add3A_126] : memref<11200xi32, #tpu.memory_space<vmem>>[vector<16xi32>], vector<16xi32>,
    %swap3A_128 = arith.constant 112 : index
    %swap3A_129 = tpu.vector_load %arg9[%swap3A_128] {strides = array<i32>} : memref<175xi32, #tpu.memory_space<vmem>>, vector<16xi32>,
    tpu.vector_store %arg9[%swap3A_128], %gather3A_127 {strides = array<i32>} : memref<175xi32, #tpu.memory_space<vmem>>, vector<16xi32>,
    %add3A_130 = arith.constant 303 : i32
    %add3A_131 = vector.broadcast %add3A_130 : i32 to vector<16xi32>
    %add3A_132 = arith.addi %iota3A, %add3A_131 : vector<16xi32>
    %gather3A_133 = tpu.vector_load_idx %arg6[%add3A_132] : memref<11200xi32, #tpu.memory_space<vmem>>[vector<16xi32>], vector<16xi32>,
    %swap3A_134 = arith.constant 128 : index
    %swap3A_135 = tpu.vector_load %arg9[%swap3A_134] {strides = array<i32>} : memref<175xi32, #tpu.memory_space<vmem>>, vector<16xi32>,
    tpu.vector_store %arg9[%swap3A_134], %gather3A_133 {strides = array<i32>} : memref<175xi32, #tpu.memory_space<vmem>>, vector<16xi32>,
    %add3A_136 = arith.constant 319 : i32
    %add3A_137 = vector.broadcast %add3A_136 : i32 to vector<16xi32>
    %add3A_138 = arith.addi %iota3A, %add3A_137 : vector<16xi32>
    %gather3A_139 = tpu.vector_load_idx %arg6[%add3A_138] : memref<11200xi32, #tpu.memory_space<vmem>>[vector<16xi32>], vector<16xi32>,
    %swap3A_140 = arith.constant 144 : index
    %swap3A_141 = tpu.vector_load %arg9[%swap3A_140] {strides = array<i32>} : memref<175xi32, #tpu.memory_space<vmem>>, vector<16xi32>,
    tpu.vector_store %arg9[%swap3A_140], %gather3A_139 {strides = array<i32>} : memref<175xi32, #tpu.memory_space<vmem>>, vector<16xi32>,
    %add3A_142 = arith.constant 335 : i32
    %add3A_143 = vector.broadcast %add3A_142 : i32 to vector<16xi32>
    %add3A_144 = arith.addi %iota3A, %add3A_143 : vector<16xi32>
    %min3A_145 = arith.constant 11199 : i32
    %min3A_146 = vector.broadcast %min3A_145 : i32 to vector<16xi32>
    %min3A_147 = arith.minsi %add3A_144, %min3A_146 : vector<16xi32>
    %gather3A_148 = tpu.vector_load_idx %arg6[%min3A_147] : memref<11200xi32, #tpu.memory_space<vmem>>[vector<16xi32>], vector<16xi32>,
    %add3A_149 = arith.constant 160 : i32
    %add3A_150 = vector.broadcast %add3A_149 : i32 to vector<16xi32>
    %add3A_151 = arith.addi %iota3A, %add3A_150 : vector<16xi32>
    %lt3A_152 = arith.constant 15 : i32
    %lt3A_153 = vector.broadcast %lt3A_152 : i32 to vector<16xi32>
    %lt3A_154 = arith.cmpi slt, %iota3A, %lt3A_153 : vector<16xi32>
    tpu.vector_store_idx %arg9[%add3A_151], %gather3A_148 masked %lt3A_154 : memref<175xi32, #tpu.memory_space<vmem>>[vector<16xi32>], vector<16xi32>, vector<16xi1>
    %dma_start3A_155 = arith.constant 0 : i32
    %dma_start3A_156 = arith.constant 0 : i32
    %dma_start3A_157 = tpu.memref_slice %arg16[%dma_start3A_155, %dma_start3A_156] : memref<1024x128xf32, #tpu.memory_space<vmem_shared>> -> memref<1024x128xf32, #tpu.memory_space<vmem_shared>>
    tpu.enqueue_indirect_dma source(%dma_start3A_157 : memref<1024x128xf32, #tpu.memory_space<vmem_shared>>) target(%arg13 : memref<175x128xf32, #tpu.memory_space<vmem>>) offsets(%arg9 : memref<175xi32, #tpu.memory_space<vmem>>) semaphore(%arg18 : memref<!tpu.dma_semaphore, #tpu.memory_space<semaphore_mem>>)
    %scan3A = arith.constant 0 : i32
    %scan3A_158 = arith.constant 0 : i32
    %scan3A_159 = arith.constant 16 : i32
    %scan3A_160 = arith.addi %scan3A_158, %scan3A_159 : i32
    %scan3A_161 = arith.constant 1 : i32
    %scan3A_162 = scf.for %scan3A_203 = %scan3A_158 to %scan3A_160 step %scan3A_161 iter_args(%scan3A_204 = %scan3A) -> (i32)  : i32 {
      %mul3A_205 = arith.constant 4 : i32
      %mul3A_206 = arith.muli %mul3A_205, %scan3A_203 : i32
      %add3A_207 = arith.constant 0 : i32
      %add3A_208 = arith.addi %mul3A_206, %add3A_207 : i32
      %ge3A = arith.constant 1 : i32
      %ge3A_209 = arith.cmpi sge, %scan3A_203, %ge3A : i32
      %convert_element_type3A = arith.extui %ge3A_209 : i1 to i32
      %cond3A = arith.constant 0 : i32
      %cond3A_210 = arith.cmpi ne, %convert_element_type3A, %cond3A : i32
      scf.if %cond3A_210 {
        %sub3A = arith.constant 2 : i32
        %sub3A_505 = arith.subi %add3A_208, %sub3A : i32
        %mul3A_506 = arith.constant 25 : i32
        %mul3A_507 = arith.muli %sub3A_505, %mul3A_506 : i32
        %add3A_508 = arith.addi %mul3A_6, %mul3A_507 : i32
        %dma_wait3A_509 = tpu.memref_reshape %arg14 : memref<175x128xf32, #tpu.memory_space<vmem>> -> memref<25x7x128xf32, #tpu.memory_space<vmem>>
        %dma_wait3A_510 = arith.constant 0 : i32
        %dma_wait3A_511 = arith.constant 0 : i32
        %dma_wait3A_512 = tpu.memref_slice %arg5[%add3A_508, %dma_wait3A_510, %dma_wait3A_511] : memref<51200x7x128xf32, #tpu.memory_space<hbm>> -> memref<25x7x128xf32, #tpu.memory_space<hbm>>
        %dma_wait3A_513 = arith.constant 0 : i32
        %dma_wait3A_514 = arith.constant 0 : i32
        %dma_wait3A_515 = tpu.memref_slice %arg5[%add3A_508, %dma_wait3A_513, %dma_wait3A_514] : memref<51200x7x128xf32, #tpu.memory_space<hbm>> -> memref<25x7x128xf32, #tpu.memory_space<hbm>>
        %dma_wait3A_516 = tpu.memref_reshape %arg14 : memref<175x128xf32, #tpu.memory_space<vmem>> -> memref<25x7x128xf32, #tpu.memory_space<vmem>>
        tpu.wait_dma2 semaphore(%arg23 : memref<!tpu.dma_semaphore, #tpu.memory_space<semaphore_mem>>) src(%dma_wait3A_516 : memref<25x7x128xf32, #tpu.memory_space<vmem>>) dst(%dma_wait3A_515 : memref<25x7x128xf32, #tpu.memory_space<hbm>>)
      } else {
      }
      %add3A_211 = arith.constant 2 : i32
      %add3A_212 = arith.addi %add3A_208, %add3A_211 : i32
      %mul3A_213 = arith.constant 175 : i32
      %mul3A_214 = arith.muli %add3A_212, %mul3A_213 : i32
      %add3A_215 = arith.constant 0 : i32
      %add3A_216 = arith.addi %mul3A_214, %add3A_215 : i32
      %add3A_217 = vector.broadcast %add3A_216 : i32 to vector<16xi32>
      %add3A_218 = arith.addi %iota3A, %add3A_217 : vector<16xi32>
      %gather3A_219 = tpu.vector_load_idx %arg6[%add3A_218] : memref<11200xi32, #tpu.memory_space<vmem>>[vector<16xi32>], vector<16xi32>,
      %swap3A_220 = arith.constant 0 : index
      %swap3A_221 = tpu.vector_load %arg10[%swap3A_220] {strides = array<i32>} : memref<175xi32, #tpu.memory_space<vmem>>, vector<16xi32>,
      tpu.vector_store %arg10[%swap3A_220], %gather3A_219 {strides = array<i32>} : memref<175xi32, #tpu.memory_space<vmem>>, vector<16xi32>,
      %add3A_222 = arith.constant 16 : i32
      %add3A_223 = arith.addi %mul3A_214, %add3A_222 : i32
      %add3A_224 = vector.broadcast %add3A_223 : i32 to vector<16xi32>
      %add3A_225 = arith.addi %iota3A, %add3A_224 : vector<16xi32>
      %gather3A_226 = tpu.vector_load_idx %arg6[%add3A_225] : memref<11200xi32, #tpu.memory_space<vmem>>[vector<16xi32>], vector<16xi32>,
      %swap3A_227 = arith.constant 16 : index
      %swap3A_228 = tpu.vector_load %arg10[%swap3A_227] {strides = array<i32>} : memref<175xi32, #tpu.memory_space<vmem>>, vector<16xi32>,
      tpu.vector_store %arg10[%swap3A_227], %gather3A_226 {strides = array<i32>} : memref<175xi32, #tpu.memory_space<vmem>>, vector<16xi32>,
      %add3A_229 = arith.constant 32 : i32
      %add3A_230 = arith.addi %mul3A_214, %add3A_229 : i32
      %add3A_231 = vector.broadcast %add3A_230 : i32 to vector<16xi32>
      %add3A_232 = arith.addi %iota3A, %add3A_231 : vector<16xi32>
      %gather3A_233 = tpu.vector_load_idx %arg6[%add3A_232] : memref<11200xi32, #tpu.memory_space<vmem>>[vector<16xi32>], vector<16xi32>,
      %swap3A_234 = arith.constant 32 : index
      %swap3A_235 = tpu.vector_load %arg10[%swap3A_234] {strides = array<i32>} : memref<175xi32, #tpu.memory_space<vmem>>, vector<16xi32>,
      tpu.vector_store %arg10[%swap3A_234], %gather3A_233 {strides = array<i32>} : memref<175xi32, #tpu.memory_space<vmem>>, vector<16xi32>,
      %add3A_236 = arith.constant 48 : i32
      %add3A_237 = arith.addi %mul3A_214, %add3A_236 : i32
      %add3A_238 = vector.broadcast %add3A_237 : i32 to vector<16xi32>
      %add3A_239 = arith.addi %iota3A, %add3A_238 : vector<16xi32>
      %gather3A_240 = tpu.vector_load_idx %arg6[%add3A_239] : memref<11200xi32, #tpu.memory_space<vmem>>[vector<16xi32>], vector<16xi32>,
      %swap3A_241 = arith.constant 48 : index
      %swap3A_242 = tpu.vector_load %arg10[%swap3A_241] {strides = array<i32>} : memref<175xi32, #tpu.memory_space<vmem>>, vector<16xi32>,
      tpu.vector_store %arg10[%swap3A_241], %gather3A_240 {strides = array<i32>} : memref<175xi32, #tpu.memory_space<vmem>>, vector<16xi32>,
      %add3A_243 = arith.constant 64 : i32
      %add3A_244 = arith.addi %mul3A_214, %add3A_243 : i32
      %add3A_245 = vector.broadcast %add3A_244 : i32 to vector<16xi32>
      %add3A_246 = arith.addi %iota3A, %add3A_245 : vector<16xi32>
      %gather3A_247 = tpu.vector_load_idx %arg6[%add3A_246] : memref<11200xi32, #tpu.memory_space<vmem>>[vector<16xi32>], vector<16xi32>,
      %swap3A_248 = arith.constant 64 : index
      %swap3A_249 = tpu.vector_load %arg10[%swap3A_248] {strides = array<i32>} : memref<175xi32, #tpu.memory_space<vmem>>, vector<16xi32>,
      tpu.vector_store %arg10[%swap3A_248], %gather3A_247 {strides = array<i32>} : memref<175xi32, #tpu.memory_space<vmem>>, vector<16xi32>,
      %add3A_250 = arith.constant 80 : i32
      %add3A_251 = arith.addi %mul3A_214, %add3A_250 : i32
      %add3A_252 = vector.broadcast %add3A_251 : i32 to vector<16xi32>
      %add3A_253 = arith.addi %iota3A, %add3A_252 : vector<16xi32>
      %gather3A_254 = tpu.vector_load_idx %arg6[%add3A_253] : memref<11200xi32, #tpu.memory_space<vmem>>[vector<16xi32>], vector<16xi32>,
      %swap3A_255 = arith.constant 80 : index
      %swap3A_256 = tpu.vector_load %arg10[%swap3A_255] {strides = array<i32>} : memref<175xi32, #tpu.memory_space<vmem>>, vector<16xi32>,
      tpu.vector_store %arg10[%swap3A_255], %gather3A_254 {strides = array<i32>} : memref<175xi32, #tpu.memory_space<vmem>>, vector<16xi32>,
      %add3A_257 = arith.constant 96 : i32
      %add3A_258 = arith.addi %mul3A_214, %add3A_257 : i32
      %add3A_259 = vector.broadcast %add3A_258 : i32 to vector<16xi32>
      %add3A_260 = arith.addi %iota3A, %add3A_259 : vector<16xi32>
      %gather3A_261 = tpu.vector_load_idx %arg6[%add3A_260] : memref<11200xi32, #tpu.memory_space<vmem>>[vector<16xi32>], vector<16xi32>,
      %swap3A_262 = arith.constant 96 : index
      %swap3A_263 = tpu.vector_load %arg10[%swap3A_262] {strides = array<i32>} : memref<175xi32, #tpu.memory_space<vmem>>, vector<16xi32>,
      tpu.vector_store %arg10[%swap3A_262], %gather3A_261 {strides = array<i32>} : memref<175xi32, #tpu.memory_space<vmem>>, vector<16xi32>,
      %add3A_264 = arith.constant 112 : i32
      %add3A_265 = arith.addi %mul3A_214, %add3A_264 : i32
      %add3A_266 = vector.broadcast %add3A_265 : i32 to vector<16xi32>
      %add3A_267 = arith.addi %iota3A, %add3A_266 : vector<16xi32>
      %gather3A_268 = tpu.vector_load_idx %arg6[%add3A_267] : memref<11200xi32, #tpu.memory_space<vmem>>[vector<16xi32>], vector<16xi32>,
      %swap3A_269 = arith.constant 112 : index
      %swap3A_270 = tpu.vector_load %arg10[%swap3A_269] {strides = array<i32>} : memref<175xi32, #tpu.memory_space<vmem>>, vector<16xi32>,
      tpu.vector_store %arg10[%swap3A_269], %gather3A_268 {strides = array<i32>} : memref<175xi32, #tpu.memory_space<vmem>>, vector<16xi32>,
      %add3A_271 = arith.constant 128 : i32
      %add3A_272 = arith.addi %mul3A_214, %add3A_271 : i32
      %add3A_273 = vector.broadcast %add3A_272 : i32 to vector<16xi32>
      %add3A_274 = arith.addi %iota3A, %add3A_273 : vector<16xi32>
      %gather3A_275 = tpu.vector_load_idx %arg6[%add3A_274] : memref<11200xi32, #tpu.memory_space<vmem>>[vector<16xi32>], vector<16xi32>,
      %swap3A_276 = arith.constant 128 : index
      %swap3A_277 = tpu.vector_load %arg10[%swap3A_276] {strides = array<i32>} : memref<175xi32, #tpu.memory_space<vmem>>, vector<16xi32>,
      tpu.vector_store %arg10[%swap3A_276], %gather3A_275 {strides = array<i32>} : memref<175xi32, #tpu.memory_space<vmem>>, vector<16xi32>,
      %add3A_278 = arith.constant 144 : i32
      %add3A_279 = arith.addi %mul3A_214, %add3A_278 : i32
      %add3A_280 = vector.broadcast %add3A_279 : i32 to vector<16xi32>
      %add3A_281 = arith.addi %iota3A, %add3A_280 : vector<16xi32>
      %gather3A_282 = tpu.vector_load_idx %arg6[%add3A_281] : memref<11200xi32, #tpu.memory_space<vmem>>[vector<16xi32>], vector<16xi32>,
      %swap3A_283 = arith.constant 144 : index
      %swap3A_284 = tpu.vector_load %arg10[%swap3A_283] {strides = array<i32>} : memref<175xi32, #tpu.memory_space<vmem>>, vector<16xi32>,
      tpu.vector_store %arg10[%swap3A_283], %gather3A_282 {strides = array<i32>} : memref<175xi32, #tpu.memory_space<vmem>>, vector<16xi32>,
      %add3A_285 = arith.constant 160 : i32
      %add3A_286 = arith.addi %mul3A_214, %add3A_285 : i32
      %add3A_287 = vector.broadcast %add3A_286 : i32 to vector<16xi32>
      %add3A_288 = arith.addi %iota3A, %add3A_287 : vector<16xi32>
      %min3A_289 = arith.constant 11199 : i32
      %min3A_290 = vector.broadcast %min3A_289 : i32 to vector<16xi32>
      %min3A_291 = arith.minsi %add3A_288, %min3A_290 : vector<16xi32>
      %gather3A_292 = tpu.vector_load_idx %arg6[%min3A_291] : memref<11200xi32, #tpu.memory_space<vmem>>[vector<16xi32>], vector<16xi32>,
      %add3A_293 = arith.constant 160 : i32
      %add3A_294 = vector.broadcast %add3A_293 : i32 to vector<16xi32>
      %add3A_295 = arith.addi %iota3A, %add3A_294 : vector<16xi32>
      %lt3A_296 = arith.constant 15 : i32
      %lt3A_297 = vector.broadcast %lt3A_296 : i32 to vector<16xi32>
      %lt3A_298 = arith.cmpi slt, %iota3A, %lt3A_297 : vector<16xi32>
      tpu.vector_store_idx %arg10[%add3A_295], %gather3A_292 masked %lt3A_298 : memref<175xi32, #tpu.memory_space<vmem>>[vector<16xi32>], vector<16xi32>, vector<16xi1>
      %dma_start3A_299 = arith.constant 0 : i32
      %dma_start3A_300 = arith.constant 0 : i32
      %dma_start3A_301 = tpu.memref_slice %arg16[%dma_start3A_299, %dma_start3A_300] : memref<1024x128xf32, #tpu.memory_space<vmem_shared>> -> memref<1024x128xf32, #tpu.memory_space<vmem_shared>>
      tpu.enqueue_indirect_dma source(%dma_start3A_301 : memref<1024x128xf32, #tpu.memory_space<vmem_shared>>) target(%arg14 : memref<175x128xf32, #tpu.memory_space<vmem>>) offsets(%arg10 : memref<175xi32, #tpu.memory_space<vmem>>) semaphore(%arg19 : memref<!tpu.dma_semaphore, #tpu.memory_space<semaphore_mem>>)
      %dma_wait3A_302 = arith.constant 0 : i32
      %dma_wait3A_303 = arith.constant 0 : i32
      %dma_wait3A_304 = tpu.memref_slice %arg16[%dma_wait3A_302, %dma_wait3A_303] : memref<1024x128xf32, #tpu.memory_space<vmem_shared>> -> memref<1024x128xf32, #tpu.memory_space<vmem_shared>>
      tpu.wait_indirect_dma semaphore(%arg17 : memref<!tpu.dma_semaphore, #tpu.memory_space<semaphore_mem>>) src(%dma_wait3A_304 : memref<1024x128xf32, #tpu.memory_space<vmem_shared>>) dst(%arg12 : memref<175x128xf32, #tpu.memory_space<vmem>>)
      %scan3A_305 = arith.constant 0 : i32
      %scan3A_306 = arith.constant 0 : i32
      %scan3A_307 = arith.constant 25 : i32
      %scan3A_308 = arith.addi %scan3A_306, %scan3A_307 : i32
      %scan3A_309 = arith.constant 1 : i32
      %scan3A_310 = scf.for %scan3A_505 = %scan3A_306 to %scan3A_308 step %scan3A_309 iter_args(%scan3A_506 = %scan3A_305) -> (i32)  : i32 {
        %mul3A_507 = arith.constant 7 : i32
        %mul3A_508 = arith.muli %scan3A_505, %mul3A_507 : i32
        %add3A_509 = arith.constant 0 : i32
        %add3A_510 = arith.addi %mul3A_508, %add3A_509 : i32
        %mul3A_511 = arith.constant 175 : i32
        %mul3A_512 = arith.muli %add3A_208, %mul3A_511 : i32
        %add3A_513 = arith.addi %mul3A_512, %add3A_510 : i32
        %broadcast_in_dim3A = vector.broadcast %add3A_513 : i32 to vector<16xi32>
        %gather3A_514 = tpu.vector_load_idx %arg7[%broadcast_in_dim3A] : memref<11200xf32, #tpu.memory_space<vmem>>[vector<16xi32>], vector<16xf32>,
        %get3A = arith.index_cast %add3A_510 : i32 to index
        %get3A_515 = arith.constant 0 : index
        %get3A_516 = tpu.vector_load %arg12[%get3A, %get3A_515] {strides = array<i32>} : memref<175x128xf32, #tpu.memory_space<vmem>>, vector<16xf32>,
        %mul3A_517 = arith.mulf %get3A_516, %gather3A_514 : vector<16xf32>
        %swap3A_518 = arith.index_cast %add3A_510 : i32 to index
        %swap3A_519 = arith.constant 0 : index
        %swap3A_520 = tpu.vector_load %arg12[%swap3A_518, %swap3A_519] {strides = array<i32>} : memref<175x128xf32, #tpu.memory_space<vmem>>, vector<16xf32>,
        tpu.vector_store %arg12[%swap3A_518, %swap3A_519], %mul3A_517 {strides = array<i32>} : memref<175x128xf32, #tpu.memory_space<vmem>>, vector<16xf32>,
        %get3A_521 = arith.index_cast %add3A_510 : i32 to index
        %get3A_522 = arith.constant 16 : index
        %get3A_523 = tpu.vector_load %arg12[%get3A_521, %get3A_522] {strides = array<i32>} : memref<175x128xf32, #tpu.memory_space<vmem>>, vector<16xf32>,
        %mul3A_524 = arith.mulf %get3A_523, %gather3A_514 : vector<16xf32>
        %swap3A_525 = arith.index_cast %add3A_510 : i32 to index
        %swap3A_526 = arith.constant 16 : index
        %swap3A_527 = tpu.vector_load %arg12[%swap3A_525, %swap3A_526] {strides = array<i32>} : memref<175x128xf32, #tpu.memory_space<vmem>>, vector<16xf32>,
        tpu.vector_store %arg12[%swap3A_525, %swap3A_526], %mul3A_524 {strides = array<i32>} : memref<175x128xf32, #tpu.memory_space<vmem>>, vector<16xf32>,
        %get3A_528 = arith.index_cast %add3A_510 : i32 to index
        %get3A_529 = arith.constant 32 : index
        %get3A_530 = tpu.vector_load %arg12[%get3A_528, %get3A_529] {strides = array<i32>} : memref<175x128xf32, #tpu.memory_space<vmem>>, vector<16xf32>,
        %mul3A_531 = arith.mulf %get3A_530, %gather3A_514 : vector<16xf32>
        %swap3A_532 = arith.index_cast %add3A_510 : i32 to index
        %swap3A_533 = arith.constant 32 : index
        %swap3A_534 = tpu.vector_load %arg12[%swap3A_532, %swap3A_533] {strides = array<i32>} : memref<175x128xf32, #tpu.memory_space<vmem>>, vector<16xf32>,
        tpu.vector_store %arg12[%swap3A_532, %swap3A_533], %mul3A_531 {strides = array<i32>} : memref<175x128xf32, #tpu.memory_space<vmem>>, vector<16xf32>,
        %get3A_535 = arith.index_cast %add3A_510 : i32 to index
        %get3A_536 = arith.constant 48 : index
        %get3A_537 = tpu.vector_load %arg12[%get3A_535, %get3A_536] {strides = array<i32>} : memref<175x128xf32, #tpu.memory_space<vmem>>, vector<16xf32>,
        %mul3A_538 = arith.mulf %get3A_537, %gather3A_514 : vector<16xf32>
        %swap3A_539 = arith.index_cast %add3A_510 : i32 to index
        %swap3A_540 = arith.constant 48 : index
        %swap3A_541 = tpu.vector_load %arg12[%swap3A_539, %swap3A_540] {strides = array<i32>} : memref<175x128xf32, #tpu.memory_space<vmem>>, vector<16xf32>,
        tpu.vector_store %arg12[%swap3A_539, %swap3A_540], %mul3A_538 {strides = array<i32>} : memref<175x128xf32, #tpu.memory_space<vmem>>, vector<16xf32>,
        %get3A_542 = arith.index_cast %add3A_510 : i32 to index
        %get3A_543 = arith.constant 64 : index
        %get3A_544 = tpu.vector_load %arg12[%get3A_542, %get3A_543] {strides = array<i32>} : memref<175x128xf32, #tpu.memory_space<vmem>>, vector<16xf32>,
        %mul3A_545 = arith.mulf %get3A_544, %gather3A_514 : vector<16xf32>
        %swap3A_546 = arith.index_cast %add3A_510 : i32 to index
        %swap3A_547 = arith.constant 64 : index
        %swap3A_548 = tpu.vector_load %arg12[%swap3A_546, %swap3A_547] {strides = array<i32>} : memref<175x128xf32, #tpu.memory_space<vmem>>, vector<16xf32>,
        tpu.vector_store %arg12[%swap3A_546, %swap3A_547], %mul3A_545 {strides = array<i32>} : memref<175x128xf32, #tpu.memory_space<vmem>>, vector<16xf32>,
        %get3A_549 = arith.index_cast %add3A_510 : i32 to index
        %get3A_550 = arith.constant 80 : index
        %get3A_551 = tpu.vector_load %arg12[%get3A_549, %get3A_550] {strides = array<i32>} : memref<175x128xf32, #tpu.memory_space<vmem>>, vector<16xf32>,
        %mul3A_552 = arith.mulf %get3A_551, %gather3A_514 : vector<16xf32>
        %swap3A_553 = arith.index_cast %add3A_510 : i32 to index
        %swap3A_554 = arith.constant 80 : index
        %swap3A_555 = tpu.vector_load %arg12[%swap3A_553, %swap3A_554] {strides = array<i32>} : memref<175x128xf32, #tpu.memory_space<vmem>>, vector<16xf32>,
        tpu.vector_store %arg12[%swap3A_553, %swap3A_554], %mul3A_552 {strides = array<i32>} : memref<175x128xf32, #tpu.memory_space<vmem>>, vector<16xf32>,
        %get3A_556 = arith.index_cast %add3A_510 : i32 to index
        %get3A_557 = arith.constant 96 : index
        %get3A_558 = tpu.vector_load %arg12[%get3A_556, %get3A_557] {strides = array<i32>} : memref<175x128xf32, #tpu.memory_space<vmem>>, vector<16xf32>,
        %mul3A_559 = arith.mulf %get3A_558, %gather3A_514 : vector<16xf32>
        %swap3A_560 = arith.index_cast %add3A_510 : i32 to index
        %swap3A_561 = arith.constant 96 : index
        %swap3A_562 = tpu.vector_load %arg12[%swap3A_560, %swap3A_561] {strides = array<i32>} : memref<175x128xf32, #tpu.memory_space<vmem>>, vector<16xf32>,
        tpu.vector_store %arg12[%swap3A_560, %swap3A_561], %mul3A_559 {strides = array<i32>} : memref<175x128xf32, #tpu.memory_space<vmem>>, vector<16xf32>,
        %get3A_563 = arith.index_cast %add3A_510 : i32 to index
        %get3A_564 = arith.constant 112 : index
        %get3A_565 = tpu.vector_load %arg12[%get3A_563, %get3A_564] {strides = array<i32>} : memref<175x128xf32, #tpu.memory_space<vmem>>, vector<16xf32>,
        %mul3A_566 = arith.mulf %get3A_565, %gather3A_514 : vector<16xf32>
        %swap3A_567 = arith.index_cast %add3A_510 : i32 to index
        %swap3A_568 = arith.constant 112 : index
        %swap3A_569 = tpu.vector_load %arg12[%swap3A_567, %swap3A_568] {strides = array<i32>} : memref<175x128xf32, #tpu.memory_space<vmem>>, vector<16xf32>,
        tpu.vector_store %arg12[%swap3A_567, %swap3A_568], %mul3A_566 {strides = array<i32>} : memref<175x128xf32, #tpu.memory_space<vmem>>, vector<16xf32>,
        %mul3A_570 = arith.constant 7 : i32
        %mul3A_571 = arith.muli %scan3A_505, %mul3A_570 : i32
        %add3A_572 = arith.constant 1 : i32
        %add3A_573 = arith.addi %mul3A_571, %add3A_572 : i32
        %mul3A_574 = arith.constant 175 : i32
        %mul3A_575 = arith.muli %add3A_208, %mul3A_574 : i32
        %add3A_576 = arith.addi %mul3A_575, %add3A_573 : i32
        %broadcast_in_dim3A_577 = vector.broadcast %add3A_576 : i32 to vector<16xi32>
        %gather3A_578 = tpu.vector_load_idx %arg7[%broadcast_in_dim3A_577] : memref<11200xf32, #tpu.memory_space<vmem>>[vector<16xi32>], vector<16xf32>,
        %get3A_579 = arith.index_cast %add3A_573 : i32 to index
        %get3A_580 = arith.constant 0 : index
        %get3A_581 = tpu.vector_load %arg12[%get3A_579, %get3A_580] {strides = array<i32>} : memref<175x128xf32, #tpu.memory_space<vmem>>, vector<16xf32>,
        %mul3A_582 = arith.mulf %get3A_581, %gather3A_578 : vector<16xf32>
        %swap3A_583 = arith.index_cast %add3A_573 : i32 to index
        %swap3A_584 = arith.constant 0 : index
        %swap3A_585 = tpu.vector_load %arg12[%swap3A_583, %swap3A_584] {strides = array<i32>} : memref<175x128xf32, #tpu.memory_space<vmem>>, vector<16xf32>,
        tpu.vector_store %arg12[%swap3A_583, %swap3A_584], %mul3A_582 {strides = array<i32>} : memref<175x128xf32, #tpu.memory_space<vmem>>, vector<16xf32>,
        %get3A_586 = arith.index_cast %add3A_573 : i32 to index
        %get3A_587 = arith.constant 16 : index
        %get3A_588 = tpu.vector_load %arg12[%get3A_586, %get3A_587] {strides = array<i32>} : memref<175x128xf32, #tpu.memory_space<vmem>>, vector<16xf32>,
        %mul3A_589 = arith.mulf %get3A_588, %gather3A_578 : vector<16xf32>
        %swap3A_590 = arith.index_cast %add3A_573 : i32 to index
        %swap3A_591 = arith.constant 16 : index
        %swap3A_592 = tpu.vector_load %arg12[%swap3A_590, %swap3A_591] {strides = array<i32>} : memref<175x128xf32, #tpu.memory_space<vmem>>, vector<16xf32>,
        tpu.vector_store %arg12[%swap3A_590, %swap3A_591], %mul3A_589 {strides = array<i32>} : memref<175x128xf32, #tpu.memory_space<vmem>>, vector<16xf32>,
        %get3A_593 = arith.index_cast %add3A_573 : i32 to index
        %get3A_594 = arith.constant 32 : index
        %get3A_595 = tpu.vector_load %arg12[%get3A_593, %get3A_594] {strides = array<i32>} : memref<175x128xf32, #tpu.memory_space<vmem>>, vector<16xf32>,
        %mul3A_596 = arith.mulf %get3A_595, %gather3A_578 : vector<16xf32>
        %swap3A_597 = arith.index_cast %add3A_573 : i32 to index
        %swap3A_598 = arith.constant 32 : index
        %swap3A_599 = tpu.vector_load %arg12[%swap3A_597, %swap3A_598] {strides = array<i32>} : memref<175x128xf32, #tpu.memory_space<vmem>>, vector<16xf32>,
        tpu.vector_store %arg12[%swap3A_597, %swap3A_598], %mul3A_596 {strides = array<i32>} : memref<175x128xf32, #tpu.memory_space<vmem>>, vector<16xf32>,
        %get3A_600 = arith.index_cast %add3A_573 : i32 to index
        %get3A_601 = arith.constant 48 : index
        %get3A_602 = tpu.vector_load %arg12[%get3A_600, %get3A_601] {strides = array<i32>} : memref<175x128xf32, #tpu.memory_space<vmem>>, vector<16xf32>,
        %mul3A_603 = arith.mulf %get3A_602, %gather3A_578 : vector<16xf32>
        %swap3A_604 = arith.index_cast %add3A_573 : i32 to index
        %swap3A_605 = arith.constant 48 : index
        %swap3A_606 = tpu.vector_load %arg12[%swap3A_604, %swap3A_605] {strides = array<i32>} : memref<175x128xf32, #tpu.memory_space<vmem>>, vector<16xf32>,
        tpu.vector_store %arg12[%swap3A_604, %swap3A_605], %mul3A_603 {strides = array<i32>} : memref<175x128xf32, #tpu.memory_space<vmem>>, vector<16xf32>,
        %get3A_607 = arith.index_cast %add3A_573 : i32 to index
        %get3A_608 = arith.constant 64 : index
        %get3A_609 = tpu.vector_load %arg12[%get3A_607, %get3A_608] {strides = array<i32>} : memref<175x128xf32, #tpu.memory_space<vmem>>, vector<16xf32>,
        %mul3A_610 = arith.mulf %get3A_609, %gather3A_578 : vector<16xf32>
        %swap3A_611 = arith.index_cast %add3A_573 : i32 to index
        %swap3A_612 = arith.constant 64 : index
        %swap3A_613 = tpu.vector_load %arg12[%swap3A_611, %swap3A_612] {strides = array<i32>} : memref<175x128xf32, #tpu.memory_space<vmem>>, vector<16xf32>,
        tpu.vector_store %arg12[%swap3A_611, %swap3A_612], %mul3A_610 {strides = array<i32>} : memref<175x128xf32, #tpu.memory_space<vmem>>, vector<16xf32>,
        %get3A_614 = arith.index_cast %add3A_573 : i32 to index
        %get3A_615 = arith.constant 80 : index
        %get3A_616 = tpu.vector_load %arg12[%get3A_614, %get3A_615] {strides = array<i32>} : memref<175x128xf32, #tpu.memory_space<vmem>>, vector<16xf32>,
        %mul3A_617 = arith.mulf %get3A_616, %gather3A_578 : vector<16xf32>
        %swap3A_618 = arith.index_cast %add3A_573 : i32 to index
        %swap3A_619 = arith.constant 80 : index
        %swap3A_620 = tpu.vector_load %arg12[%swap3A_618, %swap3A_619] {strides = array<i32>} : memref<175x128xf32, #tpu.memory_space<vmem>>, vector<16xf32>,
        tpu.vector_store %arg12[%swap3A_618, %swap3A_619], %mul3A_617 {strides = array<i32>} : memref<175x128xf32, #tpu.memory_space<vmem>>, vector<16xf32>,
        %get3A_621 = arith.index_cast %add3A_573 : i32 to index
        %get3A_622 = arith.constant 96 : index
        %get3A_623 = tpu.vector_load %arg12[%get3A_621, %get3A_622] {strides = array<i32>} : memref<175x128xf32, #tpu.memory_space<vmem>>, vector<16xf32>,
        %mul3A_624 = arith.mulf %get3A_623, %gather3A_578 : vector<16xf32>
        %swap3A_625 = arith.index_cast %add3A_573 : i32 to index
        %swap3A_626 = arith.constant 96 : index
        %swap3A_627 = tpu.vector_load %arg12[%swap3A_625, %swap3A_626] {strides = array<i32>} : memref<175x128xf32, #tpu.memory_space<vmem>>, vector<16xf32>,
        tpu.vector_store %arg12[%swap3A_625, %swap3A_626], %mul3A_624 {strides = array<i32>} : memref<175x128xf32, #tpu.memory_space<vmem>>, vector<16xf32>,
        %get3A_628 = arith.index_cast %add3A_573 : i32 to index
        %get3A_629 = arith.constant 112 : index
        %get3A_630 = tpu.vector_load %arg12[%get3A_628, %get3A_629] {strides = array<i32>} : memref<175x128xf32, #tpu.memory_space<vmem>>, vector<16xf32>,
        %mul3A_631 = arith.mulf %get3A_630, %gather3A_578 : vector<16xf32>
        %swap3A_632 = arith.index_cast %add3A_573 : i32 to index
        %swap3A_633 = arith.constant 112 : index
        %swap3A_634 = tpu.vector_load %arg12[%swap3A_632, %swap3A_633] {strides = array<i32>} : memref<175x128xf32, #tpu.memory_space<vmem>>, vector<16xf32>,
        tpu.vector_store %arg12[%swap3A_632, %swap3A_633], %mul3A_631 {strides = array<i32>} : memref<175x128xf32, #tpu.memory_space<vmem>>, vector<16xf32>,
        %mul3A_635 = arith.constant 7 : i32
        %mul3A_636 = arith.muli %scan3A_505, %mul3A_635 : i32
        %add3A_637 = arith.constant 2 : i32
        %add3A_638 = arith.addi %mul3A_636, %add3A_637 : i32
        %mul3A_639 = arith.constant 175 : i32
        %mul3A_640 = arith.muli %add3A_208, %mul3A_639 : i32
        %add3A_641 = arith.addi %mul3A_640, %add3A_638 : i32
        %broadcast_in_dim3A_642 = vector.broadcast %add3A_641 : i32 to vector<16xi32>
        %gather3A_643 = tpu.vector_load_idx %arg7[%broadcast_in_dim3A_642] : memref<11200xf32, #tpu.memory_space<vmem>>[vector<16xi32>], vector<16xf32>,
        %get3A_644 = arith.index_cast %add3A_638 : i32 to index
        %get3A_645 = arith.constant 0 : index
        %get3A_646 = tpu.vector_load %arg12[%get3A_644, %get3A_645] {strides = array<i32>} : memref<175x128xf32, #tpu.memory_space<vmem>>, vector<16xf32>,
        %mul3A_647 = arith.mulf %get3A_646, %gather3A_643 : vector<16xf32>
        %swap3A_648 = arith.index_cast %add3A_638 : i32 to index
        %swap3A_649 = arith.constant 0 : index
        %swap3A_650 = tpu.vector_load %arg12[%swap3A_648, %swap3A_649] {strides = array<i32>} : memref<175x128xf32, #tpu.memory_space<vmem>>, vector<16xf32>,
        tpu.vector_store %arg12[%swap3A_648, %swap3A_649], %mul3A_647 {strides = array<i32>} : memref<175x128xf32, #tpu.memory_space<vmem>>, vector<16xf32>,
        %get3A_651 = arith.index_cast %add3A_638 : i32 to index
        %get3A_652 = arith.constant 16 : index
        %get3A_653 = tpu.vector_load %arg12[%get3A_651, %get3A_652] {strides = array<i32>} : memref<175x128xf32, #tpu.memory_space<vmem>>, vector<16xf32>,
        %mul3A_654 = arith.mulf %get3A_653, %gather3A_643 : vector<16xf32>
        %swap3A_655 = arith.index_cast %add3A_638 : i32 to index
        %swap3A_656 = arith.constant 16 : index
        %swap3A_657 = tpu.vector_load %arg12[%swap3A_655, %swap3A_656] {strides = array<i32>} : memref<175x128xf32, #tpu.memory_space<vmem>>, vector<16xf32>,
        tpu.vector_store %arg12[%swap3A_655, %swap3A_656], %mul3A_654 {strides = array<i32>} : memref<175x128xf32, #tpu.memory_space<vmem>>, vector<16xf32>,
        %get3A_658 = arith.index_cast %add3A_638 : i32 to index
        %get3A_659 = arith.constant 32 : index
        %get3A_660 = tpu.vector_load %arg12[%get3A_658, %get3A_659] {strides = array<i32>} : memref<175x128xf32, #tpu.memory_space<vmem>>, vector<16xf32>,
        %mul3A_661 = arith.mulf %get3A_660, %gather3A_643 : vector<16xf32>
        %swap3A_662 = arith.index_cast %add3A_638 : i32 to index
        %swap3A_663 = arith.constant 32 : index
        %swap3A_664 = tpu.vector_load %arg12[%swap3A_662, %swap3A_663] {strides = array<i32>} : memref<175x128xf32, #tpu.memory_space<vmem>>, vector<16xf32>,
        tpu.vector_store %arg12[%swap3A_662, %swap3A_663], %mul3A_661 {strides = array<i32>} : memref<175x128xf32, #tpu.memory_space<vmem>>, vector<16xf32>,
        %get3A_665 = arith.index_cast %add3A_638 : i32 to index
        %get3A_666 = arith.constant 48 : index
        %get3A_667 = tpu.vector_load %arg12[%get3A_665, %get3A_666] {strides = array<i32>} : memref<175x128xf32, #tpu.memory_space<vmem>>, vector<16xf32>,
        %mul3A_668 = arith.mulf %get3A_667, %gather3A_643 : vector<16xf32>
        %swap3A_669 = arith.index_cast %add3A_638 : i32 to index
        %swap3A_670 = arith.constant 48 : index
        %swap3A_671 = tpu.vector_load %arg12[%swap3A_669, %swap3A_670] {strides = array<i32>} : memref<175x128xf32, #tpu.memory_space<vmem>>, vector<16xf32>,
        tpu.vector_store %arg12[%swap3A_669, %swap3A_670], %mul3A_668 {strides = array<i32>} : memref<175x128xf32, #tpu.memory_space<vmem>>, vector<16xf32>,
        %get3A_672 = arith.index_cast %add3A_638 : i32 to index
        %get3A_673 = arith.constant 64 : index
        %get3A_674 = tpu.vector_load %arg12[%get3A_672, %get3A_673] {strides = array<i32>} : memref<175x128xf32, #tpu.memory_space<vmem>>, vector<16xf32>,
        %mul3A_675 = arith.mulf %get3A_674, %gather3A_643 : vector<16xf32>
        %swap3A_676 = arith.index_cast %add3A_638 : i32 to index
        %swap3A_677 = arith.constant 64 : index
        %swap3A_678 = tpu.vector_load %arg12[%swap3A_676, %swap3A_677] {strides = array<i32>} : memref<175x128xf32, #tpu.memory_space<vmem>>, vector<16xf32>,
        tpu.vector_store %arg12[%swap3A_676, %swap3A_677], %mul3A_675 {strides = array<i32>} : memref<175x128xf32, #tpu.memory_space<vmem>>, vector<16xf32>,
        %get3A_679 = arith.index_cast %add3A_638 : i32 to index
        %get3A_680 = arith.constant 80 : index
        %get3A_681 = tpu.vector_load %arg12[%get3A_679, %get3A_680] {strides = array<i32>} : memref<175x128xf32, #tpu.memory_space<vmem>>, vector<16xf32>,
        %mul3A_682 = arith.mulf %get3A_681, %gather3A_643 : vector<16xf32>
        %swap3A_683 = arith.index_cast %add3A_638 : i32 to index
        %swap3A_684 = arith.constant 80 : index
        %swap3A_685 = tpu.vector_load %arg12[%swap3A_683, %swap3A_684] {strides = array<i32>} : memref<175x128xf32, #tpu.memory_space<vmem>>, vector<16xf32>,
        tpu.vector_store %arg12[%swap3A_683, %swap3A_684], %mul3A_682 {strides = array<i32>} : memref<175x128xf32, #tpu.memory_space<vmem>>, vector<16xf32>,
        %get3A_686 = arith.index_cast %add3A_638 : i32 to index
        %get3A_687 = arith.constant 96 : index
        %get3A_688 = tpu.vector_load %arg12[%get3A_686, %get3A_687] {strides = array<i32>} : memref<175x128xf32, #tpu.memory_space<vmem>>, vector<16xf32>,
        %mul3A_689 = arith.mulf %get3A_688, %gather3A_643 : vector<16xf32>
        %swap3A_690 = arith.index_cast %add3A_638 : i32 to index
        %swap3A_691 = arith.constant 96 : index
        %swap3A_692 = tpu.vector_load %arg12[%swap3A_690, %swap3A_691] {strides = array<i32>} : memref<175x128xf32, #tpu.memory_space<vmem>>, vector<16xf32>,
        tpu.vector_store %arg12[%swap3A_690, %swap3A_691], %mul3A_689 {strides = array<i32>} : memref<175x128xf32, #tpu.memory_space<vmem>>, vector<16xf32>,
        %get3A_693 = arith.index_cast %add3A_638 : i32 to index
        %get3A_694 = arith.constant 112 : index
        %get3A_695 = tpu.vector_load %arg12[%get3A_693, %get3A_694] {strides = array<i32>} : memref<175x128xf32, #tpu.memory_space<vmem>>, vector<16xf32>,
        %mul3A_696 = arith.mulf %get3A_695, %gather3A_643 : vector<16xf32>
        %swap3A_697 = arith.index_cast %add3A_638 : i32 to index
        %swap3A_698 = arith.constant 112 : index
        %swap3A_699 = tpu.vector_load %arg12[%swap3A_697, %swap3A_698] {strides = array<i32>} : memref<175x128xf32, #tpu.memory_space<vmem>>, vector<16xf32>,
        tpu.vector_store %arg12[%swap3A_697, %swap3A_698], %mul3A_696 {strides = array<i32>} : memref<175x128xf32, #tpu.memory_space<vmem>>, vector<16xf32>,
        %mul3A_700 = arith.constant 7 : i32
        %mul3A_701 = arith.muli %scan3A_505, %mul3A_700 : i32
        %add3A_702 = arith.constant 3 : i32
        %add3A_703 = arith.addi %mul3A_701, %add3A_702 : i32
        %mul3A_704 = arith.constant 175 : i32
        %mul3A_705 = arith.muli %add3A_208, %mul3A_704 : i32
        %add3A_706 = arith.addi %mul3A_705, %add3A_703 : i32
        %broadcast_in_dim3A_707 = vector.broadcast %add3A_706 : i32 to vector<16xi32>
        %gather3A_708 = tpu.vector_load_idx %arg7[%broadcast_in_dim3A_707] : memref<11200xf32, #tpu.memory_space<vmem>>[vector<16xi32>], vector<16xf32>,
        %get3A_709 = arith.index_cast %add3A_703 : i32 to index
        %get3A_710 = arith.constant 0 : index
        %get3A_711 = tpu.vector_load %arg12[%get3A_709, %get3A_710] {strides = array<i32>} : memref<175x128xf32, #tpu.memory_space<vmem>>, vector<16xf32>,
        %mul3A_712 = arith.mulf %get3A_711, %gather3A_708 : vector<16xf32>
        %swap3A_713 = arith.index_cast %add3A_703 : i32 to index
        %swap3A_714 = arith.constant 0 : index
        %swap3A_715 = tpu.vector_load %arg12[%swap3A_713, %swap3A_714] {strides = array<i32>} : memref<175x128xf32, #tpu.memory_space<vmem>>, vector<16xf32>,
        tpu.vector_store %arg12[%swap3A_713, %swap3A_714], %mul3A_712 {strides = array<i32>} : memref<175x128xf32, #tpu.memory_space<vmem>>, vector<16xf32>,
        %get3A_716 = arith.index_cast %add3A_703 : i32 to index
        %get3A_717 = arith.constant 16 : index
        %get3A_718 = tpu.vector_load %arg12[%get3A_716, %get3A_717] {strides = array<i32>} : memref<175x128xf32, #tpu.memory_space<vmem>>, vector<16xf32>,
        %mul3A_719 = arith.mulf %get3A_718, %gather3A_708 : vector<16xf32>
        %swap3A_720 = arith.index_cast %add3A_703 : i32 to index
        %swap3A_721 = arith.constant 16 : index
        %swap3A_722 = tpu.vector_load %arg12[%swap3A_720, %swap3A_721] {strides = array<i32>} : memref<175x128xf32, #tpu.memory_space<vmem>>, vector<16xf32>,
        tpu.vector_store %arg12[%swap3A_720, %swap3A_721], %mul3A_719 {strides = array<i32>} : memref<175x128xf32, #tpu.memory_space<vmem>>, vector<16xf32>,
        %get3A_723 = arith.index_cast %add3A_703 : i32 to index
        %get3A_724 = arith.constant 32 : index
        %get3A_725 = tpu.vector_load %arg12[%get3A_723, %get3A_724] {strides = array<i32>} : memref<175x128xf32, #tpu.memory_space<vmem>>, vector<16xf32>,
        %mul3A_726 = arith.mulf %get3A_725, %gather3A_708 : vector<16xf32>
        %swap3A_727 = arith.index_cast %add3A_703 : i32 to index
        %swap3A_728 = arith.constant 32 : index
        %swap3A_729 = tpu.vector_load %arg12[%swap3A_727, %swap3A_728] {strides = array<i32>} : memref<175x128xf32, #tpu.memory_space<vmem>>, vector<16xf32>,
        tpu.vector_store %arg12[%swap3A_727, %swap3A_728], %mul3A_726 {strides = array<i32>} : memref<175x128xf32, #tpu.memory_space<vmem>>, vector<16xf32>,
        %get3A_730 = arith.index_cast %add3A_703 : i32 to index
        %get3A_731 = arith.constant 48 : index
        %get3A_732 = tpu.vector_load %arg12[%get3A_730, %get3A_731] {strides = array<i32>} : memref<175x128xf32, #tpu.memory_space<vmem>>, vector<16xf32>,
        %mul3A_733 = arith.mulf %get3A_732, %gather3A_708 : vector<16xf32>
        %swap3A_734 = arith.index_cast %add3A_703 : i32 to index
        %swap3A_735 = arith.constant 48 : index
        %swap3A_736 = tpu.vector_load %arg12[%swap3A_734, %swap3A_735] {strides = array<i32>} : memref<175x128xf32, #tpu.memory_space<vmem>>, vector<16xf32>,
        tpu.vector_store %arg12[%swap3A_734, %swap3A_735], %mul3A_733 {strides = array<i32>} : memref<175x128xf32, #tpu.memory_space<vmem>>, vector<16xf32>,
        %get3A_737 = arith.index_cast %add3A_703 : i32 to index
        %get3A_738 = arith.constant 64 : index
        %get3A_739 = tpu.vector_load %arg12[%get3A_737, %get3A_738] {strides = array<i32>} : memref<175x128xf32, #tpu.memory_space<vmem>>, vector<16xf32>,
        %mul3A_740 = arith.mulf %get3A_739, %gather3A_708 : vector<16xf32>
        %swap3A_741 = arith.index_cast %add3A_703 : i32 to index
        %swap3A_742 = arith.constant 64 : index
        %swap3A_743 = tpu.vector_load %arg12[%swap3A_741, %swap3A_742] {strides = array<i32>} : memref<175x128xf32, #tpu.memory_space<vmem>>, vector<16xf32>,
        tpu.vector_store %arg12[%swap3A_741, %swap3A_742], %mul3A_740 {strides = array<i32>} : memref<175x128xf32, #tpu.memory_space<vmem>>, vector<16xf32>,
        %get3A_744 = arith.index_cast %add3A_703 : i32 to index
        %get3A_745 = arith.constant 80 : index
        %get3A_746 = tpu.vector_load %arg12[%get3A_744, %get3A_745] {strides = array<i32>} : memref<175x128xf32, #tpu.memory_space<vmem>>, vector<16xf32>,
        %mul3A_747 = arith.mulf %get3A_746, %gather3A_708 : vector<16xf32>
        %swap3A_748 = arith.index_cast %add3A_703 : i32 to index
        %swap3A_749 = arith.constant 80 : index
        %swap3A_750 = tpu.vector_load %arg12[%swap3A_748, %swap3A_749] {strides = array<i32>} : memref<175x128xf32, #tpu.memory_space<vmem>>, vector<16xf32>,
        tpu.vector_store %arg12[%swap3A_748, %swap3A_749], %mul3A_747 {strides = array<i32>} : memref<175x128xf32, #tpu.memory_space<vmem>>, vector<16xf32>,
        %get3A_751 = arith.index_cast %add3A_703 : i32 to index
        %get3A_752 = arith.constant 96 : index
        %get3A_753 = tpu.vector_load %arg12[%get3A_751, %get3A_752] {strides = array<i32>} : memref<175x128xf32, #tpu.memory_space<vmem>>, vector<16xf32>,
        %mul3A_754 = arith.mulf %get3A_753, %gather3A_708 : vector<16xf32>
        %swap3A_755 = arith.index_cast %add3A_703 : i32 to index
        %swap3A_756 = arith.constant 96 : index
        %swap3A_757 = tpu.vector_load %arg12[%swap3A_755, %swap3A_756] {strides = array<i32>} : memref<175x128xf32, #tpu.memory_space<vmem>>, vector<16xf32>,
        tpu.vector_store %arg12[%swap3A_755, %swap3A_756], %mul3A_754 {strides = array<i32>} : memref<175x128xf32, #tpu.memory_space<vmem>>, vector<16xf32>,
        %get3A_758 = arith.index_cast %add3A_703 : i32 to index
        %get3A_759 = arith.constant 112 : index
        %get3A_760 = tpu.vector_load %arg12[%get3A_758, %get3A_759] {strides = array<i32>} : memref<175x128xf32, #tpu.memory_space<vmem>>, vector<16xf32>,
        %mul3A_761 = arith.mulf %get3A_760, %gather3A_708 : vector<16xf32>
        %swap3A_762 = arith.index_cast %add3A_703 : i32 to index
        %swap3A_763 = arith.constant 112 : index
        %swap3A_764 = tpu.vector_load %arg12[%swap3A_762, %swap3A_763] {strides = array<i32>} : memref<175x128xf32, #tpu.memory_space<vmem>>, vector<16xf32>,
        tpu.vector_store %arg12[%swap3A_762, %swap3A_763], %mul3A_761 {strides = array<i32>} : memref<175x128xf32, #tpu.memory_space<vmem>>, vector<16xf32>,
        %mul3A_765 = arith.constant 7 : i32
        %mul3A_766 = arith.muli %scan3A_505, %mul3A_765 : i32
        %add3A_767 = arith.constant 4 : i32
        %add3A_768 = arith.addi %mul3A_766, %add3A_767 : i32
        %mul3A_769 = arith.constant 175 : i32
        %mul3A_770 = arith.muli %add3A_208, %mul3A_769 : i32
        %add3A_771 = arith.addi %mul3A_770, %add3A_768 : i32
        %broadcast_in_dim3A_772 = vector.broadcast %add3A_771 : i32 to vector<16xi32>
        %gather3A_773 = tpu.vector_load_idx %arg7[%broadcast_in_dim3A_772] : memref<11200xf32, #tpu.memory_space<vmem>>[vector<16xi32>], vector<16xf32>,
        %get3A_774 = arith.index_cast %add3A_768 : i32 to index
        %get3A_775 = arith.constant 0 : index
        %get3A_776 = tpu.vector_load %arg12[%get3A_774, %get3A_775] {strides = array<i32>} : memref<175x128xf32, #tpu.memory_space<vmem>>, vector<16xf32>,
        %mul3A_777 = arith.mulf %get3A_776, %gather3A_773 : vector<16xf32>
        %swap3A_778 = arith.index_cast %add3A_768 : i32 to index
        %swap3A_779 = arith.constant 0 : index
        %swap3A_780 = tpu.vector_load %arg12[%swap3A_778, %swap3A_779] {strides = array<i32>} : memref<175x128xf32, #tpu.memory_space<vmem>>, vector<16xf32>,
        tpu.vector_store %arg12[%swap3A_778, %swap3A_779], %mul3A_777 {strides = array<i32>} : memref<175x128xf32, #tpu.memory_space<vmem>>, vector<16xf32>,
        %get3A_781 = arith.index_cast %add3A_768 : i32 to index
        %get3A_782 = arith.constant 16 : index
        %get3A_783 = tpu.vector_load %arg12[%get3A_781, %get3A_782] {strides = array<i32>} : memref<175x128xf32, #tpu.memory_space<vmem>>, vector<16xf32>,
        %mul3A_784 = arith.mulf %get3A_783, %gather3A_773 : vector<16xf32>
        %swap3A_785 = arith.index_cast %add3A_768 : i32 to index
        %swap3A_786 = arith.constant 16 : index
        %swap3A_787 = tpu.vector_load %arg12[%swap3A_785, %swap3A_786] {strides = array<i32>} : memref<175x128xf32, #tpu.memory_space<vmem>>, vector<16xf32>,
        tpu.vector_store %arg12[%swap3A_785, %swap3A_786], %mul3A_784 {strides = array<i32>} : memref<175x128xf32, #tpu.memory_space<vmem>>, vector<16xf32>,
        %get3A_788 = arith.index_cast %add3A_768 : i32 to index
        %get3A_789 = arith.constant 32 : index
        %get3A_790 = tpu.vector_load %arg12[%get3A_788, %get3A_789] {strides = array<i32>} : memref<175x128xf32, #tpu.memory_space<vmem>>, vector<16xf32>,
        %mul3A_791 = arith.mulf %get3A_790, %gather3A_773 : vector<16xf32>
        %swap3A_792 = arith.index_cast %add3A_768 : i32 to index
        %swap3A_793 = arith.constant 32 : index
        %swap3A_794 = tpu.vector_load %arg12[%swap3A_792, %swap3A_793] {strides = array<i32>} : memref<175x128xf32, #tpu.memory_space<vmem>>, vector<16xf32>,
        tpu.vector_store %arg12[%swap3A_792, %swap3A_793], %mul3A_791 {strides = array<i32>} : memref<175x128xf32, #tpu.memory_space<vmem>>, vector<16xf32>,
        %get3A_795 = arith.index_cast %add3A_768 : i32 to index
        %get3A_796 = arith.constant 48 : index
        %get3A_797 = tpu.vector_load %arg12[%get3A_795, %get3A_796] {strides = array<i32>} : memref<175x128xf32, #tpu.memory_space<vmem>>, vector<16xf32>,
        %mul3A_798 = arith.mulf %get3A_797, %gather3A_773 : vector<16xf32>
        %swap3A_799 = arith.index_cast %add3A_768 : i32 to index
        %swap3A_800 = arith.constant 48 : index
        %swap3A_801 = tpu.vector_load %arg12[%swap3A_799, %swap3A_800] {strides = array<i32>} : memref<175x128xf32, #tpu.memory_space<vmem>>, vector<16xf32>,
        tpu.vector_store %arg12[%swap3A_799, %swap3A_800], %mul3A_798 {strides = array<i32>} : memref<175x128xf32, #tpu.memory_space<vmem>>, vector<16xf32>,
        %get3A_802 = arith.index_cast %add3A_768 : i32 to index
        %get3A_803 = arith.constant 64 : index
        %get3A_804 = tpu.vector_load %arg12[%get3A_802, %get3A_803] {strides = array<i32>} : memref<175x128xf32, #tpu.memory_space<vmem>>, vector<16xf32>,
        %mul3A_805 = arith.mulf %get3A_804, %gather3A_773 : vector<16xf32>
        %swap3A_806 = arith.index_cast %add3A_768 : i32 to index
        %swap3A_807 = arith.constant 64 : index
        %swap3A_808 = tpu.vector_load %arg12[%swap3A_806, %swap3A_807] {strides = array<i32>} : memref<175x128xf32, #tpu.memory_space<vmem>>, vector<16xf32>,
        tpu.vector_store %arg12[%swap3A_806, %swap3A_807], %mul3A_805 {strides = array<i32>} : memref<175x128xf32, #tpu.memory_space<vmem>>, vector<16xf32>,
        %get3A_809 = arith.index_cast %add3A_768 : i32 to index
        %get3A_810 = arith.constant 80 : index
        %get3A_811 = tpu.vector_load %arg12[%get3A_809, %get3A_810] {strides = array<i32>} : memref<175x128xf32, #tpu.memory_space<vmem>>, vector<16xf32>,
        %mul3A_812 = arith.mulf %get3A_811, %gather3A_773 : vector<16xf32>
        %swap3A_813 = arith.index_cast %add3A_768 : i32 to index
        %swap3A_814 = arith.constant 80 : index
        %swap3A_815 = tpu.vector_load %arg12[%swap3A_813, %swap3A_814] {strides = array<i32>} : memref<175x128xf32, #tpu.memory_space<vmem>>, vector<16xf32>,
        tpu.vector_store %arg12[%swap3A_813, %swap3A_814], %mul3A_812 {strides = array<i32>} : memref<175x128xf32, #tpu.memory_space<vmem>>, vector<16xf32>,
        %get3A_816 = arith.index_cast %add3A_768 : i32 to index
        %get3A_817 = arith.constant 96 : index
        %get3A_818 = tpu.vector_load %arg12[%get3A_816, %get3A_817] {strides = array<i32>} : memref<175x128xf32, #tpu.memory_space<vmem>>, vector<16xf32>,
        %mul3A_819 = arith.mulf %get3A_818, %gather3A_773 : vector<16xf32>
        %swap3A_820 = arith.index_cast %add3A_768 : i32 to index
        %swap3A_821 = arith.constant 96 : index
        %swap3A_822 = tpu.vector_load %arg12[%swap3A_820, %swap3A_821] {strides = array<i32>} : memref<175x128xf32, #tpu.memory_space<vmem>>, vector<16xf32>,
        tpu.vector_store %arg12[%swap3A_820, %swap3A_821], %mul3A_819 {strides = array<i32>} : memref<175x128xf32, #tpu.memory_space<vmem>>, vector<16xf32>,
        %get3A_823 = arith.index_cast %add3A_768 : i32 to index
        %get3A_824 = arith.constant 112 : index
        %get3A_825 = tpu.vector_load %arg12[%get3A_823, %get3A_824] {strides = array<i32>} : memref<175x128xf32, #tpu.memory_space<vmem>>, vector<16xf32>,
        %mul3A_826 = arith.mulf %get3A_825, %gather3A_773 : vector<16xf32>
        %swap3A_827 = arith.index_cast %add3A_768 : i32 to index
        %swap3A_828 = arith.constant 112 : index
        %swap3A_829 = tpu.vector_load %arg12[%swap3A_827, %swap3A_828] {strides = array<i32>} : memref<175x128xf32, #tpu.memory_space<vmem>>, vector<16xf32>,
        tpu.vector_store %arg12[%swap3A_827, %swap3A_828], %mul3A_826 {strides = array<i32>} : memref<175x128xf32, #tpu.memory_space<vmem>>, vector<16xf32>,
        %mul3A_830 = arith.constant 7 : i32
        %mul3A_831 = arith.muli %scan3A_505, %mul3A_830 : i32
        %add3A_832 = arith.constant 5 : i32
        %add3A_833 = arith.addi %mul3A_831, %add3A_832 : i32
        %mul3A_834 = arith.constant 175 : i32
        %mul3A_835 = arith.muli %add3A_208, %mul3A_834 : i32
        %add3A_836 = arith.addi %mul3A_835, %add3A_833 : i32
        %broadcast_in_dim3A_837 = vector.broadcast %add3A_836 : i32 to vector<16xi32>
        %gather3A_838 = tpu.vector_load_idx %arg7[%broadcast_in_dim3A_837] : memref<11200xf32, #tpu.memory_space<vmem>>[vector<16xi32>], vector<16xf32>,
        %get3A_839 = arith.index_cast %add3A_833 : i32 to index
        %get3A_840 = arith.constant 0 : index
        %get3A_841 = tpu.vector_load %arg12[%get3A_839, %get3A_840] {strides = array<i32>} : memref<175x128xf32, #tpu.memory_space<vmem>>, vector<16xf32>,
        %mul3A_842 = arith.mulf %get3A_841, %gather3A_838 : vector<16xf32>
        %swap3A_843 = arith.index_cast %add3A_833 : i32 to index
        %swap3A_844 = arith.constant 0 : index
        %swap3A_845 = tpu.vector_load %arg12[%swap3A_843, %swap3A_844] {strides = array<i32>} : memref<175x128xf32, #tpu.memory_space<vmem>>, vector<16xf32>,
        tpu.vector_store %arg12[%swap3A_843, %swap3A_844], %mul3A_842 {strides = array<i32>} : memref<175x128xf32, #tpu.memory_space<vmem>>, vector<16xf32>,
        %get3A_846 = arith.index_cast %add3A_833 : i32 to index
        %get3A_847 = arith.constant 16 : index
        %get3A_848 = tpu.vector_load %arg12[%get3A_846, %get3A_847] {strides = array<i32>} : memref<175x128xf32, #tpu.memory_space<vmem>>, vector<16xf32>,
        %mul3A_849 = arith.mulf %get3A_848, %gather3A_838 : vector<16xf32>
        %swap3A_850 = arith.index_cast %add3A_833 : i32 to index
        %swap3A_851 = arith.constant 16 : index
        %swap3A_852 = tpu.vector_load %arg12[%swap3A_850, %swap3A_851] {strides = array<i32>} : memref<175x128xf32, #tpu.memory_space<vmem>>, vector<16xf32>,
        tpu.vector_store %arg12[%swap3A_850, %swap3A_851], %mul3A_849 {strides = array<i32>} : memref<175x128xf32, #tpu.memory_space<vmem>>, vector<16xf32>,
        %get3A_853 = arith.index_cast %add3A_833 : i32 to index
        %get3A_854 = arith.constant 32 : index
        %get3A_855 = tpu.vector_load %arg12[%get3A_853, %get3A_854] {strides = array<i32>} : memref<175x128xf32, #tpu.memory_space<vmem>>, vector<16xf32>,
        %mul3A_856 = arith.mulf %get3A_855, %gather3A_838 : vector<16xf32>
        %swap3A_857 = arith.index_cast %add3A_833 : i32 to index
        %swap3A_858 = arith.constant 32 : index
        %swap3A_859 = tpu.vector_load %arg12[%swap3A_857, %swap3A_858] {strides = array<i32>} : memref<175x128xf32, #tpu.memory_space<vmem>>, vector<16xf32>,
        tpu.vector_store %arg12[%swap3A_857, %swap3A_858], %mul3A_856 {strides = array<i32>} : memref<175x128xf32, #tpu.memory_space<vmem>>, vector<16xf32>,
        %get3A_860 = arith.index_cast %add3A_833 : i32 to index
        %get3A_861 = arith.constant 48 : index
        %get3A_862 = tpu.vector_load %arg12[%get3A_860, %get3A_861] {strides = array<i32>} : memref<175x128xf32, #tpu.memory_space<vmem>>, vector<16xf32>,
        %mul3A_863 = arith.mulf %get3A_862, %gather3A_838 : vector<16xf32>
        %swap3A_864 = arith.index_cast %add3A_833 : i32 to index
        %swap3A_865 = arith.constant 48 : index
        %swap3A_866 = tpu.vector_load %arg12[%swap3A_864, %swap3A_865] {strides = array<i32>} : memref<175x128xf32, #tpu.memory_space<vmem>>, vector<16xf32>,
        tpu.vector_store %arg12[%swap3A_864, %swap3A_865], %mul3A_863 {strides = array<i32>} : memref<175x128xf32, #tpu.memory_space<vmem>>, vector<16xf32>,
        %get3A_867 = arith.index_cast %add3A_833 : i32 to index
        %get3A_868 = arith.constant 64 : index
        %get3A_869 = tpu.vector_load %arg12[%get3A_867, %get3A_868] {strides = array<i32>} : memref<175x128xf32, #tpu.memory_space<vmem>>, vector<16xf32>,
        %mul3A_870 = arith.mulf %get3A_869, %gather3A_838 : vector<16xf32>
        %swap3A_871 = arith.index_cast %add3A_833 : i32 to index
        %swap3A_872 = arith.constant 64 : index
        %swap3A_873 = tpu.vector_load %arg12[%swap3A_871, %swap3A_872] {strides = array<i32>} : memref<175x128xf32, #tpu.memory_space<vmem>>, vector<16xf32>,
        tpu.vector_store %arg12[%swap3A_871, %swap3A_872], %mul3A_870 {strides = array<i32>} : memref<175x128xf32, #tpu.memory_space<vmem>>, vector<16xf32>,
        %get3A_874 = arith.index_cast %add3A_833 : i32 to index
        %get3A_875 = arith.constant 80 : index
        %get3A_876 = tpu.vector_load %arg12[%get3A_874, %get3A_875] {strides = array<i32>} : memref<175x128xf32, #tpu.memory_space<vmem>>, vector<16xf32>,
        %mul3A_877 = arith.mulf %get3A_876, %gather3A_838 : vector<16xf32>
        %swap3A_878 = arith.index_cast %add3A_833 : i32 to index
        %swap3A_879 = arith.constant 80 : index
        %swap3A_880 = tpu.vector_load %arg12[%swap3A_878, %swap3A_879] {strides = array<i32>} : memref<175x128xf32, #tpu.memory_space<vmem>>, vector<16xf32>,
        tpu.vector_store %arg12[%swap3A_878, %swap3A_879], %mul3A_877 {strides = array<i32>} : memref<175x128xf32, #tpu.memory_space<vmem>>, vector<16xf32>,
        %get3A_881 = arith.index_cast %add3A_833 : i32 to index
        %get3A_882 = arith.constant 96 : index
        %get3A_883 = tpu.vector_load %arg12[%get3A_881, %get3A_882] {strides = array<i32>} : memref<175x128xf32, #tpu.memory_space<vmem>>, vector<16xf32>,
        %mul3A_884 = arith.mulf %get3A_883, %gather3A_838 : vector<16xf32>
        %swap3A_885 = arith.index_cast %add3A_833 : i32 to index
        %swap3A_886 = arith.constant 96 : index
        %swap3A_887 = tpu.vector_load %arg12[%swap3A_885, %swap3A_886] {strides = array<i32>} : memref<175x128xf32, #tpu.memory_space<vmem>>, vector<16xf32>,
        tpu.vector_store %arg12[%swap3A_885, %swap3A_886], %mul3A_884 {strides = array<i32>} : memref<175x128xf32, #tpu.memory_space<vmem>>, vector<16xf32>,
        %get3A_888 = arith.index_cast %add3A_833 : i32 to index
        %get3A_889 = arith.constant 112 : index
        %get3A_890 = tpu.vector_load %arg12[%get3A_888, %get3A_889] {strides = array<i32>} : memref<175x128xf32, #tpu.memory_space<vmem>>, vector<16xf32>,
        %mul3A_891 = arith.mulf %get3A_890, %gather3A_838 : vector<16xf32>
        %swap3A_892 = arith.index_cast %add3A_833 : i32 to index
        %swap3A_893 = arith.constant 112 : index
        %swap3A_894 = tpu.vector_load %arg12[%swap3A_892, %swap3A_893] {strides = array<i32>} : memref<175x128xf32, #tpu.memory_space<vmem>>, vector<16xf32>,
        tpu.vector_store %arg12[%swap3A_892, %swap3A_893], %mul3A_891 {strides = array<i32>} : memref<175x128xf32, #tpu.memory_space<vmem>>, vector<16xf32>,
        %mul3A_895 = arith.constant 7 : i32
        %mul3A_896 = arith.muli %scan3A_505, %mul3A_895 : i32
        %add3A_897 = arith.constant 6 : i32
        %add3A_898 = arith.addi %mul3A_896, %add3A_897 : i32
        %mul3A_899 = arith.constant 175 : i32
        %mul3A_900 = arith.muli %add3A_208, %mul3A_899 : i32
        %add3A_901 = arith.addi %mul3A_900, %add3A_898 : i32
        %broadcast_in_dim3A_902 = vector.broadcast %add3A_901 : i32 to vector<16xi32>
        %gather3A_903 = tpu.vector_load_idx %arg7[%broadcast_in_dim3A_902] : memref<11200xf32, #tpu.memory_space<vmem>>[vector<16xi32>], vector<16xf32>,
        %get3A_904 = arith.index_cast %add3A_898 : i32 to index
        %get3A_905 = arith.constant 0 : index
        %get3A_906 = tpu.vector_load %arg12[%get3A_904, %get3A_905] {strides = array<i32>} : memref<175x128xf32, #tpu.memory_space<vmem>>, vector<16xf32>,
        %mul3A_907 = arith.mulf %get3A_906, %gather3A_903 : vector<16xf32>
        %swap3A_908 = arith.index_cast %add3A_898 : i32 to index
        %swap3A_909 = arith.constant 0 : index
        %swap3A_910 = tpu.vector_load %arg12[%swap3A_908, %swap3A_909] {strides = array<i32>} : memref<175x128xf32, #tpu.memory_space<vmem>>, vector<16xf32>,
        tpu.vector_store %arg12[%swap3A_908, %swap3A_909], %mul3A_907 {strides = array<i32>} : memref<175x128xf32, #tpu.memory_space<vmem>>, vector<16xf32>,
        %get3A_911 = arith.index_cast %add3A_898 : i32 to index
        %get3A_912 = arith.constant 16 : index
        %get3A_913 = tpu.vector_load %arg12[%get3A_911, %get3A_912] {strides = array<i32>} : memref<175x128xf32, #tpu.memory_space<vmem>>, vector<16xf32>,
        %mul3A_914 = arith.mulf %get3A_913, %gather3A_903 : vector<16xf32>
        %swap3A_915 = arith.index_cast %add3A_898 : i32 to index
        %swap3A_916 = arith.constant 16 : index
        %swap3A_917 = tpu.vector_load %arg12[%swap3A_915, %swap3A_916] {strides = array<i32>} : memref<175x128xf32, #tpu.memory_space<vmem>>, vector<16xf32>,
        tpu.vector_store %arg12[%swap3A_915, %swap3A_916], %mul3A_914 {strides = array<i32>} : memref<175x128xf32, #tpu.memory_space<vmem>>, vector<16xf32>,
        %get3A_918 = arith.index_cast %add3A_898 : i32 to index
        %get3A_919 = arith.constant 32 : index
        %get3A_920 = tpu.vector_load %arg12[%get3A_918, %get3A_919] {strides = array<i32>} : memref<175x128xf32, #tpu.memory_space<vmem>>, vector<16xf32>,
        %mul3A_921 = arith.mulf %get3A_920, %gather3A_903 : vector<16xf32>
        %swap3A_922 = arith.index_cast %add3A_898 : i32 to index
        %swap3A_923 = arith.constant 32 : index
        %swap3A_924 = tpu.vector_load %arg12[%swap3A_922, %swap3A_923] {strides = array<i32>} : memref<175x128xf32, #tpu.memory_space<vmem>>, vector<16xf32>,
        tpu.vector_store %arg12[%swap3A_922, %swap3A_923], %mul3A_921 {strides = array<i32>} : memref<175x128xf32, #tpu.memory_space<vmem>>, vector<16xf32>,
        %get3A_925 = arith.index_cast %add3A_898 : i32 to index
        %get3A_926 = arith.constant 48 : index
        %get3A_927 = tpu.vector_load %arg12[%get3A_925, %get3A_926] {strides = array<i32>} : memref<175x128xf32, #tpu.memory_space<vmem>>, vector<16xf32>,
        %mul3A_928 = arith.mulf %get3A_927, %gather3A_903 : vector<16xf32>
        %swap3A_929 = arith.index_cast %add3A_898 : i32 to index
        %swap3A_930 = arith.constant 48 : index
        %swap3A_931 = tpu.vector_load %arg12[%swap3A_929, %swap3A_930] {strides = array<i32>} : memref<175x128xf32, #tpu.memory_space<vmem>>, vector<16xf32>,
        tpu.vector_store %arg12[%swap3A_929, %swap3A_930], %mul3A_928 {strides = array<i32>} : memref<175x128xf32, #tpu.memory_space<vmem>>, vector<16xf32>,
        %get3A_932 = arith.index_cast %add3A_898 : i32 to index
        %get3A_933 = arith.constant 64 : index
        %get3A_934 = tpu.vector_load %arg12[%get3A_932, %get3A_933] {strides = array<i32>} : memref<175x128xf32, #tpu.memory_space<vmem>>, vector<16xf32>,
        %mul3A_935 = arith.mulf %get3A_934, %gather3A_903 : vector<16xf32>
        %swap3A_936 = arith.index_cast %add3A_898 : i32 to index
        %swap3A_937 = arith.constant 64 : index
        %swap3A_938 = tpu.vector_load %arg12[%swap3A_936, %swap3A_937] {strides = array<i32>} : memref<175x128xf32, #tpu.memory_space<vmem>>, vector<16xf32>,
        tpu.vector_store %arg12[%swap3A_936, %swap3A_937], %mul3A_935 {strides = array<i32>} : memref<175x128xf32, #tpu.memory_space<vmem>>, vector<16xf32>,
        %get3A_939 = arith.index_cast %add3A_898 : i32 to index
        %get3A_940 = arith.constant 80 : index
        %get3A_941 = tpu.vector_load %arg12[%get3A_939, %get3A_940] {strides = array<i32>} : memref<175x128xf32, #tpu.memory_space<vmem>>, vector<16xf32>,
        %mul3A_942 = arith.mulf %get3A_941, %gather3A_903 : vector<16xf32>
        %swap3A_943 = arith.index_cast %add3A_898 : i32 to index
        %swap3A_944 = arith.constant 80 : index
        %swap3A_945 = tpu.vector_load %arg12[%swap3A_943, %swap3A_944] {strides = array<i32>} : memref<175x128xf32, #tpu.memory_space<vmem>>, vector<16xf32>,
        tpu.vector_store %arg12[%swap3A_943, %swap3A_944], %mul3A_942 {strides = array<i32>} : memref<175x128xf32, #tpu.memory_space<vmem>>, vector<16xf32>,
        %get3A_946 = arith.index_cast %add3A_898 : i32 to index
        %get3A_947 = arith.constant 96 : index
        %get3A_948 = tpu.vector_load %arg12[%get3A_946, %get3A_947] {strides = array<i32>} : memref<175x128xf32, #tpu.memory_space<vmem>>, vector<16xf32>,
        %mul3A_949 = arith.mulf %get3A_948, %gather3A_903 : vector<16xf32>
        %swap3A_950 = arith.index_cast %add3A_898 : i32 to index
        %swap3A_951 = arith.constant 96 : index
        %swap3A_952 = tpu.vector_load %arg12[%swap3A_950, %swap3A_951] {strides = array<i32>} : memref<175x128xf32, #tpu.memory_space<vmem>>, vector<16xf32>,
        tpu.vector_store %arg12[%swap3A_950, %swap3A_951], %mul3A_949 {strides = array<i32>} : memref<175x128xf32, #tpu.memory_space<vmem>>, vector<16xf32>,
        %get3A_953 = arith.index_cast %add3A_898 : i32 to index
        %get3A_954 = arith.constant 112 : index
        %get3A_955 = tpu.vector_load %arg12[%get3A_953, %get3A_954] {strides = array<i32>} : memref<175x128xf32, #tpu.memory_space<vmem>>, vector<16xf32>,
        %mul3A_956 = arith.mulf %get3A_955, %gather3A_903 : vector<16xf32>
        %swap3A_957 = arith.index_cast %add3A_898 : i32 to index
        %swap3A_958 = arith.constant 112 : index
        %swap3A_959 = tpu.vector_load %arg12[%swap3A_957, %swap3A_958] {strides = array<i32>} : memref<175x128xf32, #tpu.memory_space<vmem>>, vector<16xf32>,
        tpu.vector_store %arg12[%swap3A_957, %swap3A_958], %mul3A_956 {strides = array<i32>} : memref<175x128xf32, #tpu.memory_space<vmem>>, vector<16xf32>,
        %scan3A_960 = arith.constant 0 : i32
        scf.yield %scan3A_960 : i32
      }
      %scan3A_311 = arith.constant 25 : i32
      %mul3A_312 = arith.constant 25 : i32
      %mul3A_313 = arith.muli %add3A_208, %mul3A_312 : i32
      %add3A_314 = arith.addi %mul3A_6, %mul3A_313 : i32
      %dma_start3A_315 = tpu.memref_reshape %arg12 : memref<175x128xf32, #tpu.memory_space<vmem>> -> memref<25x7x128xf32, #tpu.memory_space<vmem>>
      %dma_start3A_316 = arith.constant 0 : i32
      %dma_start3A_317 = arith.constant 0 : i32
      %dma_start3A_318 = tpu.memref_slice %arg5[%add3A_314, %dma_start3A_316, %dma_start3A_317] : memref<51200x7x128xf32, #tpu.memory_space<hbm>> -> memref<25x7x128xf32, #tpu.memory_space<hbm>>
      %dma_start3A_319 = arith.constant 0 : i32
      %dma_start3A_320 = arith.constant 0 : i32
      %dma_start3A_321 = tpu.memref_slice %arg5[%add3A_314, %dma_start3A_319, %dma_start3A_320] : memref<51200x7x128xf32, #tpu.memory_space<hbm>> -> memref<25x7x128xf32, #tpu.memory_space<hbm>>
      %dma_start3A_322 = tpu.memref_reshape %arg12 : memref<175x128xf32, #tpu.memory_space<vmem>> -> memref<25x7x128xf32, #tpu.memory_space<vmem>>
      tpu.enqueue_dma source(%dma_start3A_322 : memref<25x7x128xf32, #tpu.memory_space<vmem>>) target(%dma_start3A_321 : memref<25x7x128xf32, #tpu.memory_space<hbm>>) target_semaphore(%arg21 : memref<!tpu.dma_semaphore, #tpu.memory_space<semaphore_mem>>)
      %mul3A_323 = arith.constant 4 : i32
      %mul3A_324 = arith.muli %mul3A_323, %scan3A_203 : i32
      %add3A_325 = arith.constant 1 : i32
      %add3A_326 = arith.addi %mul3A_324, %add3A_325 : i32
      %ge3A_327 = arith.constant 1 : i32
      %ge3A_328 = arith.cmpi sge, %scan3A_203, %ge3A_327 : i32
      %convert_element_type3A_329 = arith.extui %ge3A_328 : i1 to i32
      %cond3A_330 = arith.constant 0 : i32
      %cond3A_331 = arith.cmpi ne, %convert_element_type3A_329, %cond3A_330 : i32
      scf.if %cond3A_331 {
        %sub3A = arith.constant 2 : i32
        %sub3A_505 = arith.subi %add3A_326, %sub3A : i32
        %mul3A_506 = arith.constant 25 : i32
        %mul3A_507 = arith.muli %sub3A_505, %mul3A_506 : i32
        %add3A_508 = arith.addi %mul3A_6, %mul3A_507 : i32
        %dma_wait3A_509 = tpu.memref_reshape %arg15 : memref<175x128xf32, #tpu.memory_space<vmem>> -> memref<25x7x128xf32, #tpu.memory_space<vmem>>
        %dma_wait3A_510 = arith.constant 0 : i32
        %dma_wait3A_511 = arith.constant 0 : i32
        %dma_wait3A_512 = tpu.memref_slice %arg5[%add3A_508, %dma_wait3A_510, %dma_wait3A_511] : memref<51200x7x128xf32, #tpu.memory_space<hbm>> -> memref<25x7x128xf32, #tpu.memory_space<hbm>>
        %dma_wait3A_513 = arith.constant 0 : i32
        %dma_wait3A_514 = arith.constant 0 : i32
        %dma_wait3A_515 = tpu.memref_slice %arg5[%add3A_508, %dma_wait3A_513, %dma_wait3A_514] : memref<51200x7x128xf32, #tpu.memory_space<hbm>> -> memref<25x7x128xf32, #tpu.memory_space<hbm>>
        %dma_wait3A_516 = tpu.memref_reshape %arg15 : memref<175x128xf32, #tpu.memory_space<vmem>> -> memref<25x7x128xf32, #tpu.memory_space<vmem>>
        tpu.wait_dma2 semaphore(%arg24 : memref<!tpu.dma_semaphore, #tpu.memory_space<semaphore_mem>>) src(%dma_wait3A_516 : memref<25x7x128xf32, #tpu.memory_space<vmem>>) dst(%dma_wait3A_515 : memref<25x7x128xf32, #tpu.memory_space<hbm>>)
      } else {
      }
      %add3A_332 = arith.constant 2 : i32
      %add3A_333 = arith.addi %add3A_326, %add3A_332 : i32
      %mul3A_334 = arith.constant 175 : i32
      %mul3A_335 = arith.muli %add3A_333, %mul3A_334 : i32
      %add3A_336 = arith.constant 0 : i32
      %add3A_337 = arith.addi %mul3A_335, %add3A_336 : i32
      %add3A_338 = vector.broadcast %add3A_337 : i32 to vector<16xi32>
      %add3A_339 = arith.addi %iota3A, %add3A_338 : vector<16xi32>
      %gather3A_340 = tpu.vector_load_idx %arg6[%add3A_339] : memref<11200xi32, #tpu.memory_space<vmem>>[vector<16xi32>], vector<16xi32>,
      %swap3A_341 = arith.constant 0 : index
      %swap3A_342 = tpu.vector_load %arg11[%swap3A_341] {strides = array<i32>} : memref<175xi32, #tpu.memory_space<vmem>>, vector<16xi32>,
      tpu.vector_store %arg11[%swap3A_341], %gather3A_340 {strides = array<i32>} : memref<175xi32, #tpu.memory_space<vmem>>, vector<16xi32>,
      %add3A_343 = arith.constant 16 : i32
      %add3A_344 = arith.addi %mul3A_335, %add3A_343 : i32
      %add3A_345 = vector.broadcast %add3A_344 : i32 to vector<16xi32>
      %add3A_346 = arith.addi %iota3A, %add3A_345 : vector<16xi32>
      %gather3A_347 = tpu.vector_load_idx %arg6[%add3A_346] : memref<11200xi32, #tpu.memory_space<vmem>>[vector<16xi32>], vector<16xi32>,
      %swap3A_348 = arith.constant 16 : index
      %swap3A_349 = tpu.vector_load %arg11[%swap3A_348] {strides = array<i32>} : memref<175xi32, #tpu.memory_space<vmem>>, vector<16xi32>,
      tpu.vector_store %arg11[%swap3A_348], %gather3A_347 {strides = array<i32>} : memref<175xi32, #tpu.memory_space<vmem>>, vector<16xi32>,
      %add3A_350 = arith.constant 32 : i32
      %add3A_351 = arith.addi %mul3A_335, %add3A_350 : i32
      %add3A_352 = vector.broadcast %add3A_351 : i32 to vector<16xi32>
      %add3A_353 = arith.addi %iota3A, %add3A_352 : vector<16xi32>
      %gather3A_354 = tpu.vector_load_idx %arg6[%add3A_353] : memref<11200xi32, #tpu.memory_space<vmem>>[vector<16xi32>], vector<16xi32>,
      %swap3A_355 = arith.constant 32 : index
      %swap3A_356 = tpu.vector_load %arg11[%swap3A_355] {strides = array<i32>} : memref<175xi32, #tpu.memory_space<vmem>>, vector<16xi32>,
      tpu.vector_store %arg11[%swap3A_355], %gather3A_354 {strides = array<i32>} : memref<175xi32, #tpu.memory_space<vmem>>, vector<16xi32>,
      %add3A_357 = arith.constant 48 : i32
      %add3A_358 = arith.addi %mul3A_335, %add3A_357 : i32
      %add3A_359 = vector.broadcast %add3A_358 : i32 to vector<16xi32>
      %add3A_360 = arith.addi %iota3A, %add3A_359 : vector<16xi32>
      %gather3A_361 = tpu.vector_load_idx %arg6[%add3A_360] : memref<11200xi32, #tpu.memory_space<vmem>>[vector<16xi32>], vector<16xi32>,
      %swap3A_362 = arith.constant 48 : index
      %swap3A_363 = tpu.vector_load %arg11[%swap3A_362] {strides = array<i32>} : memref<175xi32, #tpu.memory_space<vmem>>, vector<16xi32>,
      tpu.vector_store %arg11[%swap3A_362], %gather3A_361 {strides = array<i32>} : memref<175xi32, #tpu.memory_space<vmem>>, vector<16xi32>,
      %add3A_364 = arith.constant 64 : i32
      %add3A_365 = arith.addi %mul3A_335, %add3A_364 : i32
      %add3A_366 = vector.broadcast %add3A_365 : i32 to vector<16xi32>
      %add3A_367 = arith.addi %iota3A, %add3A_366 : vector<16xi32>
      %gather3A_368 = tpu.vector_load_idx %arg6[%add3A_367] : memref<11200xi32, #tpu.memory_space<vmem>>[vector<16xi32>], vector<16xi32>,
      %swap3A_369 = arith.constant 64 : index
      %swap3A_370 = tpu.vector_load %arg11[%swap3A_369] {strides = array<i32>} : memref<175xi32, #tpu.memory_space<vmem>>, vector<16xi32>,
      tpu.vector_store %arg11[%swap3A_369], %gather3A_368 {strides = array<i32>} : memref<175xi32, #tpu.memory_space<vmem>>, vector<16xi32>,
      %add3A_371 = arith.constant 80 : i32
      %add3A_372 = arith.addi %mul3A_335, %add3A_371 : i32
      %add3A_373 = vector.broadcast %add3A_372 : i32 to vector<16xi32>
      %add3A_374 = arith.addi %iota3A, %add3A_373 : vector<16xi32>
      %gather3A_375 = tpu.vector_load_idx %arg6[%add3A_374] : memref<11200xi32, #tpu.memory_space<vmem>>[vector<16xi32>], vector<16xi32>,
      %swap3A_376 = arith.constant 80 : index
      %swap3A_377 = tpu.vector_load %arg11[%swap3A_376] {strides = array<i32>} : memref<175xi32, #tpu.memory_space<vmem>>, vector<16xi32>,
      tpu.vector_store %arg11[%swap3A_376], %gather3A_375 {strides = array<i32>} : memref<175xi32, #tpu.memory_space<vmem>>, vector<16xi32>,
      %add3A_378 = arith.constant 96 : i32
      %add3A_379 = arith.addi %mul3A_335, %add3A_378 : i32
      %add3A_380 = vector.broadcast %add3A_379 : i32 to vector<16xi32>
      %add3A_381 = arith.addi %iota3A, %add3A_380 : vector<16xi32>
      %gather3A_382 = tpu.vector_load_idx %arg6[%add3A_381] : memref<11200xi32, #tpu.memory_space<vmem>>[vector<16xi32>], vector<16xi32>,
      %swap3A_383 = arith.constant 96 : index
      %swap3A_384 = tpu.vector_load %arg11[%swap3A_383] {strides = array<i32>} : memref<175xi32, #tpu.memory_space<vmem>>, vector<16xi32>,
      tpu.vector_store %arg11[%swap3A_383], %gather3A_382 {strides = array<i32>} : memref<175xi32, #tpu.memory_space<vmem>>, vector<16xi32>,
      %add3A_385 = arith.constant 112 : i32
      %add3A_386 = arith.addi %mul3A_335, %add3A_385 : i32
      %add3A_387 = vector.broadcast %add3A_386 : i32 to vector<16xi32>
      %add3A_388 = arith.addi %iota3A, %add3A_387 : vector<16xi32>
      %gather3A_389 = tpu.vector_load_idx %arg6[%add3A_388] : memref<11200xi32, #tpu.memory_space<vmem>>[vector<16xi32>], vector<16xi32>,
      %swap3A_390 = arith.constant 112 : index
      %swap3A_391 = tpu.vector_load %arg11[%swap3A_390] {strides = array<i32>} : memref<175xi32, #tpu.memory_space<vmem>>, vector<16xi32>,
      tpu.vector_store %arg11[%swap3A_390], %gather3A_389 {strides = array<i32>} : memref<175xi32, #tpu.memory_space<vmem>>, vector<16xi32>,
      %add3A_392 = arith.constant 128 : i32
      %add3A_393 = arith.addi %mul3A_335, %add3A_392 : i32
      %add3A_394 = vector.broadcast %add3A_393 : i32 to vector<16xi32>
      %add3A_395 = arith.addi %iota3A, %add3A_394 : vector<16xi32>
      %gather3A_396 = tpu.vector_load_idx %arg6[%add3A_395] : memref<11200xi32, #tpu.memory_space<vmem>>[vector<16xi32>], vector<16xi32>,
      %swap3A_397 = arith.constant 128 : index
      %swap3A_398 = tpu.vector_load %arg11[%swap3A_397] {strides = array<i32>} : memref<175xi32, #tpu.memory_space<vmem>>, vector<16xi32>,
      tpu.vector_store %arg11[%swap3A_397], %gather3A_396 {strides = array<i32>} : memref<175xi32, #tpu.memory_space<vmem>>, vector<16xi32>,
      %add3A_399 = arith.constant 144 : i32
      %add3A_400 = arith.addi %mul3A_335, %add3A_399 : i32
      %add3A_401 = vector.broadcast %add3A_400 : i32 to vector<16xi32>
      %add3A_402 = arith.addi %iota3A, %add3A_401 : vector<16xi32>
      %gather3A_403 = tpu.vector_load_idx %arg6[%add3A_402] : memref<11200xi32, #tpu.memory_space<vmem>>[vector<16xi32>], vector<16xi32>,
      %swap3A_404 = arith.constant 144 : index
      %swap3A_405 = tpu.vector_load %arg11[%swap3A_404] {strides = array<i32>} : memref<175xi32, #tpu.memory_space<vmem>>, vector<16xi32>,
      tpu.vector_store %arg11[%swap3A_404], %gather3A_403 {strides = array<i32>} : memref<175xi32, #tpu.memory_space<vmem>>, vector<16xi32>,
      %add3A_406 = arith.constant 160 : i32
      %add3A_407 = arith.addi %mul3A_335, %add3A_406 : i32
      %add3A_408 = vector.broadcast %add3A_407 : i32 to vector<16xi32>
      %add3A_409 = arith.addi %iota3A, %add3A_408 : vector<16xi32>
      %min3A_410 = arith.constant 11199 : i32
      %min3A_411 = vector.broadcast %min3A_410 : i32 to vector<16xi32>
      %min3A_412 = arith.minsi %add3A_409, %min3A_411 : vector<16xi32>
      %gather3A_413 = tpu.vector_load_idx %arg6[%min3A_412] : memref<11200xi32, #tpu.memory_space<vmem>>[vector<16xi32>], vector<16xi32>,
      %add3A_414 = arith.constant 160 : i32
      %add3A_415 = vector.broadcast %add3A_414 : i32 to vector<16xi32>
      %add3A_416 = arith.addi %iota3A, %add3A_415 : vector<16xi32>
      %lt3A_417 = arith.constant 15 : i32
      %lt3A_418 = vector.broadcast %lt3A_417 : i32 to vector<16xi32>
      %lt3A_419 = arith.cmpi slt, %iota3A, %lt3A_418 : vector<16xi32>
      tpu.vector_store_idx %arg11[%add3A_416], %gather3A_413 masked %lt3A_419 : memref<175xi32, #tpu.memory_space<vmem>>[vector<16xi32>], vector<16xi32>, vector<16xi1>
      %dma_start3A_420 = arith.constant 0 : i32
      %dma_start3A_421 = arith.constant 0 : i32
      %dma_start3A_422 = tpu.memref_slice %arg16[%dma_start3A_420, %dma_start3A_421] : memref<1024x128xf32, #tpu.memory_space<vmem_shared>> -> memref<1024x128xf32, #tpu.memory_space<vmem_shared>>
      tpu.enqueue_indirect_dma source(%dma_start3A_422 : memref<1024x128xf32, #tpu.memory_space<vmem_shared>>) target(%arg15 : memref<175x128xf32, #tpu.memory_space<vmem>>) offsets(%arg11 : memref<175xi32, #tpu.memory_space<vmem>>) semaphore(%arg20 : memref<!tpu.dma_semaphore, #tpu.memory_space<semaphore_mem>>)
      %dma_wait3A_423 = arith.constant 0 : i32
      %dma_wait3A_424 = arith.constant 0 : i32
      %dma_wait3A_425 = tpu.memref_slice %arg16[%dma_wait3A_423, %dma_wait3A_424] : memref<1024x128xf32, #tpu.memory_space<vmem_shared>> -> memref<1024x128xf32, #tpu.memory_space<vmem_shared>>
      tpu.wait_indirect_dma semaphore(%arg18 : memref<!tpu.dma_semaphore, #tpu.memory_space<semaphore_mem>>) src(%dma_wait3A_425 : memref<1024x128xf32, #tpu.memory_space<vmem_shared>>) dst(%arg13 : memref<175x128xf32, #tpu.memory_space<vmem>>)
      %scan3A_426 = arith.constant 0 : i32
      %scan3A_427 = arith.constant 0 : i32
      %scan3A_428 = arith.constant 25 : i32
      %scan3A_429 = arith.addi %scan3A_427, %scan3A_428 : i32
      %scan3A_430 = arith.constant 1 : i32
      %scan3A_431 = scf.for %scan3A_505 = %scan3A_427 to %scan3A_429 step %scan3A_430 iter_args(%scan3A_506 = %scan3A_426) -> (i32)  : i32 {
        %mul3A_507 = arith.constant 7 : i32
        %mul3A_508 = arith.muli %scan3A_505, %mul3A_507 : i32
        %add3A_509 = arith.constant 0 : i32
        %add3A_510 = arith.addi %mul3A_508, %add3A_509 : i32
        %mul3A_511 = arith.constant 175 : i32
        %mul3A_512 = arith.muli %add3A_326, %mul3A_511 : i32
        %add3A_513 = arith.addi %mul3A_512, %add3A_510 : i32
        %broadcast_in_dim3A = vector.broadcast %add3A_513 : i32 to vector<16xi32>
        %gather3A_514 = tpu.vector_load_idx %arg7[%broadcast_in_dim3A] : memref<11200xf32, #tpu.memory_space<vmem>>[vector<16xi32>], vector<16xf32>,
        %get3A = arith.index_cast %add3A_510 : i32 to index
        %get3A_515 = arith.constant 0 : index
        %get3A_516 = tpu.vector_load %arg13[%get3A, %get3A_515] {strides = array<i32>} : memref<175x128xf32, #tpu.memory_space<vmem>>, vector<16xf32>,
        %mul3A_517 = arith.mulf %get3A_516, %gather3A_514 : vector<16xf32>
        %swap3A_518 = arith.index_cast %add3A_510 : i32 to index
        %swap3A_519 = arith.constant 0 : index
        %swap3A_520 = tpu.vector_load %arg13[%swap3A_518, %swap3A_519] {strides = array<i32>} : memref<175x128xf32, #tpu.memory_space<vmem>>, vector<16xf32>,
        tpu.vector_store %arg13[%swap3A_518, %swap3A_519], %mul3A_517 {strides = array<i32>} : memref<175x128xf32, #tpu.memory_space<vmem>>, vector<16xf32>,
        %get3A_521 = arith.index_cast %add3A_510 : i32 to index
        %get3A_522 = arith.constant 16 : index
        %get3A_523 = tpu.vector_load %arg13[%get3A_521, %get3A_522] {strides = array<i32>} : memref<175x128xf32, #tpu.memory_space<vmem>>, vector<16xf32>,
        %mul3A_524 = arith.mulf %get3A_523, %gather3A_514 : vector<16xf32>
        %swap3A_525 = arith.index_cast %add3A_510 : i32 to index
        %swap3A_526 = arith.constant 16 : index
        %swap3A_527 = tpu.vector_load %arg13[%swap3A_525, %swap3A_526] {strides = array<i32>} : memref<175x128xf32, #tpu.memory_space<vmem>>, vector<16xf32>,
        tpu.vector_store %arg13[%swap3A_525, %swap3A_526], %mul3A_524 {strides = array<i32>} : memref<175x128xf32, #tpu.memory_space<vmem>>, vector<16xf32>,
        %get3A_528 = arith.index_cast %add3A_510 : i32 to index
        %get3A_529 = arith.constant 32 : index
        %get3A_530 = tpu.vector_load %arg13[%get3A_528, %get3A_529] {strides = array<i32>} : memref<175x128xf32, #tpu.memory_space<vmem>>, vector<16xf32>,
        %mul3A_531 = arith.mulf %get3A_530, %gather3A_514 : vector<16xf32>
        %swap3A_532 = arith.index_cast %add3A_510 : i32 to index
        %swap3A_533 = arith.constant 32 : index
        %swap3A_534 = tpu.vector_load %arg13[%swap3A_532, %swap3A_533] {strides = array<i32>} : memref<175x128xf32, #tpu.memory_space<vmem>>, vector<16xf32>,
        tpu.vector_store %arg13[%swap3A_532, %swap3A_533], %mul3A_531 {strides = array<i32>} : memref<175x128xf32, #tpu.memory_space<vmem>>, vector<16xf32>,
        %get3A_535 = arith.index_cast %add3A_510 : i32 to index
        %get3A_536 = arith.constant 48 : index
        %get3A_537 = tpu.vector_load %arg13[%get3A_535, %get3A_536] {strides = array<i32>} : memref<175x128xf32, #tpu.memory_space<vmem>>, vector<16xf32>,
        %mul3A_538 = arith.mulf %get3A_537, %gather3A_514 : vector<16xf32>
        %swap3A_539 = arith.index_cast %add3A_510 : i32 to index
        %swap3A_540 = arith.constant 48 : index
        %swap3A_541 = tpu.vector_load %arg13[%swap3A_539, %swap3A_540] {strides = array<i32>} : memref<175x128xf32, #tpu.memory_space<vmem>>, vector<16xf32>,
        tpu.vector_store %arg13[%swap3A_539, %swap3A_540], %mul3A_538 {strides = array<i32>} : memref<175x128xf32, #tpu.memory_space<vmem>>, vector<16xf32>,
        %get3A_542 = arith.index_cast %add3A_510 : i32 to index
        %get3A_543 = arith.constant 64 : index
        %get3A_544 = tpu.vector_load %arg13[%get3A_542, %get3A_543] {strides = array<i32>} : memref<175x128xf32, #tpu.memory_space<vmem>>, vector<16xf32>,
        %mul3A_545 = arith.mulf %get3A_544, %gather3A_514 : vector<16xf32>
        %swap3A_546 = arith.index_cast %add3A_510 : i32 to index
        %swap3A_547 = arith.constant 64 : index
        %swap3A_548 = tpu.vector_load %arg13[%swap3A_546, %swap3A_547] {strides = array<i32>} : memref<175x128xf32, #tpu.memory_space<vmem>>, vector<16xf32>,
        tpu.vector_store %arg13[%swap3A_546, %swap3A_547], %mul3A_545 {strides = array<i32>} : memref<175x128xf32, #tpu.memory_space<vmem>>, vector<16xf32>,
        %get3A_549 = arith.index_cast %add3A_510 : i32 to index
        %get3A_550 = arith.constant 80 : index
        %get3A_551 = tpu.vector_load %arg13[%get3A_549, %get3A_550] {strides = array<i32>} : memref<175x128xf32, #tpu.memory_space<vmem>>, vector<16xf32>,
        %mul3A_552 = arith.mulf %get3A_551, %gather3A_514 : vector<16xf32>
        %swap3A_553 = arith.index_cast %add3A_510 : i32 to index
        %swap3A_554 = arith.constant 80 : index
        %swap3A_555 = tpu.vector_load %arg13[%swap3A_553, %swap3A_554] {strides = array<i32>} : memref<175x128xf32, #tpu.memory_space<vmem>>, vector<16xf32>,
        tpu.vector_store %arg13[%swap3A_553, %swap3A_554], %mul3A_552 {strides = array<i32>} : memref<175x128xf32, #tpu.memory_space<vmem>>, vector<16xf32>,
        %get3A_556 = arith.index_cast %add3A_510 : i32 to index
        %get3A_557 = arith.constant 96 : index
        %get3A_558 = tpu.vector_load %arg13[%get3A_556, %get3A_557] {strides = array<i32>} : memref<175x128xf32, #tpu.memory_space<vmem>>, vector<16xf32>,
        %mul3A_559 = arith.mulf %get3A_558, %gather3A_514 : vector<16xf32>
        %swap3A_560 = arith.index_cast %add3A_510 : i32 to index
        %swap3A_561 = arith.constant 96 : index
        %swap3A_562 = tpu.vector_load %arg13[%swap3A_560, %swap3A_561] {strides = array<i32>} : memref<175x128xf32, #tpu.memory_space<vmem>>, vector<16xf32>,
        tpu.vector_store %arg13[%swap3A_560, %swap3A_561], %mul3A_559 {strides = array<i32>} : memref<175x128xf32, #tpu.memory_space<vmem>>, vector<16xf32>,
        %get3A_563 = arith.index_cast %add3A_510 : i32 to index
        %get3A_564 = arith.constant 112 : index
        %get3A_565 = tpu.vector_load %arg13[%get3A_563, %get3A_564] {strides = array<i32>} : memref<175x128xf32, #tpu.memory_space<vmem>>, vector<16xf32>,
        %mul3A_566 = arith.mulf %get3A_565, %gather3A_514 : vector<16xf32>
        %swap3A_567 = arith.index_cast %add3A_510 : i32 to index
        %swap3A_568 = arith.constant 112 : index
        %swap3A_569 = tpu.vector_load %arg13[%swap3A_567, %swap3A_568] {strides = array<i32>} : memref<175x128xf32, #tpu.memory_space<vmem>>, vector<16xf32>,
        tpu.vector_store %arg13[%swap3A_567, %swap3A_568], %mul3A_566 {strides = array<i32>} : memref<175x128xf32, #tpu.memory_space<vmem>>, vector<16xf32>,
        %mul3A_570 = arith.constant 7 : i32
        %mul3A_571 = arith.muli %scan3A_505, %mul3A_570 : i32
        %add3A_572 = arith.constant 1 : i32
        %add3A_573 = arith.addi %mul3A_571, %add3A_572 : i32
        %mul3A_574 = arith.constant 175 : i32
        %mul3A_575 = arith.muli %add3A_326, %mul3A_574 : i32
        %add3A_576 = arith.addi %mul3A_575, %add3A_573 : i32
        %broadcast_in_dim3A_577 = vector.broadcast %add3A_576 : i32 to vector<16xi32>
        %gather3A_578 = tpu.vector_load_idx %arg7[%broadcast_in_dim3A_577] : memref<11200xf32, #tpu.memory_space<vmem>>[vector<16xi32>], vector<16xf32>,
        %get3A_579 = arith.index_cast %add3A_573 : i32 to index
        %get3A_580 = arith.constant 0 : index
        %get3A_581 = tpu.vector_load %arg13[%get3A_579, %get3A_580] {strides = array<i32>} : memref<175x128xf32, #tpu.memory_space<vmem>>, vector<16xf32>,
        %mul3A_582 = arith.mulf %get3A_581, %gather3A_578 : vector<16xf32>
        %swap3A_583 = arith.index_cast %add3A_573 : i32 to index
        %swap3A_584 = arith.constant 0 : index
        %swap3A_585 = tpu.vector_load %arg13[%swap3A_583, %swap3A_584] {strides = array<i32>} : memref<175x128xf32, #tpu.memory_space<vmem>>, vector<16xf32>,
        tpu.vector_store %arg13[%swap3A_583, %swap3A_584], %mul3A_582 {strides = array<i32>} : memref<175x128xf32, #tpu.memory_space<vmem>>, vector<16xf32>,
        %get3A_586 = arith.index_cast %add3A_573 : i32 to index
        %get3A_587 = arith.constant 16 : index
        %get3A_588 = tpu.vector_load %arg13[%get3A_586, %get3A_587] {strides = array<i32>} : memref<175x128xf32, #tpu.memory_space<vmem>>, vector<16xf32>,
        %mul3A_589 = arith.mulf %get3A_588, %gather3A_578 : vector<16xf32>
        %swap3A_590 = arith.index_cast %add3A_573 : i32 to index
        %swap3A_591 = arith.constant 16 : index
        %swap3A_592 = tpu.vector_load %arg13[%swap3A_590, %swap3A_591] {strides = array<i32>} : memref<175x128xf32, #tpu.memory_space<vmem>>, vector<16xf32>,
        tpu.vector_store %arg13[%swap3A_590, %swap3A_591], %mul3A_589 {strides = array<i32>} : memref<175x128xf32, #tpu.memory_space<vmem>>, vector<16xf32>,
        %get3A_593 = arith.index_cast %add3A_573 : i32 to index
        %get3A_594 = arith.constant 32 : index
        %get3A_595 = tpu.vector_load %arg13[%get3A_593, %get3A_594] {strides = array<i32>} : memref<175x128xf32, #tpu.memory_space<vmem>>, vector<16xf32>,
        %mul3A_596 = arith.mulf %get3A_595, %gather3A_578 : vector<16xf32>
        %swap3A_597 = arith.index_cast %add3A_573 : i32 to index
        %swap3A_598 = arith.constant 32 : index
        %swap3A_599 = tpu.vector_load %arg13[%swap3A_597, %swap3A_598] {strides = array<i32>} : memref<175x128xf32, #tpu.memory_space<vmem>>, vector<16xf32>,
        tpu.vector_store %arg13[%swap3A_597, %swap3A_598], %mul3A_596 {strides = array<i32>} : memref<175x128xf32, #tpu.memory_space<vmem>>, vector<16xf32>,
        %get3A_600 = arith.index_cast %add3A_573 : i32 to index
        %get3A_601 = arith.constant 48 : index
        %get3A_602 = tpu.vector_load %arg13[%get3A_600, %get3A_601] {strides = array<i32>} : memref<175x128xf32, #tpu.memory_space<vmem>>, vector<16xf32>,
        %mul3A_603 = arith.mulf %get3A_602, %gather3A_578 : vector<16xf32>
        %swap3A_604 = arith.index_cast %add3A_573 : i32 to index
        %swap3A_605 = arith.constant 48 : index
        %swap3A_606 = tpu.vector_load %arg13[%swap3A_604, %swap3A_605] {strides = array<i32>} : memref<175x128xf32, #tpu.memory_space<vmem>>, vector<16xf32>,
        tpu.vector_store %arg13[%swap3A_604, %swap3A_605], %mul3A_603 {strides = array<i32>} : memref<175x128xf32, #tpu.memory_space<vmem>>, vector<16xf32>,
        %get3A_607 = arith.index_cast %add3A_573 : i32 to index
        %get3A_608 = arith.constant 64 : index
        %get3A_609 = tpu.vector_load %arg13[%get3A_607, %get3A_608] {strides = array<i32>} : memref<175x128xf32, #tpu.memory_space<vmem>>, vector<16xf32>,
        %mul3A_610 = arith.mulf %get3A_609, %gather3A_578 : vector<16xf32>
        %swap3A_611 = arith.index_cast %add3A_573 : i32 to index
        %swap3A_612 = arith.constant 64 : index
        %swap3A_613 = tpu.vector_load %arg13[%swap3A_611, %swap3A_612] {strides = array<i32>} : memref<175x128xf32, #tpu.memory_space<vmem>>, vector<16xf32>,
        tpu.vector_store %arg13[%swap3A_611, %swap3A_612], %mul3A_610 {strides = array<i32>} : memref<175x128xf32, #tpu.memory_space<vmem>>, vector<16xf32>,
        %get3A_614 = arith.index_cast %add3A_573 : i32 to index
        %get3A_615 = arith.constant 80 : index
        %get3A_616 = tpu.vector_load %arg13[%get3A_614, %get3A_615] {strides = array<i32>} : memref<175x128xf32, #tpu.memory_space<vmem>>, vector<16xf32>,
        %mul3A_617 = arith.mulf %get3A_616, %gather3A_578 : vector<16xf32>
        %swap3A_618 = arith.index_cast %add3A_573 : i32 to index
        %swap3A_619 = arith.constant 80 : index
        %swap3A_620 = tpu.vector_load %arg13[%swap3A_618, %swap3A_619] {strides = array<i32>} : memref<175x128xf32, #tpu.memory_space<vmem>>, vector<16xf32>,
        tpu.vector_store %arg13[%swap3A_618, %swap3A_619], %mul3A_617 {strides = array<i32>} : memref<175x128xf32, #tpu.memory_space<vmem>>, vector<16xf32>,
        %get3A_621 = arith.index_cast %add3A_573 : i32 to index
        %get3A_622 = arith.constant 96 : index
        %get3A_623 = tpu.vector_load %arg13[%get3A_621, %get3A_622] {strides = array<i32>} : memref<175x128xf32, #tpu.memory_space<vmem>>, vector<16xf32>,
        %mul3A_624 = arith.mulf %get3A_623, %gather3A_578 : vector<16xf32>
        %swap3A_625 = arith.index_cast %add3A_573 : i32 to index
        %swap3A_626 = arith.constant 96 : index
        %swap3A_627 = tpu.vector_load %arg13[%swap3A_625, %swap3A_626] {strides = array<i32>} : memref<175x128xf32, #tpu.memory_space<vmem>>, vector<16xf32>,
        tpu.vector_store %arg13[%swap3A_625, %swap3A_626], %mul3A_624 {strides = array<i32>} : memref<175x128xf32, #tpu.memory_space<vmem>>, vector<16xf32>,
        %get3A_628 = arith.index_cast %add3A_573 : i32 to index
        %get3A_629 = arith.constant 112 : index
        %get3A_630 = tpu.vector_load %arg13[%get3A_628, %get3A_629] {strides = array<i32>} : memref<175x128xf32, #tpu.memory_space<vmem>>, vector<16xf32>,
        %mul3A_631 = arith.mulf %get3A_630, %gather3A_578 : vector<16xf32>
        %swap3A_632 = arith.index_cast %add3A_573 : i32 to index
        %swap3A_633 = arith.constant 112 : index
        %swap3A_634 = tpu.vector_load %arg13[%swap3A_632, %swap3A_633] {strides = array<i32>} : memref<175x128xf32, #tpu.memory_space<vmem>>, vector<16xf32>,
        tpu.vector_store %arg13[%swap3A_632, %swap3A_633], %mul3A_631 {strides = array<i32>} : memref<175x128xf32, #tpu.memory_space<vmem>>, vector<16xf32>,
        %mul3A_635 = arith.constant 7 : i32
        %mul3A_636 = arith.muli %scan3A_505, %mul3A_635 : i32
        %add3A_637 = arith.constant 2 : i32
        %add3A_638 = arith.addi %mul3A_636, %add3A_637 : i32
        %mul3A_639 = arith.constant 175 : i32
        %mul3A_640 = arith.muli %add3A_326, %mul3A_639 : i32
        %add3A_641 = arith.addi %mul3A_640, %add3A_638 : i32
        %broadcast_in_dim3A_642 = vector.broadcast %add3A_641 : i32 to vector<16xi32>
        %gather3A_643 = tpu.vector_load_idx %arg7[%broadcast_in_dim3A_642] : memref<11200xf32, #tpu.memory_space<vmem>>[vector<16xi32>], vector<16xf32>,
        %get3A_644 = arith.index_cast %add3A_638 : i32 to index
        %get3A_645 = arith.constant 0 : index
        %get3A_646 = tpu.vector_load %arg13[%get3A_644, %get3A_645] {strides = array<i32>} : memref<175x128xf32, #tpu.memory_space<vmem>>, vector<16xf32>,
        %mul3A_647 = arith.mulf %get3A_646, %gather3A_643 : vector<16xf32>
        %swap3A_648 = arith.index_cast %add3A_638 : i32 to index
        %swap3A_649 = arith.constant 0 : index
        %swap3A_650 = tpu.vector_load %arg13[%swap3A_648, %swap3A_649] {strides = array<i32>} : memref<175x128xf32, #tpu.memory_space<vmem>>, vector<16xf32>,
        tpu.vector_store %arg13[%swap3A_648, %swap3A_649], %mul3A_647 {strides = array<i32>} : memref<175x128xf32, #tpu.memory_space<vmem>>, vector<16xf32>,
        %get3A_651 = arith.index_cast %add3A_638 : i32 to index
        %get3A_652 = arith.constant 16 : index
        %get3A_653 = tpu.vector_load %arg13[%get3A_651, %get3A_652] {strides = array<i32>} : memref<175x128xf32, #tpu.memory_space<vmem>>, vector<16xf32>,
        %mul3A_654 = arith.mulf %get3A_653, %gather3A_643 : vector<16xf32>
        %swap3A_655 = arith.index_cast %add3A_638 : i32 to index
        %swap3A_656 = arith.constant 16 : index
        %swap3A_657 = tpu.vector_load %arg13[%swap3A_655, %swap3A_656] {strides = array<i32>} : memref<175x128xf32, #tpu.memory_space<vmem>>, vector<16xf32>,
        tpu.vector_store %arg13[%swap3A_655, %swap3A_656], %mul3A_654 {strides = array<i32>} : memref<175x128xf32, #tpu.memory_space<vmem>>, vector<16xf32>,
        %get3A_658 = arith.index_cast %add3A_638 : i32 to index
        %get3A_659 = arith.constant 32 : index
        %get3A_660 = tpu.vector_load %arg13[%get3A_658, %get3A_659] {strides = array<i32>} : memref<175x128xf32, #tpu.memory_space<vmem>>, vector<16xf32>,
        %mul3A_661 = arith.mulf %get3A_660, %gather3A_643 : vector<16xf32>
        %swap3A_662 = arith.index_cast %add3A_638 : i32 to index
        %swap3A_663 = arith.constant 32 : index
        %swap3A_664 = tpu.vector_load %arg13[%swap3A_662, %swap3A_663] {strides = array<i32>} : memref<175x128xf32, #tpu.memory_space<vmem>>, vector<16xf32>,
        tpu.vector_store %arg13[%swap3A_662, %swap3A_663], %mul3A_661 {strides = array<i32>} : memref<175x128xf32, #tpu.memory_space<vmem>>, vector<16xf32>,
        %get3A_665 = arith.index_cast %add3A_638 : i32 to index
        %get3A_666 = arith.constant 48 : index
        %get3A_667 = tpu.vector_load %arg13[%get3A_665, %get3A_666] {strides = array<i32>} : memref<175x128xf32, #tpu.memory_space<vmem>>, vector<16xf32>,
        %mul3A_668 = arith.mulf %get3A_667, %gather3A_643 : vector<16xf32>
        %swap3A_669 = arith.index_cast %add3A_638 : i32 to index
        %swap3A_670 = arith.constant 48 : index
        %swap3A_671 = tpu.vector_load %arg13[%swap3A_669, %swap3A_670] {strides = array<i32>} : memref<175x128xf32, #tpu.memory_space<vmem>>, vector<16xf32>,
        tpu.vector_store %arg13[%swap3A_669, %swap3A_670], %mul3A_668 {strides = array<i32>} : memref<175x128xf32, #tpu.memory_space<vmem>>, vector<16xf32>,
        %get3A_672 = arith.index_cast %add3A_638 : i32 to index
        %get3A_673 = arith.constant 64 : index
        %get3A_674 = tpu.vector_load %arg13[%get3A_672, %get3A_673] {strides = array<i32>} : memref<175x128xf32, #tpu.memory_space<vmem>>, vector<16xf32>,
        %mul3A_675 = arith.mulf %get3A_674, %gather3A_643 : vector<16xf32>
        %swap3A_676 = arith.index_cast %add3A_638 : i32 to index
        %swap3A_677 = arith.constant 64 : index
        %swap3A_678 = tpu.vector_load %arg13[%swap3A_676, %swap3A_677] {strides = array<i32>} : memref<175x128xf32, #tpu.memory_space<vmem>>, vector<16xf32>,
        tpu.vector_store %arg13[%swap3A_676, %swap3A_677], %mul3A_675 {strides = array<i32>} : memref<175x128xf32, #tpu.memory_space<vmem>>, vector<16xf32>,
        %get3A_679 = arith.index_cast %add3A_638 : i32 to index
        %get3A_680 = arith.constant 80 : index
        %get3A_681 = tpu.vector_load %arg13[%get3A_679, %get3A_680] {strides = array<i32>} : memref<175x128xf32, #tpu.memory_space<vmem>>, vector<16xf32>,
        %mul3A_682 = arith.mulf %get3A_681, %gather3A_643 : vector<16xf32>
        %swap3A_683 = arith.index_cast %add3A_638 : i32 to index
        %swap3A_684 = arith.constant 80 : index
        %swap3A_685 = tpu.vector_load %arg13[%swap3A_683, %swap3A_684] {strides = array<i32>} : memref<175x128xf32, #tpu.memory_space<vmem>>, vector<16xf32>,
        tpu.vector_store %arg13[%swap3A_683, %swap3A_684], %mul3A_682 {strides = array<i32>} : memref<175x128xf32, #tpu.memory_space<vmem>>, vector<16xf32>,
        %get3A_686 = arith.index_cast %add3A_638 : i32 to index
        %get3A_687 = arith.constant 96 : index
        %get3A_688 = tpu.vector_load %arg13[%get3A_686, %get3A_687] {strides = array<i32>} : memref<175x128xf32, #tpu.memory_space<vmem>>, vector<16xf32>,
        %mul3A_689 = arith.mulf %get3A_688, %gather3A_643 : vector<16xf32>
        %swap3A_690 = arith.index_cast %add3A_638 : i32 to index
        %swap3A_691 = arith.constant 96 : index
        %swap3A_692 = tpu.vector_load %arg13[%swap3A_690, %swap3A_691] {strides = array<i32>} : memref<175x128xf32, #tpu.memory_space<vmem>>, vector<16xf32>,
        tpu.vector_store %arg13[%swap3A_690, %swap3A_691], %mul3A_689 {strides = array<i32>} : memref<175x128xf32, #tpu.memory_space<vmem>>, vector<16xf32>,
        %get3A_693 = arith.index_cast %add3A_638 : i32 to index
        %get3A_694 = arith.constant 112 : index
        %get3A_695 = tpu.vector_load %arg13[%get3A_693, %get3A_694] {strides = array<i32>} : memref<175x128xf32, #tpu.memory_space<vmem>>, vector<16xf32>,
        %mul3A_696 = arith.mulf %get3A_695, %gather3A_643 : vector<16xf32>
        %swap3A_697 = arith.index_cast %add3A_638 : i32 to index
        %swap3A_698 = arith.constant 112 : index
        %swap3A_699 = tpu.vector_load %arg13[%swap3A_697, %swap3A_698] {strides = array<i32>} : memref<175x128xf32, #tpu.memory_space<vmem>>, vector<16xf32>,
        tpu.vector_store %arg13[%swap3A_697, %swap3A_698], %mul3A_696 {strides = array<i32>} : memref<175x128xf32, #tpu.memory_space<vmem>>, vector<16xf32>,
        %mul3A_700 = arith.constant 7 : i32
        %mul3A_701 = arith.muli %scan3A_505, %mul3A_700 : i32
        %add3A_702 = arith.constant 3 : i32
        %add3A_703 = arith.addi %mul3A_701, %add3A_702 : i32
        %mul3A_704 = arith.constant 175 : i32
        %mul3A_705 = arith.muli %add3A_326, %mul3A_704 : i32
        %add3A_706 = arith.addi %mul3A_705, %add3A_703 : i32
        %broadcast_in_dim3A_707 = vector.broadcast %add3A_706 : i32 to vector<16xi32>
        %gather3A_708 = tpu.vector_load_idx %arg7[%broadcast_in_dim3A_707] : memref<11200xf32, #tpu.memory_space<vmem>>[vector<16xi32>], vector<16xf32>,
        %get3A_709 = arith.index_cast %add3A_703 : i32 to index
        %get3A_710 = arith.constant 0 : index
        %get3A_711 = tpu.vector_load %arg13[%get3A_709, %get3A_710] {strides = array<i32>} : memref<175x128xf32, #tpu.memory_space<vmem>>, vector<16xf32>,
        %mul3A_712 = arith.mulf %get3A_711, %gather3A_708 : vector<16xf32>
        %swap3A_713 = arith.index_cast %add3A_703 : i32 to index
        %swap3A_714 = arith.constant 0 : index
        %swap3A_715 = tpu.vector_load %arg13[%swap3A_713, %swap3A_714] {strides = array<i32>} : memref<175x128xf32, #tpu.memory_space<vmem>>, vector<16xf32>,
        tpu.vector_store %arg13[%swap3A_713, %swap3A_714], %mul3A_712 {strides = array<i32>} : memref<175x128xf32, #tpu.memory_space<vmem>>, vector<16xf32>,
        %get3A_716 = arith.index_cast %add3A_703 : i32 to index
        %get3A_717 = arith.constant 16 : index
        %get3A_718 = tpu.vector_load %arg13[%get3A_716, %get3A_717] {strides = array<i32>} : memref<175x128xf32, #tpu.memory_space<vmem>>, vector<16xf32>,
        %mul3A_719 = arith.mulf %get3A_718, %gather3A_708 : vector<16xf32>
        %swap3A_720 = arith.index_cast %add3A_703 : i32 to index
        %swap3A_721 = arith.constant 16 : index
        %swap3A_722 = tpu.vector_load %arg13[%swap3A_720, %swap3A_721] {strides = array<i32>} : memref<175x128xf32, #tpu.memory_space<vmem>>, vector<16xf32>,
        tpu.vector_store %arg13[%swap3A_720, %swap3A_721], %mul3A_719 {strides = array<i32>} : memref<175x128xf32, #tpu.memory_space<vmem>>, vector<16xf32>,
        %get3A_723 = arith.index_cast %add3A_703 : i32 to index
        %get3A_724 = arith.constant 32 : index
        %get3A_725 = tpu.vector_load %arg13[%get3A_723, %get3A_724] {strides = array<i32>} : memref<175x128xf32, #tpu.memory_space<vmem>>, vector<16xf32>,
        %mul3A_726 = arith.mulf %get3A_725, %gather3A_708 : vector<16xf32>
        %swap3A_727 = arith.index_cast %add3A_703 : i32 to index
        %swap3A_728 = arith.constant 32 : index
        %swap3A_729 = tpu.vector_load %arg13[%swap3A_727, %swap3A_728] {strides = array<i32>} : memref<175x128xf32, #tpu.memory_space<vmem>>, vector<16xf32>,
        tpu.vector_store %arg13[%swap3A_727, %swap3A_728], %mul3A_726 {strides = array<i32>} : memref<175x128xf32, #tpu.memory_space<vmem>>, vector<16xf32>,
        %get3A_730 = arith.index_cast %add3A_703 : i32 to index
        %get3A_731 = arith.constant 48 : index
        %get3A_732 = tpu.vector_load %arg13[%get3A_730, %get3A_731] {strides = array<i32>} : memref<175x128xf32, #tpu.memory_space<vmem>>, vector<16xf32>,
        %mul3A_733 = arith.mulf %get3A_732, %gather3A_708 : vector<16xf32>
        %swap3A_734 = arith.index_cast %add3A_703 : i32 to index
        %swap3A_735 = arith.constant 48 : index
        %swap3A_736 = tpu.vector_load %arg13[%swap3A_734, %swap3A_735] {strides = array<i32>} : memref<175x128xf32, #tpu.memory_space<vmem>>, vector<16xf32>,
        tpu.vector_store %arg13[%swap3A_734, %swap3A_735], %mul3A_733 {strides = array<i32>} : memref<175x128xf32, #tpu.memory_space<vmem>>, vector<16xf32>,
        %get3A_737 = arith.index_cast %add3A_703 : i32 to index
        %get3A_738 = arith.constant 64 : index
        %get3A_739 = tpu.vector_load %arg13[%get3A_737, %get3A_738] {strides = array<i32>} : memref<175x128xf32, #tpu.memory_space<vmem>>, vector<16xf32>,
        %mul3A_740 = arith.mulf %get3A_739, %gather3A_708 : vector<16xf32>
        %swap3A_741 = arith.index_cast %add3A_703 : i32 to index
        %swap3A_742 = arith.constant 64 : index
        %swap3A_743 = tpu.vector_load %arg13[%swap3A_741, %swap3A_742] {strides = array<i32>} : memref<175x128xf32, #tpu.memory_space<vmem>>, vector<16xf32>,
        tpu.vector_store %arg13[%swap3A_741, %swap3A_742], %mul3A_740 {strides = array<i32>} : memref<175x128xf32, #tpu.memory_space<vmem>>, vector<16xf32>,
        %get3A_744 = arith.index_cast %add3A_703 : i32 to index
        %get3A_745 = arith.constant 80 : index
        %get3A_746 = tpu.vector_load %arg13[%get3A_744, %get3A_745] {strides = array<i32>} : memref<175x128xf32, #tpu.memory_space<vmem>>, vector<16xf32>,
        %mul3A_747 = arith.mulf %get3A_746, %gather3A_708 : vector<16xf32>
        %swap3A_748 = arith.index_cast %add3A_703 : i32 to index
        %swap3A_749 = arith.constant 80 : index
        %swap3A_750 = tpu.vector_load %arg13[%swap3A_748, %swap3A_749] {strides = array<i32>} : memref<175x128xf32, #tpu.memory_space<vmem>>, vector<16xf32>,
        tpu.vector_store %arg13[%swap3A_748, %swap3A_749], %mul3A_747 {strides = array<i32>} : memref<175x128xf32, #tpu.memory_space<vmem>>, vector<16xf32>,
        %get3A_751 = arith.index_cast %add3A_703 : i32 to index
        %get3A_752 = arith.constant 96 : index
        %get3A_753 = tpu.vector_load %arg13[%get3A_751, %get3A_752] {strides = array<i32>} : memref<175x128xf32, #tpu.memory_space<vmem>>, vector<16xf32>,
        %mul3A_754 = arith.mulf %get3A_753, %gather3A_708 : vector<16xf32>
        %swap3A_755 = arith.index_cast %add3A_703 : i32 to index
        %swap3A_756 = arith.constant 96 : index
        %swap3A_757 = tpu.vector_load %arg13[%swap3A_755, %swap3A_756] {strides = array<i32>} : memref<175x128xf32, #tpu.memory_space<vmem>>, vector<16xf32>,
        tpu.vector_store %arg13[%swap3A_755, %swap3A_756], %mul3A_754 {strides = array<i32>} : memref<175x128xf32, #tpu.memory_space<vmem>>, vector<16xf32>,
        %get3A_758 = arith.index_cast %add3A_703 : i32 to index
        %get3A_759 = arith.constant 112 : index
        %get3A_760 = tpu.vector_load %arg13[%get3A_758, %get3A_759] {strides = array<i32>} : memref<175x128xf32, #tpu.memory_space<vmem>>, vector<16xf32>,
        %mul3A_761 = arith.mulf %get3A_760, %gather3A_708 : vector<16xf32>
        %swap3A_762 = arith.index_cast %add3A_703 : i32 to index
        %swap3A_763 = arith.constant 112 : index
        %swap3A_764 = tpu.vector_load %arg13[%swap3A_762, %swap3A_763] {strides = array<i32>} : memref<175x128xf32, #tpu.memory_space<vmem>>, vector<16xf32>,
        tpu.vector_store %arg13[%swap3A_762, %swap3A_763], %mul3A_761 {strides = array<i32>} : memref<175x128xf32, #tpu.memory_space<vmem>>, vector<16xf32>,
        %mul3A_765 = arith.constant 7 : i32
        %mul3A_766 = arith.muli %scan3A_505, %mul3A_765 : i32
        %add3A_767 = arith.constant 4 : i32
        %add3A_768 = arith.addi %mul3A_766, %add3A_767 : i32
        %mul3A_769 = arith.constant 175 : i32
        %mul3A_770 = arith.muli %add3A_326, %mul3A_769 : i32
        %add3A_771 = arith.addi %mul3A_770, %add3A_768 : i32
        %broadcast_in_dim3A_772 = vector.broadcast %add3A_771 : i32 to vector<16xi32>
        %gather3A_773 = tpu.vector_load_idx %arg7[%broadcast_in_dim3A_772] : memref<11200xf32, #tpu.memory_space<vmem>>[vector<16xi32>], vector<16xf32>,
        %get3A_774 = arith.index_cast %add3A_768 : i32 to index
        %get3A_775 = arith.constant 0 : index
        %get3A_776 = tpu.vector_load %arg13[%get3A_774, %get3A_775] {strides = array<i32>} : memref<175x128xf32, #tpu.memory_space<vmem>>, vector<16xf32>,
        %mul3A_777 = arith.mulf %get3A_776, %gather3A_773 : vector<16xf32>
        %swap3A_778 = arith.index_cast %add3A_768 : i32 to index
        %swap3A_779 = arith.constant 0 : index
        %swap3A_780 = tpu.vector_load %arg13[%swap3A_778, %swap3A_779] {strides = array<i32>} : memref<175x128xf32, #tpu.memory_space<vmem>>, vector<16xf32>,
        tpu.vector_store %arg13[%swap3A_778, %swap3A_779], %mul3A_777 {strides = array<i32>} : memref<175x128xf32, #tpu.memory_space<vmem>>, vector<16xf32>,
        %get3A_781 = arith.index_cast %add3A_768 : i32 to index
        %get3A_782 = arith.constant 16 : index
        %get3A_783 = tpu.vector_load %arg13[%get3A_781, %get3A_782] {strides = array<i32>} : memref<175x128xf32, #tpu.memory_space<vmem>>, vector<16xf32>,
        %mul3A_784 = arith.mulf %get3A_783, %gather3A_773 : vector<16xf32>
        %swap3A_785 = arith.index_cast %add3A_768 : i32 to index
        %swap3A_786 = arith.constant 16 : index
        %swap3A_787 = tpu.vector_load %arg13[%swap3A_785, %swap3A_786] {strides = array<i32>} : memref<175x128xf32, #tpu.memory_space<vmem>>, vector<16xf32>,
        tpu.vector_store %arg13[%swap3A_785, %swap3A_786], %mul3A_784 {strides = array<i32>} : memref<175x128xf32, #tpu.memory_space<vmem>>, vector<16xf32>,
        %get3A_788 = arith.index_cast %add3A_768 : i32 to index
        %get3A_789 = arith.constant 32 : index
        %get3A_790 = tpu.vector_load %arg13[%get3A_788, %get3A_789] {strides = array<i32>} : memref<175x128xf32, #tpu.memory_space<vmem>>, vector<16xf32>,
        %mul3A_791 = arith.mulf %get3A_790, %gather3A_773 : vector<16xf32>
        %swap3A_792 = arith.index_cast %add3A_768 : i32 to index
        %swap3A_793 = arith.constant 32 : index
        %swap3A_794 = tpu.vector_load %arg13[%swap3A_792, %swap3A_793] {strides = array<i32>} : memref<175x128xf32, #tpu.memory_space<vmem>>, vector<16xf32>,
        tpu.vector_store %arg13[%swap3A_792, %swap3A_793], %mul3A_791 {strides = array<i32>} : memref<175x128xf32, #tpu.memory_space<vmem>>, vector<16xf32>,
        %get3A_795 = arith.index_cast %add3A_768 : i32 to index
        %get3A_796 = arith.constant 48 : index
        %get3A_797 = tpu.vector_load %arg13[%get3A_795, %get3A_796] {strides = array<i32>} : memref<175x128xf32, #tpu.memory_space<vmem>>, vector<16xf32>,
        %mul3A_798 = arith.mulf %get3A_797, %gather3A_773 : vector<16xf32>
        %swap3A_799 = arith.index_cast %add3A_768 : i32 to index
        %swap3A_800 = arith.constant 48 : index
        %swap3A_801 = tpu.vector_load %arg13[%swap3A_799, %swap3A_800] {strides = array<i32>} : memref<175x128xf32, #tpu.memory_space<vmem>>, vector<16xf32>,
        tpu.vector_store %arg13[%swap3A_799, %swap3A_800], %mul3A_798 {strides = array<i32>} : memref<175x128xf32, #tpu.memory_space<vmem>>, vector<16xf32>,
        %get3A_802 = arith.index_cast %add3A_768 : i32 to index
        %get3A_803 = arith.constant 64 : index
        %get3A_804 = tpu.vector_load %arg13[%get3A_802, %get3A_803] {strides = array<i32>} : memref<175x128xf32, #tpu.memory_space<vmem>>, vector<16xf32>,
        %mul3A_805 = arith.mulf %get3A_804, %gather3A_773 : vector<16xf32>
        %swap3A_806 = arith.index_cast %add3A_768 : i32 to index
        %swap3A_807 = arith.constant 64 : index
        %swap3A_808 = tpu.vector_load %arg13[%swap3A_806, %swap3A_807] {strides = array<i32>} : memref<175x128xf32, #tpu.memory_space<vmem>>, vector<16xf32>,
        tpu.vector_store %arg13[%swap3A_806, %swap3A_807], %mul3A_805 {strides = array<i32>} : memref<175x128xf32, #tpu.memory_space<vmem>>, vector<16xf32>,
        %get3A_809 = arith.index_cast %add3A_768 : i32 to index
        %get3A_810 = arith.constant 80 : index
        %get3A_811 = tpu.vector_load %arg13[%get3A_809, %get3A_810] {strides = array<i32>} : memref<175x128xf32, #tpu.memory_space<vmem>>, vector<16xf32>,
        %mul3A_812 = arith.mulf %get3A_811, %gather3A_773 : vector<16xf32>
        %swap3A_813 = arith.index_cast %add3A_768 : i32 to index
        %swap3A_814 = arith.constant 80 : index
        %swap3A_815 = tpu.vector_load %arg13[%swap3A_813, %swap3A_814] {strides = array<i32>} : memref<175x128xf32, #tpu.memory_space<vmem>>, vector<16xf32>,
        tpu.vector_store %arg13[%swap3A_813, %swap3A_814], %mul3A_812 {strides = array<i32>} : memref<175x128xf32, #tpu.memory_space<vmem>>, vector<16xf32>,
        %get3A_816 = arith.index_cast %add3A_768 : i32 to index
        %get3A_817 = arith.constant 96 : index
        %get3A_818 = tpu.vector_load %arg13[%get3A_816, %get3A_817] {strides = array<i32>} : memref<175x128xf32, #tpu.memory_space<vmem>>, vector<16xf32>,
        %mul3A_819 = arith.mulf %get3A_818, %gather3A_773 : vector<16xf32>
        %swap3A_820 = arith.index_cast %add3A_768 : i32 to index
        %swap3A_821 = arith.constant 96 : index
        %swap3A_822 = tpu.vector_load %arg13[%swap3A_820, %swap3A_821] {strides = array<i32>} : memref<175x128xf32, #tpu.memory_space<vmem>>, vector<16xf32>,
        tpu.vector_store %arg13[%swap3A_820, %swap3A_821], %mul3A_819 {strides = array<i32>} : memref<175x128xf32, #tpu.memory_space<vmem>>, vector<16xf32>,
        %get3A_823 = arith.index_cast %add3A_768 : i32 to index
        %get3A_824 = arith.constant 112 : index
        %get3A_825 = tpu.vector_load %arg13[%get3A_823, %get3A_824] {strides = array<i32>} : memref<175x128xf32, #tpu.memory_space<vmem>>, vector<16xf32>,
        %mul3A_826 = arith.mulf %get3A_825, %gather3A_773 : vector<16xf32>
        %swap3A_827 = arith.index_cast %add3A_768 : i32 to index
        %swap3A_828 = arith.constant 112 : index
        %swap3A_829 = tpu.vector_load %arg13[%swap3A_827, %swap3A_828] {strides = array<i32>} : memref<175x128xf32, #tpu.memory_space<vmem>>, vector<16xf32>,
        tpu.vector_store %arg13[%swap3A_827, %swap3A_828], %mul3A_826 {strides = array<i32>} : memref<175x128xf32, #tpu.memory_space<vmem>>, vector<16xf32>,
        %mul3A_830 = arith.constant 7 : i32
        %mul3A_831 = arith.muli %scan3A_505, %mul3A_830 : i32
        %add3A_832 = arith.constant 5 : i32
        %add3A_833 = arith.addi %mul3A_831, %add3A_832 : i32
        %mul3A_834 = arith.constant 175 : i32
        %mul3A_835 = arith.muli %add3A_326, %mul3A_834 : i32
        %add3A_836 = arith.addi %mul3A_835, %add3A_833 : i32
        %broadcast_in_dim3A_837 = vector.broadcast %add3A_836 : i32 to vector<16xi32>
        %gather3A_838 = tpu.vector_load_idx %arg7[%broadcast_in_dim3A_837] : memref<11200xf32, #tpu.memory_space<vmem>>[vector<16xi32>], vector<16xf32>,
        %get3A_839 = arith.index_cast %add3A_833 : i32 to index
        %get3A_840 = arith.constant 0 : index
        %get3A_841 = tpu.vector_load %arg13[%get3A_839, %get3A_840] {strides = array<i32>} : memref<175x128xf32, #tpu.memory_space<vmem>>, vector<16xf32>,
        %mul3A_842 = arith.mulf %get3A_841, %gather3A_838 : vector<16xf32>
        %swap3A_843 = arith.index_cast %add3A_833 : i32 to index
        %swap3A_844 = arith.constant 0 : index
        %swap3A_845 = tpu.vector_load %arg13[%swap3A_843, %swap3A_844] {strides = array<i32>} : memref<175x128xf32, #tpu.memory_space<vmem>>, vector<16xf32>,
        tpu.vector_store %arg13[%swap3A_843, %swap3A_844], %mul3A_842 {strides = array<i32>} : memref<175x128xf32, #tpu.memory_space<vmem>>, vector<16xf32>,
        %get3A_846 = arith.index_cast %add3A_833 : i32 to index
        %get3A_847 = arith.constant 16 : index
        %get3A_848 = tpu.vector_load %arg13[%get3A_846, %get3A_847] {strides = array<i32>} : memref<175x128xf32, #tpu.memory_space<vmem>>, vector<16xf32>,
        %mul3A_849 = arith.mulf %get3A_848, %gather3A_838 : vector<16xf32>
        %swap3A_850 = arith.index_cast %add3A_833 : i32 to index
        %swap3A_851 = arith.constant 16 : index
        %swap3A_852 = tpu.vector_load %arg13[%swap3A_850, %swap3A_851] {strides = array<i32>} : memref<175x128xf32, #tpu.memory_space<vmem>>, vector<16xf32>,
        tpu.vector_store %arg13[%swap3A_850, %swap3A_851], %mul3A_849 {strides = array<i32>} : memref<175x128xf32, #tpu.memory_space<vmem>>, vector<16xf32>,
        %get3A_853 = arith.index_cast %add3A_833 : i32 to index
        %get3A_854 = arith.constant 32 : index
        %get3A_855 = tpu.vector_load %arg13[%get3A_853, %get3A_854] {strides = array<i32>} : memref<175x128xf32, #tpu.memory_space<vmem>>, vector<16xf32>,
        %mul3A_856 = arith.mulf %get3A_855, %gather3A_838 : vector<16xf32>
        %swap3A_857 = arith.index_cast %add3A_833 : i32 to index
        %swap3A_858 = arith.constant 32 : index
        %swap3A_859 = tpu.vector_load %arg13[%swap3A_857, %swap3A_858] {strides = array<i32>} : memref<175x128xf32, #tpu.memory_space<vmem>>, vector<16xf32>,
        tpu.vector_store %arg13[%swap3A_857, %swap3A_858], %mul3A_856 {strides = array<i32>} : memref<175x128xf32, #tpu.memory_space<vmem>>, vector<16xf32>,
        %get3A_860 = arith.index_cast %add3A_833 : i32 to index
        %get3A_861 = arith.constant 48 : index
        %get3A_862 = tpu.vector_load %arg13[%get3A_860, %get3A_861] {strides = array<i32>} : memref<175x128xf32, #tpu.memory_space<vmem>>, vector<16xf32>,
        %mul3A_863 = arith.mulf %get3A_862, %gather3A_838 : vector<16xf32>
        %swap3A_864 = arith.index_cast %add3A_833 : i32 to index
        %swap3A_865 = arith.constant 48 : index
        %swap3A_866 = tpu.vector_load %arg13[%swap3A_864, %swap3A_865] {strides = array<i32>} : memref<175x128xf32, #tpu.memory_space<vmem>>, vector<16xf32>,
        tpu.vector_store %arg13[%swap3A_864, %swap3A_865], %mul3A_863 {strides = array<i32>} : memref<175x128xf32, #tpu.memory_space<vmem>>, vector<16xf32>,
        %get3A_867 = arith.index_cast %add3A_833 : i32 to index
        %get3A_868 = arith.constant 64 : index
        %get3A_869 = tpu.vector_load %arg13[%get3A_867, %get3A_868] {strides = array<i32>} : memref<175x128xf32, #tpu.memory_space<vmem>>, vector<16xf32>,
        %mul3A_870 = arith.mulf %get3A_869, %gather3A_838 : vector<16xf32>
        %swap3A_871 = arith.index_cast %add3A_833 : i32 to index
        %swap3A_872 = arith.constant 64 : index
        %swap3A_873 = tpu.vector_load %arg13[%swap3A_871, %swap3A_872] {strides = array<i32>} : memref<175x128xf32, #tpu.memory_space<vmem>>, vector<16xf32>,
        tpu.vector_store %arg13[%swap3A_871, %swap3A_872], %mul3A_870 {strides = array<i32>} : memref<175x128xf32, #tpu.memory_space<vmem>>, vector<16xf32>,
        %get3A_874 = arith.index_cast %add3A_833 : i32 to index
        %get3A_875 = arith.constant 80 : index
        %get3A_876 = tpu.vector_load %arg13[%get3A_874, %get3A_875] {strides = array<i32>} : memref<175x128xf32, #tpu.memory_space<vmem>>, vector<16xf32>,
        %mul3A_877 = arith.mulf %get3A_876, %gather3A_838 : vector<16xf32>
        %swap3A_878 = arith.index_cast %add3A_833 : i32 to index
        %swap3A_879 = arith.constant 80 : index
        %swap3A_880 = tpu.vector_load %arg13[%swap3A_878, %swap3A_879] {strides = array<i32>} : memref<175x128xf32, #tpu.memory_space<vmem>>, vector<16xf32>,
        tpu.vector_store %arg13[%swap3A_878, %swap3A_879], %mul3A_877 {strides = array<i32>} : memref<175x128xf32, #tpu.memory_space<vmem>>, vector<16xf32>,
        %get3A_881 = arith.index_cast %add3A_833 : i32 to index
        %get3A_882 = arith.constant 96 : index
        %get3A_883 = tpu.vector_load %arg13[%get3A_881, %get3A_882] {strides = array<i32>} : memref<175x128xf32, #tpu.memory_space<vmem>>, vector<16xf32>,
        %mul3A_884 = arith.mulf %get3A_883, %gather3A_838 : vector<16xf32>
        %swap3A_885 = arith.index_cast %add3A_833 : i32 to index
        %swap3A_886 = arith.constant 96 : index
        %swap3A_887 = tpu.vector_load %arg13[%swap3A_885, %swap3A_886] {strides = array<i32>} : memref<175x128xf32, #tpu.memory_space<vmem>>, vector<16xf32>,
        tpu.vector_store %arg13[%swap3A_885, %swap3A_886], %mul3A_884 {strides = array<i32>} : memref<175x128xf32, #tpu.memory_space<vmem>>, vector<16xf32>,
        %get3A_888 = arith.index_cast %add3A_833 : i32 to index
        %get3A_889 = arith.constant 112 : index
        %get3A_890 = tpu.vector_load %arg13[%get3A_888, %get3A_889] {strides = array<i32>} : memref<175x128xf32, #tpu.memory_space<vmem>>, vector<16xf32>,
        %mul3A_891 = arith.mulf %get3A_890, %gather3A_838 : vector<16xf32>
        %swap3A_892 = arith.index_cast %add3A_833 : i32 to index
        %swap3A_893 = arith.constant 112 : index
        %swap3A_894 = tpu.vector_load %arg13[%swap3A_892, %swap3A_893] {strides = array<i32>} : memref<175x128xf32, #tpu.memory_space<vmem>>, vector<16xf32>,
        tpu.vector_store %arg13[%swap3A_892, %swap3A_893], %mul3A_891 {strides = array<i32>} : memref<175x128xf32, #tpu.memory_space<vmem>>, vector<16xf32>,
        %mul3A_895 = arith.constant 7 : i32
        %mul3A_896 = arith.muli %scan3A_505, %mul3A_895 : i32
        %add3A_897 = arith.constant 6 : i32
        %add3A_898 = arith.addi %mul3A_896, %add3A_897 : i32
        %mul3A_899 = arith.constant 175 : i32
        %mul3A_900 = arith.muli %add3A_326, %mul3A_899 : i32
        %add3A_901 = arith.addi %mul3A_900, %add3A_898 : i32
        %broadcast_in_dim3A_902 = vector.broadcast %add3A_901 : i32 to vector<16xi32>
        %gather3A_903 = tpu.vector_load_idx %arg7[%broadcast_in_dim3A_902] : memref<11200xf32, #tpu.memory_space<vmem>>[vector<16xi32>], vector<16xf32>,
        %get3A_904 = arith.index_cast %add3A_898 : i32 to index
        %get3A_905 = arith.constant 0 : index
        %get3A_906 = tpu.vector_load %arg13[%get3A_904, %get3A_905] {strides = array<i32>} : memref<175x128xf32, #tpu.memory_space<vmem>>, vector<16xf32>,
        %mul3A_907 = arith.mulf %get3A_906, %gather3A_903 : vector<16xf32>
        %swap3A_908 = arith.index_cast %add3A_898 : i32 to index
        %swap3A_909 = arith.constant 0 : index
        %swap3A_910 = tpu.vector_load %arg13[%swap3A_908, %swap3A_909] {strides = array<i32>} : memref<175x128xf32, #tpu.memory_space<vmem>>, vector<16xf32>,
        tpu.vector_store %arg13[%swap3A_908, %swap3A_909], %mul3A_907 {strides = array<i32>} : memref<175x128xf32, #tpu.memory_space<vmem>>, vector<16xf32>,
        %get3A_911 = arith.index_cast %add3A_898 : i32 to index
        %get3A_912 = arith.constant 16 : index
        %get3A_913 = tpu.vector_load %arg13[%get3A_911, %get3A_912] {strides = array<i32>} : memref<175x128xf32, #tpu.memory_space<vmem>>, vector<16xf32>,
        %mul3A_914 = arith.mulf %get3A_913, %gather3A_903 : vector<16xf32>
        %swap3A_915 = arith.index_cast %add3A_898 : i32 to index
        %swap3A_916 = arith.constant 16 : index
        %swap3A_917 = tpu.vector_load %arg13[%swap3A_915, %swap3A_916] {strides = array<i32>} : memref<175x128xf32, #tpu.memory_space<vmem>>, vector<16xf32>,
        tpu.vector_store %arg13[%swap3A_915, %swap3A_916], %mul3A_914 {strides = array<i32>} : memref<175x128xf32, #tpu.memory_space<vmem>>, vector<16xf32>,
        %get3A_918 = arith.index_cast %add3A_898 : i32 to index
        %get3A_919 = arith.constant 32 : index
        %get3A_920 = tpu.vector_load %arg13[%get3A_918, %get3A_919] {strides = array<i32>} : memref<175x128xf32, #tpu.memory_space<vmem>>, vector<16xf32>,
        %mul3A_921 = arith.mulf %get3A_920, %gather3A_903 : vector<16xf32>
        %swap3A_922 = arith.index_cast %add3A_898 : i32 to index
        %swap3A_923 = arith.constant 32 : index
        %swap3A_924 = tpu.vector_load %arg13[%swap3A_922, %swap3A_923] {strides = array<i32>} : memref<175x128xf32, #tpu.memory_space<vmem>>, vector<16xf32>,
        tpu.vector_store %arg13[%swap3A_922, %swap3A_923], %mul3A_921 {strides = array<i32>} : memref<175x128xf32, #tpu.memory_space<vmem>>, vector<16xf32>,
        %get3A_925 = arith.index_cast %add3A_898 : i32 to index
        %get3A_926 = arith.constant 48 : index
        %get3A_927 = tpu.vector_load %arg13[%get3A_925, %get3A_926] {strides = array<i32>} : memref<175x128xf32, #tpu.memory_space<vmem>>, vector<16xf32>,
        %mul3A_928 = arith.mulf %get3A_927, %gather3A_903 : vector<16xf32>
        %swap3A_929 = arith.index_cast %add3A_898 : i32 to index
        %swap3A_930 = arith.constant 48 : index
        %swap3A_931 = tpu.vector_load %arg13[%swap3A_929, %swap3A_930] {strides = array<i32>} : memref<175x128xf32, #tpu.memory_space<vmem>>, vector<16xf32>,
        tpu.vector_store %arg13[%swap3A_929, %swap3A_930], %mul3A_928 {strides = array<i32>} : memref<175x128xf32, #tpu.memory_space<vmem>>, vector<16xf32>,
        %get3A_932 = arith.index_cast %add3A_898 : i32 to index
        %get3A_933 = arith.constant 64 : index
        %get3A_934 = tpu.vector_load %arg13[%get3A_932, %get3A_933] {strides = array<i32>} : memref<175x128xf32, #tpu.memory_space<vmem>>, vector<16xf32>,
        %mul3A_935 = arith.mulf %get3A_934, %gather3A_903 : vector<16xf32>
        %swap3A_936 = arith.index_cast %add3A_898 : i32 to index
        %swap3A_937 = arith.constant 64 : index
        %swap3A_938 = tpu.vector_load %arg13[%swap3A_936, %swap3A_937] {strides = array<i32>} : memref<175x128xf32, #tpu.memory_space<vmem>>, vector<16xf32>,
        tpu.vector_store %arg13[%swap3A_936, %swap3A_937], %mul3A_935 {strides = array<i32>} : memref<175x128xf32, #tpu.memory_space<vmem>>, vector<16xf32>,
        %get3A_939 = arith.index_cast %add3A_898 : i32 to index
        %get3A_940 = arith.constant 80 : index
        %get3A_941 = tpu.vector_load %arg13[%get3A_939, %get3A_940] {strides = array<i32>} : memref<175x128xf32, #tpu.memory_space<vmem>>, vector<16xf32>,
        %mul3A_942 = arith.mulf %get3A_941, %gather3A_903 : vector<16xf32>
        %swap3A_943 = arith.index_cast %add3A_898 : i32 to index
        %swap3A_944 = arith.constant 80 : index
        %swap3A_945 = tpu.vector_load %arg13[%swap3A_943, %swap3A_944] {strides = array<i32>} : memref<175x128xf32, #tpu.memory_space<vmem>>, vector<16xf32>,
        tpu.vector_store %arg13[%swap3A_943, %swap3A_944], %mul3A_942 {strides = array<i32>} : memref<175x128xf32, #tpu.memory_space<vmem>>, vector<16xf32>,
        %get3A_946 = arith.index_cast %add3A_898 : i32 to index
        %get3A_947 = arith.constant 96 : index
        %get3A_948 = tpu.vector_load %arg13[%get3A_946, %get3A_947] {strides = array<i32>} : memref<175x128xf32, #tpu.memory_space<vmem>>, vector<16xf32>,
        %mul3A_949 = arith.mulf %get3A_948, %gather3A_903 : vector<16xf32>
        %swap3A_950 = arith.index_cast %add3A_898 : i32 to index
        %swap3A_951 = arith.constant 96 : index
        %swap3A_952 = tpu.vector_load %arg13[%swap3A_950, %swap3A_951] {strides = array<i32>} : memref<175x128xf32, #tpu.memory_space<vmem>>, vector<16xf32>,
        tpu.vector_store %arg13[%swap3A_950, %swap3A_951], %mul3A_949 {strides = array<i32>} : memref<175x128xf32, #tpu.memory_space<vmem>>, vector<16xf32>,
        %get3A_953 = arith.index_cast %add3A_898 : i32 to index
        %get3A_954 = arith.constant 112 : index
        %get3A_955 = tpu.vector_load %arg13[%get3A_953, %get3A_954] {strides = array<i32>} : memref<175x128xf32, #tpu.memory_space<vmem>>, vector<16xf32>,
        %mul3A_956 = arith.mulf %get3A_955, %gather3A_903 : vector<16xf32>
        %swap3A_957 = arith.index_cast %add3A_898 : i32 to index
        %swap3A_958 = arith.constant 112 : index
        %swap3A_959 = tpu.vector_load %arg13[%swap3A_957, %swap3A_958] {strides = array<i32>} : memref<175x128xf32, #tpu.memory_space<vmem>>, vector<16xf32>,
        tpu.vector_store %arg13[%swap3A_957, %swap3A_958], %mul3A_956 {strides = array<i32>} : memref<175x128xf32, #tpu.memory_space<vmem>>, vector<16xf32>,
        %scan3A_960 = arith.constant 0 : i32
        scf.yield %scan3A_960 : i32
      }
      %scan3A_432 = arith.constant 25 : i32
      %mul3A_433 = arith.constant 25 : i32
      %mul3A_434 = arith.muli %add3A_326, %mul3A_433 : i32
      %add3A_435 = arith.addi %mul3A_6, %mul3A_434 : i32
      %dma_start3A_436 = tpu.memref_reshape %arg13 : memref<175x128xf32, #tpu.memory_space<vmem>> -> memref<25x7x128xf32, #tpu.memory_space<vmem>>
      %dma_start3A_437 = arith.constant 0 : i32
      %dma_start3A_438 = arith.constant 0 : i32
      %dma_start3A_439 = tpu.memref_slice %arg5[%add3A_435, %dma_start3A_437, %dma_start3A_438] : memref<51200x7x128xf32, #tpu.memory_space<hbm>> -> memref<25x7x128xf32, #tpu.memory_space<hbm>>
      %dma_start3A_440 = arith.constant 0 : i32
      %dma_start3A_441 = arith.constant 0 : i32
      %dma_start3A_442 = tpu.memref_slice %arg5[%add3A_435, %dma_start3A_440, %dma_start3A_441] : memref<51200x7x128xf32, #tpu.memory_space<hbm>> -> memref<25x7x128xf32, #tpu.memory_space<hbm>>
      %dma_start3A_443 = tpu.memref_reshape %arg13 : memref<175x128xf32, #tpu.memory_space<vmem>> -> memref<25x7x128xf32, #tpu.memory_space<vmem>>
      tpu.enqueue_dma source(%dma_start3A_443 : memref<25x7x128xf32, #tpu.memory_space<vmem>>) target(%dma_start3A_442 : memref<25x7x128xf32, #tpu.memory_space<hbm>>) target_semaphore(%arg22 : memref<!tpu.dma_semaphore, #tpu.memory_space<semaphore_mem>>)
      %mul3A_444 = arith.constant 4 : i32
      %mul3A_445 = arith.muli %mul3A_444, %scan3A_203 : i32
      %add3A_446 = arith.constant 2 : i32
      %add3A_447 = arith.addi %mul3A_445, %add3A_446 : i32
      %lt3A_448 = arith.constant 15 : i32
      %lt3A_449 = arith.cmpi slt, %scan3A_203, %lt3A_448 : i32
      %convert_element_type3A_450 = arith.extui %lt3A_449 : i1 to i32
      %cond3A_451 = arith.constant 0 : i32
      %cond3A_452 = arith.cmpi ne, %convert_element_type3A_450, %cond3A_451 : i32
      scf.if %cond3A_452 {
        %sub3A = arith.constant 2 : i32
        %sub3A_505 = arith.subi %add3A_447, %sub3A : i32
        %mul3A_506 = arith.constant 25 : i32
        %mul3A_507 = arith.muli %sub3A_505, %mul3A_506 : i32
        %add3A_508 = arith.addi %mul3A_6, %mul3A_507 : i32
        %dma_wait3A_509 = tpu.memref_reshape %arg12 : memref<175x128xf32, #tpu.memory_space<vmem>> -> memref<25x7x128xf32, #tpu.memory_space<vmem>>
        %dma_wait3A_510 = arith.constant 0 : i32
        %dma_wait3A_511 = arith.constant 0 : i32
        %dma_wait3A_512 = tpu.memref_slice %arg5[%add3A_508, %dma_wait3A_510, %dma_wait3A_511] : memref<51200x7x128xf32, #tpu.memory_space<hbm>> -> memref<25x7x128xf32, #tpu.memory_space<hbm>>
        %dma_wait3A_513 = arith.constant 0 : i32
        %dma_wait3A_514 = arith.constant 0 : i32
        %dma_wait3A_515 = tpu.memref_slice %arg5[%add3A_508, %dma_wait3A_513, %dma_wait3A_514] : memref<51200x7x128xf32, #tpu.memory_space<hbm>> -> memref<25x7x128xf32, #tpu.memory_space<hbm>>
        %dma_wait3A_516 = tpu.memref_reshape %arg12 : memref<175x128xf32, #tpu.memory_space<vmem>> -> memref<25x7x128xf32, #tpu.memory_space<vmem>>
        tpu.wait_dma2 semaphore(%arg21 : memref<!tpu.dma_semaphore, #tpu.memory_space<semaphore_mem>>) src(%dma_wait3A_516 : memref<25x7x128xf32, #tpu.memory_space<vmem>>) dst(%dma_wait3A_515 : memref<25x7x128xf32, #tpu.memory_space<hbm>>)
        %add3A_517 = arith.constant 2 : i32
        %add3A_518 = arith.addi %add3A_447, %add3A_517 : i32
        %mul3A_519 = arith.constant 175 : i32
        %mul3A_520 = arith.muli %add3A_518, %mul3A_519 : i32
        %add3A_521 = arith.constant 0 : i32
        %add3A_522 = arith.addi %mul3A_520, %add3A_521 : i32
        %add3A_523 = vector.broadcast %add3A_522 : i32 to vector<16xi32>
        %add3A_524 = arith.addi %iota3A, %add3A_523 : vector<16xi32>
        %gather3A_525 = tpu.vector_load_idx %arg6[%add3A_524] : memref<11200xi32, #tpu.memory_space<vmem>>[vector<16xi32>], vector<16xi32>,
        %swap3A_526 = arith.constant 0 : index
        %swap3A_527 = tpu.vector_load %arg8[%swap3A_526] {strides = array<i32>} : memref<175xi32, #tpu.memory_space<vmem>>, vector<16xi32>,
        tpu.vector_store %arg8[%swap3A_526], %gather3A_525 {strides = array<i32>} : memref<175xi32, #tpu.memory_space<vmem>>, vector<16xi32>,
        %add3A_528 = arith.constant 16 : i32
        %add3A_529 = arith.addi %mul3A_520, %add3A_528 : i32
        %add3A_530 = vector.broadcast %add3A_529 : i32 to vector<16xi32>
        %add3A_531 = arith.addi %iota3A, %add3A_530 : vector<16xi32>
        %gather3A_532 = tpu.vector_load_idx %arg6[%add3A_531] : memref<11200xi32, #tpu.memory_space<vmem>>[vector<16xi32>], vector<16xi32>,
        %swap3A_533 = arith.constant 16 : index
        %swap3A_534 = tpu.vector_load %arg8[%swap3A_533] {strides = array<i32>} : memref<175xi32, #tpu.memory_space<vmem>>, vector<16xi32>,
        tpu.vector_store %arg8[%swap3A_533], %gather3A_532 {strides = array<i32>} : memref<175xi32, #tpu.memory_space<vmem>>, vector<16xi32>,
        %add3A_535 = arith.constant 32 : i32
        %add3A_536 = arith.addi %mul3A_520, %add3A_535 : i32
        %add3A_537 = vector.broadcast %add3A_536 : i32 to vector<16xi32>
        %add3A_538 = arith.addi %iota3A, %add3A_537 : vector<16xi32>
        %gather3A_539 = tpu.vector_load_idx %arg6[%add3A_538] : memref<11200xi32, #tpu.memory_space<vmem>>[vector<16xi32>], vector<16xi32>,
        %swap3A_540 = arith.constant 32 : index
        %swap3A_541 = tpu.vector_load %arg8[%swap3A_540] {strides = array<i32>} : memref<175xi32, #tpu.memory_space<vmem>>, vector<16xi32>,
        tpu.vector_store %arg8[%swap3A_540], %gather3A_539 {strides = array<i32>} : memref<175xi32, #tpu.memory_space<vmem>>, vector<16xi32>,
        %add3A_542 = arith.constant 48 : i32
        %add3A_543 = arith.addi %mul3A_520, %add3A_542 : i32
        %add3A_544 = vector.broadcast %add3A_543 : i32 to vector<16xi32>
        %add3A_545 = arith.addi %iota3A, %add3A_544 : vector<16xi32>
        %gather3A_546 = tpu.vector_load_idx %arg6[%add3A_545] : memref<11200xi32, #tpu.memory_space<vmem>>[vector<16xi32>], vector<16xi32>,
        %swap3A_547 = arith.constant 48 : index
        %swap3A_548 = tpu.vector_load %arg8[%swap3A_547] {strides = array<i32>} : memref<175xi32, #tpu.memory_space<vmem>>, vector<16xi32>,
        tpu.vector_store %arg8[%swap3A_547], %gather3A_546 {strides = array<i32>} : memref<175xi32, #tpu.memory_space<vmem>>, vector<16xi32>,
        %add3A_549 = arith.constant 64 : i32
        %add3A_550 = arith.addi %mul3A_520, %add3A_549 : i32
        %add3A_551 = vector.broadcast %add3A_550 : i32 to vector<16xi32>
        %add3A_552 = arith.addi %iota3A, %add3A_551 : vector<16xi32>
        %gather3A_553 = tpu.vector_load_idx %arg6[%add3A_552] : memref<11200xi32, #tpu.memory_space<vmem>>[vector<16xi32>], vector<16xi32>,
        %swap3A_554 = arith.constant 64 : index
        %swap3A_555 = tpu.vector_load %arg8[%swap3A_554] {strides = array<i32>} : memref<175xi32, #tpu.memory_space<vmem>>, vector<16xi32>,
        tpu.vector_store %arg8[%swap3A_554], %gather3A_553 {strides = array<i32>} : memref<175xi32, #tpu.memory_space<vmem>>, vector<16xi32>,
        %add3A_556 = arith.constant 80 : i32
        %add3A_557 = arith.addi %mul3A_520, %add3A_556 : i32
        %add3A_558 = vector.broadcast %add3A_557 : i32 to vector<16xi32>
        %add3A_559 = arith.addi %iota3A, %add3A_558 : vector<16xi32>
        %gather3A_560 = tpu.vector_load_idx %arg6[%add3A_559] : memref<11200xi32, #tpu.memory_space<vmem>>[vector<16xi32>], vector<16xi32>,
        %swap3A_561 = arith.constant 80 : index
        %swap3A_562 = tpu.vector_load %arg8[%swap3A_561] {strides = array<i32>} : memref<175xi32, #tpu.memory_space<vmem>>, vector<16xi32>,
        tpu.vector_store %arg8[%swap3A_561], %gather3A_560 {strides = array<i32>} : memref<175xi32, #tpu.memory_space<vmem>>, vector<16xi32>,
        %add3A_563 = arith.constant 96 : i32
        %add3A_564 = arith.addi %mul3A_520, %add3A_563 : i32
        %add3A_565 = vector.broadcast %add3A_564 : i32 to vector<16xi32>
        %add3A_566 = arith.addi %iota3A, %add3A_565 : vector<16xi32>
        %gather3A_567 = tpu.vector_load_idx %arg6[%add3A_566] : memref<11200xi32, #tpu.memory_space<vmem>>[vector<16xi32>], vector<16xi32>,
        %swap3A_568 = arith.constant 96 : index
        %swap3A_569 = tpu.vector_load %arg8[%swap3A_568] {strides = array<i32>} : memref<175xi32, #tpu.memory_space<vmem>>, vector<16xi32>,
        tpu.vector_store %arg8[%swap3A_568], %gather3A_567 {strides = array<i32>} : memref<175xi32, #tpu.memory_space<vmem>>, vector<16xi32>,
        %add3A_570 = arith.constant 112 : i32
        %add3A_571 = arith.addi %mul3A_520, %add3A_570 : i32
        %add3A_572 = vector.broadcast %add3A_571 : i32 to vector<16xi32>
        %add3A_573 = arith.addi %iota3A, %add3A_572 : vector<16xi32>
        %gather3A_574 = tpu.vector_load_idx %arg6[%add3A_573] : memref<11200xi32, #tpu.memory_space<vmem>>[vector<16xi32>], vector<16xi32>,
        %swap3A_575 = arith.constant 112 : index
        %swap3A_576 = tpu.vector_load %arg8[%swap3A_575] {strides = array<i32>} : memref<175xi32, #tpu.memory_space<vmem>>, vector<16xi32>,
        tpu.vector_store %arg8[%swap3A_575], %gather3A_574 {strides = array<i32>} : memref<175xi32, #tpu.memory_space<vmem>>, vector<16xi32>,
        %add3A_577 = arith.constant 128 : i32
        %add3A_578 = arith.addi %mul3A_520, %add3A_577 : i32
        %add3A_579 = vector.broadcast %add3A_578 : i32 to vector<16xi32>
        %add3A_580 = arith.addi %iota3A, %add3A_579 : vector<16xi32>
        %gather3A_581 = tpu.vector_load_idx %arg6[%add3A_580] : memref<11200xi32, #tpu.memory_space<vmem>>[vector<16xi32>], vector<16xi32>,
        %swap3A_582 = arith.constant 128 : index
        %swap3A_583 = tpu.vector_load %arg8[%swap3A_582] {strides = array<i32>} : memref<175xi32, #tpu.memory_space<vmem>>, vector<16xi32>,
        tpu.vector_store %arg8[%swap3A_582], %gather3A_581 {strides = array<i32>} : memref<175xi32, #tpu.memory_space<vmem>>, vector<16xi32>,
        %add3A_584 = arith.constant 144 : i32
        %add3A_585 = arith.addi %mul3A_520, %add3A_584 : i32
        %add3A_586 = vector.broadcast %add3A_585 : i32 to vector<16xi32>
        %add3A_587 = arith.addi %iota3A, %add3A_586 : vector<16xi32>
        %gather3A_588 = tpu.vector_load_idx %arg6[%add3A_587] : memref<11200xi32, #tpu.memory_space<vmem>>[vector<16xi32>], vector<16xi32>,
        %swap3A_589 = arith.constant 144 : index
        %swap3A_590 = tpu.vector_load %arg8[%swap3A_589] {strides = array<i32>} : memref<175xi32, #tpu.memory_space<vmem>>, vector<16xi32>,
        tpu.vector_store %arg8[%swap3A_589], %gather3A_588 {strides = array<i32>} : memref<175xi32, #tpu.memory_space<vmem>>, vector<16xi32>,
        %add3A_591 = arith.constant 160 : i32
        %add3A_592 = arith.addi %mul3A_520, %add3A_591 : i32
        %add3A_593 = vector.broadcast %add3A_592 : i32 to vector<16xi32>
        %add3A_594 = arith.addi %iota3A, %add3A_593 : vector<16xi32>
        %min3A_595 = arith.constant 11199 : i32
        %min3A_596 = vector.broadcast %min3A_595 : i32 to vector<16xi32>
        %min3A_597 = arith.minsi %add3A_594, %min3A_596 : vector<16xi32>
        %gather3A_598 = tpu.vector_load_idx %arg6[%min3A_597] : memref<11200xi32, #tpu.memory_space<vmem>>[vector<16xi32>], vector<16xi32>,
        %add3A_599 = arith.constant 160 : i32
        %add3A_600 = vector.broadcast %add3A_599 : i32 to vector<16xi32>
        %add3A_601 = arith.addi %iota3A, %add3A_600 : vector<16xi32>
        %lt3A_602 = arith.constant 15 : i32
        %lt3A_603 = vector.broadcast %lt3A_602 : i32 to vector<16xi32>
        %lt3A_604 = arith.cmpi slt, %iota3A, %lt3A_603 : vector<16xi32>
        tpu.vector_store_idx %arg8[%add3A_601], %gather3A_598 masked %lt3A_604 : memref<175xi32, #tpu.memory_space<vmem>>[vector<16xi32>], vector<16xi32>, vector<16xi1>
        %dma_start3A_605 = arith.constant 0 : i32
        %dma_start3A_606 = arith.constant 0 : i32
        %dma_start3A_607 = tpu.memref_slice %arg16[%dma_start3A_605, %dma_start3A_606] : memref<1024x128xf32, #tpu.memory_space<vmem_shared>> -> memref<1024x128xf32, #tpu.memory_space<vmem_shared>>
        tpu.enqueue_indirect_dma source(%dma_start3A_607 : memref<1024x128xf32, #tpu.memory_space<vmem_shared>>) target(%arg12 : memref<175x128xf32, #tpu.memory_space<vmem>>) offsets(%arg8 : memref<175xi32, #tpu.memory_space<vmem>>) semaphore(%arg17 : memref<!tpu.dma_semaphore, #tpu.memory_space<semaphore_mem>>)
      } else {
      }
      %dma_wait3A_453 = arith.constant 0 : i32
      %dma_wait3A_454 = arith.constant 0 : i32
      %dma_wait3A_455 = tpu.memref_slice %arg16[%dma_wait3A_453, %dma_wait3A_454] : memref<1024x128xf32, #tpu.memory_space<vmem_shared>> -> memref<1024x128xf32, #tpu.memory_space<vmem_shared>>
      tpu.wait_indirect_dma semaphore(%arg19 : memref<!tpu.dma_semaphore, #tpu.memory_space<semaphore_mem>>) src(%dma_wait3A_455 : memref<1024x128xf32, #tpu.memory_space<vmem_shared>>) dst(%arg14 : memref<175x128xf32, #tpu.memory_space<vmem>>)
      %scan3A_456 = arith.constant 0 : i32
      %scan3A_457 = arith.constant 0 : i32
      %scan3A_458 = arith.constant 25 : i32
      %scan3A_459 = arith.addi %scan3A_457, %scan3A_458 : i32
      %scan3A_460 = arith.constant 1 : i32
      %scan3A_461 = scf.for %scan3A_505 = %scan3A_457 to %scan3A_459 step %scan3A_460 iter_args(%scan3A_506 = %scan3A_456) -> (i32)  : i32 {
        %mul3A_507 = arith.constant 7 : i32
        %mul3A_508 = arith.muli %scan3A_505, %mul3A_507 : i32
        %add3A_509 = arith.constant 0 : i32
        %add3A_510 = arith.addi %mul3A_508, %add3A_509 : i32
        %mul3A_511 = arith.constant 175 : i32
        %mul3A_512 = arith.muli %add3A_447, %mul3A_511 : i32
        %add3A_513 = arith.addi %mul3A_512, %add3A_510 : i32
        %broadcast_in_dim3A = vector.broadcast %add3A_513 : i32 to vector<16xi32>
        %gather3A_514 = tpu.vector_load_idx %arg7[%broadcast_in_dim3A] : memref<11200xf32, #tpu.memory_space<vmem>>[vector<16xi32>], vector<16xf32>,
        %get3A = arith.index_cast %add3A_510 : i32 to index
        %get3A_515 = arith.constant 0 : index
        %get3A_516 = tpu.vector_load %arg14[%get3A, %get3A_515] {strides = array<i32>} : memref<175x128xf32, #tpu.memory_space<vmem>>, vector<16xf32>,
        %mul3A_517 = arith.mulf %get3A_516, %gather3A_514 : vector<16xf32>
        %swap3A_518 = arith.index_cast %add3A_510 : i32 to index
        %swap3A_519 = arith.constant 0 : index
        %swap3A_520 = tpu.vector_load %arg14[%swap3A_518, %swap3A_519] {strides = array<i32>} : memref<175x128xf32, #tpu.memory_space<vmem>>, vector<16xf32>,
        tpu.vector_store %arg14[%swap3A_518, %swap3A_519], %mul3A_517 {strides = array<i32>} : memref<175x128xf32, #tpu.memory_space<vmem>>, vector<16xf32>,
        %get3A_521 = arith.index_cast %add3A_510 : i32 to index
        %get3A_522 = arith.constant 16 : index
        %get3A_523 = tpu.vector_load %arg14[%get3A_521, %get3A_522] {strides = array<i32>} : memref<175x128xf32, #tpu.memory_space<vmem>>, vector<16xf32>,
        %mul3A_524 = arith.mulf %get3A_523, %gather3A_514 : vector<16xf32>
        %swap3A_525 = arith.index_cast %add3A_510 : i32 to index
        %swap3A_526 = arith.constant 16 : index
        %swap3A_527 = tpu.vector_load %arg14[%swap3A_525, %swap3A_526] {strides = array<i32>} : memref<175x128xf32, #tpu.memory_space<vmem>>, vector<16xf32>,
        tpu.vector_store %arg14[%swap3A_525, %swap3A_526], %mul3A_524 {strides = array<i32>} : memref<175x128xf32, #tpu.memory_space<vmem>>, vector<16xf32>,
        %get3A_528 = arith.index_cast %add3A_510 : i32 to index
        %get3A_529 = arith.constant 32 : index
        %get3A_530 = tpu.vector_load %arg14[%get3A_528, %get3A_529] {strides = array<i32>} : memref<175x128xf32, #tpu.memory_space<vmem>>, vector<16xf32>,
        %mul3A_531 = arith.mulf %get3A_530, %gather3A_514 : vector<16xf32>
        %swap3A_532 = arith.index_cast %add3A_510 : i32 to index
        %swap3A_533 = arith.constant 32 : index
        %swap3A_534 = tpu.vector_load %arg14[%swap3A_532, %swap3A_533] {strides = array<i32>} : memref<175x128xf32, #tpu.memory_space<vmem>>, vector<16xf32>,
        tpu.vector_store %arg14[%swap3A_532, %swap3A_533], %mul3A_531 {strides = array<i32>} : memref<175x128xf32, #tpu.memory_space<vmem>>, vector<16xf32>,
        %get3A_535 = arith.index_cast %add3A_510 : i32 to index
        %get3A_536 = arith.constant 48 : index
        %get3A_537 = tpu.vector_load %arg14[%get3A_535, %get3A_536] {strides = array<i32>} : memref<175x128xf32, #tpu.memory_space<vmem>>, vector<16xf32>,
        %mul3A_538 = arith.mulf %get3A_537, %gather3A_514 : vector<16xf32>
        %swap3A_539 = arith.index_cast %add3A_510 : i32 to index
        %swap3A_540 = arith.constant 48 : index
        %swap3A_541 = tpu.vector_load %arg14[%swap3A_539, %swap3A_540] {strides = array<i32>} : memref<175x128xf32, #tpu.memory_space<vmem>>, vector<16xf32>,
        tpu.vector_store %arg14[%swap3A_539, %swap3A_540], %mul3A_538 {strides = array<i32>} : memref<175x128xf32, #tpu.memory_space<vmem>>, vector<16xf32>,
        %get3A_542 = arith.index_cast %add3A_510 : i32 to index
        %get3A_543 = arith.constant 64 : index
        %get3A_544 = tpu.vector_load %arg14[%get3A_542, %get3A_543] {strides = array<i32>} : memref<175x128xf32, #tpu.memory_space<vmem>>, vector<16xf32>,
        %mul3A_545 = arith.mulf %get3A_544, %gather3A_514 : vector<16xf32>
        %swap3A_546 = arith.index_cast %add3A_510 : i32 to index
        %swap3A_547 = arith.constant 64 : index
        %swap3A_548 = tpu.vector_load %arg14[%swap3A_546, %swap3A_547] {strides = array<i32>} : memref<175x128xf32, #tpu.memory_space<vmem>>, vector<16xf32>,
        tpu.vector_store %arg14[%swap3A_546, %swap3A_547], %mul3A_545 {strides = array<i32>} : memref<175x128xf32, #tpu.memory_space<vmem>>, vector<16xf32>,
        %get3A_549 = arith.index_cast %add3A_510 : i32 to index
        %get3A_550 = arith.constant 80 : index
        %get3A_551 = tpu.vector_load %arg14[%get3A_549, %get3A_550] {strides = array<i32>} : memref<175x128xf32, #tpu.memory_space<vmem>>, vector<16xf32>,
        %mul3A_552 = arith.mulf %get3A_551, %gather3A_514 : vector<16xf32>
        %swap3A_553 = arith.index_cast %add3A_510 : i32 to index
        %swap3A_554 = arith.constant 80 : index
        %swap3A_555 = tpu.vector_load %arg14[%swap3A_553, %swap3A_554] {strides = array<i32>} : memref<175x128xf32, #tpu.memory_space<vmem>>, vector<16xf32>,
        tpu.vector_store %arg14[%swap3A_553, %swap3A_554], %mul3A_552 {strides = array<i32>} : memref<175x128xf32, #tpu.memory_space<vmem>>, vector<16xf32>,
        %get3A_556 = arith.index_cast %add3A_510 : i32 to index
        %get3A_557 = arith.constant 96 : index
        %get3A_558 = tpu.vector_load %arg14[%get3A_556, %get3A_557] {strides = array<i32>} : memref<175x128xf32, #tpu.memory_space<vmem>>, vector<16xf32>,
        %mul3A_559 = arith.mulf %get3A_558, %gather3A_514 : vector<16xf32>
        %swap3A_560 = arith.index_cast %add3A_510 : i32 to index
        %swap3A_561 = arith.constant 96 : index
        %swap3A_562 = tpu.vector_load %arg14[%swap3A_560, %swap3A_561] {strides = array<i32>} : memref<175x128xf32, #tpu.memory_space<vmem>>, vector<16xf32>,
        tpu.vector_store %arg14[%swap3A_560, %swap3A_561], %mul3A_559 {strides = array<i32>} : memref<175x128xf32, #tpu.memory_space<vmem>>, vector<16xf32>,
        %get3A_563 = arith.index_cast %add3A_510 : i32 to index
        %get3A_564 = arith.constant 112 : index
        %get3A_565 = tpu.vector_load %arg14[%get3A_563, %get3A_564] {strides = array<i32>} : memref<175x128xf32, #tpu.memory_space<vmem>>, vector<16xf32>,
        %mul3A_566 = arith.mulf %get3A_565, %gather3A_514 : vector<16xf32>
        %swap3A_567 = arith.index_cast %add3A_510 : i32 to index
        %swap3A_568 = arith.constant 112 : index
        %swap3A_569 = tpu.vector_load %arg14[%swap3A_567, %swap3A_568] {strides = array<i32>} : memref<175x128xf32, #tpu.memory_space<vmem>>, vector<16xf32>,
        tpu.vector_store %arg14[%swap3A_567, %swap3A_568], %mul3A_566 {strides = array<i32>} : memref<175x128xf32, #tpu.memory_space<vmem>>, vector<16xf32>,
        %mul3A_570 = arith.constant 7 : i32
        %mul3A_571 = arith.muli %scan3A_505, %mul3A_570 : i32
        %add3A_572 = arith.constant 1 : i32
        %add3A_573 = arith.addi %mul3A_571, %add3A_572 : i32
        %mul3A_574 = arith.constant 175 : i32
        %mul3A_575 = arith.muli %add3A_447, %mul3A_574 : i32
        %add3A_576 = arith.addi %mul3A_575, %add3A_573 : i32
        %broadcast_in_dim3A_577 = vector.broadcast %add3A_576 : i32 to vector<16xi32>
        %gather3A_578 = tpu.vector_load_idx %arg7[%broadcast_in_dim3A_577] : memref<11200xf32, #tpu.memory_space<vmem>>[vector<16xi32>], vector<16xf32>,
        %get3A_579 = arith.index_cast %add3A_573 : i32 to index
        %get3A_580 = arith.constant 0 : index
        %get3A_581 = tpu.vector_load %arg14[%get3A_579, %get3A_580] {strides = array<i32>} : memref<175x128xf32, #tpu.memory_space<vmem>>, vector<16xf32>,
        %mul3A_582 = arith.mulf %get3A_581, %gather3A_578 : vector<16xf32>
        %swap3A_583 = arith.index_cast %add3A_573 : i32 to index
        %swap3A_584 = arith.constant 0 : index
        %swap3A_585 = tpu.vector_load %arg14[%swap3A_583, %swap3A_584] {strides = array<i32>} : memref<175x128xf32, #tpu.memory_space<vmem>>, vector<16xf32>,
        tpu.vector_store %arg14[%swap3A_583, %swap3A_584], %mul3A_582 {strides = array<i32>} : memref<175x128xf32, #tpu.memory_space<vmem>>, vector<16xf32>,
        %get3A_586 = arith.index_cast %add3A_573 : i32 to index
        %get3A_587 = arith.constant 16 : index
        %get3A_588 = tpu.vector_load %arg14[%get3A_586, %get3A_587] {strides = array<i32>} : memref<175x128xf32, #tpu.memory_space<vmem>>, vector<16xf32>,
        %mul3A_589 = arith.mulf %get3A_588, %gather3A_578 : vector<16xf32>
        %swap3A_590 = arith.index_cast %add3A_573 : i32 to index
        %swap3A_591 = arith.constant 16 : index
        %swap3A_592 = tpu.vector_load %arg14[%swap3A_590, %swap3A_591] {strides = array<i32>} : memref<175x128xf32, #tpu.memory_space<vmem>>, vector<16xf32>,
        tpu.vector_store %arg14[%swap3A_590, %swap3A_591], %mul3A_589 {strides = array<i32>} : memref<175x128xf32, #tpu.memory_space<vmem>>, vector<16xf32>,
        %get3A_593 = arith.index_cast %add3A_573 : i32 to index
        %get3A_594 = arith.constant 32 : index
        %get3A_595 = tpu.vector_load %arg14[%get3A_593, %get3A_594] {strides = array<i32>} : memref<175x128xf32, #tpu.memory_space<vmem>>, vector<16xf32>,
        %mul3A_596 = arith.mulf %get3A_595, %gather3A_578 : vector<16xf32>
        %swap3A_597 = arith.index_cast %add3A_573 : i32 to index
        %swap3A_598 = arith.constant 32 : index
        %swap3A_599 = tpu.vector_load %arg14[%swap3A_597, %swap3A_598] {strides = array<i32>} : memref<175x128xf32, #tpu.memory_space<vmem>>, vector<16xf32>,
        tpu.vector_store %arg14[%swap3A_597, %swap3A_598], %mul3A_596 {strides = array<i32>} : memref<175x128xf32, #tpu.memory_space<vmem>>, vector<16xf32>,
        %get3A_600 = arith.index_cast %add3A_573 : i32 to index
        %get3A_601 = arith.constant 48 : index
        %get3A_602 = tpu.vector_load %arg14[%get3A_600, %get3A_601] {strides = array<i32>} : memref<175x128xf32, #tpu.memory_space<vmem>>, vector<16xf32>,
        %mul3A_603 = arith.mulf %get3A_602, %gather3A_578 : vector<16xf32>
        %swap3A_604 = arith.index_cast %add3A_573 : i32 to index
        %swap3A_605 = arith.constant 48 : index
        %swap3A_606 = tpu.vector_load %arg14[%swap3A_604, %swap3A_605] {strides = array<i32>} : memref<175x128xf32, #tpu.memory_space<vmem>>, vector<16xf32>,
        tpu.vector_store %arg14[%swap3A_604, %swap3A_605], %mul3A_603 {strides = array<i32>} : memref<175x128xf32, #tpu.memory_space<vmem>>, vector<16xf32>,
        %get3A_607 = arith.index_cast %add3A_573 : i32 to index
        %get3A_608 = arith.constant 64 : index
        %get3A_609 = tpu.vector_load %arg14[%get3A_607, %get3A_608] {strides = array<i32>} : memref<175x128xf32, #tpu.memory_space<vmem>>, vector<16xf32>,
        %mul3A_610 = arith.mulf %get3A_609, %gather3A_578 : vector<16xf32>
        %swap3A_611 = arith.index_cast %add3A_573 : i32 to index
        %swap3A_612 = arith.constant 64 : index
        %swap3A_613 = tpu.vector_load %arg14[%swap3A_611, %swap3A_612] {strides = array<i32>} : memref<175x128xf32, #tpu.memory_space<vmem>>, vector<16xf32>,
        tpu.vector_store %arg14[%swap3A_611, %swap3A_612], %mul3A_610 {strides = array<i32>} : memref<175x128xf32, #tpu.memory_space<vmem>>, vector<16xf32>,
        %get3A_614 = arith.index_cast %add3A_573 : i32 to index
        %get3A_615 = arith.constant 80 : index
        %get3A_616 = tpu.vector_load %arg14[%get3A_614, %get3A_615] {strides = array<i32>} : memref<175x128xf32, #tpu.memory_space<vmem>>, vector<16xf32>,
        %mul3A_617 = arith.mulf %get3A_616, %gather3A_578 : vector<16xf32>
        %swap3A_618 = arith.index_cast %add3A_573 : i32 to index
        %swap3A_619 = arith.constant 80 : index
        %swap3A_620 = tpu.vector_load %arg14[%swap3A_618, %swap3A_619] {strides = array<i32>} : memref<175x128xf32, #tpu.memory_space<vmem>>, vector<16xf32>,
        tpu.vector_store %arg14[%swap3A_618, %swap3A_619], %mul3A_617 {strides = array<i32>} : memref<175x128xf32, #tpu.memory_space<vmem>>, vector<16xf32>,
        %get3A_621 = arith.index_cast %add3A_573 : i32 to index
        %get3A_622 = arith.constant 96 : index
        %get3A_623 = tpu.vector_load %arg14[%get3A_621, %get3A_622] {strides = array<i32>} : memref<175x128xf32, #tpu.memory_space<vmem>>, vector<16xf32>,
        %mul3A_624 = arith.mulf %get3A_623, %gather3A_578 : vector<16xf32>
        %swap3A_625 = arith.index_cast %add3A_573 : i32 to index
        %swap3A_626 = arith.constant 96 : index
        %swap3A_627 = tpu.vector_load %arg14[%swap3A_625, %swap3A_626] {strides = array<i32>} : memref<175x128xf32, #tpu.memory_space<vmem>>, vector<16xf32>,
        tpu.vector_store %arg14[%swap3A_625, %swap3A_626], %mul3A_624 {strides = array<i32>} : memref<175x128xf32, #tpu.memory_space<vmem>>, vector<16xf32>,
        %get3A_628 = arith.index_cast %add3A_573 : i32 to index
        %get3A_629 = arith.constant 112 : index
        %get3A_630 = tpu.vector_load %arg14[%get3A_628, %get3A_629] {strides = array<i32>} : memref<175x128xf32, #tpu.memory_space<vmem>>, vector<16xf32>,
        %mul3A_631 = arith.mulf %get3A_630, %gather3A_578 : vector<16xf32>
        %swap3A_632 = arith.index_cast %add3A_573 : i32 to index
        %swap3A_633 = arith.constant 112 : index
        %swap3A_634 = tpu.vector_load %arg14[%swap3A_632, %swap3A_633] {strides = array<i32>} : memref<175x128xf32, #tpu.memory_space<vmem>>, vector<16xf32>,
        tpu.vector_store %arg14[%swap3A_632, %swap3A_633], %mul3A_631 {strides = array<i32>} : memref<175x128xf32, #tpu.memory_space<vmem>>, vector<16xf32>,
        %mul3A_635 = arith.constant 7 : i32
        %mul3A_636 = arith.muli %scan3A_505, %mul3A_635 : i32
        %add3A_637 = arith.constant 2 : i32
        %add3A_638 = arith.addi %mul3A_636, %add3A_637 : i32
        %mul3A_639 = arith.constant 175 : i32
        %mul3A_640 = arith.muli %add3A_447, %mul3A_639 : i32
        %add3A_641 = arith.addi %mul3A_640, %add3A_638 : i32
        %broadcast_in_dim3A_642 = vector.broadcast %add3A_641 : i32 to vector<16xi32>
        %gather3A_643 = tpu.vector_load_idx %arg7[%broadcast_in_dim3A_642] : memref<11200xf32, #tpu.memory_space<vmem>>[vector<16xi32>], vector<16xf32>,
        %get3A_644 = arith.index_cast %add3A_638 : i32 to index
        %get3A_645 = arith.constant 0 : index
        %get3A_646 = tpu.vector_load %arg14[%get3A_644, %get3A_645] {strides = array<i32>} : memref<175x128xf32, #tpu.memory_space<vmem>>, vector<16xf32>,
        %mul3A_647 = arith.mulf %get3A_646, %gather3A_643 : vector<16xf32>
        %swap3A_648 = arith.index_cast %add3A_638 : i32 to index
        %swap3A_649 = arith.constant 0 : index
        %swap3A_650 = tpu.vector_load %arg14[%swap3A_648, %swap3A_649] {strides = array<i32>} : memref<175x128xf32, #tpu.memory_space<vmem>>, vector<16xf32>,
        tpu.vector_store %arg14[%swap3A_648, %swap3A_649], %mul3A_647 {strides = array<i32>} : memref<175x128xf32, #tpu.memory_space<vmem>>, vector<16xf32>,
        %get3A_651 = arith.index_cast %add3A_638 : i32 to index
        %get3A_652 = arith.constant 16 : index
        %get3A_653 = tpu.vector_load %arg14[%get3A_651, %get3A_652] {strides = array<i32>} : memref<175x128xf32, #tpu.memory_space<vmem>>, vector<16xf32>,
        %mul3A_654 = arith.mulf %get3A_653, %gather3A_643 : vector<16xf32>
        %swap3A_655 = arith.index_cast %add3A_638 : i32 to index
        %swap3A_656 = arith.constant 16 : index
        %swap3A_657 = tpu.vector_load %arg14[%swap3A_655, %swap3A_656] {strides = array<i32>} : memref<175x128xf32, #tpu.memory_space<vmem>>, vector<16xf32>,
        tpu.vector_store %arg14[%swap3A_655, %swap3A_656], %mul3A_654 {strides = array<i32>} : memref<175x128xf32, #tpu.memory_space<vmem>>, vector<16xf32>,
        %get3A_658 = arith.index_cast %add3A_638 : i32 to index
        %get3A_659 = arith.constant 32 : index
        %get3A_660 = tpu.vector_load %arg14[%get3A_658, %get3A_659] {strides = array<i32>} : memref<175x128xf32, #tpu.memory_space<vmem>>, vector<16xf32>,
        %mul3A_661 = arith.mulf %get3A_660, %gather3A_643 : vector<16xf32>
        %swap3A_662 = arith.index_cast %add3A_638 : i32 to index
        %swap3A_663 = arith.constant 32 : index
        %swap3A_664 = tpu.vector_load %arg14[%swap3A_662, %swap3A_663] {strides = array<i32>} : memref<175x128xf32, #tpu.memory_space<vmem>>, vector<16xf32>,
        tpu.vector_store %arg14[%swap3A_662, %swap3A_663], %mul3A_661 {strides = array<i32>} : memref<175x128xf32, #tpu.memory_space<vmem>>, vector<16xf32>,
        %get3A_665 = arith.index_cast %add3A_638 : i32 to index
        %get3A_666 = arith.constant 48 : index
        %get3A_667 = tpu.vector_load %arg14[%get3A_665, %get3A_666] {strides = array<i32>} : memref<175x128xf32, #tpu.memory_space<vmem>>, vector<16xf32>,
        %mul3A_668 = arith.mulf %get3A_667, %gather3A_643 : vector<16xf32>
        %swap3A_669 = arith.index_cast %add3A_638 : i32 to index
        %swap3A_670 = arith.constant 48 : index
        %swap3A_671 = tpu.vector_load %arg14[%swap3A_669, %swap3A_670] {strides = array<i32>} : memref<175x128xf32, #tpu.memory_space<vmem>>, vector<16xf32>,
        tpu.vector_store %arg14[%swap3A_669, %swap3A_670], %mul3A_668 {strides = array<i32>} : memref<175x128xf32, #tpu.memory_space<vmem>>, vector<16xf32>,
        %get3A_672 = arith.index_cast %add3A_638 : i32 to index
        %get3A_673 = arith.constant 64 : index
        %get3A_674 = tpu.vector_load %arg14[%get3A_672, %get3A_673] {strides = array<i32>} : memref<175x128xf32, #tpu.memory_space<vmem>>, vector<16xf32>,
        %mul3A_675 = arith.mulf %get3A_674, %gather3A_643 : vector<16xf32>
        %swap3A_676 = arith.index_cast %add3A_638 : i32 to index
        %swap3A_677 = arith.constant 64 : index
        %swap3A_678 = tpu.vector_load %arg14[%swap3A_676, %swap3A_677] {strides = array<i32>} : memref<175x128xf32, #tpu.memory_space<vmem>>, vector<16xf32>,
        tpu.vector_store %arg14[%swap3A_676, %swap3A_677], %mul3A_675 {strides = array<i32>} : memref<175x128xf32, #tpu.memory_space<vmem>>, vector<16xf32>,
        %get3A_679 = arith.index_cast %add3A_638 : i32 to index
        %get3A_680 = arith.constant 80 : index
        %get3A_681 = tpu.vector_load %arg14[%get3A_679, %get3A_680] {strides = array<i32>} : memref<175x128xf32, #tpu.memory_space<vmem>>, vector<16xf32>,
        %mul3A_682 = arith.mulf %get3A_681, %gather3A_643 : vector<16xf32>
        %swap3A_683 = arith.index_cast %add3A_638 : i32 to index
        %swap3A_684 = arith.constant 80 : index
        %swap3A_685 = tpu.vector_load %arg14[%swap3A_683, %swap3A_684] {strides = array<i32>} : memref<175x128xf32, #tpu.memory_space<vmem>>, vector<16xf32>,
        tpu.vector_store %arg14[%swap3A_683, %swap3A_684], %mul3A_682 {strides = array<i32>} : memref<175x128xf32, #tpu.memory_space<vmem>>, vector<16xf32>,
        %get3A_686 = arith.index_cast %add3A_638 : i32 to index
        %get3A_687 = arith.constant 96 : index
        %get3A_688 = tpu.vector_load %arg14[%get3A_686, %get3A_687] {strides = array<i32>} : memref<175x128xf32, #tpu.memory_space<vmem>>, vector<16xf32>,
        %mul3A_689 = arith.mulf %get3A_688, %gather3A_643 : vector<16xf32>
        %swap3A_690 = arith.index_cast %add3A_638 : i32 to index
        %swap3A_691 = arith.constant 96 : index
        %swap3A_692 = tpu.vector_load %arg14[%swap3A_690, %swap3A_691] {strides = array<i32>} : memref<175x128xf32, #tpu.memory_space<vmem>>, vector<16xf32>,
        tpu.vector_store %arg14[%swap3A_690, %swap3A_691], %mul3A_689 {strides = array<i32>} : memref<175x128xf32, #tpu.memory_space<vmem>>, vector<16xf32>,
        %get3A_693 = arith.index_cast %add3A_638 : i32 to index
        %get3A_694 = arith.constant 112 : index
        %get3A_695 = tpu.vector_load %arg14[%get3A_693, %get3A_694] {strides = array<i32>} : memref<175x128xf32, #tpu.memory_space<vmem>>, vector<16xf32>,
        %mul3A_696 = arith.mulf %get3A_695, %gather3A_643 : vector<16xf32>
        %swap3A_697 = arith.index_cast %add3A_638 : i32 to index
        %swap3A_698 = arith.constant 112 : index
        %swap3A_699 = tpu.vector_load %arg14[%swap3A_697, %swap3A_698] {strides = array<i32>} : memref<175x128xf32, #tpu.memory_space<vmem>>, vector<16xf32>,
        tpu.vector_store %arg14[%swap3A_697, %swap3A_698], %mul3A_696 {strides = array<i32>} : memref<175x128xf32, #tpu.memory_space<vmem>>, vector<16xf32>,
        %mul3A_700 = arith.constant 7 : i32
        %mul3A_701 = arith.muli %scan3A_505, %mul3A_700 : i32
        %add3A_702 = arith.constant 3 : i32
        %add3A_703 = arith.addi %mul3A_701, %add3A_702 : i32
        %mul3A_704 = arith.constant 175 : i32
        %mul3A_705 = arith.muli %add3A_447, %mul3A_704 : i32
        %add3A_706 = arith.addi %mul3A_705, %add3A_703 : i32
        %broadcast_in_dim3A_707 = vector.broadcast %add3A_706 : i32 to vector<16xi32>
        %gather3A_708 = tpu.vector_load_idx %arg7[%broadcast_in_dim3A_707] : memref<11200xf32, #tpu.memory_space<vmem>>[vector<16xi32>], vector<16xf32>,
        %get3A_709 = arith.index_cast %add3A_703 : i32 to index
        %get3A_710 = arith.constant 0 : index
        %get3A_711 = tpu.vector_load %arg14[%get3A_709, %get3A_710] {strides = array<i32>} : memref<175x128xf32, #tpu.memory_space<vmem>>, vector<16xf32>,
        %mul3A_712 = arith.mulf %get3A_711, %gather3A_708 : vector<16xf32>
        %swap3A_713 = arith.index_cast %add3A_703 : i32 to index
        %swap3A_714 = arith.constant 0 : index
        %swap3A_715 = tpu.vector_load %arg14[%swap3A_713, %swap3A_714] {strides = array<i32>} : memref<175x128xf32, #tpu.memory_space<vmem>>, vector<16xf32>,
        tpu.vector_store %arg14[%swap3A_713, %swap3A_714], %mul3A_712 {strides = array<i32>} : memref<175x128xf32, #tpu.memory_space<vmem>>, vector<16xf32>,
        %get3A_716 = arith.index_cast %add3A_703 : i32 to index
        %get3A_717 = arith.constant 16 : index
        %get3A_718 = tpu.vector_load %arg14[%get3A_716, %get3A_717] {strides = array<i32>} : memref<175x128xf32, #tpu.memory_space<vmem>>, vector<16xf32>,
        %mul3A_719 = arith.mulf %get3A_718, %gather3A_708 : vector<16xf32>
        %swap3A_720 = arith.index_cast %add3A_703 : i32 to index
        %swap3A_721 = arith.constant 16 : index
        %swap3A_722 = tpu.vector_load %arg14[%swap3A_720, %swap3A_721] {strides = array<i32>} : memref<175x128xf32, #tpu.memory_space<vmem>>, vector<16xf32>,
        tpu.vector_store %arg14[%swap3A_720, %swap3A_721], %mul3A_719 {strides = array<i32>} : memref<175x128xf32, #tpu.memory_space<vmem>>, vector<16xf32>,
        %get3A_723 = arith.index_cast %add3A_703 : i32 to index
        %get3A_724 = arith.constant 32 : index
        %get3A_725 = tpu.vector_load %arg14[%get3A_723, %get3A_724] {strides = array<i32>} : memref<175x128xf32, #tpu.memory_space<vmem>>, vector<16xf32>,
        %mul3A_726 = arith.mulf %get3A_725, %gather3A_708 : vector<16xf32>
        %swap3A_727 = arith.index_cast %add3A_703 : i32 to index
        %swap3A_728 = arith.constant 32 : index
        %swap3A_729 = tpu.vector_load %arg14[%swap3A_727, %swap3A_728] {strides = array<i32>} : memref<175x128xf32, #tpu.memory_space<vmem>>, vector<16xf32>,
        tpu.vector_store %arg14[%swap3A_727, %swap3A_728], %mul3A_726 {strides = array<i32>} : memref<175x128xf32, #tpu.memory_space<vmem>>, vector<16xf32>,
        %get3A_730 = arith.index_cast %add3A_703 : i32 to index
        %get3A_731 = arith.constant 48 : index
        %get3A_732 = tpu.vector_load %arg14[%get3A_730, %get3A_731] {strides = array<i32>} : memref<175x128xf32, #tpu.memory_space<vmem>>, vector<16xf32>,
        %mul3A_733 = arith.mulf %get3A_732, %gather3A_708 : vector<16xf32>
        %swap3A_734 = arith.index_cast %add3A_703 : i32 to index
        %swap3A_735 = arith.constant 48 : index
        %swap3A_736 = tpu.vector_load %arg14[%swap3A_734, %swap3A_735] {strides = array<i32>} : memref<175x128xf32, #tpu.memory_space<vmem>>, vector<16xf32>,
        tpu.vector_store %arg14[%swap3A_734, %swap3A_735], %mul3A_733 {strides = array<i32>} : memref<175x128xf32, #tpu.memory_space<vmem>>, vector<16xf32>,
        %get3A_737 = arith.index_cast %add3A_703 : i32 to index
        %get3A_738 = arith.constant 64 : index
        %get3A_739 = tpu.vector_load %arg14[%get3A_737, %get3A_738] {strides = array<i32>} : memref<175x128xf32, #tpu.memory_space<vmem>>, vector<16xf32>,
        %mul3A_740 = arith.mulf %get3A_739, %gather3A_708 : vector<16xf32>
        %swap3A_741 = arith.index_cast %add3A_703 : i32 to index
        %swap3A_742 = arith.constant 64 : index
        %swap3A_743 = tpu.vector_load %arg14[%swap3A_741, %swap3A_742] {strides = array<i32>} : memref<175x128xf32, #tpu.memory_space<vmem>>, vector<16xf32>,
        tpu.vector_store %arg14[%swap3A_741, %swap3A_742], %mul3A_740 {strides = array<i32>} : memref<175x128xf32, #tpu.memory_space<vmem>>, vector<16xf32>,
        %get3A_744 = arith.index_cast %add3A_703 : i32 to index
        %get3A_745 = arith.constant 80 : index
        %get3A_746 = tpu.vector_load %arg14[%get3A_744, %get3A_745] {strides = array<i32>} : memref<175x128xf32, #tpu.memory_space<vmem>>, vector<16xf32>,
        %mul3A_747 = arith.mulf %get3A_746, %gather3A_708 : vector<16xf32>
        %swap3A_748 = arith.index_cast %add3A_703 : i32 to index
        %swap3A_749 = arith.constant 80 : index
        %swap3A_750 = tpu.vector_load %arg14[%swap3A_748, %swap3A_749] {strides = array<i32>} : memref<175x128xf32, #tpu.memory_space<vmem>>, vector<16xf32>,
        tpu.vector_store %arg14[%swap3A_748, %swap3A_749], %mul3A_747 {strides = array<i32>} : memref<175x128xf32, #tpu.memory_space<vmem>>, vector<16xf32>,
        %get3A_751 = arith.index_cast %add3A_703 : i32 to index
        %get3A_752 = arith.constant 96 : index
        %get3A_753 = tpu.vector_load %arg14[%get3A_751, %get3A_752] {strides = array<i32>} : memref<175x128xf32, #tpu.memory_space<vmem>>, vector<16xf32>,
        %mul3A_754 = arith.mulf %get3A_753, %gather3A_708 : vector<16xf32>
        %swap3A_755 = arith.index_cast %add3A_703 : i32 to index
        %swap3A_756 = arith.constant 96 : index
        %swap3A_757 = tpu.vector_load %arg14[%swap3A_755, %swap3A_756] {strides = array<i32>} : memref<175x128xf32, #tpu.memory_space<vmem>>, vector<16xf32>,
        tpu.vector_store %arg14[%swap3A_755, %swap3A_756], %mul3A_754 {strides = array<i32>} : memref<175x128xf32, #tpu.memory_space<vmem>>, vector<16xf32>,
        %get3A_758 = arith.index_cast %add3A_703 : i32 to index
        %get3A_759 = arith.constant 112 : index
        %get3A_760 = tpu.vector_load %arg14[%get3A_758, %get3A_759] {strides = array<i32>} : memref<175x128xf32, #tpu.memory_space<vmem>>, vector<16xf32>,
        %mul3A_761 = arith.mulf %get3A_760, %gather3A_708 : vector<16xf32>
        %swap3A_762 = arith.index_cast %add3A_703 : i32 to index
        %swap3A_763 = arith.constant 112 : index
        %swap3A_764 = tpu.vector_load %arg14[%swap3A_762, %swap3A_763] {strides = array<i32>} : memref<175x128xf32, #tpu.memory_space<vmem>>, vector<16xf32>,
        tpu.vector_store %arg14[%swap3A_762, %swap3A_763], %mul3A_761 {strides = array<i32>} : memref<175x128xf32, #tpu.memory_space<vmem>>, vector<16xf32>,
        %mul3A_765 = arith.constant 7 : i32
        %mul3A_766 = arith.muli %scan3A_505, %mul3A_765 : i32
        %add3A_767 = arith.constant 4 : i32
        %add3A_768 = arith.addi %mul3A_766, %add3A_767 : i32
        %mul3A_769 = arith.constant 175 : i32
        %mul3A_770 = arith.muli %add3A_447, %mul3A_769 : i32
        %add3A_771 = arith.addi %mul3A_770, %add3A_768 : i32
        %broadcast_in_dim3A_772 = vector.broadcast %add3A_771 : i32 to vector<16xi32>
        %gather3A_773 = tpu.vector_load_idx %arg7[%broadcast_in_dim3A_772] : memref<11200xf32, #tpu.memory_space<vmem>>[vector<16xi32>], vector<16xf32>,
        %get3A_774 = arith.index_cast %add3A_768 : i32 to index
        %get3A_775 = arith.constant 0 : index
        %get3A_776 = tpu.vector_load %arg14[%get3A_774, %get3A_775] {strides = array<i32>} : memref<175x128xf32, #tpu.memory_space<vmem>>, vector<16xf32>,
        %mul3A_777 = arith.mulf %get3A_776, %gather3A_773 : vector<16xf32>
        %swap3A_778 = arith.index_cast %add3A_768 : i32 to index
        %swap3A_779 = arith.constant 0 : index
        %swap3A_780 = tpu.vector_load %arg14[%swap3A_778, %swap3A_779] {strides = array<i32>} : memref<175x128xf32, #tpu.memory_space<vmem>>, vector<16xf32>,
        tpu.vector_store %arg14[%swap3A_778, %swap3A_779], %mul3A_777 {strides = array<i32>} : memref<175x128xf32, #tpu.memory_space<vmem>>, vector<16xf32>,
        %get3A_781 = arith.index_cast %add3A_768 : i32 to index
        %get3A_782 = arith.constant 16 : index
        %get3A_783 = tpu.vector_load %arg14[%get3A_781, %get3A_782] {strides = array<i32>} : memref<175x128xf32, #tpu.memory_space<vmem>>, vector<16xf32>,
        %mul3A_784 = arith.mulf %get3A_783, %gather3A_773 : vector<16xf32>
        %swap3A_785 = arith.index_cast %add3A_768 : i32 to index
        %swap3A_786 = arith.constant 16 : index
        %swap3A_787 = tpu.vector_load %arg14[%swap3A_785, %swap3A_786] {strides = array<i32>} : memref<175x128xf32, #tpu.memory_space<vmem>>, vector<16xf32>,
        tpu.vector_store %arg14[%swap3A_785, %swap3A_786], %mul3A_784 {strides = array<i32>} : memref<175x128xf32, #tpu.memory_space<vmem>>, vector<16xf32>,
        %get3A_788 = arith.index_cast %add3A_768 : i32 to index
        %get3A_789 = arith.constant 32 : index
        %get3A_790 = tpu.vector_load %arg14[%get3A_788, %get3A_789] {strides = array<i32>} : memref<175x128xf32, #tpu.memory_space<vmem>>, vector<16xf32>,
        %mul3A_791 = arith.mulf %get3A_790, %gather3A_773 : vector<16xf32>
        %swap3A_792 = arith.index_cast %add3A_768 : i32 to index
        %swap3A_793 = arith.constant 32 : index
        %swap3A_794 = tpu.vector_load %arg14[%swap3A_792, %swap3A_793] {strides = array<i32>} : memref<175x128xf32, #tpu.memory_space<vmem>>, vector<16xf32>,
        tpu.vector_store %arg14[%swap3A_792, %swap3A_793], %mul3A_791 {strides = array<i32>} : memref<175x128xf32, #tpu.memory_space<vmem>>, vector<16xf32>,
        %get3A_795 = arith.index_cast %add3A_768 : i32 to index
        %get3A_796 = arith.constant 48 : index
        %get3A_797 = tpu.vector_load %arg14[%get3A_795, %get3A_796] {strides = array<i32>} : memref<175x128xf32, #tpu.memory_space<vmem>>, vector<16xf32>,
        %mul3A_798 = arith.mulf %get3A_797, %gather3A_773 : vector<16xf32>
        %swap3A_799 = arith.index_cast %add3A_768 : i32 to index
        %swap3A_800 = arith.constant 48 : index
        %swap3A_801 = tpu.vector_load %arg14[%swap3A_799, %swap3A_800] {strides = array<i32>} : memref<175x128xf32, #tpu.memory_space<vmem>>, vector<16xf32>,
        tpu.vector_store %arg14[%swap3A_799, %swap3A_800], %mul3A_798 {strides = array<i32>} : memref<175x128xf32, #tpu.memory_space<vmem>>, vector<16xf32>,
        %get3A_802 = arith.index_cast %add3A_768 : i32 to index
        %get3A_803 = arith.constant 64 : index
        %get3A_804 = tpu.vector_load %arg14[%get3A_802, %get3A_803] {strides = array<i32>} : memref<175x128xf32, #tpu.memory_space<vmem>>, vector<16xf32>,
        %mul3A_805 = arith.mulf %get3A_804, %gather3A_773 : vector<16xf32>
        %swap3A_806 = arith.index_cast %add3A_768 : i32 to index
        %swap3A_807 = arith.constant 64 : index
        %swap3A_808 = tpu.vector_load %arg14[%swap3A_806, %swap3A_807] {strides = array<i32>} : memref<175x128xf32, #tpu.memory_space<vmem>>, vector<16xf32>,
        tpu.vector_store %arg14[%swap3A_806, %swap3A_807], %mul3A_805 {strides = array<i32>} : memref<175x128xf32, #tpu.memory_space<vmem>>, vector<16xf32>,
        %get3A_809 = arith.index_cast %add3A_768 : i32 to index
        %get3A_810 = arith.constant 80 : index
        %get3A_811 = tpu.vector_load %arg14[%get3A_809, %get3A_810] {strides = array<i32>} : memref<175x128xf32, #tpu.memory_space<vmem>>, vector<16xf32>,
        %mul3A_812 = arith.mulf %get3A_811, %gather3A_773 : vector<16xf32>
        %swap3A_813 = arith.index_cast %add3A_768 : i32 to index
        %swap3A_814 = arith.constant 80 : index
        %swap3A_815 = tpu.vector_load %arg14[%swap3A_813, %swap3A_814] {strides = array<i32>} : memref<175x128xf32, #tpu.memory_space<vmem>>, vector<16xf32>,
        tpu.vector_store %arg14[%swap3A_813, %swap3A_814], %mul3A_812 {strides = array<i32>} : memref<175x128xf32, #tpu.memory_space<vmem>>, vector<16xf32>,
        %get3A_816 = arith.index_cast %add3A_768 : i32 to index
        %get3A_817 = arith.constant 96 : index
        %get3A_818 = tpu.vector_load %arg14[%get3A_816, %get3A_817] {strides = array<i32>} : memref<175x128xf32, #tpu.memory_space<vmem>>, vector<16xf32>,
        %mul3A_819 = arith.mulf %get3A_818, %gather3A_773 : vector<16xf32>
        %swap3A_820 = arith.index_cast %add3A_768 : i32 to index
        %swap3A_821 = arith.constant 96 : index
        %swap3A_822 = tpu.vector_load %arg14[%swap3A_820, %swap3A_821] {strides = array<i32>} : memref<175x128xf32, #tpu.memory_space<vmem>>, vector<16xf32>,
        tpu.vector_store %arg14[%swap3A_820, %swap3A_821], %mul3A_819 {strides = array<i32>} : memref<175x128xf32, #tpu.memory_space<vmem>>, vector<16xf32>,
        %get3A_823 = arith.index_cast %add3A_768 : i32 to index
        %get3A_824 = arith.constant 112 : index
        %get3A_825 = tpu.vector_load %arg14[%get3A_823, %get3A_824] {strides = array<i32>} : memref<175x128xf32, #tpu.memory_space<vmem>>, vector<16xf32>,
        %mul3A_826 = arith.mulf %get3A_825, %gather3A_773 : vector<16xf32>
        %swap3A_827 = arith.index_cast %add3A_768 : i32 to index
        %swap3A_828 = arith.constant 112 : index
        %swap3A_829 = tpu.vector_load %arg14[%swap3A_827, %swap3A_828] {strides = array<i32>} : memref<175x128xf32, #tpu.memory_space<vmem>>, vector<16xf32>,
        tpu.vector_store %arg14[%swap3A_827, %swap3A_828], %mul3A_826 {strides = array<i32>} : memref<175x128xf32, #tpu.memory_space<vmem>>, vector<16xf32>,
        %mul3A_830 = arith.constant 7 : i32
        %mul3A_831 = arith.muli %scan3A_505, %mul3A_830 : i32
        %add3A_832 = arith.constant 5 : i32
        %add3A_833 = arith.addi %mul3A_831, %add3A_832 : i32
        %mul3A_834 = arith.constant 175 : i32
        %mul3A_835 = arith.muli %add3A_447, %mul3A_834 : i32
        %add3A_836 = arith.addi %mul3A_835, %add3A_833 : i32
        %broadcast_in_dim3A_837 = vector.broadcast %add3A_836 : i32 to vector<16xi32>
        %gather3A_838 = tpu.vector_load_idx %arg7[%broadcast_in_dim3A_837] : memref<11200xf32, #tpu.memory_space<vmem>>[vector<16xi32>], vector<16xf32>,
        %get3A_839 = arith.index_cast %add3A_833 : i32 to index
        %get3A_840 = arith.constant 0 : index
        %get3A_841 = tpu.vector_load %arg14[%get3A_839, %get3A_840] {strides = array<i32>} : memref<175x128xf32, #tpu.memory_space<vmem>>, vector<16xf32>,
        %mul3A_842 = arith.mulf %get3A_841, %gather3A_838 : vector<16xf32>
        %swap3A_843 = arith.index_cast %add3A_833 : i32 to index
        %swap3A_844 = arith.constant 0 : index
        %swap3A_845 = tpu.vector_load %arg14[%swap3A_843, %swap3A_844] {strides = array<i32>} : memref<175x128xf32, #tpu.memory_space<vmem>>, vector<16xf32>,
        tpu.vector_store %arg14[%swap3A_843, %swap3A_844], %mul3A_842 {strides = array<i32>} : memref<175x128xf32, #tpu.memory_space<vmem>>, vector<16xf32>,
        %get3A_846 = arith.index_cast %add3A_833 : i32 to index
        %get3A_847 = arith.constant 16 : index
        %get3A_848 = tpu.vector_load %arg14[%get3A_846, %get3A_847] {strides = array<i32>} : memref<175x128xf32, #tpu.memory_space<vmem>>, vector<16xf32>,
        %mul3A_849 = arith.mulf %get3A_848, %gather3A_838 : vector<16xf32>
        %swap3A_850 = arith.index_cast %add3A_833 : i32 to index
        %swap3A_851 = arith.constant 16 : index
        %swap3A_852 = tpu.vector_load %arg14[%swap3A_850, %swap3A_851] {strides = array<i32>} : memref<175x128xf32, #tpu.memory_space<vmem>>, vector<16xf32>,
        tpu.vector_store %arg14[%swap3A_850, %swap3A_851], %mul3A_849 {strides = array<i32>} : memref<175x128xf32, #tpu.memory_space<vmem>>, vector<16xf32>,
        %get3A_853 = arith.index_cast %add3A_833 : i32 to index
        %get3A_854 = arith.constant 32 : index
        %get3A_855 = tpu.vector_load %arg14[%get3A_853, %get3A_854] {strides = array<i32>} : memref<175x128xf32, #tpu.memory_space<vmem>>, vector<16xf32>,
        %mul3A_856 = arith.mulf %get3A_855, %gather3A_838 : vector<16xf32>
        %swap3A_857 = arith.index_cast %add3A_833 : i32 to index
        %swap3A_858 = arith.constant 32 : index
        %swap3A_859 = tpu.vector_load %arg14[%swap3A_857, %swap3A_858] {strides = array<i32>} : memref<175x128xf32, #tpu.memory_space<vmem>>, vector<16xf32>,
        tpu.vector_store %arg14[%swap3A_857, %swap3A_858], %mul3A_856 {strides = array<i32>} : memref<175x128xf32, #tpu.memory_space<vmem>>, vector<16xf32>,
        %get3A_860 = arith.index_cast %add3A_833 : i32 to index
        %get3A_861 = arith.constant 48 : index
        %get3A_862 = tpu.vector_load %arg14[%get3A_860, %get3A_861] {strides = array<i32>} : memref<175x128xf32, #tpu.memory_space<vmem>>, vector<16xf32>,
        %mul3A_863 = arith.mulf %get3A_862, %gather3A_838 : vector<16xf32>
        %swap3A_864 = arith.index_cast %add3A_833 : i32 to index
        %swap3A_865 = arith.constant 48 : index
        %swap3A_866 = tpu.vector_load %arg14[%swap3A_864, %swap3A_865] {strides = array<i32>} : memref<175x128xf32, #tpu.memory_space<vmem>>, vector<16xf32>,
        tpu.vector_store %arg14[%swap3A_864, %swap3A_865], %mul3A_863 {strides = array<i32>} : memref<175x128xf32, #tpu.memory_space<vmem>>, vector<16xf32>,
        %get3A_867 = arith.index_cast %add3A_833 : i32 to index
        %get3A_868 = arith.constant 64 : index
        %get3A_869 = tpu.vector_load %arg14[%get3A_867, %get3A_868] {strides = array<i32>} : memref<175x128xf32, #tpu.memory_space<vmem>>, vector<16xf32>,
        %mul3A_870 = arith.mulf %get3A_869, %gather3A_838 : vector<16xf32>
        %swap3A_871 = arith.index_cast %add3A_833 : i32 to index
        %swap3A_872 = arith.constant 64 : index
        %swap3A_873 = tpu.vector_load %arg14[%swap3A_871, %swap3A_872] {strides = array<i32>} : memref<175x128xf32, #tpu.memory_space<vmem>>, vector<16xf32>,
        tpu.vector_store %arg14[%swap3A_871, %swap3A_872], %mul3A_870 {strides = array<i32>} : memref<175x128xf32, #tpu.memory_space<vmem>>, vector<16xf32>,
        %get3A_874 = arith.index_cast %add3A_833 : i32 to index
        %get3A_875 = arith.constant 80 : index
        %get3A_876 = tpu.vector_load %arg14[%get3A_874, %get3A_875] {strides = array<i32>} : memref<175x128xf32, #tpu.memory_space<vmem>>, vector<16xf32>,
        %mul3A_877 = arith.mulf %get3A_876, %gather3A_838 : vector<16xf32>
        %swap3A_878 = arith.index_cast %add3A_833 : i32 to index
        %swap3A_879 = arith.constant 80 : index
        %swap3A_880 = tpu.vector_load %arg14[%swap3A_878, %swap3A_879] {strides = array<i32>} : memref<175x128xf32, #tpu.memory_space<vmem>>, vector<16xf32>,
        tpu.vector_store %arg14[%swap3A_878, %swap3A_879], %mul3A_877 {strides = array<i32>} : memref<175x128xf32, #tpu.memory_space<vmem>>, vector<16xf32>,
        %get3A_881 = arith.index_cast %add3A_833 : i32 to index
        %get3A_882 = arith.constant 96 : index
        %get3A_883 = tpu.vector_load %arg14[%get3A_881, %get3A_882] {strides = array<i32>} : memref<175x128xf32, #tpu.memory_space<vmem>>, vector<16xf32>,
        %mul3A_884 = arith.mulf %get3A_883, %gather3A_838 : vector<16xf32>
        %swap3A_885 = arith.index_cast %add3A_833 : i32 to index
        %swap3A_886 = arith.constant 96 : index
        %swap3A_887 = tpu.vector_load %arg14[%swap3A_885, %swap3A_886] {strides = array<i32>} : memref<175x128xf32, #tpu.memory_space<vmem>>, vector<16xf32>,
        tpu.vector_store %arg14[%swap3A_885, %swap3A_886], %mul3A_884 {strides = array<i32>} : memref<175x128xf32, #tpu.memory_space<vmem>>, vector<16xf32>,
        %get3A_888 = arith.index_cast %add3A_833 : i32 to index
        %get3A_889 = arith.constant 112 : index
        %get3A_890 = tpu.vector_load %arg14[%get3A_888, %get3A_889] {strides = array<i32>} : memref<175x128xf32, #tpu.memory_space<vmem>>, vector<16xf32>,
        %mul3A_891 = arith.mulf %get3A_890, %gather3A_838 : vector<16xf32>
        %swap3A_892 = arith.index_cast %add3A_833 : i32 to index
        %swap3A_893 = arith.constant 112 : index
        %swap3A_894 = tpu.vector_load %arg14[%swap3A_892, %swap3A_893] {strides = array<i32>} : memref<175x128xf32, #tpu.memory_space<vmem>>, vector<16xf32>,
        tpu.vector_store %arg14[%swap3A_892, %swap3A_893], %mul3A_891 {strides = array<i32>} : memref<175x128xf32, #tpu.memory_space<vmem>>, vector<16xf32>,
        %mul3A_895 = arith.constant 7 : i32
        %mul3A_896 = arith.muli %scan3A_505, %mul3A_895 : i32
        %add3A_897 = arith.constant 6 : i32
        %add3A_898 = arith.addi %mul3A_896, %add3A_897 : i32
        %mul3A_899 = arith.constant 175 : i32
        %mul3A_900 = arith.muli %add3A_447, %mul3A_899 : i32
        %add3A_901 = arith.addi %mul3A_900, %add3A_898 : i32
        %broadcast_in_dim3A_902 = vector.broadcast %add3A_901 : i32 to vector<16xi32>
        %gather3A_903 = tpu.vector_load_idx %arg7[%broadcast_in_dim3A_902] : memref<11200xf32, #tpu.memory_space<vmem>>[vector<16xi32>], vector<16xf32>,
        %get3A_904 = arith.index_cast %add3A_898 : i32 to index
        %get3A_905 = arith.constant 0 : index
        %get3A_906 = tpu.vector_load %arg14[%get3A_904, %get3A_905] {strides = array<i32>} : memref<175x128xf32, #tpu.memory_space<vmem>>, vector<16xf32>,
        %mul3A_907 = arith.mulf %get3A_906, %gather3A_903 : vector<16xf32>
        %swap3A_908 = arith.index_cast %add3A_898 : i32 to index
        %swap3A_909 = arith.constant 0 : index
        %swap3A_910 = tpu.vector_load %arg14[%swap3A_908, %swap3A_909] {strides = array<i32>} : memref<175x128xf32, #tpu.memory_space<vmem>>, vector<16xf32>,
        tpu.vector_store %arg14[%swap3A_908, %swap3A_909], %mul3A_907 {strides = array<i32>} : memref<175x128xf32, #tpu.memory_space<vmem>>, vector<16xf32>,
        %get3A_911 = arith.index_cast %add3A_898 : i32 to index
        %get3A_912 = arith.constant 16 : index
        %get3A_913 = tpu.vector_load %arg14[%get3A_911, %get3A_912] {strides = array<i32>} : memref<175x128xf32, #tpu.memory_space<vmem>>, vector<16xf32>,
        %mul3A_914 = arith.mulf %get3A_913, %gather3A_903 : vector<16xf32>
        %swap3A_915 = arith.index_cast %add3A_898 : i32 to index
        %swap3A_916 = arith.constant 16 : index
        %swap3A_917 = tpu.vector_load %arg14[%swap3A_915, %swap3A_916] {strides = array<i32>} : memref<175x128xf32, #tpu.memory_space<vmem>>, vector<16xf32>,
        tpu.vector_store %arg14[%swap3A_915, %swap3A_916], %mul3A_914 {strides = array<i32>} : memref<175x128xf32, #tpu.memory_space<vmem>>, vector<16xf32>,
        %get3A_918 = arith.index_cast %add3A_898 : i32 to index
        %get3A_919 = arith.constant 32 : index
        %get3A_920 = tpu.vector_load %arg14[%get3A_918, %get3A_919] {strides = array<i32>} : memref<175x128xf32, #tpu.memory_space<vmem>>, vector<16xf32>,
        %mul3A_921 = arith.mulf %get3A_920, %gather3A_903 : vector<16xf32>
        %swap3A_922 = arith.index_cast %add3A_898 : i32 to index
        %swap3A_923 = arith.constant 32 : index
        %swap3A_924 = tpu.vector_load %arg14[%swap3A_922, %swap3A_923] {strides = array<i32>} : memref<175x128xf32, #tpu.memory_space<vmem>>, vector<16xf32>,
        tpu.vector_store %arg14[%swap3A_922, %swap3A_923], %mul3A_921 {strides = array<i32>} : memref<175x128xf32, #tpu.memory_space<vmem>>, vector<16xf32>,
        %get3A_925 = arith.index_cast %add3A_898 : i32 to index
        %get3A_926 = arith.constant 48 : index
        %get3A_927 = tpu.vector_load %arg14[%get3A_925, %get3A_926] {strides = array<i32>} : memref<175x128xf32, #tpu.memory_space<vmem>>, vector<16xf32>,
        %mul3A_928 = arith.mulf %get3A_927, %gather3A_903 : vector<16xf32>
        %swap3A_929 = arith.index_cast %add3A_898 : i32 to index
        %swap3A_930 = arith.constant 48 : index
        %swap3A_931 = tpu.vector_load %arg14[%swap3A_929, %swap3A_930] {strides = array<i32>} : memref<175x128xf32, #tpu.memory_space<vmem>>, vector<16xf32>,
        tpu.vector_store %arg14[%swap3A_929, %swap3A_930], %mul3A_928 {strides = array<i32>} : memref<175x128xf32, #tpu.memory_space<vmem>>, vector<16xf32>,
        %get3A_932 = arith.index_cast %add3A_898 : i32 to index
        %get3A_933 = arith.constant 64 : index
        %get3A_934 = tpu.vector_load %arg14[%get3A_932, %get3A_933] {strides = array<i32>} : memref<175x128xf32, #tpu.memory_space<vmem>>, vector<16xf32>,
        %mul3A_935 = arith.mulf %get3A_934, %gather3A_903 : vector<16xf32>
        %swap3A_936 = arith.index_cast %add3A_898 : i32 to index
        %swap3A_937 = arith.constant 64 : index
        %swap3A_938 = tpu.vector_load %arg14[%swap3A_936, %swap3A_937] {strides = array<i32>} : memref<175x128xf32, #tpu.memory_space<vmem>>, vector<16xf32>,
        tpu.vector_store %arg14[%swap3A_936, %swap3A_937], %mul3A_935 {strides = array<i32>} : memref<175x128xf32, #tpu.memory_space<vmem>>, vector<16xf32>,
        %get3A_939 = arith.index_cast %add3A_898 : i32 to index
        %get3A_940 = arith.constant 80 : index
        %get3A_941 = tpu.vector_load %arg14[%get3A_939, %get3A_940] {strides = array<i32>} : memref<175x128xf32, #tpu.memory_space<vmem>>, vector<16xf32>,
        %mul3A_942 = arith.mulf %get3A_941, %gather3A_903 : vector<16xf32>
        %swap3A_943 = arith.index_cast %add3A_898 : i32 to index
        %swap3A_944 = arith.constant 80 : index
        %swap3A_945 = tpu.vector_load %arg14[%swap3A_943, %swap3A_944] {strides = array<i32>} : memref<175x128xf32, #tpu.memory_space<vmem>>, vector<16xf32>,
        tpu.vector_store %arg14[%swap3A_943, %swap3A_944], %mul3A_942 {strides = array<i32>} : memref<175x128xf32, #tpu.memory_space<vmem>>, vector<16xf32>,
        %get3A_946 = arith.index_cast %add3A_898 : i32 to index
        %get3A_947 = arith.constant 96 : index
        %get3A_948 = tpu.vector_load %arg14[%get3A_946, %get3A_947] {strides = array<i32>} : memref<175x128xf32, #tpu.memory_space<vmem>>, vector<16xf32>,
        %mul3A_949 = arith.mulf %get3A_948, %gather3A_903 : vector<16xf32>
        %swap3A_950 = arith.index_cast %add3A_898 : i32 to index
        %swap3A_951 = arith.constant 96 : index
        %swap3A_952 = tpu.vector_load %arg14[%swap3A_950, %swap3A_951] {strides = array<i32>} : memref<175x128xf32, #tpu.memory_space<vmem>>, vector<16xf32>,
        tpu.vector_store %arg14[%swap3A_950, %swap3A_951], %mul3A_949 {strides = array<i32>} : memref<175x128xf32, #tpu.memory_space<vmem>>, vector<16xf32>,
        %get3A_953 = arith.index_cast %add3A_898 : i32 to index
        %get3A_954 = arith.constant 112 : index
        %get3A_955 = tpu.vector_load %arg14[%get3A_953, %get3A_954] {strides = array<i32>} : memref<175x128xf32, #tpu.memory_space<vmem>>, vector<16xf32>,
        %mul3A_956 = arith.mulf %get3A_955, %gather3A_903 : vector<16xf32>
        %swap3A_957 = arith.index_cast %add3A_898 : i32 to index
        %swap3A_958 = arith.constant 112 : index
        %swap3A_959 = tpu.vector_load %arg14[%swap3A_957, %swap3A_958] {strides = array<i32>} : memref<175x128xf32, #tpu.memory_space<vmem>>, vector<16xf32>,
        tpu.vector_store %arg14[%swap3A_957, %swap3A_958], %mul3A_956 {strides = array<i32>} : memref<175x128xf32, #tpu.memory_space<vmem>>, vector<16xf32>,
        %scan3A_960 = arith.constant 0 : i32
        scf.yield %scan3A_960 : i32
      }
      %scan3A_462 = arith.constant 25 : i32
      %mul3A_463 = arith.constant 25 : i32
      %mul3A_464 = arith.muli %add3A_447, %mul3A_463 : i32
      %add3A_465 = arith.addi %mul3A_6, %mul3A_464 : i32
      %dma_start3A_466 = tpu.memref_reshape %arg14 : memref<175x128xf32, #tpu.memory_space<vmem>> -> memref<25x7x128xf32, #tpu.memory_space<vmem>>
      %dma_start3A_467 = arith.constant 0 : i32
      %dma_start3A_468 = arith.constant 0 : i32
      %dma_start3A_469 = tpu.memref_slice %arg5[%add3A_465, %dma_start3A_467, %dma_start3A_468] : memref<51200x7x128xf32, #tpu.memory_space<hbm>> -> memref<25x7x128xf32, #tpu.memory_space<hbm>>
      %dma_start3A_470 = arith.constant 0 : i32
      %dma_start3A_471 = arith.constant 0 : i32
      %dma_start3A_472 = tpu.memref_slice %arg5[%add3A_465, %dma_start3A_470, %dma_start3A_471] : memref<51200x7x128xf32, #tpu.memory_space<hbm>> -> memref<25x7x128xf32, #tpu.memory_space<hbm>>
      %dma_start3A_473 = tpu.memref_reshape %arg14 : memref<175x128xf32, #tpu.memory_space<vmem>> -> memref<25x7x128xf32, #tpu.memory_space<vmem>>
      tpu.enqueue_dma source(%dma_start3A_473 : memref<25x7x128xf32, #tpu.memory_space<vmem>>) target(%dma_start3A_472 : memref<25x7x128xf32, #tpu.memory_space<hbm>>) target_semaphore(%arg23 : memref<!tpu.dma_semaphore, #tpu.memory_space<semaphore_mem>>)
      %mul3A_474 = arith.constant 4 : i32
      %mul3A_475 = arith.muli %mul3A_474, %scan3A_203 : i32
      %add3A_476 = arith.constant 3 : i32
      %add3A_477 = arith.addi %mul3A_475, %add3A_476 : i32
      %lt3A_478 = arith.constant 15 : i32
      %lt3A_479 = arith.cmpi slt, %scan3A_203, %lt3A_478 : i32
      %convert_element_type3A_480 = arith.extui %lt3A_479 : i1 to i32
      %cond3A_481 = arith.constant 0 : i32
      %cond3A_482 = arith.cmpi ne, %convert_element_type3A_480, %cond3A_481 : i32
      scf.if %cond3A_482 {
        %sub3A = arith.constant 2 : i32
        %sub3A_505 = arith.subi %add3A_477, %sub3A : i32
        %mul3A_506 = arith.constant 25 : i32
        %mul3A_507 = arith.muli %sub3A_505, %mul3A_506 : i32
        %add3A_508 = arith.addi %mul3A_6, %mul3A_507 : i32
        %dma_wait3A_509 = tpu.memref_reshape %arg13 : memref<175x128xf32, #tpu.memory_space<vmem>> -> memref<25x7x128xf32, #tpu.memory_space<vmem>>
        %dma_wait3A_510 = arith.constant 0 : i32
        %dma_wait3A_511 = arith.constant 0 : i32
        %dma_wait3A_512 = tpu.memref_slice %arg5[%add3A_508, %dma_wait3A_510, %dma_wait3A_511] : memref<51200x7x128xf32, #tpu.memory_space<hbm>> -> memref<25x7x128xf32, #tpu.memory_space<hbm>>
        %dma_wait3A_513 = arith.constant 0 : i32
        %dma_wait3A_514 = arith.constant 0 : i32
        %dma_wait3A_515 = tpu.memref_slice %arg5[%add3A_508, %dma_wait3A_513, %dma_wait3A_514] : memref<51200x7x128xf32, #tpu.memory_space<hbm>> -> memref<25x7x128xf32, #tpu.memory_space<hbm>>
        %dma_wait3A_516 = tpu.memref_reshape %arg13 : memref<175x128xf32, #tpu.memory_space<vmem>> -> memref<25x7x128xf32, #tpu.memory_space<vmem>>
        tpu.wait_dma2 semaphore(%arg22 : memref<!tpu.dma_semaphore, #tpu.memory_space<semaphore_mem>>) src(%dma_wait3A_516 : memref<25x7x128xf32, #tpu.memory_space<vmem>>) dst(%dma_wait3A_515 : memref<25x7x128xf32, #tpu.memory_space<hbm>>)
        %add3A_517 = arith.constant 2 : i32
        %add3A_518 = arith.addi %add3A_477, %add3A_517 : i32
        %mul3A_519 = arith.constant 175 : i32
        %mul3A_520 = arith.muli %add3A_518, %mul3A_519 : i32
        %add3A_521 = arith.constant 0 : i32
        %add3A_522 = arith.addi %mul3A_520, %add3A_521 : i32
        %add3A_523 = vector.broadcast %add3A_522 : i32 to vector<16xi32>
        %add3A_524 = arith.addi %iota3A, %add3A_523 : vector<16xi32>
        %gather3A_525 = tpu.vector_load_idx %arg6[%add3A_524] : memref<11200xi32, #tpu.memory_space<vmem>>[vector<16xi32>], vector<16xi32>,
        %swap3A_526 = arith.constant 0 : index
        %swap3A_527 = tpu.vector_load %arg9[%swap3A_526] {strides = array<i32>} : memref<175xi32, #tpu.memory_space<vmem>>, vector<16xi32>,
        tpu.vector_store %arg9[%swap3A_526], %gather3A_525 {strides = array<i32>} : memref<175xi32, #tpu.memory_space<vmem>>, vector<16xi32>,
        %add3A_528 = arith.constant 16 : i32
        %add3A_529 = arith.addi %mul3A_520, %add3A_528 : i32
        %add3A_530 = vector.broadcast %add3A_529 : i32 to vector<16xi32>
        %add3A_531 = arith.addi %iota3A, %add3A_530 : vector<16xi32>
        %gather3A_532 = tpu.vector_load_idx %arg6[%add3A_531] : memref<11200xi32, #tpu.memory_space<vmem>>[vector<16xi32>], vector<16xi32>,
        %swap3A_533 = arith.constant 16 : index
        %swap3A_534 = tpu.vector_load %arg9[%swap3A_533] {strides = array<i32>} : memref<175xi32, #tpu.memory_space<vmem>>, vector<16xi32>,
        tpu.vector_store %arg9[%swap3A_533], %gather3A_532 {strides = array<i32>} : memref<175xi32, #tpu.memory_space<vmem>>, vector<16xi32>,
        %add3A_535 = arith.constant 32 : i32
        %add3A_536 = arith.addi %mul3A_520, %add3A_535 : i32
        %add3A_537 = vector.broadcast %add3A_536 : i32 to vector<16xi32>
        %add3A_538 = arith.addi %iota3A, %add3A_537 : vector<16xi32>
        %gather3A_539 = tpu.vector_load_idx %arg6[%add3A_538] : memref<11200xi32, #tpu.memory_space<vmem>>[vector<16xi32>], vector<16xi32>,
        %swap3A_540 = arith.constant 32 : index
        %swap3A_541 = tpu.vector_load %arg9[%swap3A_540] {strides = array<i32>} : memref<175xi32, #tpu.memory_space<vmem>>, vector<16xi32>,
        tpu.vector_store %arg9[%swap3A_540], %gather3A_539 {strides = array<i32>} : memref<175xi32, #tpu.memory_space<vmem>>, vector<16xi32>,
        %add3A_542 = arith.constant 48 : i32
        %add3A_543 = arith.addi %mul3A_520, %add3A_542 : i32
        %add3A_544 = vector.broadcast %add3A_543 : i32 to vector<16xi32>
        %add3A_545 = arith.addi %iota3A, %add3A_544 : vector<16xi32>
        %gather3A_546 = tpu.vector_load_idx %arg6[%add3A_545] : memref<11200xi32, #tpu.memory_space<vmem>>[vector<16xi32>], vector<16xi32>,
        %swap3A_547 = arith.constant 48 : index
        %swap3A_548 = tpu.vector_load %arg9[%swap3A_547] {strides = array<i32>} : memref<175xi32, #tpu.memory_space<vmem>>, vector<16xi32>,
        tpu.vector_store %arg9[%swap3A_547], %gather3A_546 {strides = array<i32>} : memref<175xi32, #tpu.memory_space<vmem>>, vector<16xi32>,
        %add3A_549 = arith.constant 64 : i32
        %add3A_550 = arith.addi %mul3A_520, %add3A_549 : i32
        %add3A_551 = vector.broadcast %add3A_550 : i32 to vector<16xi32>
        %add3A_552 = arith.addi %iota3A, %add3A_551 : vector<16xi32>
        %gather3A_553 = tpu.vector_load_idx %arg6[%add3A_552] : memref<11200xi32, #tpu.memory_space<vmem>>[vector<16xi32>], vector<16xi32>,
        %swap3A_554 = arith.constant 64 : index
        %swap3A_555 = tpu.vector_load %arg9[%swap3A_554] {strides = array<i32>} : memref<175xi32, #tpu.memory_space<vmem>>, vector<16xi32>,
        tpu.vector_store %arg9[%swap3A_554], %gather3A_553 {strides = array<i32>} : memref<175xi32, #tpu.memory_space<vmem>>, vector<16xi32>,
        %add3A_556 = arith.constant 80 : i32
        %add3A_557 = arith.addi %mul3A_520, %add3A_556 : i32
        %add3A_558 = vector.broadcast %add3A_557 : i32 to vector<16xi32>
        %add3A_559 = arith.addi %iota3A, %add3A_558 : vector<16xi32>
        %gather3A_560 = tpu.vector_load_idx %arg6[%add3A_559] : memref<11200xi32, #tpu.memory_space<vmem>>[vector<16xi32>], vector<16xi32>,
        %swap3A_561 = arith.constant 80 : index
        %swap3A_562 = tpu.vector_load %arg9[%swap3A_561] {strides = array<i32>} : memref<175xi32, #tpu.memory_space<vmem>>, vector<16xi32>,
        tpu.vector_store %arg9[%swap3A_561], %gather3A_560 {strides = array<i32>} : memref<175xi32, #tpu.memory_space<vmem>>, vector<16xi32>,
        %add3A_563 = arith.constant 96 : i32
        %add3A_564 = arith.addi %mul3A_520, %add3A_563 : i32
        %add3A_565 = vector.broadcast %add3A_564 : i32 to vector<16xi32>
        %add3A_566 = arith.addi %iota3A, %add3A_565 : vector<16xi32>
        %gather3A_567 = tpu.vector_load_idx %arg6[%add3A_566] : memref<11200xi32, #tpu.memory_space<vmem>>[vector<16xi32>], vector<16xi32>,
        %swap3A_568 = arith.constant 96 : index
        %swap3A_569 = tpu.vector_load %arg9[%swap3A_568] {strides = array<i32>} : memref<175xi32, #tpu.memory_space<vmem>>, vector<16xi32>,
        tpu.vector_store %arg9[%swap3A_568], %gather3A_567 {strides = array<i32>} : memref<175xi32, #tpu.memory_space<vmem>>, vector<16xi32>,
        %add3A_570 = arith.constant 112 : i32
        %add3A_571 = arith.addi %mul3A_520, %add3A_570 : i32
        %add3A_572 = vector.broadcast %add3A_571 : i32 to vector<16xi32>
        %add3A_573 = arith.addi %iota3A, %add3A_572 : vector<16xi32>
        %gather3A_574 = tpu.vector_load_idx %arg6[%add3A_573] : memref<11200xi32, #tpu.memory_space<vmem>>[vector<16xi32>], vector<16xi32>,
        %swap3A_575 = arith.constant 112 : index
        %swap3A_576 = tpu.vector_load %arg9[%swap3A_575] {strides = array<i32>} : memref<175xi32, #tpu.memory_space<vmem>>, vector<16xi32>,
        tpu.vector_store %arg9[%swap3A_575], %gather3A_574 {strides = array<i32>} : memref<175xi32, #tpu.memory_space<vmem>>, vector<16xi32>,
        %add3A_577 = arith.constant 128 : i32
        %add3A_578 = arith.addi %mul3A_520, %add3A_577 : i32
        %add3A_579 = vector.broadcast %add3A_578 : i32 to vector<16xi32>
        %add3A_580 = arith.addi %iota3A, %add3A_579 : vector<16xi32>
        %gather3A_581 = tpu.vector_load_idx %arg6[%add3A_580] : memref<11200xi32, #tpu.memory_space<vmem>>[vector<16xi32>], vector<16xi32>,
        %swap3A_582 = arith.constant 128 : index
        %swap3A_583 = tpu.vector_load %arg9[%swap3A_582] {strides = array<i32>} : memref<175xi32, #tpu.memory_space<vmem>>, vector<16xi32>,
        tpu.vector_store %arg9[%swap3A_582], %gather3A_581 {strides = array<i32>} : memref<175xi32, #tpu.memory_space<vmem>>, vector<16xi32>,
        %add3A_584 = arith.constant 144 : i32
        %add3A_585 = arith.addi %mul3A_520, %add3A_584 : i32
        %add3A_586 = vector.broadcast %add3A_585 : i32 to vector<16xi32>
        %add3A_587 = arith.addi %iota3A, %add3A_586 : vector<16xi32>
        %gather3A_588 = tpu.vector_load_idx %arg6[%add3A_587] : memref<11200xi32, #tpu.memory_space<vmem>>[vector<16xi32>], vector<16xi32>,
        %swap3A_589 = arith.constant 144 : index
        %swap3A_590 = tpu.vector_load %arg9[%swap3A_589] {strides = array<i32>} : memref<175xi32, #tpu.memory_space<vmem>>, vector<16xi32>,
        tpu.vector_store %arg9[%swap3A_589], %gather3A_588 {strides = array<i32>} : memref<175xi32, #tpu.memory_space<vmem>>, vector<16xi32>,
        %add3A_591 = arith.constant 160 : i32
        %add3A_592 = arith.addi %mul3A_520, %add3A_591 : i32
        %add3A_593 = vector.broadcast %add3A_592 : i32 to vector<16xi32>
        %add3A_594 = arith.addi %iota3A, %add3A_593 : vector<16xi32>
        %min3A_595 = arith.constant 11199 : i32
        %min3A_596 = vector.broadcast %min3A_595 : i32 to vector<16xi32>
        %min3A_597 = arith.minsi %add3A_594, %min3A_596 : vector<16xi32>
        %gather3A_598 = tpu.vector_load_idx %arg6[%min3A_597] : memref<11200xi32, #tpu.memory_space<vmem>>[vector<16xi32>], vector<16xi32>,
        %add3A_599 = arith.constant 160 : i32
        %add3A_600 = vector.broadcast %add3A_599 : i32 to vector<16xi32>
        %add3A_601 = arith.addi %iota3A, %add3A_600 : vector<16xi32>
        %lt3A_602 = arith.constant 15 : i32
        %lt3A_603 = vector.broadcast %lt3A_602 : i32 to vector<16xi32>
        %lt3A_604 = arith.cmpi slt, %iota3A, %lt3A_603 : vector<16xi32>
        tpu.vector_store_idx %arg9[%add3A_601], %gather3A_598 masked %lt3A_604 : memref<175xi32, #tpu.memory_space<vmem>>[vector<16xi32>], vector<16xi32>, vector<16xi1>
        %dma_start3A_605 = arith.constant 0 : i32
        %dma_start3A_606 = arith.constant 0 : i32
        %dma_start3A_607 = tpu.memref_slice %arg16[%dma_start3A_605, %dma_start3A_606] : memref<1024x128xf32, #tpu.memory_space<vmem_shared>> -> memref<1024x128xf32, #tpu.memory_space<vmem_shared>>
        tpu.enqueue_indirect_dma source(%dma_start3A_607 : memref<1024x128xf32, #tpu.memory_space<vmem_shared>>) target(%arg13 : memref<175x128xf32, #tpu.memory_space<vmem>>) offsets(%arg9 : memref<175xi32, #tpu.memory_space<vmem>>) semaphore(%arg18 : memref<!tpu.dma_semaphore, #tpu.memory_space<semaphore_mem>>)
      } else {
      }
      %dma_wait3A_483 = arith.constant 0 : i32
      %dma_wait3A_484 = arith.constant 0 : i32
      %dma_wait3A_485 = tpu.memref_slice %arg16[%dma_wait3A_483, %dma_wait3A_484] : memref<1024x128xf32, #tpu.memory_space<vmem_shared>> -> memref<1024x128xf32, #tpu.memory_space<vmem_shared>>
      tpu.wait_indirect_dma semaphore(%arg20 : memref<!tpu.dma_semaphore, #tpu.memory_space<semaphore_mem>>) src(%dma_wait3A_485 : memref<1024x128xf32, #tpu.memory_space<vmem_shared>>) dst(%arg15 : memref<175x128xf32, #tpu.memory_space<vmem>>)
      %scan3A_486 = arith.constant 0 : i32
      %scan3A_487 = arith.constant 0 : i32
      %scan3A_488 = arith.constant 25 : i32
      %scan3A_489 = arith.addi %scan3A_487, %scan3A_488 : i32
      %scan3A_490 = arith.constant 1 : i32
      %scan3A_491 = scf.for %scan3A_505 = %scan3A_487 to %scan3A_489 step %scan3A_490 iter_args(%scan3A_506 = %scan3A_486) -> (i32)  : i32 {
        %mul3A_507 = arith.constant 7 : i32
        %mul3A_508 = arith.muli %scan3A_505, %mul3A_507 : i32
        %add3A_509 = arith.constant 0 : i32
        %add3A_510 = arith.addi %mul3A_508, %add3A_509 : i32
        %mul3A_511 = arith.constant 175 : i32
        %mul3A_512 = arith.muli %add3A_477, %mul3A_511 : i32
        %add3A_513 = arith.addi %mul3A_512, %add3A_510 : i32
        %broadcast_in_dim3A = vector.broadcast %add3A_513 : i32 to vector<16xi32>
        %gather3A_514 = tpu.vector_load_idx %arg7[%broadcast_in_dim3A] : memref<11200xf32, #tpu.memory_space<vmem>>[vector<16xi32>], vector<16xf32>,
        %get3A = arith.index_cast %add3A_510 : i32 to index
        %get3A_515 = arith.constant 0 : index
        %get3A_516 = tpu.vector_load %arg15[%get3A, %get3A_515] {strides = array<i32>} : memref<175x128xf32, #tpu.memory_space<vmem>>, vector<16xf32>,
        %mul3A_517 = arith.mulf %get3A_516, %gather3A_514 : vector<16xf32>
        %swap3A_518 = arith.index_cast %add3A_510 : i32 to index
        %swap3A_519 = arith.constant 0 : index
        %swap3A_520 = tpu.vector_load %arg15[%swap3A_518, %swap3A_519] {strides = array<i32>} : memref<175x128xf32, #tpu.memory_space<vmem>>, vector<16xf32>,
        tpu.vector_store %arg15[%swap3A_518, %swap3A_519], %mul3A_517 {strides = array<i32>} : memref<175x128xf32, #tpu.memory_space<vmem>>, vector<16xf32>,
        %get3A_521 = arith.index_cast %add3A_510 : i32 to index
        %get3A_522 = arith.constant 16 : index
        %get3A_523 = tpu.vector_load %arg15[%get3A_521, %get3A_522] {strides = array<i32>} : memref<175x128xf32, #tpu.memory_space<vmem>>, vector<16xf32>,
        %mul3A_524 = arith.mulf %get3A_523, %gather3A_514 : vector<16xf32>
        %swap3A_525 = arith.index_cast %add3A_510 : i32 to index
        %swap3A_526 = arith.constant 16 : index
        %swap3A_527 = tpu.vector_load %arg15[%swap3A_525, %swap3A_526] {strides = array<i32>} : memref<175x128xf32, #tpu.memory_space<vmem>>, vector<16xf32>,
        tpu.vector_store %arg15[%swap3A_525, %swap3A_526], %mul3A_524 {strides = array<i32>} : memref<175x128xf32, #tpu.memory_space<vmem>>, vector<16xf32>,
        %get3A_528 = arith.index_cast %add3A_510 : i32 to index
        %get3A_529 = arith.constant 32 : index
        %get3A_530 = tpu.vector_load %arg15[%get3A_528, %get3A_529] {strides = array<i32>} : memref<175x128xf32, #tpu.memory_space<vmem>>, vector<16xf32>,
        %mul3A_531 = arith.mulf %get3A_530, %gather3A_514 : vector<16xf32>
        %swap3A_532 = arith.index_cast %add3A_510 : i32 to index
        %swap3A_533 = arith.constant 32 : index
        %swap3A_534 = tpu.vector_load %arg15[%swap3A_532, %swap3A_533] {strides = array<i32>} : memref<175x128xf32, #tpu.memory_space<vmem>>, vector<16xf32>,
        tpu.vector_store %arg15[%swap3A_532, %swap3A_533], %mul3A_531 {strides = array<i32>} : memref<175x128xf32, #tpu.memory_space<vmem>>, vector<16xf32>,
        %get3A_535 = arith.index_cast %add3A_510 : i32 to index
        %get3A_536 = arith.constant 48 : index
        %get3A_537 = tpu.vector_load %arg15[%get3A_535, %get3A_536] {strides = array<i32>} : memref<175x128xf32, #tpu.memory_space<vmem>>, vector<16xf32>,
        %mul3A_538 = arith.mulf %get3A_537, %gather3A_514 : vector<16xf32>
        %swap3A_539 = arith.index_cast %add3A_510 : i32 to index
        %swap3A_540 = arith.constant 48 : index
        %swap3A_541 = tpu.vector_load %arg15[%swap3A_539, %swap3A_540] {strides = array<i32>} : memref<175x128xf32, #tpu.memory_space<vmem>>, vector<16xf32>,
        tpu.vector_store %arg15[%swap3A_539, %swap3A_540], %mul3A_538 {strides = array<i32>} : memref<175x128xf32, #tpu.memory_space<vmem>>, vector<16xf32>,
        %get3A_542 = arith.index_cast %add3A_510 : i32 to index
        %get3A_543 = arith.constant 64 : index
        %get3A_544 = tpu.vector_load %arg15[%get3A_542, %get3A_543] {strides = array<i32>} : memref<175x128xf32, #tpu.memory_space<vmem>>, vector<16xf32>,
        %mul3A_545 = arith.mulf %get3A_544, %gather3A_514 : vector<16xf32>
        %swap3A_546 = arith.index_cast %add3A_510 : i32 to index
        %swap3A_547 = arith.constant 64 : index
        %swap3A_548 = tpu.vector_load %arg15[%swap3A_546, %swap3A_547] {strides = array<i32>} : memref<175x128xf32, #tpu.memory_space<vmem>>, vector<16xf32>,
        tpu.vector_store %arg15[%swap3A_546, %swap3A_547], %mul3A_545 {strides = array<i32>} : memref<175x128xf32, #tpu.memory_space<vmem>>, vector<16xf32>,
        %get3A_549 = arith.index_cast %add3A_510 : i32 to index
        %get3A_550 = arith.constant 80 : index
        %get3A_551 = tpu.vector_load %arg15[%get3A_549, %get3A_550] {strides = array<i32>} : memref<175x128xf32, #tpu.memory_space<vmem>>, vector<16xf32>,
        %mul3A_552 = arith.mulf %get3A_551, %gather3A_514 : vector<16xf32>
        %swap3A_553 = arith.index_cast %add3A_510 : i32 to index
        %swap3A_554 = arith.constant 80 : index
        %swap3A_555 = tpu.vector_load %arg15[%swap3A_553, %swap3A_554] {strides = array<i32>} : memref<175x128xf32, #tpu.memory_space<vmem>>, vector<16xf32>,
        tpu.vector_store %arg15[%swap3A_553, %swap3A_554], %mul3A_552 {strides = array<i32>} : memref<175x128xf32, #tpu.memory_space<vmem>>, vector<16xf32>,
        %get3A_556 = arith.index_cast %add3A_510 : i32 to index
        %get3A_557 = arith.constant 96 : index
        %get3A_558 = tpu.vector_load %arg15[%get3A_556, %get3A_557] {strides = array<i32>} : memref<175x128xf32, #tpu.memory_space<vmem>>, vector<16xf32>,
        %mul3A_559 = arith.mulf %get3A_558, %gather3A_514 : vector<16xf32>
        %swap3A_560 = arith.index_cast %add3A_510 : i32 to index
        %swap3A_561 = arith.constant 96 : index
        %swap3A_562 = tpu.vector_load %arg15[%swap3A_560, %swap3A_561] {strides = array<i32>} : memref<175x128xf32, #tpu.memory_space<vmem>>, vector<16xf32>,
        tpu.vector_store %arg15[%swap3A_560, %swap3A_561], %mul3A_559 {strides = array<i32>} : memref<175x128xf32, #tpu.memory_space<vmem>>, vector<16xf32>,
        %get3A_563 = arith.index_cast %add3A_510 : i32 to index
        %get3A_564 = arith.constant 112 : index
        %get3A_565 = tpu.vector_load %arg15[%get3A_563, %get3A_564] {strides = array<i32>} : memref<175x128xf32, #tpu.memory_space<vmem>>, vector<16xf32>,
        %mul3A_566 = arith.mulf %get3A_565, %gather3A_514 : vector<16xf32>
        %swap3A_567 = arith.index_cast %add3A_510 : i32 to index
        %swap3A_568 = arith.constant 112 : index
        %swap3A_569 = tpu.vector_load %arg15[%swap3A_567, %swap3A_568] {strides = array<i32>} : memref<175x128xf32, #tpu.memory_space<vmem>>, vector<16xf32>,
        tpu.vector_store %arg15[%swap3A_567, %swap3A_568], %mul3A_566 {strides = array<i32>} : memref<175x128xf32, #tpu.memory_space<vmem>>, vector<16xf32>,
        %mul3A_570 = arith.constant 7 : i32
        %mul3A_571 = arith.muli %scan3A_505, %mul3A_570 : i32
        %add3A_572 = arith.constant 1 : i32
        %add3A_573 = arith.addi %mul3A_571, %add3A_572 : i32
        %mul3A_574 = arith.constant 175 : i32
        %mul3A_575 = arith.muli %add3A_477, %mul3A_574 : i32
        %add3A_576 = arith.addi %mul3A_575, %add3A_573 : i32
        %broadcast_in_dim3A_577 = vector.broadcast %add3A_576 : i32 to vector<16xi32>
        %gather3A_578 = tpu.vector_load_idx %arg7[%broadcast_in_dim3A_577] : memref<11200xf32, #tpu.memory_space<vmem>>[vector<16xi32>], vector<16xf32>,
        %get3A_579 = arith.index_cast %add3A_573 : i32 to index
        %get3A_580 = arith.constant 0 : index
        %get3A_581 = tpu.vector_load %arg15[%get3A_579, %get3A_580] {strides = array<i32>} : memref<175x128xf32, #tpu.memory_space<vmem>>, vector<16xf32>,
        %mul3A_582 = arith.mulf %get3A_581, %gather3A_578 : vector<16xf32>
        %swap3A_583 = arith.index_cast %add3A_573 : i32 to index
        %swap3A_584 = arith.constant 0 : index
        %swap3A_585 = tpu.vector_load %arg15[%swap3A_583, %swap3A_584] {strides = array<i32>} : memref<175x128xf32, #tpu.memory_space<vmem>>, vector<16xf32>,
        tpu.vector_store %arg15[%swap3A_583, %swap3A_584], %mul3A_582 {strides = array<i32>} : memref<175x128xf32, #tpu.memory_space<vmem>>, vector<16xf32>,
        %get3A_586 = arith.index_cast %add3A_573 : i32 to index
        %get3A_587 = arith.constant 16 : index
        %get3A_588 = tpu.vector_load %arg15[%get3A_586, %get3A_587] {strides = array<i32>} : memref<175x128xf32, #tpu.memory_space<vmem>>, vector<16xf32>,
        %mul3A_589 = arith.mulf %get3A_588, %gather3A_578 : vector<16xf32>
        %swap3A_590 = arith.index_cast %add3A_573 : i32 to index
        %swap3A_591 = arith.constant 16 : index
        %swap3A_592 = tpu.vector_load %arg15[%swap3A_590, %swap3A_591] {strides = array<i32>} : memref<175x128xf32, #tpu.memory_space<vmem>>, vector<16xf32>,
        tpu.vector_store %arg15[%swap3A_590, %swap3A_591], %mul3A_589 {strides = array<i32>} : memref<175x128xf32, #tpu.memory_space<vmem>>, vector<16xf32>,
        %get3A_593 = arith.index_cast %add3A_573 : i32 to index
        %get3A_594 = arith.constant 32 : index
        %get3A_595 = tpu.vector_load %arg15[%get3A_593, %get3A_594] {strides = array<i32>} : memref<175x128xf32, #tpu.memory_space<vmem>>, vector<16xf32>,
        %mul3A_596 = arith.mulf %get3A_595, %gather3A_578 : vector<16xf32>
        %swap3A_597 = arith.index_cast %add3A_573 : i32 to index
        %swap3A_598 = arith.constant 32 : index
        %swap3A_599 = tpu.vector_load %arg15[%swap3A_597, %swap3A_598] {strides = array<i32>} : memref<175x128xf32, #tpu.memory_space<vmem>>, vector<16xf32>,
        tpu.vector_store %arg15[%swap3A_597, %swap3A_598], %mul3A_596 {strides = array<i32>} : memref<175x128xf32, #tpu.memory_space<vmem>>, vector<16xf32>,
        %get3A_600 = arith.index_cast %add3A_573 : i32 to index
        %get3A_601 = arith.constant 48 : index
        %get3A_602 = tpu.vector_load %arg15[%get3A_600, %get3A_601] {strides = array<i32>} : memref<175x128xf32, #tpu.memory_space<vmem>>, vector<16xf32>,
        %mul3A_603 = arith.mulf %get3A_602, %gather3A_578 : vector<16xf32>
        %swap3A_604 = arith.index_cast %add3A_573 : i32 to index
        %swap3A_605 = arith.constant 48 : index
        %swap3A_606 = tpu.vector_load %arg15[%swap3A_604, %swap3A_605] {strides = array<i32>} : memref<175x128xf32, #tpu.memory_space<vmem>>, vector<16xf32>,
        tpu.vector_store %arg15[%swap3A_604, %swap3A_605], %mul3A_603 {strides = array<i32>} : memref<175x128xf32, #tpu.memory_space<vmem>>, vector<16xf32>,
        %get3A_607 = arith.index_cast %add3A_573 : i32 to index
        %get3A_608 = arith.constant 64 : index
        %get3A_609 = tpu.vector_load %arg15[%get3A_607, %get3A_608] {strides = array<i32>} : memref<175x128xf32, #tpu.memory_space<vmem>>, vector<16xf32>,
        %mul3A_610 = arith.mulf %get3A_609, %gather3A_578 : vector<16xf32>
        %swap3A_611 = arith.index_cast %add3A_573 : i32 to index
        %swap3A_612 = arith.constant 64 : index
        %swap3A_613 = tpu.vector_load %arg15[%swap3A_611, %swap3A_612] {strides = array<i32>} : memref<175x128xf32, #tpu.memory_space<vmem>>, vector<16xf32>,
        tpu.vector_store %arg15[%swap3A_611, %swap3A_612], %mul3A_610 {strides = array<i32>} : memref<175x128xf32, #tpu.memory_space<vmem>>, vector<16xf32>,
        %get3A_614 = arith.index_cast %add3A_573 : i32 to index
        %get3A_615 = arith.constant 80 : index
        %get3A_616 = tpu.vector_load %arg15[%get3A_614, %get3A_615] {strides = array<i32>} : memref<175x128xf32, #tpu.memory_space<vmem>>, vector<16xf32>,
        %mul3A_617 = arith.mulf %get3A_616, %gather3A_578 : vector<16xf32>
        %swap3A_618 = arith.index_cast %add3A_573 : i32 to index
        %swap3A_619 = arith.constant 80 : index
        %swap3A_620 = tpu.vector_load %arg15[%swap3A_618, %swap3A_619] {strides = array<i32>} : memref<175x128xf32, #tpu.memory_space<vmem>>, vector<16xf32>,
        tpu.vector_store %arg15[%swap3A_618, %swap3A_619], %mul3A_617 {strides = array<i32>} : memref<175x128xf32, #tpu.memory_space<vmem>>, vector<16xf32>,
        %get3A_621 = arith.index_cast %add3A_573 : i32 to index
        %get3A_622 = arith.constant 96 : index
        %get3A_623 = tpu.vector_load %arg15[%get3A_621, %get3A_622] {strides = array<i32>} : memref<175x128xf32, #tpu.memory_space<vmem>>, vector<16xf32>,
        %mul3A_624 = arith.mulf %get3A_623, %gather3A_578 : vector<16xf32>
        %swap3A_625 = arith.index_cast %add3A_573 : i32 to index
        %swap3A_626 = arith.constant 96 : index
        %swap3A_627 = tpu.vector_load %arg15[%swap3A_625, %swap3A_626] {strides = array<i32>} : memref<175x128xf32, #tpu.memory_space<vmem>>, vector<16xf32>,
        tpu.vector_store %arg15[%swap3A_625, %swap3A_626], %mul3A_624 {strides = array<i32>} : memref<175x128xf32, #tpu.memory_space<vmem>>, vector<16xf32>,
        %get3A_628 = arith.index_cast %add3A_573 : i32 to index
        %get3A_629 = arith.constant 112 : index
        %get3A_630 = tpu.vector_load %arg15[%get3A_628, %get3A_629] {strides = array<i32>} : memref<175x128xf32, #tpu.memory_space<vmem>>, vector<16xf32>,
        %mul3A_631 = arith.mulf %get3A_630, %gather3A_578 : vector<16xf32>
        %swap3A_632 = arith.index_cast %add3A_573 : i32 to index
        %swap3A_633 = arith.constant 112 : index
        %swap3A_634 = tpu.vector_load %arg15[%swap3A_632, %swap3A_633] {strides = array<i32>} : memref<175x128xf32, #tpu.memory_space<vmem>>, vector<16xf32>,
        tpu.vector_store %arg15[%swap3A_632, %swap3A_633], %mul3A_631 {strides = array<i32>} : memref<175x128xf32, #tpu.memory_space<vmem>>, vector<16xf32>,
        %mul3A_635 = arith.constant 7 : i32
        %mul3A_636 = arith.muli %scan3A_505, %mul3A_635 : i32
        %add3A_637 = arith.constant 2 : i32
        %add3A_638 = arith.addi %mul3A_636, %add3A_637 : i32
        %mul3A_639 = arith.constant 175 : i32
        %mul3A_640 = arith.muli %add3A_477, %mul3A_639 : i32
        %add3A_641 = arith.addi %mul3A_640, %add3A_638 : i32
        %broadcast_in_dim3A_642 = vector.broadcast %add3A_641 : i32 to vector<16xi32>
        %gather3A_643 = tpu.vector_load_idx %arg7[%broadcast_in_dim3A_642] : memref<11200xf32, #tpu.memory_space<vmem>>[vector<16xi32>], vector<16xf32>,
        %get3A_644 = arith.index_cast %add3A_638 : i32 to index
        %get3A_645 = arith.constant 0 : index
        %get3A_646 = tpu.vector_load %arg15[%get3A_644, %get3A_645] {strides = array<i32>} : memref<175x128xf32, #tpu.memory_space<vmem>>, vector<16xf32>,
        %mul3A_647 = arith.mulf %get3A_646, %gather3A_643 : vector<16xf32>
        %swap3A_648 = arith.index_cast %add3A_638 : i32 to index
        %swap3A_649 = arith.constant 0 : index
        %swap3A_650 = tpu.vector_load %arg15[%swap3A_648, %swap3A_649] {strides = array<i32>} : memref<175x128xf32, #tpu.memory_space<vmem>>, vector<16xf32>,
        tpu.vector_store %arg15[%swap3A_648, %swap3A_649], %mul3A_647 {strides = array<i32>} : memref<175x128xf32, #tpu.memory_space<vmem>>, vector<16xf32>,
        %get3A_651 = arith.index_cast %add3A_638 : i32 to index
        %get3A_652 = arith.constant 16 : index
        %get3A_653 = tpu.vector_load %arg15[%get3A_651, %get3A_652] {strides = array<i32>} : memref<175x128xf32, #tpu.memory_space<vmem>>, vector<16xf32>,
        %mul3A_654 = arith.mulf %get3A_653, %gather3A_643 : vector<16xf32>
        %swap3A_655 = arith.index_cast %add3A_638 : i32 to index
        %swap3A_656 = arith.constant 16 : index
        %swap3A_657 = tpu.vector_load %arg15[%swap3A_655, %swap3A_656] {strides = array<i32>} : memref<175x128xf32, #tpu.memory_space<vmem>>, vector<16xf32>,
        tpu.vector_store %arg15[%swap3A_655, %swap3A_656], %mul3A_654 {strides = array<i32>} : memref<175x128xf32, #tpu.memory_space<vmem>>, vector<16xf32>,
        %get3A_658 = arith.index_cast %add3A_638 : i32 to index
        %get3A_659 = arith.constant 32 : index
        %get3A_660 = tpu.vector_load %arg15[%get3A_658, %get3A_659] {strides = array<i32>} : memref<175x128xf32, #tpu.memory_space<vmem>>, vector<16xf32>,
        %mul3A_661 = arith.mulf %get3A_660, %gather3A_643 : vector<16xf32>
        %swap3A_662 = arith.index_cast %add3A_638 : i32 to index
        %swap3A_663 = arith.constant 32 : index
        %swap3A_664 = tpu.vector_load %arg15[%swap3A_662, %swap3A_663] {strides = array<i32>} : memref<175x128xf32, #tpu.memory_space<vmem>>, vector<16xf32>,
        tpu.vector_store %arg15[%swap3A_662, %swap3A_663], %mul3A_661 {strides = array<i32>} : memref<175x128xf32, #tpu.memory_space<vmem>>, vector<16xf32>,
        %get3A_665 = arith.index_cast %add3A_638 : i32 to index
        %get3A_666 = arith.constant 48 : index
        %get3A_667 = tpu.vector_load %arg15[%get3A_665, %get3A_666] {strides = array<i32>} : memref<175x128xf32, #tpu.memory_space<vmem>>, vector<16xf32>,
        %mul3A_668 = arith.mulf %get3A_667, %gather3A_643 : vector<16xf32>
        %swap3A_669 = arith.index_cast %add3A_638 : i32 to index
        %swap3A_670 = arith.constant 48 : index
        %swap3A_671 = tpu.vector_load %arg15[%swap3A_669, %swap3A_670] {strides = array<i32>} : memref<175x128xf32, #tpu.memory_space<vmem>>, vector<16xf32>,
        tpu.vector_store %arg15[%swap3A_669, %swap3A_670], %mul3A_668 {strides = array<i32>} : memref<175x128xf32, #tpu.memory_space<vmem>>, vector<16xf32>,
        %get3A_672 = arith.index_cast %add3A_638 : i32 to index
        %get3A_673 = arith.constant 64 : index
        %get3A_674 = tpu.vector_load %arg15[%get3A_672, %get3A_673] {strides = array<i32>} : memref<175x128xf32, #tpu.memory_space<vmem>>, vector<16xf32>,
        %mul3A_675 = arith.mulf %get3A_674, %gather3A_643 : vector<16xf32>
        %swap3A_676 = arith.index_cast %add3A_638 : i32 to index
        %swap3A_677 = arith.constant 64 : index
        %swap3A_678 = tpu.vector_load %arg15[%swap3A_676, %swap3A_677] {strides = array<i32>} : memref<175x128xf32, #tpu.memory_space<vmem>>, vector<16xf32>,
        tpu.vector_store %arg15[%swap3A_676, %swap3A_677], %mul3A_675 {strides = array<i32>} : memref<175x128xf32, #tpu.memory_space<vmem>>, vector<16xf32>,
        %get3A_679 = arith.index_cast %add3A_638 : i32 to index
        %get3A_680 = arith.constant 80 : index
        %get3A_681 = tpu.vector_load %arg15[%get3A_679, %get3A_680] {strides = array<i32>} : memref<175x128xf32, #tpu.memory_space<vmem>>, vector<16xf32>,
        %mul3A_682 = arith.mulf %get3A_681, %gather3A_643 : vector<16xf32>
        %swap3A_683 = arith.index_cast %add3A_638 : i32 to index
        %swap3A_684 = arith.constant 80 : index
        %swap3A_685 = tpu.vector_load %arg15[%swap3A_683, %swap3A_684] {strides = array<i32>} : memref<175x128xf32, #tpu.memory_space<vmem>>, vector<16xf32>,
        tpu.vector_store %arg15[%swap3A_683, %swap3A_684], %mul3A_682 {strides = array<i32>} : memref<175x128xf32, #tpu.memory_space<vmem>>, vector<16xf32>,
        %get3A_686 = arith.index_cast %add3A_638 : i32 to index
        %get3A_687 = arith.constant 96 : index
        %get3A_688 = tpu.vector_load %arg15[%get3A_686, %get3A_687] {strides = array<i32>} : memref<175x128xf32, #tpu.memory_space<vmem>>, vector<16xf32>,
        %mul3A_689 = arith.mulf %get3A_688, %gather3A_643 : vector<16xf32>
        %swap3A_690 = arith.index_cast %add3A_638 : i32 to index
        %swap3A_691 = arith.constant 96 : index
        %swap3A_692 = tpu.vector_load %arg15[%swap3A_690, %swap3A_691] {strides = array<i32>} : memref<175x128xf32, #tpu.memory_space<vmem>>, vector<16xf32>,
        tpu.vector_store %arg15[%swap3A_690, %swap3A_691], %mul3A_689 {strides = array<i32>} : memref<175x128xf32, #tpu.memory_space<vmem>>, vector<16xf32>,
        %get3A_693 = arith.index_cast %add3A_638 : i32 to index
        %get3A_694 = arith.constant 112 : index
        %get3A_695 = tpu.vector_load %arg15[%get3A_693, %get3A_694] {strides = array<i32>} : memref<175x128xf32, #tpu.memory_space<vmem>>, vector<16xf32>,
        %mul3A_696 = arith.mulf %get3A_695, %gather3A_643 : vector<16xf32>
        %swap3A_697 = arith.index_cast %add3A_638 : i32 to index
        %swap3A_698 = arith.constant 112 : index
        %swap3A_699 = tpu.vector_load %arg15[%swap3A_697, %swap3A_698] {strides = array<i32>} : memref<175x128xf32, #tpu.memory_space<vmem>>, vector<16xf32>,
        tpu.vector_store %arg15[%swap3A_697, %swap3A_698], %mul3A_696 {strides = array<i32>} : memref<175x128xf32, #tpu.memory_space<vmem>>, vector<16xf32>,
        %mul3A_700 = arith.constant 7 : i32
        %mul3A_701 = arith.muli %scan3A_505, %mul3A_700 : i32
        %add3A_702 = arith.constant 3 : i32
        %add3A_703 = arith.addi %mul3A_701, %add3A_702 : i32
        %mul3A_704 = arith.constant 175 : i32
        %mul3A_705 = arith.muli %add3A_477, %mul3A_704 : i32
        %add3A_706 = arith.addi %mul3A_705, %add3A_703 : i32
        %broadcast_in_dim3A_707 = vector.broadcast %add3A_706 : i32 to vector<16xi32>
        %gather3A_708 = tpu.vector_load_idx %arg7[%broadcast_in_dim3A_707] : memref<11200xf32, #tpu.memory_space<vmem>>[vector<16xi32>], vector<16xf32>,
        %get3A_709 = arith.index_cast %add3A_703 : i32 to index
        %get3A_710 = arith.constant 0 : index
        %get3A_711 = tpu.vector_load %arg15[%get3A_709, %get3A_710] {strides = array<i32>} : memref<175x128xf32, #tpu.memory_space<vmem>>, vector<16xf32>,
        %mul3A_712 = arith.mulf %get3A_711, %gather3A_708 : vector<16xf32>
        %swap3A_713 = arith.index_cast %add3A_703 : i32 to index
        %swap3A_714 = arith.constant 0 : index
        %swap3A_715 = tpu.vector_load %arg15[%swap3A_713, %swap3A_714] {strides = array<i32>} : memref<175x128xf32, #tpu.memory_space<vmem>>, vector<16xf32>,
        tpu.vector_store %arg15[%swap3A_713, %swap3A_714], %mul3A_712 {strides = array<i32>} : memref<175x128xf32, #tpu.memory_space<vmem>>, vector<16xf32>,
        %get3A_716 = arith.index_cast %add3A_703 : i32 to index
        %get3A_717 = arith.constant 16 : index
        %get3A_718 = tpu.vector_load %arg15[%get3A_716, %get3A_717] {strides = array<i32>} : memref<175x128xf32, #tpu.memory_space<vmem>>, vector<16xf32>,
        %mul3A_719 = arith.mulf %get3A_718, %gather3A_708 : vector<16xf32>
        %swap3A_720 = arith.index_cast %add3A_703 : i32 to index
        %swap3A_721 = arith.constant 16 : index
        %swap3A_722 = tpu.vector_load %arg15[%swap3A_720, %swap3A_721] {strides = array<i32>} : memref<175x128xf32, #tpu.memory_space<vmem>>, vector<16xf32>,
        tpu.vector_store %arg15[%swap3A_720, %swap3A_721], %mul3A_719 {strides = array<i32>} : memref<175x128xf32, #tpu.memory_space<vmem>>, vector<16xf32>,
        %get3A_723 = arith.index_cast %add3A_703 : i32 to index
        %get3A_724 = arith.constant 32 : index
        %get3A_725 = tpu.vector_load %arg15[%get3A_723, %get3A_724] {strides = array<i32>} : memref<175x128xf32, #tpu.memory_space<vmem>>, vector<16xf32>,
        %mul3A_726 = arith.mulf %get3A_725, %gather3A_708 : vector<16xf32>
        %swap3A_727 = arith.index_cast %add3A_703 : i32 to index
        %swap3A_728 = arith.constant 32 : index
        %swap3A_729 = tpu.vector_load %arg15[%swap3A_727, %swap3A_728] {strides = array<i32>} : memref<175x128xf32, #tpu.memory_space<vmem>>, vector<16xf32>,
        tpu.vector_store %arg15[%swap3A_727, %swap3A_728], %mul3A_726 {strides = array<i32>} : memref<175x128xf32, #tpu.memory_space<vmem>>, vector<16xf32>,
        %get3A_730 = arith.index_cast %add3A_703 : i32 to index
        %get3A_731 = arith.constant 48 : index
        %get3A_732 = tpu.vector_load %arg15[%get3A_730, %get3A_731] {strides = array<i32>} : memref<175x128xf32, #tpu.memory_space<vmem>>, vector<16xf32>,
        %mul3A_733 = arith.mulf %get3A_732, %gather3A_708 : vector<16xf32>
        %swap3A_734 = arith.index_cast %add3A_703 : i32 to index
        %swap3A_735 = arith.constant 48 : index
        %swap3A_736 = tpu.vector_load %arg15[%swap3A_734, %swap3A_735] {strides = array<i32>} : memref<175x128xf32, #tpu.memory_space<vmem>>, vector<16xf32>,
        tpu.vector_store %arg15[%swap3A_734, %swap3A_735], %mul3A_733 {strides = array<i32>} : memref<175x128xf32, #tpu.memory_space<vmem>>, vector<16xf32>,
        %get3A_737 = arith.index_cast %add3A_703 : i32 to index
        %get3A_738 = arith.constant 64 : index
        %get3A_739 = tpu.vector_load %arg15[%get3A_737, %get3A_738] {strides = array<i32>} : memref<175x128xf32, #tpu.memory_space<vmem>>, vector<16xf32>,
        %mul3A_740 = arith.mulf %get3A_739, %gather3A_708 : vector<16xf32>
        %swap3A_741 = arith.index_cast %add3A_703 : i32 to index
        %swap3A_742 = arith.constant 64 : index
        %swap3A_743 = tpu.vector_load %arg15[%swap3A_741, %swap3A_742] {strides = array<i32>} : memref<175x128xf32, #tpu.memory_space<vmem>>, vector<16xf32>,
        tpu.vector_store %arg15[%swap3A_741, %swap3A_742], %mul3A_740 {strides = array<i32>} : memref<175x128xf32, #tpu.memory_space<vmem>>, vector<16xf32>,
        %get3A_744 = arith.index_cast %add3A_703 : i32 to index
        %get3A_745 = arith.constant 80 : index
        %get3A_746 = tpu.vector_load %arg15[%get3A_744, %get3A_745] {strides = array<i32>} : memref<175x128xf32, #tpu.memory_space<vmem>>, vector<16xf32>,
        %mul3A_747 = arith.mulf %get3A_746, %gather3A_708 : vector<16xf32>
        %swap3A_748 = arith.index_cast %add3A_703 : i32 to index
        %swap3A_749 = arith.constant 80 : index
        %swap3A_750 = tpu.vector_load %arg15[%swap3A_748, %swap3A_749] {strides = array<i32>} : memref<175x128xf32, #tpu.memory_space<vmem>>, vector<16xf32>,
        tpu.vector_store %arg15[%swap3A_748, %swap3A_749], %mul3A_747 {strides = array<i32>} : memref<175x128xf32, #tpu.memory_space<vmem>>, vector<16xf32>,
        %get3A_751 = arith.index_cast %add3A_703 : i32 to index
        %get3A_752 = arith.constant 96 : index
        %get3A_753 = tpu.vector_load %arg15[%get3A_751, %get3A_752] {strides = array<i32>} : memref<175x128xf32, #tpu.memory_space<vmem>>, vector<16xf32>,
        %mul3A_754 = arith.mulf %get3A_753, %gather3A_708 : vector<16xf32>
        %swap3A_755 = arith.index_cast %add3A_703 : i32 to index
        %swap3A_756 = arith.constant 96 : index
        %swap3A_757 = tpu.vector_load %arg15[%swap3A_755, %swap3A_756] {strides = array<i32>} : memref<175x128xf32, #tpu.memory_space<vmem>>, vector<16xf32>,
        tpu.vector_store %arg15[%swap3A_755, %swap3A_756], %mul3A_754 {strides = array<i32>} : memref<175x128xf32, #tpu.memory_space<vmem>>, vector<16xf32>,
        %get3A_758 = arith.index_cast %add3A_703 : i32 to index
        %get3A_759 = arith.constant 112 : index
        %get3A_760 = tpu.vector_load %arg15[%get3A_758, %get3A_759] {strides = array<i32>} : memref<175x128xf32, #tpu.memory_space<vmem>>, vector<16xf32>,
        %mul3A_761 = arith.mulf %get3A_760, %gather3A_708 : vector<16xf32>
        %swap3A_762 = arith.index_cast %add3A_703 : i32 to index
        %swap3A_763 = arith.constant 112 : index
        %swap3A_764 = tpu.vector_load %arg15[%swap3A_762, %swap3A_763] {strides = array<i32>} : memref<175x128xf32, #tpu.memory_space<vmem>>, vector<16xf32>,
        tpu.vector_store %arg15[%swap3A_762, %swap3A_763], %mul3A_761 {strides = array<i32>} : memref<175x128xf32, #tpu.memory_space<vmem>>, vector<16xf32>,
        %mul3A_765 = arith.constant 7 : i32
        %mul3A_766 = arith.muli %scan3A_505, %mul3A_765 : i32
        %add3A_767 = arith.constant 4 : i32
        %add3A_768 = arith.addi %mul3A_766, %add3A_767 : i32
        %mul3A_769 = arith.constant 175 : i32
        %mul3A_770 = arith.muli %add3A_477, %mul3A_769 : i32
        %add3A_771 = arith.addi %mul3A_770, %add3A_768 : i32
        %broadcast_in_dim3A_772 = vector.broadcast %add3A_771 : i32 to vector<16xi32>
        %gather3A_773 = tpu.vector_load_idx %arg7[%broadcast_in_dim3A_772] : memref<11200xf32, #tpu.memory_space<vmem>>[vector<16xi32>], vector<16xf32>,
        %get3A_774 = arith.index_cast %add3A_768 : i32 to index
        %get3A_775 = arith.constant 0 : index
        %get3A_776 = tpu.vector_load %arg15[%get3A_774, %get3A_775] {strides = array<i32>} : memref<175x128xf32, #tpu.memory_space<vmem>>, vector<16xf32>,
        %mul3A_777 = arith.mulf %get3A_776, %gather3A_773 : vector<16xf32>
        %swap3A_778 = arith.index_cast %add3A_768 : i32 to index
        %swap3A_779 = arith.constant 0 : index
        %swap3A_780 = tpu.vector_load %arg15[%swap3A_778, %swap3A_779] {strides = array<i32>} : memref<175x128xf32, #tpu.memory_space<vmem>>, vector<16xf32>,
        tpu.vector_store %arg15[%swap3A_778, %swap3A_779], %mul3A_777 {strides = array<i32>} : memref<175x128xf32, #tpu.memory_space<vmem>>, vector<16xf32>,
        %get3A_781 = arith.index_cast %add3A_768 : i32 to index
        %get3A_782 = arith.constant 16 : index
        %get3A_783 = tpu.vector_load %arg15[%get3A_781, %get3A_782] {strides = array<i32>} : memref<175x128xf32, #tpu.memory_space<vmem>>, vector<16xf32>,
        %mul3A_784 = arith.mulf %get3A_783, %gather3A_773 : vector<16xf32>
        %swap3A_785 = arith.index_cast %add3A_768 : i32 to index
        %swap3A_786 = arith.constant 16 : index
        %swap3A_787 = tpu.vector_load %arg15[%swap3A_785, %swap3A_786] {strides = array<i32>} : memref<175x128xf32, #tpu.memory_space<vmem>>, vector<16xf32>,
        tpu.vector_store %arg15[%swap3A_785, %swap3A_786], %mul3A_784 {strides = array<i32>} : memref<175x128xf32, #tpu.memory_space<vmem>>, vector<16xf32>,
        %get3A_788 = arith.index_cast %add3A_768 : i32 to index
        %get3A_789 = arith.constant 32 : index
        %get3A_790 = tpu.vector_load %arg15[%get3A_788, %get3A_789] {strides = array<i32>} : memref<175x128xf32, #tpu.memory_space<vmem>>, vector<16xf32>,
        %mul3A_791 = arith.mulf %get3A_790, %gather3A_773 : vector<16xf32>
        %swap3A_792 = arith.index_cast %add3A_768 : i32 to index
        %swap3A_793 = arith.constant 32 : index
        %swap3A_794 = tpu.vector_load %arg15[%swap3A_792, %swap3A_793] {strides = array<i32>} : memref<175x128xf32, #tpu.memory_space<vmem>>, vector<16xf32>,
        tpu.vector_store %arg15[%swap3A_792, %swap3A_793], %mul3A_791 {strides = array<i32>} : memref<175x128xf32, #tpu.memory_space<vmem>>, vector<16xf32>,
        %get3A_795 = arith.index_cast %add3A_768 : i32 to index
        %get3A_796 = arith.constant 48 : index
        %get3A_797 = tpu.vector_load %arg15[%get3A_795, %get3A_796] {strides = array<i32>} : memref<175x128xf32, #tpu.memory_space<vmem>>, vector<16xf32>,
        %mul3A_798 = arith.mulf %get3A_797, %gather3A_773 : vector<16xf32>
        %swap3A_799 = arith.index_cast %add3A_768 : i32 to index
        %swap3A_800 = arith.constant 48 : index
        %swap3A_801 = tpu.vector_load %arg15[%swap3A_799, %swap3A_800] {strides = array<i32>} : memref<175x128xf32, #tpu.memory_space<vmem>>, vector<16xf32>,
        tpu.vector_store %arg15[%swap3A_799, %swap3A_800], %mul3A_798 {strides = array<i32>} : memref<175x128xf32, #tpu.memory_space<vmem>>, vector<16xf32>,
        %get3A_802 = arith.index_cast %add3A_768 : i32 to index
        %get3A_803 = arith.constant 64 : index
        %get3A_804 = tpu.vector_load %arg15[%get3A_802, %get3A_803] {strides = array<i32>} : memref<175x128xf32, #tpu.memory_space<vmem>>, vector<16xf32>,
        %mul3A_805 = arith.mulf %get3A_804, %gather3A_773 : vector<16xf32>
        %swap3A_806 = arith.index_cast %add3A_768 : i32 to index
        %swap3A_807 = arith.constant 64 : index
        %swap3A_808 = tpu.vector_load %arg15[%swap3A_806, %swap3A_807] {strides = array<i32>} : memref<175x128xf32, #tpu.memory_space<vmem>>, vector<16xf32>,
        tpu.vector_store %arg15[%swap3A_806, %swap3A_807], %mul3A_805 {strides = array<i32>} : memref<175x128xf32, #tpu.memory_space<vmem>>, vector<16xf32>,
        %get3A_809 = arith.index_cast %add3A_768 : i32 to index
        %get3A_810 = arith.constant 80 : index
        %get3A_811 = tpu.vector_load %arg15[%get3A_809, %get3A_810] {strides = array<i32>} : memref<175x128xf32, #tpu.memory_space<vmem>>, vector<16xf32>,
        %mul3A_812 = arith.mulf %get3A_811, %gather3A_773 : vector<16xf32>
        %swap3A_813 = arith.index_cast %add3A_768 : i32 to index
        %swap3A_814 = arith.constant 80 : index
        %swap3A_815 = tpu.vector_load %arg15[%swap3A_813, %swap3A_814] {strides = array<i32>} : memref<175x128xf32, #tpu.memory_space<vmem>>, vector<16xf32>,
        tpu.vector_store %arg15[%swap3A_813, %swap3A_814], %mul3A_812 {strides = array<i32>} : memref<175x128xf32, #tpu.memory_space<vmem>>, vector<16xf32>,
        %get3A_816 = arith.index_cast %add3A_768 : i32 to index
        %get3A_817 = arith.constant 96 : index
        %get3A_818 = tpu.vector_load %arg15[%get3A_816, %get3A_817] {strides = array<i32>} : memref<175x128xf32, #tpu.memory_space<vmem>>, vector<16xf32>,
        %mul3A_819 = arith.mulf %get3A_818, %gather3A_773 : vector<16xf32>
        %swap3A_820 = arith.index_cast %add3A_768 : i32 to index
        %swap3A_821 = arith.constant 96 : index
        %swap3A_822 = tpu.vector_load %arg15[%swap3A_820, %swap3A_821] {strides = array<i32>} : memref<175x128xf32, #tpu.memory_space<vmem>>, vector<16xf32>,
        tpu.vector_store %arg15[%swap3A_820, %swap3A_821], %mul3A_819 {strides = array<i32>} : memref<175x128xf32, #tpu.memory_space<vmem>>, vector<16xf32>,
        %get3A_823 = arith.index_cast %add3A_768 : i32 to index
        %get3A_824 = arith.constant 112 : index
        %get3A_825 = tpu.vector_load %arg15[%get3A_823, %get3A_824] {strides = array<i32>} : memref<175x128xf32, #tpu.memory_space<vmem>>, vector<16xf32>,
        %mul3A_826 = arith.mulf %get3A_825, %gather3A_773 : vector<16xf32>
        %swap3A_827 = arith.index_cast %add3A_768 : i32 to index
        %swap3A_828 = arith.constant 112 : index
        %swap3A_829 = tpu.vector_load %arg15[%swap3A_827, %swap3A_828] {strides = array<i32>} : memref<175x128xf32, #tpu.memory_space<vmem>>, vector<16xf32>,
        tpu.vector_store %arg15[%swap3A_827, %swap3A_828], %mul3A_826 {strides = array<i32>} : memref<175x128xf32, #tpu.memory_space<vmem>>, vector<16xf32>,
        %mul3A_830 = arith.constant 7 : i32
        %mul3A_831 = arith.muli %scan3A_505, %mul3A_830 : i32
        %add3A_832 = arith.constant 5 : i32
        %add3A_833 = arith.addi %mul3A_831, %add3A_832 : i32
        %mul3A_834 = arith.constant 175 : i32
        %mul3A_835 = arith.muli %add3A_477, %mul3A_834 : i32
        %add3A_836 = arith.addi %mul3A_835, %add3A_833 : i32
        %broadcast_in_dim3A_837 = vector.broadcast %add3A_836 : i32 to vector<16xi32>
        %gather3A_838 = tpu.vector_load_idx %arg7[%broadcast_in_dim3A_837] : memref<11200xf32, #tpu.memory_space<vmem>>[vector<16xi32>], vector<16xf32>,
        %get3A_839 = arith.index_cast %add3A_833 : i32 to index
        %get3A_840 = arith.constant 0 : index
        %get3A_841 = tpu.vector_load %arg15[%get3A_839, %get3A_840] {strides = array<i32>} : memref<175x128xf32, #tpu.memory_space<vmem>>, vector<16xf32>,
        %mul3A_842 = arith.mulf %get3A_841, %gather3A_838 : vector<16xf32>
        %swap3A_843 = arith.index_cast %add3A_833 : i32 to index
        %swap3A_844 = arith.constant 0 : index
        %swap3A_845 = tpu.vector_load %arg15[%swap3A_843, %swap3A_844] {strides = array<i32>} : memref<175x128xf32, #tpu.memory_space<vmem>>, vector<16xf32>,
        tpu.vector_store %arg15[%swap3A_843, %swap3A_844], %mul3A_842 {strides = array<i32>} : memref<175x128xf32, #tpu.memory_space<vmem>>, vector<16xf32>,
        %get3A_846 = arith.index_cast %add3A_833 : i32 to index
        %get3A_847 = arith.constant 16 : index
        %get3A_848 = tpu.vector_load %arg15[%get3A_846, %get3A_847] {strides = array<i32>} : memref<175x128xf32, #tpu.memory_space<vmem>>, vector<16xf32>,
        %mul3A_849 = arith.mulf %get3A_848, %gather3A_838 : vector<16xf32>
        %swap3A_850 = arith.index_cast %add3A_833 : i32 to index
        %swap3A_851 = arith.constant 16 : index
        %swap3A_852 = tpu.vector_load %arg15[%swap3A_850, %swap3A_851] {strides = array<i32>} : memref<175x128xf32, #tpu.memory_space<vmem>>, vector<16xf32>,
        tpu.vector_store %arg15[%swap3A_850, %swap3A_851], %mul3A_849 {strides = array<i32>} : memref<175x128xf32, #tpu.memory_space<vmem>>, vector<16xf32>,
        %get3A_853 = arith.index_cast %add3A_833 : i32 to index
        %get3A_854 = arith.constant 32 : index
        %get3A_855 = tpu.vector_load %arg15[%get3A_853, %get3A_854] {strides = array<i32>} : memref<175x128xf32, #tpu.memory_space<vmem>>, vector<16xf32>,
        %mul3A_856 = arith.mulf %get3A_855, %gather3A_838 : vector<16xf32>
        %swap3A_857 = arith.index_cast %add3A_833 : i32 to index
        %swap3A_858 = arith.constant 32 : index
        %swap3A_859 = tpu.vector_load %arg15[%swap3A_857, %swap3A_858] {strides = array<i32>} : memref<175x128xf32, #tpu.memory_space<vmem>>, vector<16xf32>,
        tpu.vector_store %arg15[%swap3A_857, %swap3A_858], %mul3A_856 {strides = array<i32>} : memref<175x128xf32, #tpu.memory_space<vmem>>, vector<16xf32>,
        %get3A_860 = arith.index_cast %add3A_833 : i32 to index
        %get3A_861 = arith.constant 48 : index
        %get3A_862 = tpu.vector_load %arg15[%get3A_860, %get3A_861] {strides = array<i32>} : memref<175x128xf32, #tpu.memory_space<vmem>>, vector<16xf32>,
        %mul3A_863 = arith.mulf %get3A_862, %gather3A_838 : vector<16xf32>
        %swap3A_864 = arith.index_cast %add3A_833 : i32 to index
        %swap3A_865 = arith.constant 48 : index
        %swap3A_866 = tpu.vector_load %arg15[%swap3A_864, %swap3A_865] {strides = array<i32>} : memref<175x128xf32, #tpu.memory_space<vmem>>, vector<16xf32>,
        tpu.vector_store %arg15[%swap3A_864, %swap3A_865], %mul3A_863 {strides = array<i32>} : memref<175x128xf32, #tpu.memory_space<vmem>>, vector<16xf32>,
        %get3A_867 = arith.index_cast %add3A_833 : i32 to index
        %get3A_868 = arith.constant 64 : index
        %get3A_869 = tpu.vector_load %arg15[%get3A_867, %get3A_868] {strides = array<i32>} : memref<175x128xf32, #tpu.memory_space<vmem>>, vector<16xf32>,
        %mul3A_870 = arith.mulf %get3A_869, %gather3A_838 : vector<16xf32>
        %swap3A_871 = arith.index_cast %add3A_833 : i32 to index
        %swap3A_872 = arith.constant 64 : index
        %swap3A_873 = tpu.vector_load %arg15[%swap3A_871, %swap3A_872] {strides = array<i32>} : memref<175x128xf32, #tpu.memory_space<vmem>>, vector<16xf32>,
        tpu.vector_store %arg15[%swap3A_871, %swap3A_872], %mul3A_870 {strides = array<i32>} : memref<175x128xf32, #tpu.memory_space<vmem>>, vector<16xf32>,
        %get3A_874 = arith.index_cast %add3A_833 : i32 to index
        %get3A_875 = arith.constant 80 : index
        %get3A_876 = tpu.vector_load %arg15[%get3A_874, %get3A_875] {strides = array<i32>} : memref<175x128xf32, #tpu.memory_space<vmem>>, vector<16xf32>,
        %mul3A_877 = arith.mulf %get3A_876, %gather3A_838 : vector<16xf32>
        %swap3A_878 = arith.index_cast %add3A_833 : i32 to index
        %swap3A_879 = arith.constant 80 : index
        %swap3A_880 = tpu.vector_load %arg15[%swap3A_878, %swap3A_879] {strides = array<i32>} : memref<175x128xf32, #tpu.memory_space<vmem>>, vector<16xf32>,
        tpu.vector_store %arg15[%swap3A_878, %swap3A_879], %mul3A_877 {strides = array<i32>} : memref<175x128xf32, #tpu.memory_space<vmem>>, vector<16xf32>,
        %get3A_881 = arith.index_cast %add3A_833 : i32 to index
        %get3A_882 = arith.constant 96 : index
        %get3A_883 = tpu.vector_load %arg15[%get3A_881, %get3A_882] {strides = array<i32>} : memref<175x128xf32, #tpu.memory_space<vmem>>, vector<16xf32>,
        %mul3A_884 = arith.mulf %get3A_883, %gather3A_838 : vector<16xf32>
        %swap3A_885 = arith.index_cast %add3A_833 : i32 to index
        %swap3A_886 = arith.constant 96 : index
        %swap3A_887 = tpu.vector_load %arg15[%swap3A_885, %swap3A_886] {strides = array<i32>} : memref<175x128xf32, #tpu.memory_space<vmem>>, vector<16xf32>,
        tpu.vector_store %arg15[%swap3A_885, %swap3A_886], %mul3A_884 {strides = array<i32>} : memref<175x128xf32, #tpu.memory_space<vmem>>, vector<16xf32>,
        %get3A_888 = arith.index_cast %add3A_833 : i32 to index
        %get3A_889 = arith.constant 112 : index
        %get3A_890 = tpu.vector_load %arg15[%get3A_888, %get3A_889] {strides = array<i32>} : memref<175x128xf32, #tpu.memory_space<vmem>>, vector<16xf32>,
        %mul3A_891 = arith.mulf %get3A_890, %gather3A_838 : vector<16xf32>
        %swap3A_892 = arith.index_cast %add3A_833 : i32 to index
        %swap3A_893 = arith.constant 112 : index
        %swap3A_894 = tpu.vector_load %arg15[%swap3A_892, %swap3A_893] {strides = array<i32>} : memref<175x128xf32, #tpu.memory_space<vmem>>, vector<16xf32>,
        tpu.vector_store %arg15[%swap3A_892, %swap3A_893], %mul3A_891 {strides = array<i32>} : memref<175x128xf32, #tpu.memory_space<vmem>>, vector<16xf32>,
        %mul3A_895 = arith.constant 7 : i32
        %mul3A_896 = arith.muli %scan3A_505, %mul3A_895 : i32
        %add3A_897 = arith.constant 6 : i32
        %add3A_898 = arith.addi %mul3A_896, %add3A_897 : i32
        %mul3A_899 = arith.constant 175 : i32
        %mul3A_900 = arith.muli %add3A_477, %mul3A_899 : i32
        %add3A_901 = arith.addi %mul3A_900, %add3A_898 : i32
        %broadcast_in_dim3A_902 = vector.broadcast %add3A_901 : i32 to vector<16xi32>
        %gather3A_903 = tpu.vector_load_idx %arg7[%broadcast_in_dim3A_902] : memref<11200xf32, #tpu.memory_space<vmem>>[vector<16xi32>], vector<16xf32>,
        %get3A_904 = arith.index_cast %add3A_898 : i32 to index
        %get3A_905 = arith.constant 0 : index
        %get3A_906 = tpu.vector_load %arg15[%get3A_904, %get3A_905] {strides = array<i32>} : memref<175x128xf32, #tpu.memory_space<vmem>>, vector<16xf32>,
        %mul3A_907 = arith.mulf %get3A_906, %gather3A_903 : vector<16xf32>
        %swap3A_908 = arith.index_cast %add3A_898 : i32 to index
        %swap3A_909 = arith.constant 0 : index
        %swap3A_910 = tpu.vector_load %arg15[%swap3A_908, %swap3A_909] {strides = array<i32>} : memref<175x128xf32, #tpu.memory_space<vmem>>, vector<16xf32>,
        tpu.vector_store %arg15[%swap3A_908, %swap3A_909], %mul3A_907 {strides = array<i32>} : memref<175x128xf32, #tpu.memory_space<vmem>>, vector<16xf32>,
        %get3A_911 = arith.index_cast %add3A_898 : i32 to index
        %get3A_912 = arith.constant 16 : index
        %get3A_913 = tpu.vector_load %arg15[%get3A_911, %get3A_912] {strides = array<i32>} : memref<175x128xf32, #tpu.memory_space<vmem>>, vector<16xf32>,
        %mul3A_914 = arith.mulf %get3A_913, %gather3A_903 : vector<16xf32>
        %swap3A_915 = arith.index_cast %add3A_898 : i32 to index
        %swap3A_916 = arith.constant 16 : index
        %swap3A_917 = tpu.vector_load %arg15[%swap3A_915, %swap3A_916] {strides = array<i32>} : memref<175x128xf32, #tpu.memory_space<vmem>>, vector<16xf32>,
        tpu.vector_store %arg15[%swap3A_915, %swap3A_916], %mul3A_914 {strides = array<i32>} : memref<175x128xf32, #tpu.memory_space<vmem>>, vector<16xf32>,
        %get3A_918 = arith.index_cast %add3A_898 : i32 to index
        %get3A_919 = arith.constant 32 : index
        %get3A_920 = tpu.vector_load %arg15[%get3A_918, %get3A_919] {strides = array<i32>} : memref<175x128xf32, #tpu.memory_space<vmem>>, vector<16xf32>,
        %mul3A_921 = arith.mulf %get3A_920, %gather3A_903 : vector<16xf32>
        %swap3A_922 = arith.index_cast %add3A_898 : i32 to index
        %swap3A_923 = arith.constant 32 : index
        %swap3A_924 = tpu.vector_load %arg15[%swap3A_922, %swap3A_923] {strides = array<i32>} : memref<175x128xf32, #tpu.memory_space<vmem>>, vector<16xf32>,
        tpu.vector_store %arg15[%swap3A_922, %swap3A_923], %mul3A_921 {strides = array<i32>} : memref<175x128xf32, #tpu.memory_space<vmem>>, vector<16xf32>,
        %get3A_925 = arith.index_cast %add3A_898 : i32 to index
        %get3A_926 = arith.constant 48 : index
        %get3A_927 = tpu.vector_load %arg15[%get3A_925, %get3A_926] {strides = array<i32>} : memref<175x128xf32, #tpu.memory_space<vmem>>, vector<16xf32>,
        %mul3A_928 = arith.mulf %get3A_927, %gather3A_903 : vector<16xf32>
        %swap3A_929 = arith.index_cast %add3A_898 : i32 to index
        %swap3A_930 = arith.constant 48 : index
        %swap3A_931 = tpu.vector_load %arg15[%swap3A_929, %swap3A_930] {strides = array<i32>} : memref<175x128xf32, #tpu.memory_space<vmem>>, vector<16xf32>,
        tpu.vector_store %arg15[%swap3A_929, %swap3A_930], %mul3A_928 {strides = array<i32>} : memref<175x128xf32, #tpu.memory_space<vmem>>, vector<16xf32>,
        %get3A_932 = arith.index_cast %add3A_898 : i32 to index
        %get3A_933 = arith.constant 64 : index
        %get3A_934 = tpu.vector_load %arg15[%get3A_932, %get3A_933] {strides = array<i32>} : memref<175x128xf32, #tpu.memory_space<vmem>>, vector<16xf32>,
        %mul3A_935 = arith.mulf %get3A_934, %gather3A_903 : vector<16xf32>
        %swap3A_936 = arith.index_cast %add3A_898 : i32 to index
        %swap3A_937 = arith.constant 64 : index
        %swap3A_938 = tpu.vector_load %arg15[%swap3A_936, %swap3A_937] {strides = array<i32>} : memref<175x128xf32, #tpu.memory_space<vmem>>, vector<16xf32>,
        tpu.vector_store %arg15[%swap3A_936, %swap3A_937], %mul3A_935 {strides = array<i32>} : memref<175x128xf32, #tpu.memory_space<vmem>>, vector<16xf32>,
        %get3A_939 = arith.index_cast %add3A_898 : i32 to index
        %get3A_940 = arith.constant 80 : index
        %get3A_941 = tpu.vector_load %arg15[%get3A_939, %get3A_940] {strides = array<i32>} : memref<175x128xf32, #tpu.memory_space<vmem>>, vector<16xf32>,
        %mul3A_942 = arith.mulf %get3A_941, %gather3A_903 : vector<16xf32>
        %swap3A_943 = arith.index_cast %add3A_898 : i32 to index
        %swap3A_944 = arith.constant 80 : index
        %swap3A_945 = tpu.vector_load %arg15[%swap3A_943, %swap3A_944] {strides = array<i32>} : memref<175x128xf32, #tpu.memory_space<vmem>>, vector<16xf32>,
        tpu.vector_store %arg15[%swap3A_943, %swap3A_944], %mul3A_942 {strides = array<i32>} : memref<175x128xf32, #tpu.memory_space<vmem>>, vector<16xf32>,
        %get3A_946 = arith.index_cast %add3A_898 : i32 to index
        %get3A_947 = arith.constant 96 : index
        %get3A_948 = tpu.vector_load %arg15[%get3A_946, %get3A_947] {strides = array<i32>} : memref<175x128xf32, #tpu.memory_space<vmem>>, vector<16xf32>,
        %mul3A_949 = arith.mulf %get3A_948, %gather3A_903 : vector<16xf32>
        %swap3A_950 = arith.index_cast %add3A_898 : i32 to index
        %swap3A_951 = arith.constant 96 : index
        %swap3A_952 = tpu.vector_load %arg15[%swap3A_950, %swap3A_951] {strides = array<i32>} : memref<175x128xf32, #tpu.memory_space<vmem>>, vector<16xf32>,
        tpu.vector_store %arg15[%swap3A_950, %swap3A_951], %mul3A_949 {strides = array<i32>} : memref<175x128xf32, #tpu.memory_space<vmem>>, vector<16xf32>,
        %get3A_953 = arith.index_cast %add3A_898 : i32 to index
        %get3A_954 = arith.constant 112 : index
        %get3A_955 = tpu.vector_load %arg15[%get3A_953, %get3A_954] {strides = array<i32>} : memref<175x128xf32, #tpu.memory_space<vmem>>, vector<16xf32>,
        %mul3A_956 = arith.mulf %get3A_955, %gather3A_903 : vector<16xf32>
        %swap3A_957 = arith.index_cast %add3A_898 : i32 to index
        %swap3A_958 = arith.constant 112 : index
        %swap3A_959 = tpu.vector_load %arg15[%swap3A_957, %swap3A_958] {strides = array<i32>} : memref<175x128xf32, #tpu.memory_space<vmem>>, vector<16xf32>,
        tpu.vector_store %arg15[%swap3A_957, %swap3A_958], %mul3A_956 {strides = array<i32>} : memref<175x128xf32, #tpu.memory_space<vmem>>, vector<16xf32>,
        %scan3A_960 = arith.constant 0 : i32
        scf.yield %scan3A_960 : i32
      }
      %scan3A_492 = arith.constant 25 : i32
      %mul3A_493 = arith.constant 25 : i32
      %mul3A_494 = arith.muli %add3A_477, %mul3A_493 : i32
      %add3A_495 = arith.addi %mul3A_6, %mul3A_494 : i32
      %dma_start3A_496 = tpu.memref_reshape %arg15 : memref<175x128xf32, #tpu.memory_space<vmem>> -> memref<25x7x128xf32, #tpu.memory_space<vmem>>
      %dma_start3A_497 = arith.constant 0 : i32
      %dma_start3A_498 = arith.constant 0 : i32
      %dma_start3A_499 = tpu.memref_slice %arg5[%add3A_495, %dma_start3A_497, %dma_start3A_498] : memref<51200x7x128xf32, #tpu.memory_space<hbm>> -> memref<25x7x128xf32, #tpu.memory_space<hbm>>
      %dma_start3A_500 = arith.constant 0 : i32
      %dma_start3A_501 = arith.constant 0 : i32
      %dma_start3A_502 = tpu.memref_slice %arg5[%add3A_495, %dma_start3A_500, %dma_start3A_501] : memref<51200x7x128xf32, #tpu.memory_space<hbm>> -> memref<25x7x128xf32, #tpu.memory_space<hbm>>
      %dma_start3A_503 = tpu.memref_reshape %arg15 : memref<175x128xf32, #tpu.memory_space<vmem>> -> memref<25x7x128xf32, #tpu.memory_space<vmem>>
      tpu.enqueue_dma source(%dma_start3A_503 : memref<25x7x128xf32, #tpu.memory_space<vmem>>) target(%dma_start3A_502 : memref<25x7x128xf32, #tpu.memory_space<hbm>>) target_semaphore(%arg24 : memref<!tpu.dma_semaphore, #tpu.memory_space<semaphore_mem>>)
      %scan3A_504 = arith.constant 0 : i32
      scf.yield %scan3A_504 : i32
    }
    %scan3A_163 = arith.constant 16 : i32
    %add3A_164 = arith.constant 1500 : i32
    %add3A_165 = arith.addi %mul3A_6, %add3A_164 : i32
    %dma_wait3A = tpu.memref_reshape %arg12 : memref<175x128xf32, #tpu.memory_space<vmem>> -> memref<25x7x128xf32, #tpu.memory_space<vmem>>
    %dma_wait3A_166 = arith.constant 0 : i32
    %dma_wait3A_167 = arith.constant 0 : i32
    %dma_wait3A_168 = tpu.memref_slice %arg5[%add3A_165, %dma_wait3A_166, %dma_wait3A_167] : memref<51200x7x128xf32, #tpu.memory_space<hbm>> -> memref<25x7x128xf32, #tpu.memory_space<hbm>>
    %dma_wait3A_169 = arith.constant 0 : i32
    %dma_wait3A_170 = arith.constant 0 : i32
    %dma_wait3A_171 = tpu.memref_slice %arg5[%add3A_165, %dma_wait3A_169, %dma_wait3A_170] : memref<51200x7x128xf32, #tpu.memory_space<hbm>> -> memref<25x7x128xf32, #tpu.memory_space<hbm>>
    %dma_wait3A_172 = tpu.memref_reshape %arg12 : memref<175x128xf32, #tpu.memory_space<vmem>> -> memref<25x7x128xf32, #tpu.memory_space<vmem>>
    tpu.wait_dma2 semaphore(%arg21 : memref<!tpu.dma_semaphore, #tpu.memory_space<semaphore_mem>>) src(%dma_wait3A_172 : memref<25x7x128xf32, #tpu.memory_space<vmem>>) dst(%dma_wait3A_171 : memref<25x7x128xf32, #tpu.memory_space<hbm>>)
    %add3A_173 = arith.constant 1525 : i32
    %add3A_174 = arith.addi %mul3A_6, %add3A_173 : i32
    %dma_wait3A_175 = tpu.memref_reshape %arg13 : memref<175x128xf32, #tpu.memory_space<vmem>> -> memref<25x7x128xf32, #tpu.memory_space<vmem>>
    %dma_wait3A_176 = arith.constant 0 : i32
    %dma_wait3A_177 = arith.constant 0 : i32
    %dma_wait3A_178 = tpu.memref_slice %arg5[%add3A_174, %dma_wait3A_176, %dma_wait3A_177] : memref<51200x7x128xf32, #tpu.memory_space<hbm>> -> memref<25x7x128xf32, #tpu.memory_space<hbm>>
    %dma_wait3A_179 = arith.constant 0 : i32
    %dma_wait3A_180 = arith.constant 0 : i32
    %dma_wait3A_181 = tpu.memref_slice %arg5[%add3A_174, %dma_wait3A_179, %dma_wait3A_180] : memref<51200x7x128xf32, #tpu.memory_space<hbm>> -> memref<25x7x128xf32, #tpu.memory_space<hbm>>
    %dma_wait3A_182 = tpu.memref_reshape %arg13 : memref<175x128xf32, #tpu.memory_space<vmem>> -> memref<25x7x128xf32, #tpu.memory_space<vmem>>
    tpu.wait_dma2 semaphore(%arg22 : memref<!tpu.dma_semaphore, #tpu.memory_space<semaphore_mem>>) src(%dma_wait3A_182 : memref<25x7x128xf32, #tpu.memory_space<vmem>>) dst(%dma_wait3A_181 : memref<25x7x128xf32, #tpu.memory_space<hbm>>)
    %add3A_183 = arith.constant 1550 : i32
    %add3A_184 = arith.addi %mul3A_6, %add3A_183 : i32
    %dma_wait3A_185 = tpu.memref_reshape %arg14 : memref<175x128xf32, #tpu.memory_space<vmem>> -> memref<25x7x128xf32, #tpu.memory_space<vmem>>
    %dma_wait3A_186 = arith.constant 0 : i32
    %dma_wait3A_187 = arith.constant 0 : i32
    %dma_wait3A_188 = tpu.memref_slice %arg5[%add3A_184, %dma_wait3A_186, %dma_wait3A_187] : memref<51200x7x128xf32, #tpu.memory_space<hbm>> -> memref<25x7x128xf32, #tpu.memory_space<hbm>>
    %dma_wait3A_189 = arith.constant 0 : i32
    %dma_wait3A_190 = arith.constant 0 : i32
    %dma_wait3A_191 = tpu.memref_slice %arg5[%add3A_184, %dma_wait3A_189, %dma_wait3A_190] : memref<51200x7x128xf32, #tpu.memory_space<hbm>> -> memref<25x7x128xf32, #tpu.memory_space<hbm>>
    %dma_wait3A_192 = tpu.memref_reshape %arg14 : memref<175x128xf32, #tpu.memory_space<vmem>> -> memref<25x7x128xf32, #tpu.memory_space<vmem>>
    tpu.wait_dma2 semaphore(%arg23 : memref<!tpu.dma_semaphore, #tpu.memory_space<semaphore_mem>>) src(%dma_wait3A_192 : memref<25x7x128xf32, #tpu.memory_space<vmem>>) dst(%dma_wait3A_191 : memref<25x7x128xf32, #tpu.memory_space<hbm>>)
    %add3A_193 = arith.constant 1575 : i32
    %add3A_194 = arith.addi %mul3A_6, %add3A_193 : i32
    %dma_wait3A_195 = tpu.memref_reshape %arg15 : memref<175x128xf32, #tpu.memory_space<vmem>> -> memref<25x7x128xf32, #tpu.memory_space<vmem>>
    %dma_wait3A_196 = arith.constant 0 : i32
    %dma_wait3A_197 = arith.constant 0 : i32
    %dma_wait3A_198 = tpu.memref_slice %arg5[%add3A_194, %dma_wait3A_196, %dma_wait3A_197] : memref<51200x7x128xf32, #tpu.memory_space<hbm>> -> memref<25x7x128xf32, #tpu.memory_space<hbm>>
    %dma_wait3A_199 = arith.constant 0 : i32
    %dma_wait3A_200 = arith.constant 0 : i32
    %dma_wait3A_201 = tpu.memref_slice %arg5[%add3A_194, %dma_wait3A_199, %dma_wait3A_200] : memref<51200x7x128xf32, #tpu.memory_space<hbm>> -> memref<25x7x128xf32, #tpu.memory_space<hbm>>
    %dma_wait3A_202 = tpu.memref_reshape %arg15 : memref<175x128xf32, #tpu.memory_space<vmem>> -> memref<25x7x128xf32, #tpu.memory_space<vmem>>
    tpu.wait_dma2 semaphore(%arg24 : memref<!tpu.dma_semaphore, #tpu.memory_space<semaphore_mem>>) src(%dma_wait3A_202 : memref<25x7x128xf32, #tpu.memory_space<vmem>>) dst(%dma_wait3A_201 : memref<25x7x128xf32, #tpu.memory_space<hbm>>)
    return
  }
}

</mosaic_0001>

<sc_bundles>
// kernel: kernel.3.cloned.1.call-start
scs
__scs_entry_jumppad:
0x0: {  	(pc) =	sbr.rel $0x88, $3  }
0x1: {  	(tag) =	ssettag $0x0;
	lr =	simm.s32 $0x1  }
0x2: {  	[smem:$0x3F9E] =	sst lr;
	_ =	strace $0xD0000000  }
0x3: {  	_ = 	snop  }
0x4: {  	_ = 	snop  }
0x5: {  	_ = 	snop  }
0x6: {  	_ = 	snop  }
0x7: {  	_ = 	snop  }
__scs_overlays_trampoline_lowered:
0x8: {  	[smem:$0x3FAD] =	sst s0  }
0x9: {  	[smem:$0x3FAE] =	sst s1  }
0xa: {  	[smem:$0x3FAF] =	sst s2  }
0xb: {  	[smem:$0x3FB0] =	sst s3  }
0xc: {  	[smem:$0x3FB1] =	sst s4  }
0xd: {  	[smem:$0x3FB2] =	sst s5  }
0xe: {  	[smem:$0x3FB3] =	sst s6  }
0xf: {  	[smem:$0x3FB4] =	sst s7  }
0x10: {  	[smem:$0x3FB5] =	sst s8  }
0x11: {  	[smem:$0x3FB6] =	sst s9;
	s0 =	simm.s32 @!p0 $0x0  }
0x12: {  	s1 =	sld [smem:$0x3F9C];
	s0 =	simm.s32 @p0 $0x1  }
0x13: {  	[smem:$0x3FB7] =	sst s0;
	s0 =	simm.s32 @!p1 $0x0  }
0x14: {  	s2 =	sld [smem:$0x3F9B];
	s0 =	simm.s32 @p1 $0x1  }
0x15: {  	[smem:$0x3FB8] =	sst s0;
	s0 =	simm.s32 @!p2 $0x0  }
0x16: {  	s3 =	sld [smem:$0x3FDB];
	s0 =	simm.s32 @p2 $0x1  }
0x17: {  	s4 =	simm.s32 $0x1BF5;
	[smem:$0x3FBA] =	sst s0  }
0x18: {  	s0 =	sld [smem:$0x3F9D];
	_ =	swait.ge [sflag:s4], $0x0  }
0x19: {  	s7 =	sld [smem:$0x3F9E]  }
0x1a: {  	s8 =	sadd.s32 $0xFFFFE003, lr  }
0x1b: {  	s9 =	sadd.s32 $0xFFFFFEF7, lr;
	s5 =	simm.s32 $0xFFFFFFFF;
	p2 =	slt.u32 s8, $0xFFFFF086  }
0x1c: {  	p1 =	slt.u32 s9, $0xF7A;
	s5 =	simm.s32 @!p2 $0x0  }
0x1d: {  	s5 =	simm.s32 @p1 $0x1;
	p0 =	seq.s32 s7, s2  }
0x1e: {  	s7 =	smul.u32 @!p0 $0xF7A, s2;
	p2 =	seq.s32 @!p0 s5, $0x0  }
0x1f: {  	s9 =	smul.u32 $0xF7A, s1;
	s8 =	simm.s32 @!p0 $0x1BF5;
	p2 =	por !p2, p0  }
0x20: {  	[sflag:s8] =	ssyncset.s32 @!p0 $0xFFFFF086;
	s6 =	sadd.s32 @!p0 s3, s7;
	s7 =	simm.s32 @!p0 $0x108  }
0x21: {  	s3 =	sadd.s32 s3, s9;
	s6 =	sadd.s32 @!p0 $0x88, s6;
	s7 =	simm.s32 @p2 $0x1082  }
0x22: {  	[simem:s7], [sflag:s8] =	dma.local @!p0 [hbm:s6], $0xF7A  }
0x23: {  	s9 =	sor.u32 $0xD0000000, s2;
	s6 =	simm.s32 $0x108;
	_ =	swait.ge @!p0 [sflag:s8], $0x0  }
0x24: {  	s3 =	sadd.s32 $0x88, s3;
	s6 =	simm.s32 @!p1 $0x1082;
	[sflag:s4] =	ssyncset.s32 $0xFFFFF086  }
0x25: {  	[simem:s6], [sflag:s4] =	dma.local [hbm:s3], $0xF7A  }
0x26: {  	[smem:$0x3F9E] =	sst s1;
	(tag) =	ssettag s2;
	_ =	strace s9  }
0x27: {  	s1 =	sld [smem:$0x3FAE]  }
0x28: {  	s2 =	sld [smem:$0x3FAF]  }
0x29: {  	s4 =	sld [smem:$0x3FB1]  }
0x2a: {  	p0 =	seq.s32 s5, $0x0;
	s5 =	sld [smem:$0x3FB2]  }
0x2b: {  	s6 =	sld [smem:$0x3FB3]  }
0x2c: {  	s7 =	sld [smem:$0x3FB4]  }
0x2d: {  	s3 =	simm.s32 $0x108;
	s8 =	sld [smem:$0x3FB5]  }
0x2e: {  	s3 =	simm.s32 @!p0 $0x1082;
	s9 =	sld [smem:$0x3FB6]  }
0x2f: {  	lr =	sadd.s32 s0, s3;
	s0 =	sld [smem:$0x3FAD]  }
0x30: {  	s3 =	sld [smem:$0x3FB0]  }
0x31: {  	[smem:$0x3FB9] =	sst s10  }
0x32: {  	s10 =	sld [smem:$0x3FB7];
	_ =	sdelay $0x3  }
0x33: {  	p0 =	seq.s32 s10, $0x1;
	s10 =	sld [smem:$0x3FB9];
	_ =	sdelay $0x3  }
0x34: {  	[smem:$0x3FB9] =	sst s10  }
0x35: {  	s10 =	sld [smem:$0x3FB8];
	_ =	sdelay $0x3  }
0x36: {  	p1 =	seq.s32 s10, $0x1;
	s10 =	sld [smem:$0x3FB9];
	_ =	sdelay $0x3  }
0x37: {  	[smem:$0x3FB9] =	sst s10  }
0x38: {  	s10 =	sld [smem:$0x3FBA]  }
0x39: {  	_ = 	snop;
	(pc) =	sbr.ind lr, $3  }
0x3a: {  	_ = 	snop  }
0x3b: {  	_ = 	snop  }
0x3c: {  	p2 =	seq.s32 s10, $0x1;
	s10 =	sld [smem:$0x3FB9]  }
0x3d: {  	_ =	shalt  }
0x3e: {  	_ =	shalt  }
0x3f: {  	_ =	shalt  }
0x40: {  	_ =	shalt  }
0x41: {  	_ =	shalt  }
0x42: {  	_ =	shalt  }
0x43: {  	_ =	shalt  }
0x44: {  	_ =	shalt  }
0x45: {  	_ =	shalt  }
0x46: {  	_ =	shalt  }
0x47: {  	_ =	shalt  }
0x48: {  	_ =	shalt  }
0x49: {  	_ =	shalt  }
0x4a: {  	_ =	shalt  }
0x4b: {  	_ =	shalt  }
0x4c: {  	_ =	shalt  }
0x4d: {  	_ =	shalt  }
0x4e: {  	_ =	shalt  }
0x4f: {  	_ =	shalt  }
0x50: {  	_ =	shalt  }
0x51: {  	_ =	shalt  }
0x52: {  	_ =	shalt  }
0x53: {  	_ =	shalt  }
0x54: {  	_ =	shalt  }
0x55: {  	_ =	shalt  }
0x56: {  	_ =	shalt  }
0x57: {  	_ =	shalt  }
0x58: {  	_ =	shalt  }
0x59: {  	_ =	shalt  }
0x5a: {  	_ =	shalt  }
0x5b: {  	_ =	shalt  }
0x5c: {  	_ =	shalt  }
0x5d: {  	_ =	shalt  }
0x5e: {  	_ =	shalt  }
0x5f: {  	_ =	shalt  }
0x60: {  	_ =	shalt  }
0x61: {  	_ =	shalt  }
0x62: {  	_ =	shalt  }
0x63: {  	_ =	shalt  }
0x64: {  	_ =	shalt  }
0x65: {  	_ =	shalt  }
0x66: {  	_ =	shalt  }
0x67: {  	_ =	shalt  }
0x68: {  	_ =	shalt  }
0x69: {  	_ =	shalt  }
0x6a: {  	_ =	shalt  }
0x6b: {  	_ =	shalt  }
0x6c: {  	_ =	shalt  }
0x6d: {  	_ =	shalt  }
0x6e: {  	_ =	shalt  }
0x6f: {  	_ =	shalt  }
0x70: {  	_ =	shalt  }
0x71: {  	_ =	shalt  }
0x72: {  	_ =	shalt  }
0x73: {  	_ =	shalt  }
0x74: {  	_ =	shalt  }
0x75: {  	_ =	shalt  }
0x76: {  	_ =	shalt  }
0x77: {  	_ =	shalt  }
0x78: {  	_ =	shalt  }
0x79: {  	_ =	shalt  }
0x7a: {  	_ =	shalt  }
0x7b: {  	_ =	shalt  }
0x7c: {  	_ =	shalt  }
0x7d: {  	_ =	shalt  }
0x7e: {  	_ =	shalt  }
0x7f: {  	_ =	shalt  }
0x80: {  	_ =	shalt  }
0x81: {  	_ =	shalt  }
0x82: {  	_ =	shalt  }
0x83: {  	_ =	shalt  }
0x84: {  	_ =	shalt  }
0x85: {  	_ =	shalt  }
0x86: {  	_ =	shalt  }
0x87: {  	_ =	shalt  }
.Lfunc_end0:
.L_simem_size_0:
called_computation.1_lowered:
.L_overlay_start_0:
0x88: {  	s2 =	sld [smem:$0x3FD9]  }
0x89: {  	s3 =	sld [smem:$0x3FFE];
	_ =	sdelay $0x1  }
0x8a: {  	s1 =	srdreg.scid  }
0x8b: {  	s0 =	sand.u32 $0x1, s1  }
0x8c: {  	s17 =	sshll.u32 s0, $0xA;
	s2 =	sadd.s32 s3, s2  }
0x8d: {  	s2 =	sadd.s32 s2, s17  }
0x8e: {  	[smem:$0x3FC5] =	sst s2  }
0x8f: {  	_ = 	snop  }
0x90: {  	s2 =	sld [smem:$0x3FC7]  }
0x91: {  	s18 =	sld [smem:$0x3FD0];
	(tm) =	ssettm $0x1  }
0x92: {  	s4 =	sld [smem:$0x3FFB];
	_ =	sdelay $0x3  }
0x93: {  	_ =	strace s4  }
0x94: {  	s4 =	sld [smem:$0x3FFC];
	_ =	sdelay $0x3  }
0x95: {  	_ =	strace s4  }
0x96: {  	s4 =	sld [smem:$0x3FFD];
	_ =	sdelay $0x3  }
0x97: {  	_ =	strace s4  }
0x98: {  	_ =	strace $0x8FFFFFFF  }
0x99: {  	s19 =	sld [smem:$0x3FDB];
	_ =	sdelay $0x1  }
0x9a: {  	s5 =	simm.s32 $_scs_section_size  }
0x9b: {  	s6 =	simm.s32 $_size__tile_overlayer_lowered;
	s7 =	simm.s32 $_tile_overlayer_lowered  }
0x9c: {  	s22 =	simm.s32 $0x1BFF;
	s21 =	sshll.u32 s7, $0x1;
	s4 =	sadd.s32 s5, s19  }
0x9d: {  	s8 =	simm.s32 $0x0;
	s20 =	sshll.u32 s6, $0x1;
	s6 =	sadd.s32 s21, s4  }
0x9e: {  	[timem:s8], [sflag:s22] =	dma.local [hbm:s6], s20  }
0x9f: {  	_ =	swait.ge [sflag:s22], s20  }
0xa0: {  	s5 =	ssub.s32 $0x0, s20;
	[sflag:s22] =	ssyncset.done $0x0  }
0xa1: {  	[sflag:s22] =	ssyncadd.s32 s5;
	_ =	sdelay $0x1  }
0xa2: {  	s23 =	simm.s32 $0x1B8B  }
0xa3: {  	_ =	swait.ge [sflag:s23], $0x1  }
0xa4: {  	[sflag:s23] =	ssyncset.done $0x0  }
0xa5: {  	s25 =	simm.s32 $0x1B8E;
	s24 =	sld [smem:$0x3FFE];
	[sflag:s23] =	ssyncadd.s32 $0xFFFFFFFF  }
0xa6: {  	s26 =	simm.s32 $execute0_lowered;
	[smem:$0x3FD2] =	sst s25  }
0xa7: {  	s6 =	sshll.u32 s26, $0x1;
	_ =	strace $0x80000046;
	[dreg:$0x1] =	wrdreg $0xFFFFFFFF  }
0xa8: {  	s28 =	simm.s32 $_size_execute0_lowered;
	s4 =	sadd.s32 s4, s6;
	[dreg:$0x0] =	wrdreg $0x0  }
0xa9: {  	s6 =	sshll.u32 s28, $0x1;
	[dreg:$0x2] =	wrdreg s4  }
0xaa: {  	[dreg:$0x3] =	wrdreg s6  }
0xab: {  	[dreg:$0x4] =	wrdreg $0xC0  }
0xac: {  	_ =	task [dreg:s8], $0x5FFFF  }
0xad: {  	[dreg:$0x1] =	wrdreg $0xFFFFFFFF  }
0xae: {  	[dreg:$0x0] =	wrdreg $0x60  }
0xaf: {  	[dreg:$0x2] =	wrdreg s2  }
0xb0: {  	[dreg:$0x3] =	wrdreg s18  }
0xb1: {  	[dreg:$0x4] =	wrdreg s24  }
0xb2: {  	[dreg:$0x5] =	wrdreg $0x1BC000  }
0xb3: {  	[dreg:$0x6] =	wrdreg $0x9  }
0xb4: {  	_ =	task.clear_ibuf [dreg:s8], $0x7FFFF;
	_ =	strace $0x90000046  }
0xb5: {  	s29 =	simm.s32 $0x9;
	_ =	strace $0x80000048  }
0xb6: {  	_ =	swait.ge [sflag:s29], $0x1  }
0xb7: {  	[sflag:s29] =	ssyncadd.s32 $0xFFFFFFFF  }
0xb8: {  	_ =	strace $0x90000048  }
0xb9: {  	_ =	sfence  }
0xba: {  	s30 =	sld [smem:$0x0];
	_ =	sdelay $0x2  }
0xbb: {  	s31 =	sshll.u32 s1, $0xD;
	s1 =	sshrl.u32 s1, $0x2  }
0xbc: {  	s3 =	sand.u32 $0x4000, s31;
	s1 =	sadd.s32 s1, s30  }
0xbd: {  	s0 =	sor.u32 s3, s0;
	s1 =	sshll.u32 s1, $0x11  }
0xbe: {  	s0 =	sor.u32 s1, s0  }
0xbf: {  	s0 =	sadd.s32 $0x8F2B, s0  }
0xc0: {  	[sflag:s0] =	ssyncadd.remote.s32 $0x1  }
0xc1: {  	_ =	sfence.sel $0xFFFF  }
0xc2: {  	[dreg:$0x0] =	wrdreg $0xFFFFFFFF;
	(pc) =	sbr.abs _section_cstart, $3  }
0xc3: {  	[dreg:$0x1] =	wrdreg $0xFFFFFFFF  }
0xc4: {  	_ =	task.clear_ibuf [dreg:s8], $0x2FFFF;
	_ =	strace $0x9FFFFFFF  }
0xc5: {  	(tm) =	ssettm $0x7FFFFFFF  }
tec
execute0_lowered:
.L_overlay_start_1:
0x0: {  	(tag) =	ssettag $0x1  }
0x1: {  	s0 =	rddreg [dreg:$0x0]  }
0x2: {  	s1 =	rddreg [dreg:$0x1]  }
0x3: {  	s3 =	rddreg [dreg:$0x2];
	s4 =	srdreg.scid  }
0x4: {  	s10 =	stileid.u32;
	s2 =	rddreg [dreg:$0x3];
	s6 =	simm.s32 $0x0  }
0x5: {  	s13 =	simm.s32 $0x2C00;
	s15 =	simm.s32 $0xAF;
	s18 =	simm.s32 $0xB400  }
0x6: {  	s19 =	simm.s32 $0x5A00;
	s28 =	simm.s32 $0x3;
	s29 =	simm.s32 $0x4  }
0x7: {  	s4 =	sand.u32 $0x1, s4;
	s5 =	sshll.u32 s10, $0x1;
	[smem:$0x7FF] =	sst s6  }
0x8: {  	s22 =	sshll.u32 s10, $0xD;
	s23 =	sshll.u32 s10, $0xA;
	s24 =	sshll.u32 s10, $0x6  }
0x9: {  	s5 =	sor.u32 s4, s5;
	s7 =	ssub.s32 $0x2, s4;
	_ =	strace $0x80000047  }
0xa: {  	s4 =	sadd.s32 $0xBA00, s3;
	s0 =	sadd.s32 s0, s23;
	s20 =	smul.u32 $0x578, s5  }
0xb: {  	v0 =	vlaneseq.u32;
	s23 =	simm.s32 $0x400;
	s8 =	sshrl.u32 s7, $0x1;
	s5 =	smul.u32 $0x640, s5  }
0xc: {  	v1 =	vor.u32 $0x10, v0;
	v2 =	vor.u32 $0x20, v0;
	v3 =	vor.u32 $0x30, v0;
	[dreg:$0x5] =	wrdreg s0;
	s0 =	sor.u32 $0x1C09, s24;
	s24 =	simm.s32 $0x5B00  }
0xd: {  	v4 =	vor.u32 $0x40, v0;
	v5 =	vor.u32 $0x50, v0;
	v6 =	vor.u32 $0x60, v0;
	s21 =	ssub.s32 s7, s8;
	s7 =	sadd.s32 s22, s2;
	[dreg:$0x6] =	wrdreg s0  }
0xe: {  	v7 =	vor.u32 $0x70, v0;
	v8 =	vor.u32 $0x80, v0;
	v9 =	vor.u32 $0x90, v0;
	s22 =	simm.s32 $0x380;
	s9 =	sadd.s32 s20, s3;
	s25 =	sadd.s32 s1, s20  }
0xf: {  	v10 =	vor.u32 $0xA0, v0;
	v11 =	vadd.s32 $0xAF, v0;
	v12 =	vadd.s32 $0xBF, v0;
	s30 =	smax.u32 s21, $0x1;
	s31 =	sshrl.u32 s7, $0x3;
	[dreg:$0x7] =	wrdreg s25  }
0x10: {  	v13 =	vadd.s32 $0xCF, v0;
	v14 =	vadd.s32 $0xDF, v0;
	v15 =	vadd.s32 $0xEF, v0;
	s20 =	simm.s32 $0x10C00;
	s21 =	simm.s32 $0x1;
	[dreg:$0x9] =	wrdreg s30  }
0x11: {  	v16 =	vadd.s32 $0xFF, v0;
	v17 =	vadd.s32 $0x10F, v0;
	v18 =	vadd.s32 $0x11F, v0;
	s3 =	simm.s32 $0x0;
	s26 =	sadd.s32 $0xA00, s9;
	[dreg:$0xa] =	wrdreg s31  }
0x12: {  	v19 =	vadd.s32 $0x12F, v0;
	v20 =	vadd.s32 $0x13F, v0;
	v21 =	vadd.s32 $0x14F, v0;
	s25 =	simm.s32 $0x16400;
	[dreg:$0x8] =	wrdreg s26;
	s26 =	simm.s32 $0x2  }
.LBB2_1:
0x13: {  	[dreg:$0xb] =	wrdreg s3  }
0x14: {  	s0 =	rddreg [dreg:$0x5]  }
0x15: {  	s1 =	rddreg [dreg:$0x6]  }
0x16: {  	s10 =	rddreg [dreg:$0xa];
	s11 =	simm.s32 $0x9  }
0x17: {  	[spmem:s10], [sflag:s1] =	dma.local [hbm:s0], $0x400  }
0x18: {  	_ =	swait.ge [sflag:s11], $0x400  }
0x19: {  	[sflag:s11] =	ssyncset.done $0x0  }
0x1a: {  	s12 =	simm.s32 $0x0;
	s14 =	rddreg [dreg:$0x7];
	[sflag:s11] =	ssyncadd.s32 $0xFFFFFC00  }
0x1b: {  	[tilespmem:s12], [sflag:$0x9] =	stream.linear.gather [hbm4b:s14+s12], $0x2BC0, $0x38;
	[tilespmem:$0x1DC00] =	vst v63  }
0x1c: {  	_ =	swait.ge [sflag:s11], $0x2BC0  }
0x1d: {  	[sflag:s11] =	ssyncset.done $0x0  }
0x1e: {  	s16 =	rddreg [dreg:$0x8];
	[sflag:s11] =	ssyncadd.s32 $0xFFFFD440  }
0x1f: {  	[tilespmem:s13], [sflag:$0x9] =	stream.linear.gather [hbm4b:s16+s12], $0x2BC0, $0x38;
	[tilespmem:$0x1DC00] =	vst v63  }
0x20: {  	_ =	swait.ge [sflag:s11], $0x2BC0  }
0x21: {  	[sflag:s11] =	ssyncset.done $0x0  }
0x22: {  	[sflag:s11] =	ssyncadd.s32 $0xFFFFD440  }
0x23: {  	[bflag:$0x0] =	sbarrier.arrive $0xFFFF  }
0x24: {  	v22 =	vld.idx.msk [tilespmem:v0+s12+$0x0], $0xffff;
	_ =	sdelay $0x4  }
0x25: {  	[tilespmem:$0x5800] =	vst v22  }
0x26: {  	v22 =	vld.idx.msk [tilespmem:v1+s12+$0x0], $0xffff;
	_ =	sdelay $0x4  }
0x27: {  	[tilespmem:$0x5810] =	vst v22  }
0x28: {  	v22 =	vld.idx.msk [tilespmem:v2+s12+$0x0], $0xffff;
	_ =	sdelay $0x4  }
0x29: {  	[tilespmem:$0x5820] =	vst v22  }
0x2a: {  	v22 =	vld.idx.msk [tilespmem:v3+s12+$0x0], $0xffff;
	_ =	sdelay $0x4  }
0x2b: {  	[tilespmem:$0x5830] =	vst v22  }
0x2c: {  	v22 =	vld.idx.msk [tilespmem:v4+s12+$0x0], $0xffff;
	_ =	sdelay $0x4  }
0x2d: {  	[tilespmem:$0x5840] =	vst v22  }
0x2e: {  	v22 =	vld.idx.msk [tilespmem:v5+s12+$0x0], $0xffff;
	_ =	sdelay $0x4  }
0x2f: {  	[tilespmem:$0x5850] =	vst v22  }
0x30: {  	v22 =	vld.idx.msk [tilespmem:v6+s12+$0x0], $0xffff;
	_ =	sdelay $0x4  }
0x31: {  	[tilespmem:$0x5860] =	vst v22  }
0x32: {  	v22 =	vld.idx.msk [tilespmem:v7+s12+$0x0], $0xffff;
	_ =	sdelay $0x4  }
0x33: {  	[tilespmem:$0x5870] =	vst v22  }
0x34: {  	v22 =	vld.idx.msk [tilespmem:v8+s12+$0x0], $0xffff;
	_ =	sdelay $0x4  }
0x35: {  	[tilespmem:$0x5880] =	vst v22  }
0x36: {  	v22 =	vld.idx.msk [tilespmem:v9+s12+$0x0], $0xffff;
	_ =	sdelay $0x4  }
0x37: {  	[tilespmem:$0x5890] =	vst v22  }
0x38: {  	v22 =	vld.idx.msk [tilespmem:v10+s12+$0x0], $0xffff;
	_ =	sdelay $0x3  }
0x39: {  	s17 =	simm.s32 $0x5800  }
0x3a: {  	s30 =	simm.s32 $0x5C00;
	[tilespmem:v10+s17+$0x0] =	vst.idx.msk $0x7fff, v22  }
0x3b: {  	[tilespmem:s30], [sflag:$0x1] =	stream.indirect.gather [spmem:s2], $0x80, s17, s15, $0xb8;
	[tilespmem:$0x1DC00] =	vst v63  }
0x3c: {  	v22 =	vld.idx.msk [tilespmem:v11+s12+$0x0], $0xffff;
	_ =	sdelay $0x4  }
0x3d: {  	[tilespmem:$0x5900] =	vst v22  }
0x3e: {  	v22 =	vld.idx.msk [tilespmem:v12+s12+$0x0], $0xffff;
	_ =	sdelay $0x4  }
0x3f: {  	[tilespmem:$0x5910] =	vst v22  }
0x40: {  	v22 =	vld.idx.msk [tilespmem:v13+s12+$0x0], $0xffff;
	_ =	sdelay $0x4  }
0x41: {  	[tilespmem:$0x5920] =	vst v22  }
0x42: {  	v22 =	vld.idx.msk [tilespmem:v14+s12+$0x0], $0xffff;
	_ =	sdelay $0x4  }
0x43: {  	[tilespmem:$0x5930] =	vst v22  }
0x44: {  	v22 =	vld.idx.msk [tilespmem:v15+s12+$0x0], $0xffff;
	_ =	sdelay $0x4  }
0x45: {  	[tilespmem:$0x5940] =	vst v22  }
0x46: {  	v22 =	vld.idx.msk [tilespmem:v16+s12+$0x0], $0xffff;
	_ =	sdelay $0x4  }
0x47: {  	[tilespmem:$0x5950] =	vst v22  }
0x48: {  	v22 =	vld.idx.msk [tilespmem:v17+s12+$0x0], $0xffff;
	_ =	sdelay $0x4  }
0x49: {  	[tilespmem:$0x5960] =	vst v22  }
0x4a: {  	v22 =	vld.idx.msk [tilespmem:v18+s12+$0x0], $0xffff;
	_ =	sdelay $0x4  }
0x4b: {  	[tilespmem:$0x5970] =	vst v22  }
0x4c: {  	v22 =	vld.idx.msk [tilespmem:v19+s12+$0x0], $0xffff;
	_ =	sdelay $0x4  }
0x4d: {  	[tilespmem:$0x5980] =	vst v22  }
0x4e: {  	v22 =	vld.idx.msk [tilespmem:v20+s12+$0x0], $0xffff;
	_ =	sdelay $0x4  }
0x4f: {  	[tilespmem:$0x5990] =	vst v22  }
0x50: {  	v22 =	vld.idx.msk [tilespmem:v21+s12+$0x0], $0xffff;
	_ =	sdelay $0x3  }
0x51: {  	s31 =	simm.s32 $0x5900  }
0x52: {  	s6 =	simm.s32 $0x0;
	s17 =	simm.s32 $0x0;
	[tilespmem:v10+s31+$0x0] =	vst.idx.msk $0x7fff, v22  }
0x53: {  	[tilespmem:s18], [sflag:$0x2] =	stream.indirect.gather [spmem:s2], $0x80, s31, s15, $0xb8;
	[tilespmem:$0x1DC00] =	vst v63  }
.LBB2_2:
0x54: {  	s10 =	sshll.u32 s6, $0x2  }
0x55: {  	s8 =	sor.u32 $0x2, s10  }
0x56: {  	s0 =	smul.u32 $0xAF, s8;
	_ =	sdelay $0x1  }
0x57: {  	p0 =	seq.s32 s6, $0x0;
	v22 =	vadd.s32 s0, v0  }
0x58: {  	s1 =	simm.s32 @!p0 $0x7  }
0x59: {  	_ =	swait.ge @!p0 [sflag:s1], $0x5780  }
0x5a: {  	[sflag:s1] =	ssyncset.done @!p0 $0x0  }
0x5b: {  	[sflag:s1] =	ssyncadd.s32 @!p0 $0xFFFFA880;
	s1 =	simm.s32 $0x0  }
0x5c: {  	s3 =	sadd.s32 $0x10, s0;
	v22 =	vld.idx.msk [tilespmem:v22+s1+$0x0], $0xffff  }
0x5d: {  	v23 =	vadd.s32 s3, v0;
	_ =	sdelay $0x3  }
0x5e: {  	[tilespmem:$0x5A00] =	vst v22  }
0x5f: {  	s31 =	sadd.s32 $0x20, s0;
	v22 =	vld.idx.msk [tilespmem:v23+s1+$0x0], $0xffff  }
0x60: {  	v23 =	vadd.s32 s31, v0;
	_ =	sdelay $0x3  }
0x61: {  	[tilespmem:$0x5A10] =	vst v22  }
0x62: {  	s7 =	sadd.s32 $0x30, s0;
	v22 =	vld.idx.msk [tilespmem:v23+s1+$0x0], $0xffff  }
0x63: {  	v23 =	vadd.s32 s7, v0;
	_ =	sdelay $0x3  }
0x64: {  	[tilespmem:$0x5A20] =	vst v22  }
0x65: {  	s9 =	sadd.s32 $0x40, s0;
	v22 =	vld.idx.msk [tilespmem:v23+s1+$0x0], $0xffff  }
0x66: {  	v23 =	vadd.s32 s9, v0;
	_ =	sdelay $0x3  }
0x67: {  	[tilespmem:$0x5A30] =	vst v22  }
0x68: {  	s11 =	sadd.s32 $0x50, s0;
	v22 =	vld.idx.msk [tilespmem:v23+s1+$0x0], $0xffff  }
0x69: {  	v23 =	vadd.s32 s11, v0;
	_ =	sdelay $0x3  }
0x6a: {  	[tilespmem:$0x5A40] =	vst v22  }
0x6b: {  	s12 =	sadd.s32 $0x60, s0;
	v22 =	vld.idx.msk [tilespmem:v23+s1+$0x0], $0xffff  }
0x6c: {  	v23 =	vadd.s32 s12, v0;
	_ =	sdelay $0x3  }
0x6d: {  	[tilespmem:$0x5A50] =	vst v22  }
0x6e: {  	s14 =	sadd.s32 $0x70, s0;
	v22 =	vld.idx.msk [tilespmem:v23+s1+$0x0], $0xffff  }
0x6f: {  	v23 =	vadd.s32 s14, v0;
	_ =	sdelay $0x3  }
0x70: {  	[tilespmem:$0x5A60] =	vst v22  }
0x71: {  	s16 =	sadd.s32 $0x80, s0;
	v22 =	vld.idx.msk [tilespmem:v23+s1+$0x0], $0xffff  }
0x72: {  	v23 =	vadd.s32 s16, v0;
	_ =	sdelay $0x3  }
0x73: {  	[tilespmem:$0x5A70] =	vst v22  }
0x74: {  	s31 =	sadd.s32 $0x90, s0;
	v22 =	vld.idx.msk [tilespmem:v23+s1+$0x0], $0xffff  }
0x75: {  	v23 =	vadd.s32 s31, v0;
	_ =	sdelay $0x2  }
0x76: {  	s0 =	sadd.s32 $0xA0, s0  }
0x77: {  	[tilespmem:$0x5A80] =	vst v22;
	v22 =	vadd.s32 s0, v0  }
0x78: {  	v23 =	vld.idx.msk [tilespmem:v23+s1+$0x0], $0xffff;
	vm0 =	vlt.s32 v22, $0x2BBF  }
0x79: {  	v22 =	vnsel vm0, $0x2BBF, v22;
	_ =	sdelay $0x3  }
0x7a: {  	[tilespmem:$0x5A90] =	vst v23  }
0x7b: {  	v22 =	vld.idx.msk [tilespmem:v22+s1+$0x0], $0xffff;
	_ =	sdelay $0x3  }
0x7c: {  	s7 =	sadd.s32 $0x0, s17  }
0x7d: {  	[tilespmem:v10+s19+$0x0] =	vst.idx.msk $0x7fff, v22;
	v22 =	vmov s7  }
0x7e: {  	[tilespmem:s20], [sflag:$0x3] =	stream.indirect.gather [spmem:s2], $0x80, s19, s15, $0xb8;
	[tilespmem:$0x1DC00] =	vst v63  }
0x7f: {  	_ =	swait.ge [sflag:s21], $0x5780  }
0x80: {  	[sflag:s21] =	ssyncset.done $0x0  }
0x81: {  	[sflag:s21] =	ssyncadd.s32 $0xFFFFA880  }
0x82: {  	s11 =	simm.s32 $0x5DC0;
	v22 =	vld.idx.msk [tilespmem:v22+s13+$0x0], $0xffff  }
0x83: {  	v23 =	vld [tilespmem:s11+$0xFFFFFE40]  }
0x84: {  	v24 =	vld [tilespmem:s11+$0xFFFFFE50]  }
0x85: {  	v25 =	vld [tilespmem:s11+$0xFFFFFE60]  }
0x86: {  	v26 =	vld [tilespmem:s11+$0xFFFFFE70]  }
0x87: {  	v27 =	vld [tilespmem:s11+$0xFFFFFEB0]  }
0x88: {  	v28 =	vld [tilespmem:s11+$0xFFFFFE90];
	v23 =	vmul.f32 v23, v22  }
0x89: {  	v29 =	vld [tilespmem:s11+$0xFFFFFEA0];
	v24 =	vmul.f32 v24, v22  }
0x8a: {  	v30 =	vld [tilespmem:s11+$0xFFFFFE80];
	[tilespmem:s11+$0xFFFFFE40] =	vst v23;
	v23 =	vmul.f32 v25, v22  }
0x8b: {  	[tilespmem:s11+$0xFFFFFE50] =	vst v24;
	v24 =	vmul.f32 v26, v22  }
0x8c: {  	s14 =	sadd.s32 $0x1, s7;
	v25 =	vmul.f32 v27, v22;
	[tilespmem:s11+$0xFFFFFE60] =	vst v23  }
0x8d: {  	v26 =	vmul.f32 v28, v22;
	v23 =	vmov s14;
	[tilespmem:s11+$0xFFFFFE70] =	vst v24  }
0x8e: {  	v24 =	vmul.f32 v29, v22;
	[tilespmem:s11+$0xFFFFFEB0] =	vst v25  }
0x8f: {  	v22 =	vmul.f32 v30, v22;
	[tilespmem:s11+$0xFFFFFE90] =	vst v26  }
0x90: {  	[tilespmem:s11+$0xFFFFFEA0] =	vst v24  }
0x91: {  	[tilespmem:s11+$0xFFFFFE80] =	vst v22  }
0x92: {  	v22 =	vld.idx.msk [tilespmem:v23+s13+$0x0], $0xffff  }
0x93: {  	v23 =	vld [tilespmem:s11+$0xFFFFFEC0]  }
0x94: {  	v24 =	vld [tilespmem:s11+$0xFFFFFEF0]  }
0x95: {  	v25 =	vld [tilespmem:s11+$0xFFFFFF10]  }
0x96: {  	v26 =	vld [tilespmem:s11+$0xFFFFFF20]  }
0x97: {  	v27 =	vld [tilespmem:s11+$0xFFFFFF30]  }
0x98: {  	v28 =	vld [tilespmem:s11+$0xFFFFFEE0];
	v23 =	vmul.f32 v23, v22  }
0x99: {  	v29 =	vld [tilespmem:s11+$0xFFFFFED0];
	v24 =	vmul.f32 v24, v22  }
0x9a: {  	v30 =	vld [tilespmem:s11+$0xFFFFFF00];
	[tilespmem:s11+$0xFFFFFEC0] =	vst v23;
	v23 =	vmul.f32 v25, v22  }
0x9b: {  	[tilespmem:s11+$0xFFFFFEF0] =	vst v24;
	v24 =	vmul.f32 v26, v22  }
0x9c: {  	s16 =	sadd.s32 $0x2, s7;
	v25 =	vmul.f32 v27, v22;
	[tilespmem:s11+$0xFFFFFF10] =	vst v23  }
0x9d: {  	v26 =	vmov s16;
	v23 =	vmul.f32 v28, v22;
	[tilespmem:s11+$0xFFFFFF20] =	vst v24  }
0x9e: {  	v24 =	vmul.f32 v29, v22;
	[tilespmem:s11+$0xFFFFFF30] =	vst v25  }
0x9f: {  	v22 =	vmul.f32 v30, v22;
	[tilespmem:s11+$0xFFFFFEE0] =	vst v23  }
0xa0: {  	[tilespmem:s11+$0xFFFFFED0] =	vst v24  }
0xa1: {  	[tilespmem:s11+$0xFFFFFF00] =	vst v22;
	v23 =	vld [tilespmem:s11+$0xFFFFFF40]  }
0xa2: {  	v22 =	vld.idx.msk [tilespmem:v26+s13+$0x0], $0xffff  }
0xa3: {  	v24 =	vld [tilespmem:s11+$0xFFFFFF80]  }
0xa4: {  	v25 =	vld [tilespmem:s11+$0xFFFFFF50]  }
0xa5: {  	v26 =	vld [tilespmem:s11+$0xFFFFFFA0]  }
0xa6: {  	v27 =	vld [tilespmem:s11+$0xFFFFFF60]  }
0xa7: {  	v28 =	vld [tilespmem:s11+$0xFFFFFF70];
	v23 =	vmul.f32 v23, v22  }
0xa8: {  	v29 =	vld [tilespmem:s11+$0xFFFFFF90];
	v24 =	vmul.f32 v24, v22  }
0xa9: {  	v30 =	vld [tilespmem:s11+$0xFFFFFFB0];
	[tilespmem:s11+$0xFFFFFF40] =	vst v23;
	v23 =	vmul.f32 v25, v22  }
0xaa: {  	[tilespmem:s11+$0xFFFFFF80] =	vst v24;
	v24 =	vmul.f32 v26, v22  }
0xab: {  	s31 =	sadd.s32 $0x3, s7;
	v25 =	vmul.f32 v27, v22;
	[tilespmem:s11+$0xFFFFFF50] =	vst v23  }
0xac: {  	v26 =	vmov s31;
	v23 =	vmul.f32 v28, v22;
	[tilespmem:s11+$0xFFFFFFA0] =	vst v24  }
0xad: {  	v24 =	vmul.f32 v29, v22;
	[tilespmem:s11+$0xFFFFFF60] =	vst v25  }
0xae: {  	v22 =	vmul.f32 v30, v22;
	[tilespmem:s11+$0xFFFFFF70] =	vst v23  }
0xaf: {  	v25 =	vld [tilespmem:s11+$0xFFFFFFF0];
	[tilespmem:s11+$0xFFFFFF90] =	vst v24  }
0xb0: {  	v24 =	vld [tilespmem:s11+$0xFFFFFFC0];
	[tilespmem:s11+$0xFFFFFFB0] =	vst v22  }
0xb1: {  	v23 =	vld.idx.msk [tilespmem:v26+s13+$0x0], $0xffff  }
0xb2: {  	v26 =	vld [tilespmem:s11+$0xFFFFFFE0]  }
0xb3: {  	v27 =	vld [tilespmem:s11+$0x0]  }
0xb4: {  	v22 =	vld [tilespmem:s11+$0xFFFFFFD0]  }
0xb5: {  	v30 =	vld [tilespmem:s11+$0x10]  }
0xb6: {  	v29 =	vmul.f32 v24, v23;
	v24 =	vld [tilespmem:s11+$0x20]  }
0xb7: {  	v28 =	vmul.f32 v26, v23;
	v26 =	vmul.f32 v25, v23;
	v25 =	vld [tilespmem:s11+$0x30];
	_ =	sdelay $0x1  }
0xb8: {  	s30 =	simm.s32 $0x7;
	s9 =	smul.u32 $0x2BC, s6;
	s12 =	sadd.s32 $0x4, s7;
	v22 =	vmul.f32 v22, v23  }
0xb9: {  	s0 =	sadd.s32 $0x5, s7;
	s1 =	simm.s32 $0x5DC0;
	s7 =	sadd.s32 $0x6, s7;
	[tilespmem:s11+$0xFFFFFFC0] =	vst v29;
	v29 =	vmul.f32 v27, v23;
	v27 =	vmul.f32 v30, v23  }
.LBB2_3:
0xba: {  	p1 =	sne.s32 s30, $0xA8  }
0xbb: {  	[tilespmem:s11+$0xFFFFFFE0] =	vst v28;
	v24 =	vmul.f32 v24, v23;
	v23 =	vmul.f32 v25, v23;
	s1 =	sadd.s32 $0x380, s1;
	s14 =	smov.u32 s30;
	s30 =	sadd.s32 $0x7, s30  }
0xbc: {  	[tilespmem:s11+$0x0] =	vst v29  }
0xbd: {  	v25 =	vmov s12;
	[tilespmem:s11+$0xFFFFFFF0] =	vst v26  }
0xbe: {  	[tilespmem:s11+$0x20] =	vst v24;
	v24 =	vld [tilespmem:s11+$0xB0]  }
0xbf: {  	[tilespmem:s11+$0x10] =	vst v27;
	v26 =	vld [tilespmem:s11+$0x40]  }
0xc0: {  	[tilespmem:s11+$0xFFFFFFD0] =	vst v22;
	v22 =	vld [tilespmem:s11+$0x90]  }
0xc1: {  	[tilespmem:s11+$0x30] =	vst v23;
	v23 =	vld [tilespmem:s11+$0x60]  }
0xc2: {  	v25 =	vld.idx.msk [tilespmem:v25+s13+$0x0], $0xffff  }
0xc3: {  	v27 =	vld [tilespmem:s11+$0x50]  }
0xc4: {  	v28 =	vld [tilespmem:s11+$0x70]  }
0xc5: {  	v29 =	vld [tilespmem:s11+$0x80]  }
0xc6: {  	v30 =	vld [tilespmem:s11+$0xA0];
	_ =	sdelay $0x1  }
0xc7: {  	v26 =	vmul.f32 v26, v25;
	v27 =	vmul.f32 v27, v25  }
0xc8: {  	v23 =	vmul.f32 v23, v25;
	v28 =	vmul.f32 v28, v25  }
0xc9: {  	v22 =	vmul.f32 v22, v25;
	[tilespmem:s11+$0x40] =	vst v26;
	v26 =	vmul.f32 v29, v25  }
0xca: {  	v24 =	vmul.f32 v24, v25;
	[tilespmem:s11+$0x70] =	vst v28;
	v28 =	vmul.f32 v30, v25  }
0xcb: {  	[tilespmem:s11+$0x80] =	vst v26  }
0xcc: {  	[tilespmem:s11+$0x60] =	vst v23  }
0xcd: {  	[tilespmem:s11+$0xB0] =	vst v24  }
0xce: {  	[tilespmem:s11+$0x50] =	vst v27  }
0xcf: {  	[tilespmem:s11+$0xA0] =	vst v28;
	_ =	sdelay $0x1  }
0xd0: {  	v23 =	vmov s0;
	_ =	sdelay $0x1  }
0xd1: {  	v24 =	vld [tilespmem:s11+$0x100]  }
0xd2: {  	v25 =	vld [tilespmem:s11+$0xC0]  }
0xd3: {  	[tilespmem:s11+$0x90] =	vst v22;
	v22 =	vld [tilespmem:s11+$0xD0]  }
0xd4: {  	v23 =	vld.idx.msk [tilespmem:v23+s13+$0x0], $0xffff  }
0xd5: {  	v26 =	vld [tilespmem:s11+$0xE0]  }
0xd6: {  	v27 =	vld [tilespmem:s11+$0xF0]  }
0xd7: {  	v28 =	vld [tilespmem:s11+$0x110]  }
0xd8: {  	v29 =	vld [tilespmem:s11+$0x130]  }
0xd9: {  	v30 =	vld [tilespmem:s11+$0x120]  }
0xda: {  	v25 =	vmul.f32 v25, v23;
	v22 =	vmul.f32 v22, v23  }
0xdb: {  	v26 =	vmul.f32 v26, v23;
	v27 =	vmul.f32 v27, v23  }
0xdc: {  	v24 =	vmul.f32 v24, v23;
	[tilespmem:s11+$0xC0] =	vst v25;
	v25 =	vmul.f32 v28, v23  }
0xdd: {  	[tilespmem:s11+$0xE0] =	vst v26;
	v26 =	vmul.f32 v29, v23  }
0xde: {  	[tilespmem:s11+$0x100] =	vst v24;
	v23 =	vmul.f32 v30, v23  }
0xdf: {  	[tilespmem:s11+$0x110] =	vst v25  }
0xe0: {  	[tilespmem:s11+$0x120] =	vst v23  }
0xe1: {  	v23 =	vmov s7;
	[tilespmem:s11+$0x130] =	vst v26  }
0xe2: {  	[tilespmem:s11+$0xD0] =	vst v22;
	v22 =	vld [tilespmem:s11+$0x1B0]  }
0xe3: {  	v24 =	vld [tilespmem:s11+$0x140]  }
0xe4: {  	v25 =	vld [tilespmem:s11+$0x160]  }
0xe5: {  	[tilespmem:s11+$0xF0] =	vst v27;
	v26 =	vld [tilespmem:s11+$0x190]  }
0xe6: {  	v23 =	vld.idx.msk [tilespmem:v23+s13+$0x0], $0xffff  }
0xe7: {  	v27 =	vld [tilespmem:s11+$0x150]  }
0xe8: {  	v28 =	vld [tilespmem:s11+$0x170]  }
0xe9: {  	v29 =	vld [tilespmem:s11+$0x180]  }
0xea: {  	v30 =	vld [tilespmem:s11+$0x1A0]  }
0xeb: {  	s7 =	sadd.s32 s14, s17  }
0xec: {  	v31 =	vmov s7;
	s14 =	sadd.s32 $0x1, s7;
	s3 =	sadd.s32 $0x2, s7;
	s31 =	sadd.s32 $0x3, s7;
	v24 =	vmul.f32 v24, v23;
	v27 =	vmul.f32 v27, v23  }
0xed: {  	s12 =	sadd.s32 $0x4, s7;
	s0 =	sadd.s32 $0x5, s7;
	s7 =	sadd.s32 $0x6, s7;
	v25 =	vmul.f32 v25, v23;
	v28 =	vmul.f32 v28, v23  }
0xee: {  	v26 =	vmul.f32 v26, v23;
	[tilespmem:s11+$0x140] =	vst v24;
	v24 =	vmul.f32 v29, v23  }
0xef: {  	v22 =	vmul.f32 v22, v23;
	[tilespmem:s11+$0x160] =	vst v25;
	v25 =	vmul.f32 v30, v23  }
0xf0: {  	[tilespmem:s11+$0x170] =	vst v28  }
0xf1: {  	[tilespmem:s11+$0x180] =	vst v24  }
0xf2: {  	v23 =	vld [tilespmem:s1+$0xFFFFFE80];
	[tilespmem:s11+$0x1B0] =	vst v22  }
0xf3: {  	v22 =	vld [tilespmem:s1+$0xFFFFFE90];
	[tilespmem:s11+$0x190] =	vst v26  }
0xf4: {  	v24 =	vld [tilespmem:s1+$0xFFFFFEA0];
	[tilespmem:s11+$0x1A0] =	vst v25  }
0xf5: {  	v25 =	vld [tilespmem:s1+$0xFFFFFEB0];
	[tilespmem:s11+$0x150] =	vst v27;
	s11 =	smov.u32 s1  }
0xf6: {  	v26 =	vld.idx.msk [tilespmem:v31+s13+$0x0], $0xffff  }
0xf7: {  	v27 =	vld [tilespmem:s1+$0xFFFFFE40]  }
0xf8: {  	v28 =	vld [tilespmem:s1+$0xFFFFFE50]  }
0xf9: {  	v29 =	vld [tilespmem:s1+$0xFFFFFE60]  }
0xfa: {  	v30 =	vld [tilespmem:s1+$0xFFFFFE70];
	_ =	sdelay $0x1  }
0xfb: {  	v31 =	vmov s14;
	v25 =	vmul.f32 v25, v26;
	v27 =	vmul.f32 v27, v26  }
0xfc: {  	v24 =	vmul.f32 v24, v26;
	v28 =	vmul.f32 v28, v26  }
0xfd: {  	v22 =	vmul.f32 v22, v26;
	[tilespmem:s1+$0xFFFFFE40] =	vst v27;
	v27 =	vmul.f32 v29, v26  }
0xfe: {  	v23 =	vmul.f32 v23, v26;
	[tilespmem:s1+$0xFFFFFE50] =	vst v28;
	v28 =	vmul.f32 v30, v26  }
0xff: {  	[tilespmem:s1+$0xFFFFFE60] =	vst v27  }
0x100: {  	[tilespmem:s1+$0xFFFFFE70] =	vst v28  }
0x101: {  	[tilespmem:s1+$0xFFFFFEB0] =	vst v25;
	v25 =	vld [tilespmem:s1+$0xFFFFFF30]  }
0x102: {  	[tilespmem:s1+$0xFFFFFE90] =	vst v22;
	v22 =	vld [tilespmem:s1+$0xFFFFFF10]  }
0x103: {  	[tilespmem:s1+$0xFFFFFEA0] =	vst v24;
	v24 =	vld [tilespmem:s1+$0xFFFFFEF0]  }
0x104: {  	[tilespmem:s1+$0xFFFFFE80] =	vst v23;
	v23 =	vld [tilespmem:s1+$0xFFFFFED0]  }
0x105: {  	v26 =	vld.idx.msk [tilespmem:v31+s13+$0x0], $0xffff  }
0x106: {  	v27 =	vld [tilespmem:s1+$0xFFFFFEC0]  }
0x107: {  	v28 =	vld [tilespmem:s1+$0xFFFFFEE0]  }
0x108: {  	v29 =	vld [tilespmem:s1+$0xFFFFFF00]  }
0x109: {  	v30 =	vld [tilespmem:s1+$0xFFFFFF20];
	_ =	sdelay $0x1  }
0x10a: {  	v23 =	vmul.f32 v23, v26;
	v27 =	vmul.f32 v27, v26  }
0x10b: {  	v24 =	vmul.f32 v24, v26;
	v28 =	vmul.f32 v28, v26  }
0x10c: {  	v22 =	vmul.f32 v22, v26;
	[tilespmem:s1+$0xFFFFFEC0] =	vst v27;
	v27 =	vmul.f32 v29, v26;
	v29 =	vmov s3  }
0x10d: {  	v25 =	vmul.f32 v25, v26;
	[tilespmem:s1+$0xFFFFFEF0] =	vst v24;
	v24 =	vmul.f32 v30, v26  }
0x10e: {  	[tilespmem:s1+$0xFFFFFF10] =	vst v22  }
0x10f: {  	[tilespmem:s1+$0xFFFFFF20] =	vst v24  }
0x110: {  	[tilespmem:s1+$0xFFFFFF30] =	vst v25;
	v22 =	vld [tilespmem:s1+$0xFFFFFFA0]  }
0x111: {  	[tilespmem:s1+$0xFFFFFEE0] =	vst v28;
	v24 =	vld [tilespmem:s1+$0xFFFFFFB0]  }
0x112: {  	[tilespmem:s1+$0xFFFFFED0] =	vst v23;
	v23 =	vld [tilespmem:s1+$0xFFFFFF70]  }
0x113: {  	[tilespmem:s1+$0xFFFFFF00] =	vst v27;
	v25 =	vld [tilespmem:s1+$0xFFFFFF80]  }
0x114: {  	v26 =	vld.idx.msk [tilespmem:v29+s13+$0x0], $0xffff  }
0x115: {  	v27 =	vld [tilespmem:s1+$0xFFFFFF40]  }
0x116: {  	v28 =	vld [tilespmem:s1+$0xFFFFFF60]  }
0x117: {  	v29 =	vld [tilespmem:s1+$0xFFFFFF50]  }
0x118: {  	v30 =	vld [tilespmem:s1+$0xFFFFFF90];
	_ =	sdelay $0x1  }
0x119: {  	v25 =	vmul.f32 v25, v26;
	v27 =	vmul.f32 v27, v26  }
0x11a: {  	v23 =	vmul.f32 v23, v26;
	v28 =	vmul.f32 v28, v26  }
0x11b: {  	v24 =	vmul.f32 v24, v26;
	[tilespmem:s1+$0xFFFFFF40] =	vst v27;
	v27 =	vmul.f32 v29, v26  }
0x11c: {  	v22 =	vmul.f32 v22, v26;
	[tilespmem:s1+$0xFFFFFF80] =	vst v25;
	v25 =	vmul.f32 v30, v26  }
0x11d: {  	[tilespmem:s1+$0xFFFFFF50] =	vst v27  }
0x11e: {  	[tilespmem:s1+$0xFFFFFFA0] =	vst v22;
	v22 =	vmov s31  }
0x11f: {  	[tilespmem:s1+$0xFFFFFF60] =	vst v28;
	v26 =	vld [tilespmem:s1+$0xFFFFFFF0]  }
0x120: {  	[tilespmem:s1+$0xFFFFFF70] =	vst v23;
	v27 =	vld [tilespmem:s1+$0x0]  }
0x121: {  	[tilespmem:s1+$0xFFFFFF90] =	vst v25;
	v28 =	vld [tilespmem:s1+$0xFFFFFFC0]  }
0x122: {  	[tilespmem:s1+$0xFFFFFFB0] =	vst v24;
	v24 =	vld [tilespmem:s1+$0x20]  }
0x123: {  	v23 =	vld.idx.msk [tilespmem:v22+s13+$0x0], $0xffff  }
0x124: {  	v22 =	vld [tilespmem:s1+$0xFFFFFFD0]  }
0x125: {  	v29 =	vld [tilespmem:s1+$0xFFFFFFE0]  }
0x126: {  	v30 =	vld [tilespmem:s1+$0x10]  }
.Ltmp0:
0x127: {  	v25 =	vld [tilespmem:s1+$0x30];
	(pc) =	sbr.rel @p1 .LBB2_3-.Ltmp0, $4  }
0x128: {  	_ = 	snop  }
0x129: {  	v31 =	vmul.f32 v28, v23;
	v22 =	vmul.f32 v22, v23  }
0x12a: {  	v26 =	vmul.f32 v26, v23;
	v28 =	vmul.f32 v29, v23  }
0x12b: {  	v29 =	vmul.f32 v27, v23;
	[tilespmem:s1+$0xFFFFFFC0] =	vst v31;
	v27 =	vmul.f32 v30, v23  }
0x12c: {  	[tilespmem:s11+$0xFFFFFFE0] =	vst v28  }
0x12d: {  	[tilespmem:s11+$0xFFFFFFF0] =	vst v26  }
0x12e: {  	v26 =	vmov s12;
	[tilespmem:s11+$0xFFFFFFD0] =	vst v22  }
0x12f: {  	v24 =	vmul.f32 v24, v23;
	[tilespmem:s11+$0x0] =	vst v29  }
0x130: {  	v23 =	vmul.f32 v25, v23;
	[tilespmem:s11+$0x10] =	vst v27  }
0x131: {  	[tilespmem:s11+$0x20] =	vst v24  }
0x132: {  	v24 =	vld [tilespmem:s11+$0x40];
	[tilespmem:s11+$0x30] =	vst v23  }
0x133: {  	v22 =	vld.idx.msk [tilespmem:v26+s13+$0x0], $0xffff  }
0x134: {  	v23 =	vld [tilespmem:s11+$0x70]  }
0x135: {  	v25 =	vld [tilespmem:s11+$0x80]  }
0x136: {  	v26 =	vld [tilespmem:s11+$0x60]  }
0x137: {  	v27 =	vld [tilespmem:s11+$0xB0]  }
0x138: {  	v29 =	vld [tilespmem:s11+$0x50];
	v24 =	vmul.f32 v24, v22  }
0x139: {  	v28 =	vld [tilespmem:s11+$0xA0];
	v23 =	vmul.f32 v23, v22  }
0x13a: {  	v30 =	vld [tilespmem:s11+$0x90];
	[tilespmem:s11+$0x40] =	vst v24;
	v24 =	vmul.f32 v25, v22  }
0x13b: {  	v25 =	vmul.f32 v26, v22;
	[tilespmem:s11+$0x70] =	vst v23  }
0x13c: {  	v23 =	vmul.f32 v27, v22;
	[tilespmem:s11+$0x80] =	vst v24  }
0x13d: {  	v26 =	vmul.f32 v29, v22;
	[tilespmem:s11+$0x60] =	vst v25;
	v25 =	vmov s0  }
0x13e: {  	v24 =	vmul.f32 v28, v22;
	[tilespmem:s11+$0xB0] =	vst v23  }
0x13f: {  	v22 =	vmul.f32 v30, v22;
	[tilespmem:s11+$0x50] =	vst v26  }
0x140: {  	v27 =	vld [tilespmem:s11+$0x110];
	[tilespmem:s11+$0xA0] =	vst v24  }
0x141: {  	v23 =	vld [tilespmem:s11+$0xC0];
	[tilespmem:s11+$0x90] =	vst v22  }
0x142: {  	v22 =	vld.idx.msk [tilespmem:v25+s13+$0x0], $0xffff  }
0x143: {  	v25 =	vld [tilespmem:s11+$0xE0]  }
0x144: {  	v26 =	vld [tilespmem:s11+$0xD0]  }
0x145: {  	v24 =	vld [tilespmem:s11+$0x100];
	_ =	sdelay $0x1  }
0x146: {  	v29 =	vld [tilespmem:s11+$0x130];
	v23 =	vmul.f32 v23, v22  }
0x147: {  	v28 =	vld [tilespmem:s11+$0x120];
	v25 =	vmul.f32 v25, v22  }
0x148: {  	v30 =	vld [tilespmem:s11+$0xF0];
	v26 =	vmul.f32 v26, v22;
	[tilespmem:s11+$0xC0] =	vst v23  }
0x149: {  	v23 =	vmul.f32 v24, v22;
	v24 =	vmul.f32 v27, v22;
	[tilespmem:s11+$0xE0] =	vst v25  }
0x14a: {  	[tilespmem:s11+$0xD0] =	vst v26  }
0x14b: {  	v25 =	vmul.f32 v29, v22;
	[tilespmem:s11+$0x110] =	vst v24;
	v24 =	vmov s7  }
0x14c: {  	[tilespmem:s11+$0x100] =	vst v23;
	v23 =	vmul.f32 v28, v22  }
0x14d: {  	v22 =	vmul.f32 v30, v22;
	[tilespmem:s11+$0x130] =	vst v25  }
0x14e: {  	[tilespmem:s11+$0x120] =	vst v23  }
0x14f: {  	v25 =	vld [tilespmem:s11+$0x140];
	[tilespmem:s11+$0xF0] =	vst v22  }
0x150: {  	v22 =	vld.idx.msk [tilespmem:v24+s13+$0x0], $0xffff  }
0x151: {  	v24 =	vld [tilespmem:s11+$0x160]  }
0x152: {  	v26 =	vld [tilespmem:s11+$0x170]  }
0x153: {  	v23 =	vld [tilespmem:s11+$0x1B0]  }
0x154: {  	v27 =	vld [tilespmem:s11+$0x180]  }
0x155: {  	v28 =	vld [tilespmem:s11+$0x190];
	v25 =	vmul.f32 v25, v22  }
0x156: {  	v30 =	vld [tilespmem:s11+$0x1A0];
	v24 =	vmul.f32 v24, v22  }
0x157: {  	v29 =	vld [tilespmem:s11+$0x150];
	v26 =	vmul.f32 v26, v22;
	[tilespmem:s11+$0x140] =	vst v25  }
0x158: {  	v23 =	vmul.f32 v23, v22;
	[tilespmem:s11+$0x160] =	vst v24  }
0x159: {  	v25 =	vmul.f32 v27, v22;
	[tilespmem:s11+$0x170] =	vst v26  }
0x15a: {  	s14 =	smul.u32 $0x64, s6;
	v24 =	vmul.f32 v28, v22;
	[tilespmem:s11+$0x1B0] =	vst v23  }
0x15b: {  	[tilespmem:s11+$0x180] =	vst v25;
	v25 =	vmul.f32 v30, v22  }
0x15c: {  	s0 =	sadd.s32 s5, s14;
	s7 =	sor.u32 $0x3, s10;
	v22 =	vmul.f32 v29, v22;
	[tilespmem:s11+$0x190] =	vst v24  }
0x15d: {  	s0 =	sshll.u32 s0, $0x7;
	s1 =	smul.u32 $0xAF, s7;
	[tilespmem:s11+$0x1A0] =	vst v25  }
0x15e: {  	s3 =	simm.s32 $0x5C00;
	s0 =	sadd.s32 s4, s0;
	[tilespmem:s11+$0x150] =	vst v22  }
0x15f: {  	v22 =	vadd.s32 s1, v0;
	[hbm4b:s0+s22] =	stream.strided.scatter [tilespmem:s3], [sflag:$0x5], $0x5780, s23, s22, $0x38;
	[tilespmem:$0x1DC00] =	vst v63  }
0x160: {  	s0 =	simm.s32 @!p0 $0x8  }
0x161: {  	_ =	swait.ge @!p0 [sflag:s0], $0x5780  }
0x162: {  	[sflag:s0] =	ssyncset.done @!p0 $0x0  }
0x163: {  	[sflag:s0] =	ssyncadd.s32 @!p0 $0xFFFFA880;
	s0 =	simm.s32 $0x0  }
0x164: {  	s16 =	sadd.s32 $0x10, s1;
	v22 =	vld.idx.msk [tilespmem:v22+s0+$0x0], $0xffff  }
0x165: {  	v23 =	vadd.s32 s16, v0;
	_ =	sdelay $0x3  }
0x166: {  	[tilespmem:$0x5B00] =	vst v22  }
0x167: {  	s11 =	sadd.s32 $0x20, s1;
	v22 =	vld.idx.msk [tilespmem:v23+s0+$0x0], $0xffff  }
0x168: {  	v23 =	vadd.s32 s11, v0;
	_ =	sdelay $0x3  }
0x169: {  	[tilespmem:$0x5B10] =	vst v22  }
0x16a: {  	s12 =	sadd.s32 $0x30, s1;
	v22 =	vld.idx.msk [tilespmem:v23+s0+$0x0], $0xffff  }
0x16b: {  	v23 =	vadd.s32 s12, v0;
	_ =	sdelay $0x3  }
0x16c: {  	[tilespmem:$0x5B20] =	vst v22  }
0x16d: {  	s14 =	sadd.s32 $0x40, s1;
	v22 =	vld.idx.msk [tilespmem:v23+s0+$0x0], $0xffff  }
0x16e: {  	v23 =	vadd.s32 s14, v0;
	_ =	sdelay $0x3  }
0x16f: {  	[tilespmem:$0x5B30] =	vst v22  }
0x170: {  	s16 =	sadd.s32 $0x50, s1;
	v22 =	vld.idx.msk [tilespmem:v23+s0+$0x0], $0xffff  }
0x171: {  	v23 =	vadd.s32 s16, v0;
	_ =	sdelay $0x3  }
0x172: {  	[tilespmem:$0x5B40] =	vst v22  }
0x173: {  	s11 =	sadd.s32 $0x60, s1;
	v22 =	vld.idx.msk [tilespmem:v23+s0+$0x0], $0xffff  }
0x174: {  	v23 =	vadd.s32 s11, v0;
	_ =	sdelay $0x3  }
0x175: {  	[tilespmem:$0x5B50] =	vst v22  }
0x176: {  	s12 =	sadd.s32 $0x70, s1;
	v22 =	vld.idx.msk [tilespmem:v23+s0+$0x0], $0xffff  }
0x177: {  	v23 =	vadd.s32 s12, v0;
	_ =	sdelay $0x3  }
0x178: {  	[tilespmem:$0x5B60] =	vst v22  }
0x179: {  	s14 =	sadd.s32 $0x80, s1;
	v22 =	vld.idx.msk [tilespmem:v23+s0+$0x0], $0xffff  }
0x17a: {  	v23 =	vadd.s32 s14, v0;
	_ =	sdelay $0x3  }
0x17b: {  	[tilespmem:$0x5B70] =	vst v22  }
0x17c: {  	s16 =	sadd.s32 $0x90, s1;
	v22 =	vld.idx.msk [tilespmem:v23+s0+$0x0], $0xffff  }
0x17d: {  	v23 =	vadd.s32 s16, v0;
	_ =	sdelay $0x2  }
0x17e: {  	s1 =	sadd.s32 $0xA0, s1  }
0x17f: {  	[tilespmem:$0x5B80] =	vst v22;
	v22 =	vadd.s32 s1, v0  }
0x180: {  	v23 =	vld.idx.msk [tilespmem:v23+s0+$0x0], $0xffff;
	vm0 =	vlt.s32 v22, $0x2BBF  }
0x181: {  	v22 =	vnsel vm0, $0x2BBF, v22;
	_ =	sdelay $0x3  }
0x182: {  	[tilespmem:$0x5B90] =	vst v23  }
0x183: {  	v22 =	vld.idx.msk [tilespmem:v22+s0+$0x0], $0xffff;
	_ =	sdelay $0x2  }
0x184: {  	s3 =	sadd.s32 $0x0, s17  }
0x185: {  	s11 =	sadd.s32 $0xAF, s3  }
0x186: {  	[tilespmem:v10+s24+$0x0] =	vst.idx.msk $0x7fff, v22;
	v22 =	vmov s11  }
0x187: {  	[tilespmem:s25], [sflag:$0x4] =	stream.indirect.gather [spmem:s2], $0x80, s24, s15, $0xb8;
	[tilespmem:$0x1DC00] =	vst v63  }
0x188: {  	_ =	swait.ge [sflag:s26], $0x5780  }
0x189: {  	[sflag:s26] =	ssyncset.done $0x0  }
0x18a: {  	[sflag:s26] =	ssyncadd.s32 $0xFFFFA880  }
0x18b: {  	s11 =	simm.s32 $0xB5C0;
	v22 =	vld.idx.msk [tilespmem:v22+s13+$0x0], $0xffff  }
0x18c: {  	v23 =	vld [tilespmem:s11+$0xFFFFFE40]  }
0x18d: {  	v24 =	vld [tilespmem:s11+$0xFFFFFE50]  }
0x18e: {  	v25 =	vld [tilespmem:s11+$0xFFFFFE60]  }
0x18f: {  	v26 =	vld [tilespmem:s11+$0xFFFFFE70]  }
0x190: {  	v27 =	vld [tilespmem:s11+$0xFFFFFEB0]  }
0x191: {  	v28 =	vld [tilespmem:s11+$0xFFFFFE90];
	v23 =	vmul.f32 v23, v22  }
0x192: {  	v29 =	vld [tilespmem:s11+$0xFFFFFEA0];
	v24 =	vmul.f32 v24, v22  }
0x193: {  	v30 =	vld [tilespmem:s11+$0xFFFFFE80];
	[tilespmem:s11+$0xFFFFFE40] =	vst v23;
	v23 =	vmul.f32 v25, v22  }
0x194: {  	[tilespmem:s11+$0xFFFFFE50] =	vst v24;
	v24 =	vmul.f32 v26, v22  }
0x195: {  	s12 =	sadd.s32 $0xB0, s3;
	v25 =	vmul.f32 v27, v22;
	[tilespmem:s11+$0xFFFFFE60] =	vst v23  }
0x196: {  	v26 =	vmul.f32 v28, v22;
	v23 =	vmov s12;
	[tilespmem:s11+$0xFFFFFE70] =	vst v24  }
0x197: {  	v24 =	vmul.f32 v29, v22;
	[tilespmem:s11+$0xFFFFFEB0] =	vst v25  }
0x198: {  	v22 =	vmul.f32 v30, v22;
	[tilespmem:s11+$0xFFFFFE90] =	vst v26  }
0x199: {  	[tilespmem:s11+$0xFFFFFEA0] =	vst v24  }
0x19a: {  	[tilespmem:s11+$0xFFFFFE80] =	vst v22  }
0x19b: {  	v22 =	vld.idx.msk [tilespmem:v23+s13+$0x0], $0xffff  }
0x19c: {  	v23 =	vld [tilespmem:s11+$0xFFFFFEC0]  }
0x19d: {  	v24 =	vld [tilespmem:s11+$0xFFFFFEF0]  }
0x19e: {  	v25 =	vld [tilespmem:s11+$0xFFFFFF10]  }
0x19f: {  	v26 =	vld [tilespmem:s11+$0xFFFFFF20]  }
0x1a0: {  	v27 =	vld [tilespmem:s11+$0xFFFFFF30]  }
0x1a1: {  	v28 =	vld [tilespmem:s11+$0xFFFFFEE0];
	v23 =	vmul.f32 v23, v22  }
0x1a2: {  	v29 =	vld [tilespmem:s11+$0xFFFFFED0];
	v24 =	vmul.f32 v24, v22  }
0x1a3: {  	v30 =	vld [tilespmem:s11+$0xFFFFFF00];
	[tilespmem:s11+$0xFFFFFEC0] =	vst v23;
	v23 =	vmul.f32 v25, v22  }
0x1a4: {  	[tilespmem:s11+$0xFFFFFEF0] =	vst v24;
	v24 =	vmul.f32 v26, v22  }
0x1a5: {  	s14 =	sadd.s32 $0xB1, s3;
	v25 =	vmul.f32 v27, v22;
	[tilespmem:s11+$0xFFFFFF10] =	vst v23  }
0x1a6: {  	v26 =	vmov s14;
	v23 =	vmul.f32 v28, v22;
	[tilespmem:s11+$0xFFFFFF20] =	vst v24  }
0x1a7: {  	v24 =	vmul.f32 v29, v22;
	[tilespmem:s11+$0xFFFFFF30] =	vst v25  }
0x1a8: {  	v22 =	vmul.f32 v30, v22;
	[tilespmem:s11+$0xFFFFFEE0] =	vst v23  }
0x1a9: {  	[tilespmem:s11+$0xFFFFFED0] =	vst v24  }
0x1aa: {  	[tilespmem:s11+$0xFFFFFF00] =	vst v22;
	v23 =	vld [tilespmem:s11+$0xFFFFFF40]  }
0x1ab: {  	v22 =	vld.idx.msk [tilespmem:v26+s13+$0x0], $0xffff  }
0x1ac: {  	v24 =	vld [tilespmem:s11+$0xFFFFFF80]  }
0x1ad: {  	v25 =	vld [tilespmem:s11+$0xFFFFFF50]  }
0x1ae: {  	v26 =	vld [tilespmem:s11+$0xFFFFFFA0]  }
0x1af: {  	v27 =	vld [tilespmem:s11+$0xFFFFFF60]  }
0x1b0: {  	v28 =	vld [tilespmem:s11+$0xFFFFFF70];
	v23 =	vmul.f32 v23, v22  }
0x1b1: {  	v29 =	vld [tilespmem:s11+$0xFFFFFF90];
	v24 =	vmul.f32 v24, v22  }
0x1b2: {  	v30 =	vld [tilespmem:s11+$0xFFFFFFB0];
	[tilespmem:s11+$0xFFFFFF40] =	vst v23;
	v23 =	vmul.f32 v25, v22  }
0x1b3: {  	[tilespmem:s11+$0xFFFFFF80] =	vst v24;
	v24 =	vmul.f32 v26, v22  }
0x1b4: {  	s16 =	sadd.s32 $0xB2, s3;
	v25 =	vmul.f32 v27, v22;
	[tilespmem:s11+$0xFFFFFF50] =	vst v23  }
0x1b5: {  	v26 =	vmov s16;
	v23 =	vmul.f32 v28, v22;
	[tilespmem:s11+$0xFFFFFFA0] =	vst v24  }
0x1b6: {  	v24 =	vmul.f32 v29, v22;
	[tilespmem:s11+$0xFFFFFF60] =	vst v25  }
0x1b7: {  	v22 =	vmul.f32 v30, v22;
	[tilespmem:s11+$0xFFFFFF70] =	vst v23  }
0x1b8: {  	v25 =	vld [tilespmem:s11+$0xFFFFFFF0];
	[tilespmem:s11+$0xFFFFFF90] =	vst v24  }
0x1b9: {  	v24 =	vld [tilespmem:s11+$0xFFFFFFC0];
	[tilespmem:s11+$0xFFFFFFB0] =	vst v22  }
0x1ba: {  	v23 =	vld.idx.msk [tilespmem:v26+s13+$0x0], $0xffff  }
0x1bb: {  	v26 =	vld [tilespmem:s11+$0xFFFFFFE0]  }
0x1bc: {  	v27 =	vld [tilespmem:s11+$0x0]  }
0x1bd: {  	v22 =	vld [tilespmem:s11+$0xFFFFFFD0]  }
0x1be: {  	v30 =	vld [tilespmem:s11+$0x10]  }
0x1bf: {  	v29 =	vmul.f32 v24, v23;
	v24 =	vld [tilespmem:s11+$0x20]  }
0x1c0: {  	v28 =	vmul.f32 v26, v23;
	v26 =	vmul.f32 v25, v23;
	v25 =	vld [tilespmem:s11+$0x30];
	_ =	sdelay $0x1  }
0x1c1: {  	s31 =	simm.s32 $0x7;
	s10 =	sor.u32 $0x1, s10;
	s30 =	sadd.s32 $0xB5, s3;
	v22 =	vmul.f32 v22, v23  }
0x1c2: {  	s1 =	simm.s32 $0xB5C0;
	s0 =	sadd.s32 $0xB4, s3;
	s12 =	sadd.s32 $0xB3, s3;
	[tilespmem:s11+$0xFFFFFFC0] =	vst v29;
	v29 =	vmul.f32 v27, v23;
	v27 =	vmul.f32 v30, v23  }
.LBB2_5:
0x1c3: {  	p0 =	sne.s32 s31, $0xA8  }
0x1c4: {  	[tilespmem:s11+$0xFFFFFFE0] =	vst v28;
	v24 =	vmul.f32 v24, v23;
	v23 =	vmul.f32 v25, v23;
	s1 =	sadd.s32 $0x380, s1;
	s14 =	smov.u32 s31;
	s31 =	sadd.s32 $0x7, s31  }
0x1c5: {  	[tilespmem:s11+$0x0] =	vst v29  }
0x1c6: {  	v25 =	vmov s12;
	[tilespmem:s11+$0xFFFFFFF0] =	vst v26  }
0x1c7: {  	[tilespmem:s11+$0x20] =	vst v24;
	v24 =	vld [tilespmem:s11+$0xB0]  }
0x1c8: {  	[tilespmem:s11+$0x10] =	vst v27;
	v26 =	vld [tilespmem:s11+$0x40]  }
0x1c9: {  	[tilespmem:s11+$0xFFFFFFD0] =	vst v22;
	v22 =	vld [tilespmem:s11+$0x90]  }
0x1ca: {  	[tilespmem:s11+$0x30] =	vst v23;
	v23 =	vld [tilespmem:s11+$0x60]  }
0x1cb: {  	v25 =	vld.idx.msk [tilespmem:v25+s13+$0x0], $0xffff  }
0x1cc: {  	v27 =	vld [tilespmem:s11+$0x50]  }
0x1cd: {  	v28 =	vld [tilespmem:s11+$0x70]  }
0x1ce: {  	v29 =	vld [tilespmem:s11+$0x80]  }
0x1cf: {  	v30 =	vld [tilespmem:s11+$0xA0];
	_ =	sdelay $0x1  }
0x1d0: {  	v26 =	vmul.f32 v26, v25;
	v27 =	vmul.f32 v27, v25  }
0x1d1: {  	v23 =	vmul.f32 v23, v25;
	v28 =	vmul.f32 v28, v25  }
0x1d2: {  	v22 =	vmul.f32 v22, v25;
	[tilespmem:s11+$0x40] =	vst v26;
	v26 =	vmul.f32 v29, v25  }
0x1d3: {  	v24 =	vmul.f32 v24, v25;
	[tilespmem:s11+$0x70] =	vst v28;
	v28 =	vmul.f32 v30, v25  }
0x1d4: {  	[tilespmem:s11+$0x80] =	vst v26  }
0x1d5: {  	[tilespmem:s11+$0x60] =	vst v23  }
0x1d6: {  	[tilespmem:s11+$0xB0] =	vst v24  }
0x1d7: {  	[tilespmem:s11+$0x50] =	vst v27  }
0x1d8: {  	[tilespmem:s11+$0xA0] =	vst v28;
	_ =	sdelay $0x1  }
0x1d9: {  	v23 =	vmov s0;
	_ =	sdelay $0x1  }
0x1da: {  	v24 =	vld [tilespmem:s11+$0x100]  }
0x1db: {  	v25 =	vld [tilespmem:s11+$0xC0]  }
0x1dc: {  	[tilespmem:s11+$0x90] =	vst v22;
	v22 =	vld [tilespmem:s11+$0xD0]  }
0x1dd: {  	v23 =	vld.idx.msk [tilespmem:v23+s13+$0x0], $0xffff  }
0x1de: {  	v26 =	vld [tilespmem:s11+$0xE0]  }
0x1df: {  	v27 =	vld [tilespmem:s11+$0xF0]  }
0x1e0: {  	v28 =	vld [tilespmem:s11+$0x110]  }
0x1e1: {  	v29 =	vld [tilespmem:s11+$0x130]  }
0x1e2: {  	v30 =	vld [tilespmem:s11+$0x120]  }
0x1e3: {  	v25 =	vmul.f32 v25, v23;
	v22 =	vmul.f32 v22, v23  }
0x1e4: {  	v26 =	vmul.f32 v26, v23;
	v27 =	vmul.f32 v27, v23  }
0x1e5: {  	v24 =	vmul.f32 v24, v23;
	[tilespmem:s11+$0xC0] =	vst v25;
	v25 =	vmul.f32 v28, v23  }
0x1e6: {  	[tilespmem:s11+$0xE0] =	vst v26;
	v26 =	vmul.f32 v29, v23  }
0x1e7: {  	[tilespmem:s11+$0x100] =	vst v24;
	v23 =	vmul.f32 v30, v23  }
0x1e8: {  	[tilespmem:s11+$0x110] =	vst v25  }
0x1e9: {  	[tilespmem:s11+$0x120] =	vst v23  }
0x1ea: {  	v23 =	vmov s30;
	[tilespmem:s11+$0x130] =	vst v26  }
0x1eb: {  	[tilespmem:s11+$0xD0] =	vst v22;
	v22 =	vld [tilespmem:s11+$0x1B0]  }
0x1ec: {  	v24 =	vld [tilespmem:s11+$0x140]  }
0x1ed: {  	v25 =	vld [tilespmem:s11+$0x160]  }
0x1ee: {  	[tilespmem:s11+$0xF0] =	vst v27;
	v26 =	vld [tilespmem:s11+$0x190]  }
0x1ef: {  	v23 =	vld.idx.msk [tilespmem:v23+s13+$0x0], $0xffff  }
0x1f0: {  	v27 =	vld [tilespmem:s11+$0x150]  }
0x1f1: {  	v28 =	vld [tilespmem:s11+$0x170]  }
0x1f2: {  	v29 =	vld [tilespmem:s11+$0x180]  }
0x1f3: {  	s30 =	sadd.s32 s14, s17;
	v30 =	vld [tilespmem:s11+$0x1A0]  }
0x1f4: {  	s0 =	sadd.s32 $0xAF, s30;
	s16 =	sadd.s32 $0xB0, s30;
	s3 =	sadd.s32 $0xB1, s30  }
0x1f5: {  	s14 =	sadd.s32 $0xB2, s30;
	s12 =	sadd.s32 $0xB3, s30;
	v31 =	vmov s0;
	s0 =	sadd.s32 $0xB4, s30;
	v24 =	vmul.f32 v24, v23;
	v27 =	vmul.f32 v27, v23  }
0x1f6: {  	s30 =	sadd.s32 $0xB5, s30;
	v25 =	vmul.f32 v25, v23;
	v28 =	vmul.f32 v28, v23  }
0x1f7: {  	v26 =	vmul.f32 v26, v23;
	[tilespmem:s11+$0x140] =	vst v24;
	v24 =	vmul.f32 v29, v23  }
0x1f8: {  	v22 =	vmul.f32 v22, v23;
	[tilespmem:s11+$0x160] =	vst v25;
	v25 =	vmul.f32 v30, v23  }
0x1f9: {  	[tilespmem:s11+$0x170] =	vst v28  }
0x1fa: {  	[tilespmem:s11+$0x180] =	vst v24  }
0x1fb: {  	v23 =	vld [tilespmem:s1+$0xFFFFFE80];
	[tilespmem:s11+$0x1B0] =	vst v22  }
0x1fc: {  	v22 =	vld [tilespmem:s1+$0xFFFFFE90];
	[tilespmem:s11+$0x190] =	vst v26  }
0x1fd: {  	v24 =	vld [tilespmem:s1+$0xFFFFFEA0];
	[tilespmem:s11+$0x1A0] =	vst v25  }
0x1fe: {  	v25 =	vld [tilespmem:s1+$0xFFFFFEB0];
	[tilespmem:s11+$0x150] =	vst v27;
	s11 =	smov.u32 s1  }
0x1ff: {  	v26 =	vld.idx.msk [tilespmem:v31+s13+$0x0], $0xffff  }
0x200: {  	v27 =	vld [tilespmem:s1+$0xFFFFFE40]  }
0x201: {  	v28 =	vld [tilespmem:s1+$0xFFFFFE50]  }
0x202: {  	v29 =	vld [tilespmem:s1+$0xFFFFFE60]  }
0x203: {  	v30 =	vld [tilespmem:s1+$0xFFFFFE70];
	_ =	sdelay $0x1  }
0x204: {  	v31 =	vmov s16;
	v25 =	vmul.f32 v25, v26;
	v27 =	vmul.f32 v27, v26  }
0x205: {  	v24 =	vmul.f32 v24, v26;
	v28 =	vmul.f32 v28, v26  }
0x206: {  	v22 =	vmul.f32 v22, v26;
	[tilespmem:s1+$0xFFFFFE40] =	vst v27;
	v27 =	vmul.f32 v29, v26  }
0x207: {  	v23 =	vmul.f32 v23, v26;
	[tilespmem:s1+$0xFFFFFE50] =	vst v28;
	v28 =	vmul.f32 v30, v26  }
0x208: {  	[tilespmem:s1+$0xFFFFFE60] =	vst v27  }
0x209: {  	[tilespmem:s1+$0xFFFFFE70] =	vst v28  }
0x20a: {  	[tilespmem:s1+$0xFFFFFEB0] =	vst v25;
	v25 =	vld [tilespmem:s1+$0xFFFFFF30]  }
0x20b: {  	[tilespmem:s1+$0xFFFFFE90] =	vst v22;
	v22 =	vld [tilespmem:s1+$0xFFFFFF10]  }
0x20c: {  	[tilespmem:s1+$0xFFFFFEA0] =	vst v24;
	v24 =	vld [tilespmem:s1+$0xFFFFFEF0]  }
0x20d: {  	[tilespmem:s1+$0xFFFFFE80] =	vst v23;
	v23 =	vld [tilespmem:s1+$0xFFFFFED0]  }
0x20e: {  	v26 =	vld.idx.msk [tilespmem:v31+s13+$0x0], $0xffff  }
0x20f: {  	v27 =	vld [tilespmem:s1+$0xFFFFFEC0]  }
0x210: {  	v28 =	vld [tilespmem:s1+$0xFFFFFEE0]  }
0x211: {  	v29 =	vld [tilespmem:s1+$0xFFFFFF00]  }
0x212: {  	v30 =	vld [tilespmem:s1+$0xFFFFFF20];
	_ =	sdelay $0x1  }
0x213: {  	v23 =	vmul.f32 v23, v26;
	v27 =	vmul.f32 v27, v26  }
0x214: {  	v24 =	vmul.f32 v24, v26;
	v28 =	vmul.f32 v28, v26  }
0x215: {  	v22 =	vmul.f32 v22, v26;
	[tilespmem:s1+$0xFFFFFEC0] =	vst v27;
	v27 =	vmul.f32 v29, v26;
	v29 =	vmov s3  }
0x216: {  	v25 =	vmul.f32 v25, v26;
	[tilespmem:s1+$0xFFFFFEF0] =	vst v24;
	v24 =	vmul.f32 v30, v26  }
0x217: {  	[tilespmem:s1+$0xFFFFFF10] =	vst v22  }
0x218: {  	[tilespmem:s1+$0xFFFFFF20] =	vst v24  }
0x219: {  	[tilespmem:s1+$0xFFFFFF30] =	vst v25;
	v22 =	vld [tilespmem:s1+$0xFFFFFFA0]  }
0x21a: {  	[tilespmem:s1+$0xFFFFFEE0] =	vst v28;
	v24 =	vld [tilespmem:s1+$0xFFFFFFB0]  }
0x21b: {  	[tilespmem:s1+$0xFFFFFED0] =	vst v23;
	v23 =	vld [tilespmem:s1+$0xFFFFFF70]  }
0x21c: {  	[tilespmem:s1+$0xFFFFFF00] =	vst v27;
	v25 =	vld [tilespmem:s1+$0xFFFFFF80]  }
0x21d: {  	v26 =	vld.idx.msk [tilespmem:v29+s13+$0x0], $0xffff  }
0x21e: {  	v27 =	vld [tilespmem:s1+$0xFFFFFF40]  }
0x21f: {  	v28 =	vld [tilespmem:s1+$0xFFFFFF60]  }
0x220: {  	v29 =	vld [tilespmem:s1+$0xFFFFFF50]  }
0x221: {  	v30 =	vld [tilespmem:s1+$0xFFFFFF90];
	_ =	sdelay $0x1  }
0x222: {  	v25 =	vmul.f32 v25, v26;
	v27 =	vmul.f32 v27, v26  }
0x223: {  	v23 =	vmul.f32 v23, v26;
	v28 =	vmul.f32 v28, v26  }
0x224: {  	v24 =	vmul.f32 v24, v26;
	[tilespmem:s1+$0xFFFFFF40] =	vst v27;
	v27 =	vmul.f32 v29, v26  }
0x225: {  	v22 =	vmul.f32 v22, v26;
	[tilespmem:s1+$0xFFFFFF80] =	vst v25;
	v25 =	vmul.f32 v30, v26  }
0x226: {  	[tilespmem:s1+$0xFFFFFF50] =	vst v27  }
0x227: {  	[tilespmem:s1+$0xFFFFFFA0] =	vst v22;
	v22 =	vmov s14  }
0x228: {  	[tilespmem:s1+$0xFFFFFF60] =	vst v28;
	v26 =	vld [tilespmem:s1+$0xFFFFFFF0]  }
0x229: {  	[tilespmem:s1+$0xFFFFFF70] =	vst v23;
	v27 =	vld [tilespmem:s1+$0x0]  }
0x22a: {  	[tilespmem:s1+$0xFFFFFF90] =	vst v25;
	v28 =	vld [tilespmem:s1+$0xFFFFFFC0]  }
0x22b: {  	[tilespmem:s1+$0xFFFFFFB0] =	vst v24;
	v24 =	vld [tilespmem:s1+$0x20]  }
0x22c: {  	v23 =	vld.idx.msk [tilespmem:v22+s13+$0x0], $0xffff  }
0x22d: {  	v22 =	vld [tilespmem:s1+$0xFFFFFFD0]  }
0x22e: {  	v29 =	vld [tilespmem:s1+$0xFFFFFFE0]  }
0x22f: {  	v30 =	vld [tilespmem:s1+$0x10]  }
.Ltmp1:
0x230: {  	v25 =	vld [tilespmem:s1+$0x30];
	(pc) =	sbr.rel @p0 .LBB2_5-.Ltmp1, $4  }
0x231: {  	_ = 	snop  }
0x232: {  	v31 =	vmul.f32 v28, v23;
	v22 =	vmul.f32 v22, v23  }
0x233: {  	v26 =	vmul.f32 v26, v23;
	v28 =	vmul.f32 v29, v23  }
0x234: {  	v29 =	vmul.f32 v27, v23;
	[tilespmem:s1+$0xFFFFFFC0] =	vst v31;
	v27 =	vmul.f32 v30, v23  }
0x235: {  	[tilespmem:s11+$0xFFFFFFE0] =	vst v28  }
0x236: {  	[tilespmem:s11+$0xFFFFFFF0] =	vst v26  }
0x237: {  	v26 =	vmov s12;
	[tilespmem:s11+$0xFFFFFFD0] =	vst v22  }
0x238: {  	v24 =	vmul.f32 v24, v23;
	[tilespmem:s11+$0x0] =	vst v29  }
0x239: {  	v23 =	vmul.f32 v25, v23;
	[tilespmem:s11+$0x10] =	vst v27  }
0x23a: {  	[tilespmem:s11+$0x20] =	vst v24  }
0x23b: {  	v24 =	vld [tilespmem:s11+$0x40];
	[tilespmem:s11+$0x30] =	vst v23  }
0x23c: {  	v22 =	vld.idx.msk [tilespmem:v26+s13+$0x0], $0xffff  }
0x23d: {  	v23 =	vld [tilespmem:s11+$0x70]  }
0x23e: {  	v25 =	vld [tilespmem:s11+$0x80]  }
0x23f: {  	v26 =	vld [tilespmem:s11+$0x60]  }
0x240: {  	v27 =	vld [tilespmem:s11+$0xB0]  }
0x241: {  	v29 =	vld [tilespmem:s11+$0x50];
	v24 =	vmul.f32 v24, v22  }
0x242: {  	v28 =	vld [tilespmem:s11+$0xA0];
	v23 =	vmul.f32 v23, v22  }
0x243: {  	v30 =	vld [tilespmem:s11+$0x90];
	[tilespmem:s11+$0x40] =	vst v24;
	v24 =	vmul.f32 v25, v22  }
0x244: {  	v25 =	vmul.f32 v26, v22;
	[tilespmem:s11+$0x70] =	vst v23  }
0x245: {  	v23 =	vmul.f32 v27, v22;
	[tilespmem:s11+$0x80] =	vst v24  }
0x246: {  	v26 =	vmul.f32 v29, v22;
	[tilespmem:s11+$0x60] =	vst v25;
	v25 =	vmov s0  }
0x247: {  	v24 =	vmul.f32 v28, v22;
	[tilespmem:s11+$0xB0] =	vst v23  }
0x248: {  	v22 =	vmul.f32 v30, v22;
	[tilespmem:s11+$0x50] =	vst v26  }
0x249: {  	v27 =	vld [tilespmem:s11+$0x110];
	[tilespmem:s11+$0xA0] =	vst v24  }
0x24a: {  	v23 =	vld [tilespmem:s11+$0xC0];
	[tilespmem:s11+$0x90] =	vst v22  }
0x24b: {  	v22 =	vld.idx.msk [tilespmem:v25+s13+$0x0], $0xffff  }
0x24c: {  	v25 =	vld [tilespmem:s11+$0xE0]  }
0x24d: {  	v26 =	vld [tilespmem:s11+$0xD0]  }
0x24e: {  	v24 =	vld [tilespmem:s11+$0x100];
	_ =	sdelay $0x1  }
0x24f: {  	v29 =	vld [tilespmem:s11+$0x130];
	v23 =	vmul.f32 v23, v22  }
0x250: {  	v28 =	vld [tilespmem:s11+$0x120];
	v25 =	vmul.f32 v25, v22  }
0x251: {  	v30 =	vld [tilespmem:s11+$0xF0];
	v26 =	vmul.f32 v26, v22;
	[tilespmem:s11+$0xC0] =	vst v23  }
0x252: {  	v23 =	vmul.f32 v24, v22;
	v24 =	vmul.f32 v27, v22;
	[tilespmem:s11+$0xE0] =	vst v25  }
0x253: {  	[tilespmem:s11+$0xD0] =	vst v26  }
0x254: {  	v25 =	vmul.f32 v29, v22;
	[tilespmem:s11+$0x110] =	vst v24;
	v24 =	vmov s30  }
0x255: {  	[tilespmem:s11+$0x100] =	vst v23;
	v23 =	vmul.f32 v28, v22  }
0x256: {  	v22 =	vmul.f32 v30, v22;
	[tilespmem:s11+$0x130] =	vst v25  }
0x257: {  	[tilespmem:s11+$0x120] =	vst v23  }
0x258: {  	v25 =	vld [tilespmem:s11+$0x140];
	[tilespmem:s11+$0xF0] =	vst v22  }
0x259: {  	v22 =	vld.idx.msk [tilespmem:v24+s13+$0x0], $0xffff  }
0x25a: {  	v24 =	vld [tilespmem:s11+$0x160]  }
0x25b: {  	v26 =	vld [tilespmem:s11+$0x170]  }
0x25c: {  	v23 =	vld [tilespmem:s11+$0x1B0]  }
0x25d: {  	v27 =	vld [tilespmem:s11+$0x180]  }
0x25e: {  	v28 =	vld [tilespmem:s11+$0x190];
	v25 =	vmul.f32 v25, v22  }
0x25f: {  	v30 =	vld [tilespmem:s11+$0x1A0];
	v24 =	vmul.f32 v24, v22  }
0x260: {  	v29 =	vld [tilespmem:s11+$0x150];
	v26 =	vmul.f32 v26, v22;
	[tilespmem:s11+$0x140] =	vst v25  }
0x261: {  	v23 =	vmul.f32 v23, v22;
	[tilespmem:s11+$0x160] =	vst v24  }
0x262: {  	s12 =	smul.u32 $0x19, s10;
	v25 =	vmul.f32 v27, v22;
	[tilespmem:s11+$0x170] =	vst v26  }
0x263: {  	v24 =	vmul.f32 v28, v22;
	[tilespmem:s11+$0x1B0] =	vst v23  }
0x264: {  	s0 =	sadd.s32 s5, s12;
	[tilespmem:s11+$0x180] =	vst v25;
	v25 =	vmul.f32 v30, v22  }
0x265: {  	s0 =	sshll.u32 s0, $0x7;
	v22 =	vmul.f32 v29, v22;
	[tilespmem:s11+$0x190] =	vst v24  }
0x266: {  	p0 =	seq.s32 s6, $0xF;
	s0 =	sand.u32 $0x1FFFFE80, s0;
	[tilespmem:s11+$0x1A0] =	vst v25  }
0x267: {  	s1 =	sadd.s32 @!p0 $0x2BC, s9;
	s0 =	sadd.s32 s4, s0;
	[tilespmem:s11+$0x150] =	vst v22;
	v22 =	vlaneseq.u32 @!p0  }
0x268: {  	[hbm4b:s0+s22] =	stream.strided.scatter [tilespmem:s18], [sflag:$0x6], $0x5780, s23, s22, $0x38;
	v23 =	vadd.s32 @!p0 s1, v22;
	[tilespmem:$0x1DC00] =	vst v63  }
0x269: {  	s0 =	simm.s32 @!p0 $0x5  }
0x26a: {  	_ =	swait.ge @!p0 [sflag:s0], $0x5780  }
0x26b: {  	[sflag:s0] =	ssyncset.done @!p0 $0x0  }
0x26c: {  	[sflag:s0] =	ssyncadd.s32 @!p0 $0xFFFFA880;
	s0 =	simm.s32 @!p0 $0x0  }
0x26d: {  	s1 =	sadd.s32 @!p0 $0x2CC, s9;
	v23 =	vld.idx.msk @!p0 [tilespmem:v23+s0+$0x0], $0xffff  }
0x26e: {  	v24 =	vadd.s32 @!p0 s1, v22;
	_ =	sdelay $0x3  }
0x26f: {  	[tilespmem:$0x5800] =	vst @!p0 v23  }
0x270: {  	s1 =	sadd.s32 @!p0 $0x2DC, s9;
	v23 =	vld.idx.msk @!p0 [tilespmem:v24+s0+$0x0], $0xffff  }
0x271: {  	v24 =	vadd.s32 @!p0 s1, v22;
	_ =	sdelay $0x3  }
0x272: {  	[tilespmem:$0x5810] =	vst @!p0 v23  }
0x273: {  	s1 =	sadd.s32 @!p0 $0x2EC, s9;
	v23 =	vld.idx.msk @!p0 [tilespmem:v24+s0+$0x0], $0xffff  }
0x274: {  	v24 =	vadd.s32 @!p0 s1, v22;
	_ =	sdelay $0x3  }
0x275: {  	[tilespmem:$0x5820] =	vst @!p0 v23  }
0x276: {  	s1 =	sadd.s32 @!p0 $0x2FC, s9;
	v23 =	vld.idx.msk @!p0 [tilespmem:v24+s0+$0x0], $0xffff  }
0x277: {  	v24 =	vadd.s32 @!p0 s1, v22;
	_ =	sdelay $0x3  }
0x278: {  	[tilespmem:$0x5830] =	vst @!p0 v23  }
0x279: {  	s1 =	sadd.s32 @!p0 $0x30C, s9;
	v23 =	vld.idx.msk @!p0 [tilespmem:v24+s0+$0x0], $0xffff  }
0x27a: {  	v24 =	vadd.s32 @!p0 s1, v22;
	_ =	sdelay $0x3  }
0x27b: {  	[tilespmem:$0x5840] =	vst @!p0 v23  }
0x27c: {  	s1 =	sadd.s32 @!p0 $0x31C, s9;
	v23 =	vld.idx.msk @!p0 [tilespmem:v24+s0+$0x0], $0xffff  }
0x27d: {  	v24 =	vadd.s32 @!p0 s1, v22;
	_ =	sdelay $0x3  }
0x27e: {  	[tilespmem:$0x5850] =	vst @!p0 v23  }
0x27f: {  	s1 =	sadd.s32 @!p0 $0x32C, s9;
	v23 =	vld.idx.msk @!p0 [tilespmem:v24+s0+$0x0], $0xffff  }
0x280: {  	v24 =	vadd.s32 @!p0 s1, v22;
	_ =	sdelay $0x3  }
0x281: {  	[tilespmem:$0x5860] =	vst @!p0 v23  }
0x282: {  	s1 =	sadd.s32 @!p0 $0x33C, s9;
	v23 =	vld.idx.msk @!p0 [tilespmem:v24+s0+$0x0], $0xffff  }
0x283: {  	v24 =	vadd.s32 @!p0 s1, v22;
	_ =	sdelay $0x3  }
0x284: {  	[tilespmem:$0x5870] =	vst @!p0 v23  }
0x285: {  	s1 =	sadd.s32 @!p0 $0x34C, s9;
	v23 =	vld.idx.msk @!p0 [tilespmem:v24+s0+$0x0], $0xffff  }
0x286: {  	v24 =	vadd.s32 @!p0 s1, v22;
	_ =	sdelay $0x2  }
0x287: {  	s1 =	sadd.s32 @!p0 $0x35C, s9  }
0x288: {  	[tilespmem:$0x5880] =	vst @!p0 v23;
	v23 =	vadd.s32 @!p0 s1, v22  }
0x289: {  	v24 =	vld.idx.msk @!p0 [tilespmem:v24+s0+$0x0], $0xffff;
	vm0 =	vlt.s32 @!p0 v23, $0x2BBF  }
0x28a: {  	v23 =	vnsel @!p0 vm0, $0x2BBF, v23;
	_ =	sdelay $0x3  }
0x28b: {  	[tilespmem:$0x5890] =	vst @!p0 v24  }
0x28c: {  	v22 =	vor.u32 @!p0 $0xA0, v22;
	v23 =	vld.idx.msk @!p0 [tilespmem:v23+s0+$0x0], $0xffff;
	_ =	sdelay $0x2  }
0x28d: {  	s1 =	sadd.s32 $0x0, s17  }
0x28e: {  	s3 =	sadd.s32 $0x15E, s1;
	s0 =	simm.s32 @!p0 $0x5800  }
0x28f: {  	s10 =	simm.s32 @!p0 $0xAF;
	s11 =	simm.s32 @!p0 $0x5C00;
	[tilespmem:v22+s0+$0x0] =	vst.idx.msk @!p0 $0x7fff, v23;
	v22 =	vmov s3  }
0x290: {  	[tilespmem:s11], [sflag:$0x1] =	stream.indirect.gather @!p0 [spmem:s2], $0x80, s0, s10, $0xb8;
	[tilespmem:$0x1DC00] =	vst v63  }
0x291: {  	_ =	swait.ge [sflag:s28], $0x5780  }
0x292: {  	[sflag:s28] =	ssyncset.done $0x0  }
0x293: {  	[sflag:s28] =	ssyncadd.s32 $0xFFFFA880  }
0x294: {  	s10 =	simm.s32 $0x10DC0;
	v22 =	vld.idx.msk [tilespmem:v22+s13+$0x0], $0xffff  }
0x295: {  	v23 =	vld [tilespmem:s10+$0xFFFFFE40]  }
0x296: {  	v24 =	vld [tilespmem:s10+$0xFFFFFE50]  }
0x297: {  	v25 =	vld [tilespmem:s10+$0xFFFFFE60]  }
0x298: {  	v26 =	vld [tilespmem:s10+$0xFFFFFE70]  }
0x299: {  	v27 =	vld [tilespmem:s10+$0xFFFFFEB0]  }
0x29a: {  	v28 =	vld [tilespmem:s10+$0xFFFFFE90];
	v23 =	vmul.f32 v23, v22  }
0x29b: {  	v29 =	vld [tilespmem:s10+$0xFFFFFEA0];
	v24 =	vmul.f32 v24, v22  }
0x29c: {  	v30 =	vld [tilespmem:s10+$0xFFFFFE80];
	[tilespmem:s10+$0xFFFFFE40] =	vst v23;
	v23 =	vmul.f32 v25, v22  }
0x29d: {  	[tilespmem:s10+$0xFFFFFE50] =	vst v24;
	v24 =	vmul.f32 v26, v22  }
0x29e: {  	s14 =	sadd.s32 $0x15F, s1;
	v25 =	vmul.f32 v27, v22;
	[tilespmem:s10+$0xFFFFFE60] =	vst v23  }
0x29f: {  	v26 =	vmul.f32 v28, v22;
	v23 =	vmov s14;
	[tilespmem:s10+$0xFFFFFE70] =	vst v24  }
0x2a0: {  	v24 =	vmul.f32 v29, v22;
	[tilespmem:s10+$0xFFFFFEB0] =	vst v25  }
0x2a1: {  	v22 =	vmul.f32 v30, v22;
	[tilespmem:s10+$0xFFFFFE90] =	vst v26  }
0x2a2: {  	[tilespmem:s10+$0xFFFFFEA0] =	vst v24  }
0x2a3: {  	[tilespmem:s10+$0xFFFFFE80] =	vst v22  }
0x2a4: {  	v22 =	vld.idx.msk [tilespmem:v23+s13+$0x0], $0xffff  }
0x2a5: {  	v23 =	vld [tilespmem:s10+$0xFFFFFEC0]  }
0x2a6: {  	v24 =	vld [tilespmem:s10+$0xFFFFFEF0]  }
0x2a7: {  	v25 =	vld [tilespmem:s10+$0xFFFFFF10]  }
0x2a8: {  	v26 =	vld [tilespmem:s10+$0xFFFFFF20]  }
0x2a9: {  	v27 =	vld [tilespmem:s10+$0xFFFFFF30]  }
0x2aa: {  	v28 =	vld [tilespmem:s10+$0xFFFFFEE0];
	v23 =	vmul.f32 v23, v22  }
0x2ab: {  	v29 =	vld [tilespmem:s10+$0xFFFFFED0];
	v24 =	vmul.f32 v24, v22  }
0x2ac: {  	v30 =	vld [tilespmem:s10+$0xFFFFFF00];
	[tilespmem:s10+$0xFFFFFEC0] =	vst v23;
	v23 =	vmul.f32 v25, v22  }
0x2ad: {  	[tilespmem:s10+$0xFFFFFEF0] =	vst v24;
	v24 =	vmul.f32 v26, v22  }
0x2ae: {  	s16 =	sadd.s32 $0x160, s1;
	v25 =	vmul.f32 v27, v22;
	[tilespmem:s10+$0xFFFFFF10] =	vst v23  }
0x2af: {  	v26 =	vmov s16;
	v23 =	vmul.f32 v28, v22;
	[tilespmem:s10+$0xFFFFFF20] =	vst v24  }
0x2b0: {  	v24 =	vmul.f32 v29, v22;
	[tilespmem:s10+$0xFFFFFF30] =	vst v25  }
0x2b1: {  	v22 =	vmul.f32 v30, v22;
	[tilespmem:s10+$0xFFFFFEE0] =	vst v23  }
0x2b2: {  	[tilespmem:s10+$0xFFFFFED0] =	vst v24  }
0x2b3: {  	[tilespmem:s10+$0xFFFFFF00] =	vst v22;
	v23 =	vld [tilespmem:s10+$0xFFFFFF40]  }
0x2b4: {  	v22 =	vld.idx.msk [tilespmem:v26+s13+$0x0], $0xffff  }
0x2b5: {  	v24 =	vld [tilespmem:s10+$0xFFFFFF80]  }
0x2b6: {  	v25 =	vld [tilespmem:s10+$0xFFFFFF50]  }
0x2b7: {  	v26 =	vld [tilespmem:s10+$0xFFFFFFA0]  }
0x2b8: {  	v27 =	vld [tilespmem:s10+$0xFFFFFF60]  }
0x2b9: {  	v28 =	vld [tilespmem:s10+$0xFFFFFF70];
	v23 =	vmul.f32 v23, v22  }
0x2ba: {  	v29 =	vld [tilespmem:s10+$0xFFFFFF90];
	v24 =	vmul.f32 v24, v22  }
0x2bb: {  	v30 =	vld [tilespmem:s10+$0xFFFFFFB0];
	[tilespmem:s10+$0xFFFFFF40] =	vst v23;
	v23 =	vmul.f32 v25, v22  }
0x2bc: {  	[tilespmem:s10+$0xFFFFFF80] =	vst v24;
	v24 =	vmul.f32 v26, v22  }
0x2bd: {  	s31 =	sadd.s32 $0x161, s1;
	v25 =	vmul.f32 v27, v22;
	[tilespmem:s10+$0xFFFFFF50] =	vst v23  }
0x2be: {  	v26 =	vmov s31;
	v23 =	vmul.f32 v28, v22;
	[tilespmem:s10+$0xFFFFFFA0] =	vst v24  }
0x2bf: {  	v24 =	vmul.f32 v29, v22;
	[tilespmem:s10+$0xFFFFFF60] =	vst v25  }
0x2c0: {  	v22 =	vmul.f32 v30, v22;
	[tilespmem:s10+$0xFFFFFF70] =	vst v23  }
0x2c1: {  	v25 =	vld [tilespmem:s10+$0xFFFFFFF0];
	[tilespmem:s10+$0xFFFFFF90] =	vst v24  }
0x2c2: {  	v24 =	vld [tilespmem:s10+$0xFFFFFFC0];
	[tilespmem:s10+$0xFFFFFFB0] =	vst v22  }
0x2c3: {  	v23 =	vld.idx.msk [tilespmem:v26+s13+$0x0], $0xffff  }
0x2c4: {  	v26 =	vld [tilespmem:s10+$0xFFFFFFE0]  }
0x2c5: {  	v27 =	vld [tilespmem:s10+$0x0]  }
0x2c6: {  	v22 =	vld [tilespmem:s10+$0xFFFFFFD0]  }
0x2c7: {  	v30 =	vld [tilespmem:s10+$0x10]  }
0x2c8: {  	v29 =	vmul.f32 v24, v23;
	v24 =	vld [tilespmem:s10+$0x20]  }
0x2c9: {  	v28 =	vmul.f32 v26, v23;
	v26 =	vmul.f32 v25, v23;
	v25 =	vld [tilespmem:s10+$0x30];
	_ =	sdelay $0x1  }
0x2ca: {  	s30 =	simm.s32 $0x7;
	s12 =	sadd.s32 $0x162, s1;
	v22 =	vmul.f32 v22, v23  }
0x2cb: {  	s0 =	sadd.s32 $0x163, s1;
	s11 =	sadd.s32 $0x164, s1;
	s1 =	simm.s32 $0x10DC0;
	[tilespmem:s10+$0xFFFFFFC0] =	vst v29;
	v29 =	vmul.f32 v27, v23;
	v27 =	vmul.f32 v30, v23  }
.LBB2_7:
0x2cc: {  	p1 =	sne.s32 s30, $0xA8  }
0x2cd: {  	[tilespmem:s10+$0xFFFFFFE0] =	vst v28;
	v24 =	vmul.f32 v24, v23;
	v23 =	vmul.f32 v25, v23;
	s1 =	sadd.s32 $0x380, s1;
	s14 =	smov.u32 s30;
	s30 =	sadd.s32 $0x7, s30  }
0x2ce: {  	[tilespmem:s10+$0x0] =	vst v29  }
0x2cf: {  	v25 =	vmov s12;
	[tilespmem:s10+$0xFFFFFFF0] =	vst v26  }
0x2d0: {  	[tilespmem:s10+$0x20] =	vst v24;
	v24 =	vld [tilespmem:s10+$0xB0]  }
0x2d1: {  	[tilespmem:s10+$0x10] =	vst v27;
	v26 =	vld [tilespmem:s10+$0x40]  }
0x2d2: {  	[tilespmem:s10+$0xFFFFFFD0] =	vst v22;
	v22 =	vld [tilespmem:s10+$0x90]  }
0x2d3: {  	[tilespmem:s10+$0x30] =	vst v23;
	v23 =	vld [tilespmem:s10+$0x60]  }
0x2d4: {  	v25 =	vld.idx.msk [tilespmem:v25+s13+$0x0], $0xffff  }
0x2d5: {  	v27 =	vld [tilespmem:s10+$0x50]  }
0x2d6: {  	v28 =	vld [tilespmem:s10+$0x70]  }
0x2d7: {  	v29 =	vld [tilespmem:s10+$0x80]  }
0x2d8: {  	v30 =	vld [tilespmem:s10+$0xA0];
	_ =	sdelay $0x1  }
0x2d9: {  	v26 =	vmul.f32 v26, v25;
	v27 =	vmul.f32 v27, v25  }
0x2da: {  	v23 =	vmul.f32 v23, v25;
	v28 =	vmul.f32 v28, v25  }
0x2db: {  	v22 =	vmul.f32 v22, v25;
	[tilespmem:s10+$0x40] =	vst v26;
	v26 =	vmul.f32 v29, v25  }
0x2dc: {  	v24 =	vmul.f32 v24, v25;
	[tilespmem:s10+$0x70] =	vst v28;
	v28 =	vmul.f32 v30, v25  }
0x2dd: {  	[tilespmem:s10+$0x80] =	vst v26  }
0x2de: {  	[tilespmem:s10+$0x60] =	vst v23  }
0x2df: {  	[tilespmem:s10+$0xB0] =	vst v24  }
0x2e0: {  	[tilespmem:s10+$0x50] =	vst v27  }
0x2e1: {  	[tilespmem:s10+$0xA0] =	vst v28;
	_ =	sdelay $0x1  }
0x2e2: {  	v23 =	vmov s0;
	_ =	sdelay $0x1  }
0x2e3: {  	v24 =	vld [tilespmem:s10+$0x100]  }
0x2e4: {  	v25 =	vld [tilespmem:s10+$0xC0]  }
0x2e5: {  	[tilespmem:s10+$0x90] =	vst v22;
	v22 =	vld [tilespmem:s10+$0xD0]  }
0x2e6: {  	v23 =	vld.idx.msk [tilespmem:v23+s13+$0x0], $0xffff  }
0x2e7: {  	v26 =	vld [tilespmem:s10+$0xE0]  }
0x2e8: {  	v27 =	vld [tilespmem:s10+$0xF0]  }
0x2e9: {  	v28 =	vld [tilespmem:s10+$0x110]  }
0x2ea: {  	v29 =	vld [tilespmem:s10+$0x130]  }
0x2eb: {  	v30 =	vld [tilespmem:s10+$0x120]  }
0x2ec: {  	v25 =	vmul.f32 v25, v23;
	v22 =	vmul.f32 v22, v23  }
0x2ed: {  	v26 =	vmul.f32 v26, v23;
	v27 =	vmul.f32 v27, v23  }
0x2ee: {  	v24 =	vmul.f32 v24, v23;
	[tilespmem:s10+$0xC0] =	vst v25;
	v25 =	vmul.f32 v28, v23  }
0x2ef: {  	[tilespmem:s10+$0xE0] =	vst v26;
	v26 =	vmul.f32 v29, v23  }
0x2f0: {  	[tilespmem:s10+$0x100] =	vst v24;
	v23 =	vmul.f32 v30, v23  }
0x2f1: {  	[tilespmem:s10+$0x110] =	vst v25  }
0x2f2: {  	[tilespmem:s10+$0x120] =	vst v23  }
0x2f3: {  	v23 =	vmov s11;
	[tilespmem:s10+$0x130] =	vst v26  }
0x2f4: {  	[tilespmem:s10+$0xD0] =	vst v22;
	v22 =	vld [tilespmem:s10+$0x1B0]  }
0x2f5: {  	v24 =	vld [tilespmem:s10+$0x140]  }
0x2f6: {  	v25 =	vld [tilespmem:s10+$0x160]  }
0x2f7: {  	[tilespmem:s10+$0xF0] =	vst v27;
	v26 =	vld [tilespmem:s10+$0x190]  }
0x2f8: {  	v23 =	vld.idx.msk [tilespmem:v23+s13+$0x0], $0xffff  }
0x2f9: {  	v27 =	vld [tilespmem:s10+$0x150]  }
0x2fa: {  	v28 =	vld [tilespmem:s10+$0x170]  }
0x2fb: {  	v29 =	vld [tilespmem:s10+$0x180]  }
0x2fc: {  	s11 =	sadd.s32 s14, s17;
	v30 =	vld [tilespmem:s10+$0x1A0]  }
0x2fd: {  	s0 =	sadd.s32 $0x15E, s11;
	s16 =	sadd.s32 $0x15F, s11;
	s3 =	sadd.s32 $0x160, s11  }
0x2fe: {  	s14 =	sadd.s32 $0x161, s11;
	s12 =	sadd.s32 $0x162, s11;
	v31 =	vmov s0;
	s0 =	sadd.s32 $0x163, s11;
	v24 =	vmul.f32 v24, v23;
	v27 =	vmul.f32 v27, v23  }
0x2ff: {  	s11 =	sadd.s32 $0x164, s11;
	v25 =	vmul.f32 v25, v23;
	v28 =	vmul.f32 v28, v23  }
0x300: {  	v26 =	vmul.f32 v26, v23;
	[tilespmem:s10+$0x140] =	vst v24;
	v24 =	vmul.f32 v29, v23  }
0x301: {  	v22 =	vmul.f32 v22, v23;
	[tilespmem:s10+$0x160] =	vst v25;
	v25 =	vmul.f32 v30, v23  }
0x302: {  	[tilespmem:s10+$0x170] =	vst v28  }
0x303: {  	[tilespmem:s10+$0x180] =	vst v24  }
0x304: {  	v23 =	vld [tilespmem:s1+$0xFFFFFE80];
	[tilespmem:s10+$0x1B0] =	vst v22  }
0x305: {  	v22 =	vld [tilespmem:s1+$0xFFFFFE90];
	[tilespmem:s10+$0x190] =	vst v26  }
0x306: {  	v24 =	vld [tilespmem:s1+$0xFFFFFEA0];
	[tilespmem:s10+$0x1A0] =	vst v25  }
0x307: {  	v25 =	vld [tilespmem:s1+$0xFFFFFEB0];
	[tilespmem:s10+$0x150] =	vst v27;
	s10 =	smov.u32 s1  }
0x308: {  	v26 =	vld.idx.msk [tilespmem:v31+s13+$0x0], $0xffff  }
0x309: {  	v27 =	vld [tilespmem:s1+$0xFFFFFE40]  }
0x30a: {  	v28 =	vld [tilespmem:s1+$0xFFFFFE50]  }
0x30b: {  	v29 =	vld [tilespmem:s1+$0xFFFFFE60]  }
0x30c: {  	v30 =	vld [tilespmem:s1+$0xFFFFFE70];
	_ =	sdelay $0x1  }
0x30d: {  	v31 =	vmov s16;
	v25 =	vmul.f32 v25, v26;
	v27 =	vmul.f32 v27, v26  }
0x30e: {  	v24 =	vmul.f32 v24, v26;
	v28 =	vmul.f32 v28, v26  }
0x30f: {  	v22 =	vmul.f32 v22, v26;
	[tilespmem:s1+$0xFFFFFE40] =	vst v27;
	v27 =	vmul.f32 v29, v26  }
0x310: {  	v23 =	vmul.f32 v23, v26;
	[tilespmem:s1+$0xFFFFFE50] =	vst v28;
	v28 =	vmul.f32 v30, v26  }
0x311: {  	[tilespmem:s1+$0xFFFFFE60] =	vst v27  }
0x312: {  	[tilespmem:s1+$0xFFFFFE70] =	vst v28  }
0x313: {  	[tilespmem:s1+$0xFFFFFEB0] =	vst v25;
	v25 =	vld [tilespmem:s1+$0xFFFFFF30]  }
0x314: {  	[tilespmem:s1+$0xFFFFFE90] =	vst v22;
	v22 =	vld [tilespmem:s1+$0xFFFFFF10]  }
0x315: {  	[tilespmem:s1+$0xFFFFFEA0] =	vst v24;
	v24 =	vld [tilespmem:s1+$0xFFFFFEF0]  }
0x316: {  	[tilespmem:s1+$0xFFFFFE80] =	vst v23;
	v23 =	vld [tilespmem:s1+$0xFFFFFED0]  }
0x317: {  	v26 =	vld.idx.msk [tilespmem:v31+s13+$0x0], $0xffff  }
0x318: {  	v27 =	vld [tilespmem:s1+$0xFFFFFEC0]  }
0x319: {  	v28 =	vld [tilespmem:s1+$0xFFFFFEE0]  }
0x31a: {  	v29 =	vld [tilespmem:s1+$0xFFFFFF00]  }
0x31b: {  	v30 =	vld [tilespmem:s1+$0xFFFFFF20];
	_ =	sdelay $0x1  }
0x31c: {  	v23 =	vmul.f32 v23, v26;
	v27 =	vmul.f32 v27, v26  }
0x31d: {  	v24 =	vmul.f32 v24, v26;
	v28 =	vmul.f32 v28, v26  }
0x31e: {  	v22 =	vmul.f32 v22, v26;
	[tilespmem:s1+$0xFFFFFEC0] =	vst v27;
	v27 =	vmul.f32 v29, v26;
	v29 =	vmov s3  }
0x31f: {  	v25 =	vmul.f32 v25, v26;
	[tilespmem:s1+$0xFFFFFEF0] =	vst v24;
	v24 =	vmul.f32 v30, v26  }
0x320: {  	[tilespmem:s1+$0xFFFFFF10] =	vst v22  }
0x321: {  	[tilespmem:s1+$0xFFFFFF20] =	vst v24  }
0x322: {  	[tilespmem:s1+$0xFFFFFF30] =	vst v25;
	v22 =	vld [tilespmem:s1+$0xFFFFFFA0]  }
0x323: {  	[tilespmem:s1+$0xFFFFFEE0] =	vst v28;
	v24 =	vld [tilespmem:s1+$0xFFFFFFB0]  }
0x324: {  	[tilespmem:s1+$0xFFFFFED0] =	vst v23;
	v23 =	vld [tilespmem:s1+$0xFFFFFF70]  }
0x325: {  	[tilespmem:s1+$0xFFFFFF00] =	vst v27;
	v25 =	vld [tilespmem:s1+$0xFFFFFF80]  }
0x326: {  	v26 =	vld.idx.msk [tilespmem:v29+s13+$0x0], $0xffff  }
0x327: {  	v27 =	vld [tilespmem:s1+$0xFFFFFF40]  }
0x328: {  	v28 =	vld [tilespmem:s1+$0xFFFFFF60]  }
0x329: {  	v29 =	vld [tilespmem:s1+$0xFFFFFF50]  }
0x32a: {  	v30 =	vld [tilespmem:s1+$0xFFFFFF90];
	_ =	sdelay $0x1  }
0x32b: {  	v25 =	vmul.f32 v25, v26;
	v27 =	vmul.f32 v27, v26  }
0x32c: {  	v23 =	vmul.f32 v23, v26;
	v28 =	vmul.f32 v28, v26  }
0x32d: {  	v24 =	vmul.f32 v24, v26;
	[tilespmem:s1+$0xFFFFFF40] =	vst v27;
	v27 =	vmul.f32 v29, v26  }
0x32e: {  	v22 =	vmul.f32 v22, v26;
	[tilespmem:s1+$0xFFFFFF80] =	vst v25;
	v25 =	vmul.f32 v30, v26  }
0x32f: {  	[tilespmem:s1+$0xFFFFFF50] =	vst v27  }
0x330: {  	[tilespmem:s1+$0xFFFFFFA0] =	vst v22;
	v22 =	vmov s14  }
0x331: {  	[tilespmem:s1+$0xFFFFFF60] =	vst v28;
	v26 =	vld [tilespmem:s1+$0xFFFFFFF0]  }
0x332: {  	[tilespmem:s1+$0xFFFFFF70] =	vst v23;
	v27 =	vld [tilespmem:s1+$0x0]  }
0x333: {  	[tilespmem:s1+$0xFFFFFF90] =	vst v25;
	v28 =	vld [tilespmem:s1+$0xFFFFFFC0]  }
0x334: {  	[tilespmem:s1+$0xFFFFFFB0] =	vst v24;
	v24 =	vld [tilespmem:s1+$0x20]  }
0x335: {  	v23 =	vld.idx.msk [tilespmem:v22+s13+$0x0], $0xffff  }
0x336: {  	v22 =	vld [tilespmem:s1+$0xFFFFFFD0]  }
0x337: {  	v29 =	vld [tilespmem:s1+$0xFFFFFFE0]  }
0x338: {  	v30 =	vld [tilespmem:s1+$0x10]  }
.Ltmp2:
0x339: {  	v25 =	vld [tilespmem:s1+$0x30];
	(pc) =	sbr.rel @p1 .LBB2_7-.Ltmp2, $4  }
0x33a: {  	_ = 	snop  }
0x33b: {  	v31 =	vmul.f32 v28, v23;
	v22 =	vmul.f32 v22, v23  }
0x33c: {  	v26 =	vmul.f32 v26, v23;
	v28 =	vmul.f32 v29, v23  }
0x33d: {  	v29 =	vmul.f32 v27, v23;
	[tilespmem:s1+$0xFFFFFFC0] =	vst v31;
	v27 =	vmul.f32 v30, v23  }
0x33e: {  	[tilespmem:s10+$0xFFFFFFE0] =	vst v28  }
0x33f: {  	[tilespmem:s10+$0xFFFFFFF0] =	vst v26  }
0x340: {  	v26 =	vmov s12;
	[tilespmem:s10+$0xFFFFFFD0] =	vst v22  }
0x341: {  	v24 =	vmul.f32 v24, v23;
	[tilespmem:s10+$0x0] =	vst v29  }
0x342: {  	v23 =	vmul.f32 v25, v23;
	[tilespmem:s10+$0x10] =	vst v27  }
0x343: {  	[tilespmem:s10+$0x20] =	vst v24  }
0x344: {  	v24 =	vld [tilespmem:s10+$0x40];
	[tilespmem:s10+$0x30] =	vst v23  }
0x345: {  	v22 =	vld.idx.msk [tilespmem:v26+s13+$0x0], $0xffff  }
0x346: {  	v23 =	vld [tilespmem:s10+$0x70]  }
0x347: {  	v25 =	vld [tilespmem:s10+$0x80]  }
0x348: {  	v26 =	vld [tilespmem:s10+$0x60]  }
0x349: {  	v27 =	vld [tilespmem:s10+$0xB0]  }
0x34a: {  	v29 =	vld [tilespmem:s10+$0x50];
	v24 =	vmul.f32 v24, v22  }
0x34b: {  	v28 =	vld [tilespmem:s10+$0xA0];
	v23 =	vmul.f32 v23, v22  }
0x34c: {  	v30 =	vld [tilespmem:s10+$0x90];
	[tilespmem:s10+$0x40] =	vst v24;
	v24 =	vmul.f32 v25, v22  }
0x34d: {  	v25 =	vmul.f32 v26, v22;
	[tilespmem:s10+$0x70] =	vst v23  }
0x34e: {  	v23 =	vmul.f32 v27, v22;
	[tilespmem:s10+$0x80] =	vst v24  }
0x34f: {  	v26 =	vmul.f32 v29, v22;
	[tilespmem:s10+$0x60] =	vst v25;
	v25 =	vmov s0  }
0x350: {  	v24 =	vmul.f32 v28, v22;
	[tilespmem:s10+$0xB0] =	vst v23  }
0x351: {  	v22 =	vmul.f32 v30, v22;
	[tilespmem:s10+$0x50] =	vst v26  }
0x352: {  	v27 =	vld [tilespmem:s10+$0x110];
	[tilespmem:s10+$0xA0] =	vst v24  }
0x353: {  	v23 =	vld [tilespmem:s10+$0xC0];
	[tilespmem:s10+$0x90] =	vst v22  }
0x354: {  	v22 =	vld.idx.msk [tilespmem:v25+s13+$0x0], $0xffff  }
0x355: {  	v25 =	vld [tilespmem:s10+$0xE0]  }
0x356: {  	v26 =	vld [tilespmem:s10+$0xD0]  }
0x357: {  	v24 =	vld [tilespmem:s10+$0x100];
	_ =	sdelay $0x1  }
0x358: {  	v29 =	vld [tilespmem:s10+$0x130];
	v23 =	vmul.f32 v23, v22  }
0x359: {  	v28 =	vld [tilespmem:s10+$0x120];
	v25 =	vmul.f32 v25, v22  }
0x35a: {  	v30 =	vld [tilespmem:s10+$0xF0];
	v26 =	vmul.f32 v26, v22;
	[tilespmem:s10+$0xC0] =	vst v23  }
0x35b: {  	v23 =	vmul.f32 v24, v22;
	v24 =	vmul.f32 v27, v22;
	[tilespmem:s10+$0xE0] =	vst v25  }
0x35c: {  	[tilespmem:s10+$0xD0] =	vst v26  }
0x35d: {  	v25 =	vmul.f32 v29, v22;
	[tilespmem:s10+$0x110] =	vst v24;
	v24 =	vmov s11  }
0x35e: {  	[tilespmem:s10+$0x100] =	vst v23;
	v23 =	vmul.f32 v28, v22  }
0x35f: {  	v22 =	vmul.f32 v30, v22;
	[tilespmem:s10+$0x130] =	vst v25  }
0x360: {  	[tilespmem:s10+$0x120] =	vst v23  }
0x361: {  	v25 =	vld [tilespmem:s10+$0x140];
	[tilespmem:s10+$0xF0] =	vst v22  }
0x362: {  	v22 =	vld.idx.msk [tilespmem:v24+s13+$0x0], $0xffff  }
0x363: {  	v24 =	vld [tilespmem:s10+$0x160]  }
0x364: {  	v26 =	vld [tilespmem:s10+$0x170]  }
0x365: {  	v23 =	vld [tilespmem:s10+$0x1B0]  }
0x366: {  	v27 =	vld [tilespmem:s10+$0x180]  }
0x367: {  	v28 =	vld [tilespmem:s10+$0x190];
	v25 =	vmul.f32 v25, v22  }
0x368: {  	v30 =	vld [tilespmem:s10+$0x1A0];
	v24 =	vmul.f32 v24, v22  }
0x369: {  	v29 =	vld [tilespmem:s10+$0x150];
	v26 =	vmul.f32 v26, v22;
	[tilespmem:s10+$0x140] =	vst v25  }
0x36a: {  	v23 =	vmul.f32 v23, v22;
	[tilespmem:s10+$0x160] =	vst v24  }
0x36b: {  	s12 =	smul.u32 $0x19, s8;
	v25 =	vmul.f32 v27, v22;
	[tilespmem:s10+$0x170] =	vst v26  }
0x36c: {  	v24 =	vmul.f32 v28, v22;
	[tilespmem:s10+$0x1B0] =	vst v23  }
0x36d: {  	s0 =	sadd.s32 s5, s12;
	[tilespmem:s10+$0x180] =	vst v25;
	v25 =	vmul.f32 v30, v22  }
0x36e: {  	s0 =	sshll.u32 s0, $0x7;
	v22 =	vmul.f32 v29, v22;
	[tilespmem:s10+$0x190] =	vst v24  }
0x36f: {  	s0 =	sand.u32 $0x1FFFFF00, s0;
	[tilespmem:s10+$0x1A0] =	vst v25  }
0x370: {  	s1 =	sadd.s32 @!p0 $0x36B, s9;
	s0 =	sadd.s32 s4, s0;
	[tilespmem:s10+$0x150] =	vst v22;
	v22 =	vlaneseq.u32 @!p0  }
0x371: {  	[hbm4b:s0+s22] =	stream.strided.scatter [tilespmem:s20], [sflag:$0x7], $0x5780, s23, s22, $0x38;
	v23 =	vadd.s32 @!p0 s1, v22;
	[tilespmem:$0x1DC00] =	vst v63  }
0x372: {  	s0 =	simm.s32 @!p0 $0x6  }
0x373: {  	_ =	swait.ge @!p0 [sflag:s0], $0x5780  }
0x374: {  	[sflag:s0] =	ssyncset.done @!p0 $0x0  }
0x375: {  	[sflag:s0] =	ssyncadd.s32 @!p0 $0xFFFFA880;
	s0 =	simm.s32 @!p0 $0x0  }
0x376: {  	s1 =	sadd.s32 @!p0 $0x37B, s9;
	v23 =	vld.idx.msk @!p0 [tilespmem:v23+s0+$0x0], $0xffff  }
0x377: {  	v24 =	vadd.s32 @!p0 s1, v22;
	_ =	sdelay $0x3  }
0x378: {  	[tilespmem:$0x5900] =	vst @!p0 v23  }
0x379: {  	s1 =	sadd.s32 @!p0 $0x38B, s9;
	v23 =	vld.idx.msk @!p0 [tilespmem:v24+s0+$0x0], $0xffff  }
0x37a: {  	v24 =	vadd.s32 @!p0 s1, v22;
	_ =	sdelay $0x3  }
0x37b: {  	[tilespmem:$0x5910] =	vst @!p0 v23  }
0x37c: {  	s1 =	sadd.s32 @!p0 $0x39B, s9;
	v23 =	vld.idx.msk @!p0 [tilespmem:v24+s0+$0x0], $0xffff  }
0x37d: {  	v24 =	vadd.s32 @!p0 s1, v22;
	_ =	sdelay $0x3  }
0x37e: {  	[tilespmem:$0x5920] =	vst @!p0 v23  }
0x37f: {  	s1 =	sadd.s32 @!p0 $0x3AB, s9;
	v23 =	vld.idx.msk @!p0 [tilespmem:v24+s0+$0x0], $0xffff  }
0x380: {  	v24 =	vadd.s32 @!p0 s1, v22;
	_ =	sdelay $0x3  }
0x381: {  	[tilespmem:$0x5930] =	vst @!p0 v23  }
0x382: {  	s1 =	sadd.s32 @!p0 $0x3BB, s9;
	v23 =	vld.idx.msk @!p0 [tilespmem:v24+s0+$0x0], $0xffff  }
0x383: {  	v24 =	vadd.s32 @!p0 s1, v22;
	_ =	sdelay $0x3  }
0x384: {  	[tilespmem:$0x5940] =	vst @!p0 v23  }
0x385: {  	s1 =	sadd.s32 @!p0 $0x3CB, s9;
	v23 =	vld.idx.msk @!p0 [tilespmem:v24+s0+$0x0], $0xffff  }
0x386: {  	v24 =	vadd.s32 @!p0 s1, v22;
	_ =	sdelay $0x3  }
0x387: {  	[tilespmem:$0x5950] =	vst @!p0 v23  }
0x388: {  	s1 =	sadd.s32 @!p0 $0x3DB, s9;
	v23 =	vld.idx.msk @!p0 [tilespmem:v24+s0+$0x0], $0xffff  }
0x389: {  	v24 =	vadd.s32 @!p0 s1, v22;
	_ =	sdelay $0x3  }
0x38a: {  	[tilespmem:$0x5960] =	vst @!p0 v23  }
0x38b: {  	s1 =	sadd.s32 @!p0 $0x3EB, s9;
	v23 =	vld.idx.msk @!p0 [tilespmem:v24+s0+$0x0], $0xffff  }
0x38c: {  	v24 =	vadd.s32 @!p0 s1, v22;
	_ =	sdelay $0x3  }
0x38d: {  	[tilespmem:$0x5970] =	vst @!p0 v23  }
0x38e: {  	s1 =	sadd.s32 @!p0 $0x3FB, s9;
	v23 =	vld.idx.msk @!p0 [tilespmem:v24+s0+$0x0], $0xffff  }
0x38f: {  	v24 =	vadd.s32 @!p0 s1, v22;
	_ =	sdelay $0x2  }
0x390: {  	s1 =	sadd.s32 @!p0 $0x40B, s9  }
0x391: {  	[tilespmem:$0x5980] =	vst @!p0 v23;
	v23 =	vadd.s32 @!p0 s1, v22  }
0x392: {  	v24 =	vld.idx.msk @!p0 [tilespmem:v24+s0+$0x0], $0xffff;
	vm0 =	vlt.s32 @!p0 v23, $0x2BBF  }
0x393: {  	v23 =	vnsel @!p0 vm0, $0x2BBF, v23;
	_ =	sdelay $0x3  }
0x394: {  	[tilespmem:$0x5990] =	vst @!p0 v24  }
0x395: {  	v22 =	vor.u32 @!p0 $0xA0, v22;
	v23 =	vld.idx.msk @!p0 [tilespmem:v23+s0+$0x0], $0xffff;
	_ =	sdelay $0x2  }
0x396: {  	s14 =	sadd.s32 $0x0, s17  }
0x397: {  	s3 =	sadd.s32 $0x20D, s14;
	s0 =	simm.s32 @!p0 $0x5900  }
0x398: {  	s8 =	simm.s32 @!p0 $0xAF;
	s9 =	simm.s32 @!p0 $0xB400;
	[tilespmem:v22+s0+$0x0] =	vst.idx.msk @!p0 $0x7fff, v23;
	v22 =	vmov s3  }
0x399: {  	[tilespmem:s9], [sflag:$0x2] =	stream.indirect.gather @!p0 [spmem:s2], $0x80, s0, s8, $0xb8;
	[tilespmem:$0x1DC00] =	vst v63  }
0x39a: {  	_ =	swait.ge [sflag:s29], $0x5780  }
0x39b: {  	[sflag:s29] =	ssyncset.done $0x0  }
0x39c: {  	[sflag:s29] =	ssyncadd.s32 $0xFFFFA880  }
0x39d: {  	s8 =	simm.s32 $0x165C0;
	v22 =	vld.idx.msk [tilespmem:v22+s13+$0x0], $0xffff  }
0x39e: {  	v23 =	vld [tilespmem:s8+$0xFFFFFE40]  }
0x39f: {  	v24 =	vld [tilespmem:s8+$0xFFFFFE50]  }
0x3a0: {  	v25 =	vld [tilespmem:s8+$0xFFFFFE60]  }
0x3a1: {  	v26 =	vld [tilespmem:s8+$0xFFFFFE70]  }
0x3a2: {  	v27 =	vld [tilespmem:s8+$0xFFFFFEB0]  }
0x3a3: {  	v28 =	vld [tilespmem:s8+$0xFFFFFE90];
	v23 =	vmul.f32 v23, v22  }
0x3a4: {  	v29 =	vld [tilespmem:s8+$0xFFFFFEA0];
	v24 =	vmul.f32 v24, v22  }
0x3a5: {  	v30 =	vld [tilespmem:s8+$0xFFFFFE80];
	[tilespmem:s8+$0xFFFFFE40] =	vst v23;
	v23 =	vmul.f32 v25, v22  }
0x3a6: {  	[tilespmem:s8+$0xFFFFFE50] =	vst v24;
	v24 =	vmul.f32 v26, v22  }
0x3a7: {  	s16 =	sadd.s32 $0x20E, s14;
	v25 =	vmul.f32 v27, v22;
	[tilespmem:s8+$0xFFFFFE60] =	vst v23  }
0x3a8: {  	v26 =	vmul.f32 v28, v22;
	v23 =	vmov s16;
	[tilespmem:s8+$0xFFFFFE70] =	vst v24  }
0x3a9: {  	v24 =	vmul.f32 v29, v22;
	[tilespmem:s8+$0xFFFFFEB0] =	vst v25  }
0x3aa: {  	v22 =	vmul.f32 v30, v22;
	[tilespmem:s8+$0xFFFFFE90] =	vst v26  }
0x3ab: {  	[tilespmem:s8+$0xFFFFFEA0] =	vst v24  }
0x3ac: {  	[tilespmem:s8+$0xFFFFFE80] =	vst v22  }
0x3ad: {  	v22 =	vld.idx.msk [tilespmem:v23+s13+$0x0], $0xffff  }
0x3ae: {  	v23 =	vld [tilespmem:s8+$0xFFFFFEC0]  }
0x3af: {  	v24 =	vld [tilespmem:s8+$0xFFFFFEF0]  }
0x3b0: {  	v25 =	vld [tilespmem:s8+$0xFFFFFF10]  }
0x3b1: {  	v26 =	vld [tilespmem:s8+$0xFFFFFF20]  }
0x3b2: {  	v27 =	vld [tilespmem:s8+$0xFFFFFF30]  }
0x3b3: {  	v28 =	vld [tilespmem:s8+$0xFFFFFEE0];
	v23 =	vmul.f32 v23, v22  }
0x3b4: {  	v29 =	vld [tilespmem:s8+$0xFFFFFED0];
	v24 =	vmul.f32 v24, v22  }
0x3b5: {  	v30 =	vld [tilespmem:s8+$0xFFFFFF00];
	[tilespmem:s8+$0xFFFFFEC0] =	vst v23;
	v23 =	vmul.f32 v25, v22  }
0x3b6: {  	[tilespmem:s8+$0xFFFFFEF0] =	vst v24;
	v24 =	vmul.f32 v26, v22  }
0x3b7: {  	s30 =	sadd.s32 $0x20F, s14;
	v25 =	vmul.f32 v27, v22;
	[tilespmem:s8+$0xFFFFFF10] =	vst v23  }
0x3b8: {  	v26 =	vmov s30;
	v23 =	vmul.f32 v28, v22;
	[tilespmem:s8+$0xFFFFFF20] =	vst v24  }
0x3b9: {  	v24 =	vmul.f32 v29, v22;
	[tilespmem:s8+$0xFFFFFF30] =	vst v25  }
0x3ba: {  	v22 =	vmul.f32 v30, v22;
	[tilespmem:s8+$0xFFFFFEE0] =	vst v23  }
0x3bb: {  	[tilespmem:s8+$0xFFFFFED0] =	vst v24  }
0x3bc: {  	[tilespmem:s8+$0xFFFFFF00] =	vst v22;
	v23 =	vld [tilespmem:s8+$0xFFFFFF40]  }
0x3bd: {  	v22 =	vld.idx.msk [tilespmem:v26+s13+$0x0], $0xffff  }
0x3be: {  	v24 =	vld [tilespmem:s8+$0xFFFFFF80]  }
0x3bf: {  	v25 =	vld [tilespmem:s8+$0xFFFFFF50]  }
0x3c0: {  	v26 =	vld [tilespmem:s8+$0xFFFFFFA0]  }
0x3c1: {  	v27 =	vld [tilespmem:s8+$0xFFFFFF60]  }
0x3c2: {  	v28 =	vld [tilespmem:s8+$0xFFFFFF70];
	v23 =	vmul.f32 v23, v22  }
0x3c3: {  	v29 =	vld [tilespmem:s8+$0xFFFFFF90];
	v24 =	vmul.f32 v24, v22  }
0x3c4: {  	v30 =	vld [tilespmem:s8+$0xFFFFFFB0];
	[tilespmem:s8+$0xFFFFFF40] =	vst v23;
	v23 =	vmul.f32 v25, v22  }
0x3c5: {  	[tilespmem:s8+$0xFFFFFF80] =	vst v24;
	v24 =	vmul.f32 v26, v22  }
0x3c6: {  	s31 =	sadd.s32 $0x210, s14;
	v25 =	vmul.f32 v27, v22;
	[tilespmem:s8+$0xFFFFFF50] =	vst v23  }
0x3c7: {  	v26 =	vmov s31;
	v23 =	vmul.f32 v28, v22;
	[tilespmem:s8+$0xFFFFFFA0] =	vst v24  }
0x3c8: {  	v24 =	vmul.f32 v29, v22;
	[tilespmem:s8+$0xFFFFFF60] =	vst v25  }
0x3c9: {  	v22 =	vmul.f32 v30, v22;
	[tilespmem:s8+$0xFFFFFF70] =	vst v23  }
0x3ca: {  	v25 =	vld [tilespmem:s8+$0xFFFFFFF0];
	[tilespmem:s8+$0xFFFFFF90] =	vst v24  }
0x3cb: {  	v24 =	vld [tilespmem:s8+$0xFFFFFFC0];
	[tilespmem:s8+$0xFFFFFFB0] =	vst v22  }
0x3cc: {  	v23 =	vld.idx.msk [tilespmem:v26+s13+$0x0], $0xffff  }
0x3cd: {  	v26 =	vld [tilespmem:s8+$0xFFFFFFE0]  }
0x3ce: {  	v27 =	vld [tilespmem:s8+$0x0]  }
0x3cf: {  	v22 =	vld [tilespmem:s8+$0xFFFFFFD0]  }
0x3d0: {  	v30 =	vld [tilespmem:s8+$0x10]  }
0x3d1: {  	v29 =	vmul.f32 v24, v23;
	v24 =	vld [tilespmem:s8+$0x20]  }
0x3d2: {  	v28 =	vmul.f32 v26, v23;
	v26 =	vmul.f32 v25, v23;
	v25 =	vld [tilespmem:s8+$0x30];
	_ =	sdelay $0x1  }
0x3d3: {  	s11 =	sadd.s32 $0x211, s14;
	s10 =	simm.s32 $0x7;
	v22 =	vmul.f32 v22, v23  }
0x3d4: {  	s1 =	simm.s32 $0x165C0;
	s0 =	sadd.s32 $0x212, s14;
	s9 =	sadd.s32 $0x213, s14;
	[tilespmem:s8+$0xFFFFFFC0] =	vst v29;
	v29 =	vmul.f32 v27, v23;
	v27 =	vmul.f32 v30, v23  }
.LBB2_9:
0x3d5: {  	p0 =	sne.s32 s10, $0xA8  }
0x3d6: {  	[tilespmem:s8+$0xFFFFFFE0] =	vst v28;
	v24 =	vmul.f32 v24, v23;
	v23 =	vmul.f32 v25, v23;
	s1 =	sadd.s32 $0x380, s1;
	s12 =	smov.u32 s10;
	s10 =	sadd.s32 $0x7, s10  }
0x3d7: {  	[tilespmem:s8+$0x0] =	vst v29  }
0x3d8: {  	v25 =	vmov s11;
	[tilespmem:s8+$0xFFFFFFF0] =	vst v26  }
0x3d9: {  	[tilespmem:s8+$0x20] =	vst v24;
	v24 =	vld [tilespmem:s8+$0xB0]  }
0x3da: {  	[tilespmem:s8+$0x10] =	vst v27;
	v26 =	vld [tilespmem:s8+$0x40]  }
0x3db: {  	[tilespmem:s8+$0xFFFFFFD0] =	vst v22;
	v22 =	vld [tilespmem:s8+$0x90]  }
0x3dc: {  	[tilespmem:s8+$0x30] =	vst v23;
	v23 =	vld [tilespmem:s8+$0x60]  }
0x3dd: {  	v25 =	vld.idx.msk [tilespmem:v25+s13+$0x0], $0xffff  }
0x3de: {  	v27 =	vld [tilespmem:s8+$0x50]  }
0x3df: {  	v28 =	vld [tilespmem:s8+$0x70]  }
0x3e0: {  	v29 =	vld [tilespmem:s8+$0x80]  }
0x3e1: {  	v30 =	vld [tilespmem:s8+$0xA0];
	_ =	sdelay $0x1  }
0x3e2: {  	v26 =	vmul.f32 v26, v25;
	v27 =	vmul.f32 v27, v25  }
0x3e3: {  	v23 =	vmul.f32 v23, v25;
	v28 =	vmul.f32 v28, v25  }
0x3e4: {  	v22 =	vmul.f32 v22, v25;
	[tilespmem:s8+$0x40] =	vst v26;
	v26 =	vmul.f32 v29, v25  }
0x3e5: {  	v24 =	vmul.f32 v24, v25;
	[tilespmem:s8+$0x70] =	vst v28;
	v28 =	vmul.f32 v30, v25  }
0x3e6: {  	[tilespmem:s8+$0x80] =	vst v26  }
0x3e7: {  	[tilespmem:s8+$0x60] =	vst v23  }
0x3e8: {  	[tilespmem:s8+$0xB0] =	vst v24  }
0x3e9: {  	[tilespmem:s8+$0x50] =	vst v27  }
0x3ea: {  	[tilespmem:s8+$0xA0] =	vst v28;
	_ =	sdelay $0x1  }
0x3eb: {  	v23 =	vmov s0;
	_ =	sdelay $0x1  }
0x3ec: {  	v24 =	vld [tilespmem:s8+$0x100]  }
0x3ed: {  	v25 =	vld [tilespmem:s8+$0xC0]  }
0x3ee: {  	[tilespmem:s8+$0x90] =	vst v22;
	v22 =	vld [tilespmem:s8+$0xD0]  }
0x3ef: {  	v23 =	vld.idx.msk [tilespmem:v23+s13+$0x0], $0xffff  }
0x3f0: {  	v26 =	vld [tilespmem:s8+$0xE0]  }
0x3f1: {  	v27 =	vld [tilespmem:s8+$0xF0]  }
0x3f2: {  	v28 =	vld [tilespmem:s8+$0x110]  }
0x3f3: {  	v29 =	vld [tilespmem:s8+$0x130]  }
0x3f4: {  	v30 =	vld [tilespmem:s8+$0x120]  }
0x3f5: {  	v25 =	vmul.f32 v25, v23;
	v22 =	vmul.f32 v22, v23  }
0x3f6: {  	v26 =	vmul.f32 v26, v23;
	v27 =	vmul.f32 v27, v23  }
0x3f7: {  	v24 =	vmul.f32 v24, v23;
	[tilespmem:s8+$0xC0] =	vst v25;
	v25 =	vmul.f32 v28, v23  }
0x3f8: {  	[tilespmem:s8+$0xE0] =	vst v26;
	v26 =	vmul.f32 v29, v23  }
0x3f9: {  	[tilespmem:s8+$0x100] =	vst v24;
	v23 =	vmul.f32 v30, v23  }
0x3fa: {  	[tilespmem:s8+$0x110] =	vst v25  }
0x3fb: {  	[tilespmem:s8+$0x120] =	vst v23  }
0x3fc: {  	v23 =	vmov s9;
	[tilespmem:s8+$0x130] =	vst v26  }
0x3fd: {  	[tilespmem:s8+$0xD0] =	vst v22;
	v22 =	vld [tilespmem:s8+$0x1B0]  }
0x3fe: {  	v24 =	vld [tilespmem:s8+$0x140]  }
0x3ff: {  	v25 =	vld [tilespmem:s8+$0x160]  }
0x400: {  	[tilespmem:s8+$0xF0] =	vst v27;
	v26 =	vld [tilespmem:s8+$0x190]  }
0x401: {  	v23 =	vld.idx.msk [tilespmem:v23+s13+$0x0], $0xffff  }
0x402: {  	v27 =	vld [tilespmem:s8+$0x150]  }
0x403: {  	v28 =	vld [tilespmem:s8+$0x170]  }
0x404: {  	v29 =	vld [tilespmem:s8+$0x180]  }
0x405: {  	s9 =	sadd.s32 s12, s17;
	v30 =	vld [tilespmem:s8+$0x1A0]  }
0x406: {  	s0 =	sadd.s32 $0x20D, s9;
	s14 =	sadd.s32 $0x20E, s9;
	s3 =	sadd.s32 $0x20F, s9  }
0x407: {  	s12 =	sadd.s32 $0x210, s9;
	s11 =	sadd.s32 $0x211, s9;
	v31 =	vmov s0;
	s0 =	sadd.s32 $0x212, s9;
	v24 =	vmul.f32 v24, v23;
	v27 =	vmul.f32 v27, v23  }
0x408: {  	s9 =	sadd.s32 $0x213, s9;
	v25 =	vmul.f32 v25, v23;
	v28 =	vmul.f32 v28, v23  }
0x409: {  	v26 =	vmul.f32 v26, v23;
	[tilespmem:s8+$0x140] =	vst v24;
	v24 =	vmul.f32 v29, v23  }
0x40a: {  	v22 =	vmul.f32 v22, v23;
	[tilespmem:s8+$0x160] =	vst v25;
	v25 =	vmul.f32 v30, v23  }
0x40b: {  	[tilespmem:s8+$0x170] =	vst v28  }
0x40c: {  	[tilespmem:s8+$0x180] =	vst v24  }
0x40d: {  	v23 =	vld [tilespmem:s1+$0xFFFFFE80];
	[tilespmem:s8+$0x1B0] =	vst v22  }
0x40e: {  	v22 =	vld [tilespmem:s1+$0xFFFFFE90];
	[tilespmem:s8+$0x190] =	vst v26  }
0x40f: {  	v24 =	vld [tilespmem:s1+$0xFFFFFEA0];
	[tilespmem:s8+$0x1A0] =	vst v25  }
0x410: {  	v25 =	vld [tilespmem:s1+$0xFFFFFEB0];
	[tilespmem:s8+$0x150] =	vst v27;
	s8 =	smov.u32 s1  }
0x411: {  	v26 =	vld.idx.msk [tilespmem:v31+s13+$0x0], $0xffff  }
0x412: {  	v27 =	vld [tilespmem:s1+$0xFFFFFE40]  }
0x413: {  	v28 =	vld [tilespmem:s1+$0xFFFFFE50]  }
0x414: {  	v29 =	vld [tilespmem:s1+$0xFFFFFE60]  }
0x415: {  	v30 =	vld [tilespmem:s1+$0xFFFFFE70];
	_ =	sdelay $0x1  }
0x416: {  	v31 =	vmov s14;
	v25 =	vmul.f32 v25, v26;
	v27 =	vmul.f32 v27, v26  }
0x417: {  	v24 =	vmul.f32 v24, v26;
	v28 =	vmul.f32 v28, v26  }
0x418: {  	v22 =	vmul.f32 v22, v26;
	[tilespmem:s1+$0xFFFFFE40] =	vst v27;
	v27 =	vmul.f32 v29, v26  }
0x419: {  	v23 =	vmul.f32 v23, v26;
	[tilespmem:s1+$0xFFFFFE50] =	vst v28;
	v28 =	vmul.f32 v30, v26  }
0x41a: {  	[tilespmem:s1+$0xFFFFFE60] =	vst v27  }
0x41b: {  	[tilespmem:s1+$0xFFFFFE70] =	vst v28  }
0x41c: {  	[tilespmem:s1+$0xFFFFFEB0] =	vst v25;
	v25 =	vld [tilespmem:s1+$0xFFFFFF30]  }
0x41d: {  	[tilespmem:s1+$0xFFFFFE90] =	vst v22;
	v22 =	vld [tilespmem:s1+$0xFFFFFF10]  }
0x41e: {  	[tilespmem:s1+$0xFFFFFEA0] =	vst v24;
	v24 =	vld [tilespmem:s1+$0xFFFFFEF0]  }
0x41f: {  	[tilespmem:s1+$0xFFFFFE80] =	vst v23;
	v23 =	vld [tilespmem:s1+$0xFFFFFED0]  }
0x420: {  	v26 =	vld.idx.msk [tilespmem:v31+s13+$0x0], $0xffff  }
0x421: {  	v27 =	vld [tilespmem:s1+$0xFFFFFEC0]  }
0x422: {  	v28 =	vld [tilespmem:s1+$0xFFFFFEE0]  }
0x423: {  	v29 =	vld [tilespmem:s1+$0xFFFFFF00]  }
0x424: {  	v30 =	vld [tilespmem:s1+$0xFFFFFF20];
	_ =	sdelay $0x1  }
0x425: {  	v23 =	vmul.f32 v23, v26;
	v27 =	vmul.f32 v27, v26  }
0x426: {  	v24 =	vmul.f32 v24, v26;
	v28 =	vmul.f32 v28, v26  }
0x427: {  	v22 =	vmul.f32 v22, v26;
	[tilespmem:s1+$0xFFFFFEC0] =	vst v27;
	v27 =	vmul.f32 v29, v26;
	v29 =	vmov s3  }
0x428: {  	v25 =	vmul.f32 v25, v26;
	[tilespmem:s1+$0xFFFFFEF0] =	vst v24;
	v24 =	vmul.f32 v30, v26  }
0x429: {  	[tilespmem:s1+$0xFFFFFF10] =	vst v22  }
0x42a: {  	[tilespmem:s1+$0xFFFFFF20] =	vst v24  }
0x42b: {  	[tilespmem:s1+$0xFFFFFF30] =	vst v25;
	v22 =	vld [tilespmem:s1+$0xFFFFFFA0]  }
0x42c: {  	[tilespmem:s1+$0xFFFFFEE0] =	vst v28;
	v24 =	vld [tilespmem:s1+$0xFFFFFFB0]  }
0x42d: {  	[tilespmem:s1+$0xFFFFFED0] =	vst v23;
	v23 =	vld [tilespmem:s1+$0xFFFFFF70]  }
0x42e: {  	[tilespmem:s1+$0xFFFFFF00] =	vst v27;
	v25 =	vld [tilespmem:s1+$0xFFFFFF80]  }
0x42f: {  	v26 =	vld.idx.msk [tilespmem:v29+s13+$0x0], $0xffff  }
0x430: {  	v27 =	vld [tilespmem:s1+$0xFFFFFF40]  }
0x431: {  	v28 =	vld [tilespmem:s1+$0xFFFFFF60]  }
0x432: {  	v29 =	vld [tilespmem:s1+$0xFFFFFF50]  }
0x433: {  	v30 =	vld [tilespmem:s1+$0xFFFFFF90];
	_ =	sdelay $0x1  }
0x434: {  	v25 =	vmul.f32 v25, v26;
	v27 =	vmul.f32 v27, v26  }
0x435: {  	v23 =	vmul.f32 v23, v26;
	v28 =	vmul.f32 v28, v26  }
0x436: {  	v24 =	vmul.f32 v24, v26;
	[tilespmem:s1+$0xFFFFFF40] =	vst v27;
	v27 =	vmul.f32 v29, v26  }
0x437: {  	v22 =	vmul.f32 v22, v26;
	[tilespmem:s1+$0xFFFFFF80] =	vst v25;
	v25 =	vmul.f32 v30, v26  }
0x438: {  	[tilespmem:s1+$0xFFFFFF50] =	vst v27  }
0x439: {  	[tilespmem:s1+$0xFFFFFFA0] =	vst v22;
	v22 =	vmov s12  }
0x43a: {  	[tilespmem:s1+$0xFFFFFF60] =	vst v28;
	v26 =	vld [tilespmem:s1+$0xFFFFFFF0]  }
0x43b: {  	[tilespmem:s1+$0xFFFFFF70] =	vst v23;
	v27 =	vld [tilespmem:s1+$0x0]  }
0x43c: {  	[tilespmem:s1+$0xFFFFFF90] =	vst v25;
	v28 =	vld [tilespmem:s1+$0xFFFFFFC0]  }
0x43d: {  	[tilespmem:s1+$0xFFFFFFB0] =	vst v24;
	v24 =	vld [tilespmem:s1+$0x20]  }
0x43e: {  	v23 =	vld.idx.msk [tilespmem:v22+s13+$0x0], $0xffff  }
0x43f: {  	v22 =	vld [tilespmem:s1+$0xFFFFFFD0]  }
0x440: {  	v29 =	vld [tilespmem:s1+$0xFFFFFFE0]  }
0x441: {  	v30 =	vld [tilespmem:s1+$0x10]  }
.Ltmp3:
0x442: {  	v25 =	vld [tilespmem:s1+$0x30];
	(pc) =	sbr.rel @p0 .LBB2_9-.Ltmp3, $4  }
0x443: {  	_ = 	snop  }
0x444: {  	v31 =	vmul.f32 v28, v23;
	v22 =	vmul.f32 v22, v23  }
0x445: {  	v26 =	vmul.f32 v26, v23;
	v28 =	vmul.f32 v29, v23  }
0x446: {  	v29 =	vmul.f32 v27, v23;
	[tilespmem:s1+$0xFFFFFFC0] =	vst v31;
	v27 =	vmul.f32 v30, v23  }
0x447: {  	[tilespmem:s8+$0xFFFFFFE0] =	vst v28  }
0x448: {  	[tilespmem:s8+$0xFFFFFFF0] =	vst v26  }
0x449: {  	v32 =	vmov s11;
	[tilespmem:s8+$0xFFFFFFD0] =	vst v22  }
0x44a: {  	v24 =	vmul.f32 v24, v23;
	[tilespmem:s8+$0x0] =	vst v29  }
0x44b: {  	v23 =	vmul.f32 v25, v23;
	[tilespmem:s8+$0x10] =	vst v27  }
0x44c: {  	[tilespmem:s8+$0x20] =	vst v24  }
0x44d: {  	v33 =	vld [tilespmem:s8+$0x40];
	[tilespmem:s8+$0x30] =	vst v23  }
0x44e: {  	v22 =	vld.idx.msk [tilespmem:v32+s13+$0x0], $0xffff  }
0x44f: {  	v23 =	vld [tilespmem:s8+$0x70]  }
0x450: {  	v34 =	vld [tilespmem:s8+$0x80]  }
0x451: {  	v35 =	vld [tilespmem:s8+$0x60]  }
0x452: {  	v37 =	vld [tilespmem:s8+$0xA0]  }
0x453: {  	v38 =	vld [tilespmem:s8+$0x50];
	v24 =	vmul.f32 v33, v22  }
0x454: {  	v36 =	vld [tilespmem:s8+$0xB0];
	v23 =	vmul.f32 v23, v22  }
0x455: {  	v30 =	vld [tilespmem:s8+$0x90];
	v39 =	vmul.f32 v34, v22;
	[tilespmem:s8+$0x40] =	vst v24  }
0x456: {  	v40 =	vmul.f32 v35, v22;
	[tilespmem:s8+$0x70] =	vst v23  }
0x457: {  	v41 =	vmul.f32 v37, v22;
	[tilespmem:s8+$0x80] =	vst v39  }
0x458: {  	v42 =	vmov s0;
	v43 =	vmul.f32 v38, v22;
	[tilespmem:s8+$0x60] =	vst v40  }
0x459: {  	v23 =	vmul.f32 v36, v22;
	[tilespmem:s8+$0xA0] =	vst v41  }
0x45a: {  	v22 =	vmul.f32 v30, v22;
	[tilespmem:s8+$0x50] =	vst v43  }
0x45b: {  	[tilespmem:s8+$0xB0] =	vst v23  }
0x45c: {  	v23 =	vld [tilespmem:s8+$0xC0];
	[tilespmem:s8+$0x90] =	vst v22  }
0x45d: {  	v22 =	vld.idx.msk [tilespmem:v42+s13+$0x0], $0xffff  }
0x45e: {  	v45 =	vld [tilespmem:s8+$0xE0]  }
0x45f: {  	v47 =	vld [tilespmem:s8+$0x110]  }
0x460: {  	v49 =	vld [tilespmem:s8+$0x130]  }
0x461: {  	v44 =	vld [tilespmem:s8+$0x100]  }
0x462: {  	v46 =	vld [tilespmem:s8+$0xD0];
	v23 =	vmul.f32 v23, v22  }
0x463: {  	v48 =	vld [tilespmem:s8+$0x120];
	v25 =	vmul.f32 v45, v22  }
0x464: {  	v50 =	vld [tilespmem:s8+$0xF0];
	v51 =	vmul.f32 v47, v22;
	[tilespmem:s8+$0xC0] =	vst v23  }
0x465: {  	v52 =	vmul.f32 v49, v22;
	[tilespmem:s8+$0xE0] =	vst v25  }
0x466: {  	v23 =	vmul.f32 v44, v22;
	[tilespmem:s8+$0x110] =	vst v51  }
0x467: {  	v53 =	vmov s9;
	v26 =	vmul.f32 v46, v22;
	[tilespmem:s8+$0x130] =	vst v52  }
0x468: {  	[tilespmem:s8+$0x100] =	vst v23;
	v23 =	vmul.f32 v48, v22  }
0x469: {  	[tilespmem:s8+$0xD0] =	vst v26;
	v22 =	vmul.f32 v50, v22  }
0x46a: {  	[tilespmem:s8+$0x120] =	vst v23  }
0x46b: {  	v54 =	vld [tilespmem:s8+$0x140];
	[tilespmem:s8+$0xF0] =	vst v22  }
0x46c: {  	v22 =	vld.idx.msk [tilespmem:v53+s13+$0x0], $0xffff  }
0x46d: {  	v55 =	vld [tilespmem:s8+$0x160]  }
0x46e: {  	v56 =	vld [tilespmem:s8+$0x170]  }
0x46f: {  	v57 =	vld [tilespmem:s8+$0x180]  }
0x470: {  	v23 =	vld [tilespmem:s8+$0x1B0]  }
0x471: {  	v58 =	vld [tilespmem:s8+$0x190];
	v25 =	vmul.f32 v54, v22  }
0x472: {  	v60 =	vld [tilespmem:s8+$0x1A0];
	v24 =	vmul.f32 v55, v22  }
0x473: {  	v59 =	vld [tilespmem:s8+$0x150];
	v26 =	vmul.f32 v56, v22;
	[tilespmem:s8+$0x140] =	vst v25  }
0x474: {  	v61 =	vmul.f32 v57, v22;
	[tilespmem:s8+$0x160] =	vst v24  }
0x475: {  	s31 =	smul.u32 $0x19, s7;
	s6 =	sadd.s32 $0x1, s6;
	v23 =	vmul.f32 v23, v22;
	[tilespmem:s8+$0x170] =	vst v26  }
0x476: {  	p0 =	sne.s32 s6, $0x10;
	v62 =	vmul.f32 v58, v22;
	[tilespmem:s8+$0x180] =	vst v61  }
.Ltmp4:
0x477: {  	s0 =	sadd.s32 s5, s31;
	v63 =	vmul.f32 v60, v22;
	[tilespmem:s8+$0x1B0] =	vst v23;
	(pc) =	sbr.rel @p0 .LBB2_2-.Ltmp4, $4  }
0x478: {  	s0 =	sshll.u32 s0, $0x7;
	v22 =	vmul.f32 v59, v22;
	[tilespmem:s8+$0x190] =	vst v62  }
0x479: {  	s0 =	sand.u32 $0x1FFFFF80, s0;
	[tilespmem:s8+$0x1A0] =	vst v63  }
0x47a: {  	s17 =	sadd.s32 $0x2BC, s17;
	s0 =	sadd.s32 s4, s0;
	[tilespmem:s8+$0x150] =	vst v22  }
0x47b: {  	[hbm4b:s0+s22] =	stream.strided.scatter [tilespmem:s25], [sflag:$0x8], $0x5780, s23, s22, $0x38;
	[tilespmem:$0x1DC00] =	vst v63  }
0x47c: {  	s0 =	simm.s32 $0x5  }
0x47d: {  	_ =	swait.ge [sflag:s0], $0x5780  }
0x47e: {  	[sflag:s0] =	ssyncset.done $0x0  }
0x47f: {  	s17 =	simm.s32 $0x6;
	[sflag:s0] =	ssyncadd.s32 $0xFFFFA880  }
0x480: {  	_ =	swait.ge [sflag:s17], $0x5780  }
0x481: {  	[sflag:s17] =	ssyncset.done $0x0  }
0x482: {  	s30 =	simm.s32 $0x7;
	[sflag:s17] =	ssyncadd.s32 $0xFFFFA880  }
0x483: {  	_ =	swait.ge [sflag:s30], $0x5780  }
0x484: {  	[sflag:s30] =	ssyncset.done $0x0  }
0x485: {  	s1 =	simm.s32 $0x8;
	[sflag:s30] =	ssyncadd.s32 $0xFFFFA880  }
0x486: {  	_ =	swait.ge [sflag:s1], $0x5780  }
0x487: {  	s3 =	rddreg [dreg:$0xb]  }
0x488: {  	s31 =	rddreg [dreg:$0x9];
	s3 =	sadd.s32 $0x1, s3  }
0x489: {  	p0 =	sne.s32 s3, s31  }
.Ltmp5:
0x48a: {  	_ = 	snop;
	(pc) =	sbr.rel @p0 .LBB2_1-.Ltmp5, $3  }
0x48b: {  	_ =	sdelay $0x1  }
0x48c: {  	[sflag:s1] =	ssyncset.done $0x0  }
0x48d: {  	[sflag:s1] =	ssyncadd.s32 $0xFFFFA880  }
0x48e: {  	_ =	sfence.sel $0x180000  }
0x48f: {  	[bflag:$0x0] =	sbarrier.arrive $0xFFFF  }
0x490: {  	_ =	strace $0x90000047  }
0x491: {  	s0 =	stileid.u32;
	[bflag:$0x2] =	sbarrier.arrive $0xFFFF  }
0x492: {  	p0 =	sne.s32 s0, $0x0;
	s0 =	rddreg [dreg:$0x4]  }
0x493: {  	s0 =	sadd.s32 @!p0 $0x100000, s0  }
0x494: {  	[sflag:s0] =	ssyncadd.tile.s32 @!p0 $0x1;
	_ =	shalt  }
.Lfunc_end2:
_tile_overlayer_lowered:
.L_overlay_start_2:
0x495: {  	(tag) =	ssettag $0x2  }
0x496: {  	s0 =	rddreg [dreg:$0x0];
	s2 =	stileid.u32  }
0x497: {  	s1 =	rddreg [dreg:$0x1];
	p0 =	sne.s32 s2, $0x0  }
0x498: {  	s3 =	rddreg [dreg:$0x2];
	[bflag:$0x3] =	sbarrier.arrive $0xFFFF;
	s2 =	simm.s32 @!p0 $0x1C09  }
0x499: {  	[timem:s3], [sflag:s2] =	dma.local @!p0 [hbm:s0], s1  }
0x49a: {  	s0 =	simm.s32 @!p0 $0x9  }
0x49b: {  	_ =	swait.ge @!p0 [sflag:s0], s1  }
0x49c: {  	s1 =	ssub.s32 @!p0 $0x0, s1;
	[sflag:s0] =	ssyncset.done @!p0 $0x0  }
0x49d: {  	[sflag:s0] =	ssyncadd.s32 @!p0 s1  }
0x49e: {  	[bflag:$0x3] =	sbarrier.arrive $0xFFFF  }
0x49f: {  	_ =	shalt  }

// kernel: sparse-core-data-format-call.cloned.1.call-start
scs
called_computation_lowered:
.L_overlay_start_0:
0x0: {  	s2 =	sld [smem:$0x3FD9]  }
0x1: {  	s3 =	sld [smem:$0x3FFE];
	_ =	sdelay $0x1  }
0x2: {  	s1 =	srdreg.scid  }
0x3: {  	s0 =	sand.u32 $0x1, s1  }
0x4: {  	s18 =	sshll.u32 s0, $0xA;
	s2 =	sadd.s32 s3, s2  }
0x5: {  	s2 =	sadd.s32 s2, s18  }
0x6: {  	[smem:$0x3FC5] =	sst s2  }
0x7: {  	_ = 	snop  }
0x8: {  	s2 =	sld [smem:$0x3FD0];
	(tm) =	ssettm $0x1  }
0x9: {  	s19 =	sld [smem:$0x3FFB];
	_ =	sdelay $0x3  }
0xa: {  	_ =	strace s19  }
0xb: {  	s3 =	sld [smem:$0x3FFC];
	_ =	sdelay $0x3  }
0xc: {  	_ =	strace s3  }
0xd: {  	s3 =	sld [smem:$0x3FFD];
	_ =	sdelay $0x3  }
0xe: {  	_ =	strace s3  }
0xf: {  	_ =	strace $0x8FFFFFFF  }
0x10: {  	s20 =	sld [smem:$0x3FDB];
	_ =	sdelay $0x1  }
0x11: {  	s4 =	simm.s32 $_scs_section_size  }
0x12: {  	s5 =	simm.s32 $_size__tile_overlayer_lowered;
	s6 =	simm.s32 $_tile_overlayer_lowered  }
0x13: {  	s23 =	simm.s32 $0x1BFF;
	s22 =	sshll.u32 s6, $0x1;
	s3 =	sadd.s32 s4, s20  }
0x14: {  	s7 =	simm.s32 $0x0;
	s21 =	sshll.u32 s5, $0x1;
	s5 =	sadd.s32 s22, s3  }
0x15: {  	[timem:s7], [sflag:s23] =	dma.local [hbm:s5], s21  }
0x16: {  	_ =	swait.ge [sflag:s23], s21  }
0x17: {  	s4 =	ssub.s32 $0x0, s21;
	[sflag:s23] =	ssyncset.done $0x0  }
0x18: {  	[sflag:s23] =	ssyncadd.s32 s4;
	_ =	sdelay $0x1  }
0x19: {  	s24 =	simm.s32 $0x1B8B  }
0x1a: {  	_ =	swait.ge [sflag:s24], $0x1  }
0x1b: {  	[sflag:s24] =	ssyncset.done $0x0  }
0x1c: {  	s26 =	simm.s32 $0x1B8E;
	s25 =	sld [smem:$0x3FFE];
	[sflag:s24] =	ssyncadd.s32 $0xFFFFFFFF  }
0x1d: {  	s27 =	simm.s32 $execute0_lowered;
	[smem:$0x3FD2] =	sst s26  }
0x1e: {  	s5 =	sshll.u32 s27, $0x1;
	_ =	strace $0x80000049;
	[dreg:$0x1] =	wrdreg $0xFFFFFFFF  }
0x1f: {  	s28 =	simm.s32 $_size_execute0_lowered;
	s3 =	sadd.s32 s3, s5;
	[dreg:$0x0] =	wrdreg $0x0  }
0x20: {  	s5 =	sshll.u32 s28, $0x1;
	[dreg:$0x2] =	wrdreg s3  }
0x21: {  	[dreg:$0x3] =	wrdreg s5  }
0x22: {  	[dreg:$0x4] =	wrdreg $0xC0  }
0x23: {  	_ =	task [dreg:s7], $0x5FFFF  }
0x24: {  	[dreg:$0x1] =	wrdreg $0xFFFFFFFF  }
0x25: {  	[dreg:$0x0] =	wrdreg $0x60  }
0x26: {  	[dreg:$0x2] =	wrdreg s25  }
0x27: {  	[dreg:$0x3] =	wrdreg s2  }
0x28: {  	[dreg:$0x4] =	wrdreg $0x9  }
0x29: {  	_ =	task.clear_ibuf [dreg:s7], $0x5FFFF;
	_ =	strace $0x90000049  }
0x2a: {  	s29 =	simm.s32 $0x9;
	_ =	strace $0x8000004B  }
0x2b: {  	_ =	swait.ge [sflag:s29], $0x1  }
0x2c: {  	[sflag:s29] =	ssyncadd.s32 $0xFFFFFFFF  }
0x2d: {  	_ =	strace $0x9000004B  }
0x2e: {  	_ =	sfence  }
0x2f: {  	s30 =	sld [smem:$0x0];
	_ =	sdelay $0x2  }
0x30: {  	s31 =	sshll.u32 s1, $0xD;
	s1 =	sshrl.u32 s1, $0x2  }
0x31: {  	s3 =	sand.u32 $0x4000, s31;
	s1 =	sadd.s32 s1, s30  }
0x32: {  	s0 =	sor.u32 s3, s0;
	s1 =	sshll.u32 s1, $0x11  }
0x33: {  	s0 =	sor.u32 s1, s0  }
0x34: {  	s0 =	sadd.s32 $0x8F2B, s0  }
0x35: {  	[sflag:s0] =	ssyncadd.remote.s32 $0x1  }
0x36: {  	_ =	sfence.sel $0xFFFF  }
0x37: {  	[dreg:$0x0] =	wrdreg $0xFFFFFFFF;
	(pc) =	sbr.abs _section_cstart, $3  }
0x38: {  	[dreg:$0x1] =	wrdreg $0xFFFFFFFF  }
0x39: {  	_ =	task.clear_ibuf [dreg:s7], $0x2FFFF;
	_ =	strace $0x9FFFFFFF  }
0x3a: {  	(tm) =	ssettm $0x7FFFFFFF  }
0x3b: {  	_ =	shalt  }
tec
execute0_lowered:
.L_overlay_start_1:
0x0: {  	(tag) =	ssettag $0x1  }
0x1: {  	s0 =	stileid.u32  }
0x2: {  	s1 =	srdreg.scid;
	s7 =	rddreg [dreg:$0x0]  }
0x3: {  	s6 =	simm.s32 $0x1;
	s8 =	simm.s32 $0x32;
	s31 =	simm.s32 $0x2  }
0x4: {  	s9 =	simm.s32 $0x0;
	s10 =	simm.s32 $0x0;
	s15 =	simm.s32 $0x0  }
0x5: {  	s16 =	simm.s32 $0x0;
	s1 =	sshll.u32 s1, $0x4;
	s2 =	sshll.u32 s0, $0x7  }
0x6: {  	s17 =	simm.s32 $0x0;
	s3 =	sand.u32 $0x10, s1;
	s1 =	sand.u32 $0x380, s2  }
0x7: {  	s12 =	simm.s32 $0x0;
	s14 =	simm.s32 $0x0;
	s5 =	ssub.s32 $0x400, s1  }
0x8: {  	s2 =	rddreg [dreg:$0x2];
	s29 =	sor.u32 s0, s3;
	s30 =	sand.u32 $0x380, s5  }
0x9: {  	s4 =	sshrl.u32 s29, $0x3;
	s5 =	sshrl.u32 s5, $0xA;
	p0 =	sne.s32 s30, $0x0  }
.Ltmp0:
0xa: {  	s6 =	simm.s32 @!p0 $0x0;
	p0 =	seq.s32 s4, $0x3;
	(pc) =	sbr.rel .LBB1_1-.Ltmp0, $4  }
0xb: {  	s3 =	rddreg [dreg:$0x1];
	s6 =	sadd.s32 s6, s5;
	s8 =	simm.s32 @!p0 $0x64  }
0xc: {  	_ =	strace $0x8000004A;
	s5 =	simm.s32 $0x1;
	s6 =	smul.u32 s8, s6  }
0xd: {  	s7 =	sadd.s32 $0xBA00, s7;
	s13 =	smov.u32 s1;
	[sflag:s5] =	ssyncpa.u1 $0x0  }
0xe: {  	s11 =	smov.u32 s4;
	[sflag:s31] =	ssyncpa.u1 $0x0;
	s8 =	sor.u32 $0x1, s6  }
.LBB1_4:
0xf: {  	_ =	sdelay $0x3  }
0x10: {  	[tilespmem:v0+s19+$0xFFFFFFD0 ss:$0x1] =	vst.idx.msk $0xffff, v6  }
0x11: {  	v56 =	vld.idx.msk [tilespmem:v1+s20+$0x0 ss:$0x1], $0xffff;
	[tilespmem:v0+s19+$0xFFFFFFE0 ss:$0x1] =	vst.idx.msk $0xffff, v4  }
0x12: {  	v57 =	vld.idx.msk [tilespmem:v1+s20+$0xFFFFFF90 ss:$0x1], $0xffff;
	[tilespmem:v0+s19+$0xFFFFFFF0 ss:$0x1] =	vst.idx.msk $0xffff, v2  }
0x13: {  	v58 =	vld.idx.msk [tilespmem:v1+s20+$0xFFFFFFA0 ss:$0x1], $0xffff;
	[tilespmem:v0+s19+$0x0 ss:$0x1] =	vst.idx.msk $0xffff, v3  }
0x14: {  	v59 =	vld.idx.msk [tilespmem:v1+s20+$0xFFFFFFB0 ss:$0x1], $0xffff;
	[tilespmem:v0+s19+$0x10 ss:$0x1] =	vst.idx.msk $0xffff, v5  }
0x15: {  	v60 =	vld.idx.msk [tilespmem:v1+s20+$0xFFFFFFC0 ss:$0x1], $0xffff;
	[tilespmem:v0+s19+$0x20 ss:$0x1] =	vst.idx.msk $0xffff, v7  }
0x16: {  	v61 =	vld.idx.msk [tilespmem:v1+s20+$0xFFFFFFD0 ss:$0x1], $0xffff;
	[tilespmem:v0+s20+$0x30 ss:$0x1] =	vst.idx.msk $0xffff, v56  }
0x17: {  	v62 =	vld.idx.msk [tilespmem:v1+s20+$0xFFFFFFE0 ss:$0x1], $0xffff;
	[tilespmem:v0+s20+$0xFFFFFFC0 ss:$0x1] =	vst.idx.msk $0xffff, v57  }
0x18: {  	v63 =	vld.idx.msk [tilespmem:v1+s20+$0xFFFFFFF0 ss:$0x1], $0xffff;
	[tilespmem:v0+s20+$0xFFFFFFD0 ss:$0x1] =	vst.idx.msk $0xffff, v58  }
0x19: {  	s16 =	smul.u32 $0x1C000, s16;
	[tilespmem:v0+s20+$0xFFFFFFE0 ss:$0x1] =	vst.idx.msk $0xffff, v59  }
0x1a: {  	s17 =	sshll.u32 s17, $0x4;
	[tilespmem:v0+s20+$0xFFFFFFF0 ss:$0x1] =	vst.idx.msk $0xffff, v60  }
0x1b: {  	s17 =	sand.u32 $0x3FF0, s17;
	s16 =	sadd.s32 s3, s16;
	[tilespmem:v0+s20+$0x0 ss:$0x1] =	vst.idx.msk $0xffff, v61  }
0x1c: {  	s15 =	sshll.u32 s15, $0xE;
	s16 =	sadd.s32 s17, s16;
	[tilespmem:v0+s20+$0x10 ss:$0x1] =	vst.idx.msk $0xffff, v62  }
0x1d: {  	s15 =	sadd.s32 s15, s16;
	[tilespmem:v0+s20+$0x20 ss:$0x1] =	vst.idx.msk $0xffff, v63  }
0x1e: {  	[hbm4b:s15+s9] =	stream.linear.scatter [tilespmem:s18], [sflag:$0x2], $0x4000, $0x38;
	[tilespmem:$0x10000] =	vst v63  }
.LBB1_5:
0x1f: {  	s18 =	sadd.s32 $0x4, s11  }
0x20: {  	s15 =	simm.s32 $0x1;
	p1 =	sgt.s32 s18, $0x6  }
0x21: {  	s15 =	simm.s32 @!p1 $0x0  }
0x22: {  	s19 =	sadd.s32 s15, s12  }
0x23: {  	s21 =	smov.u32 s13;
	s15 =	sadd.s32 $0x400, s13;
	p2 =	sgt.s32 s19, $0x31  }
0x24: {  	s21 =	smov.u32 @p2 s15  }
0x25: {  	p0 =	slt.u32 s14, $0x2;
	s18 =	smov.u32 @p1 s4;
	p1 =	sgt.s32 s21, $0x3FF  }
0x26: {  	s20 =	simm.s32 @!p0 $0x2;
	s21 =	smov.u32 @p1 s1;
	p1 =	sne.s32 s14, s8  }
.Ltmp1:
0x27: {  	_ =	swait.ge @!p0 [sflag:s20], $0x4000;
	(pc) =	sbr.rel @!p1 .LBB1_6-.Ltmp1, $4  }
0x28: {  	s16 =	smov.u32 s12;
	[sflag:s20] =	ssyncset.done @!p0 $0x0  }
0x29: {  	s17 =	smov.u32 s13;
	s10 =	sadd.s32 $0x4000, s10;
	[sflag:s20] =	ssyncadd.s32 @!p0 $0xFFFFC000  }
0x2a: {  	s19 =	simm.s32 @p2 $0x0;
	s15 =	smov.u32 s11;
	s11 =	smov.u32 s18  }
0x2b: {  	s12 =	smov.u32 s19;
	s14 =	sadd.s32 $0x1, s14;
	s13 =	smov.u32 s21  }
.LBB1_1:
0x2c: {  	p0 =	sge.u32 s14, s6  }
0x2d: {  	s19 =	smul.u32 @!p0 $0x1900, s13  }
0x2e: {  	s31 =	sadd.s32 $0xFFFFFFFF, s14;
	s18 =	sxor.u32 @!p0 $0xFFFFFFFF, s14;
	s20 =	sshll.u32 @!p0 s12, $0x7  }
0x2f: {  	s21 =	sshll.u32 @!p0 s11, $0x4;
	s18 =	sshll.u32 @!p0 s18, $0xE;
	s19 =	sadd.s32 @!p0 s7, s19  }
0x30: {  	s21 =	sand.u32 @!p0 $0x70, s21;
	s18 =	sand.u32 @!p0 $0x4000, s18;
	s19 =	sadd.s32 @!p0 s20, s19  }
0x31: {  	s20 =	simm.s32 @!p0 $0x80;
	s19 =	sadd.s32 @!p0 s21, s19;
	s21 =	simm.s32 @!p0 $0xC800  }
0x32: {  	[tilespmem:s18], [sflag:$0x1] =	stream.strided.gather @!p0 [hbm4b:s19+s20], $0x4000, s21, s20, $0x38;
	[tilespmem:$0x10000] =	vst v63  }
0x33: {  	p0 =	sge.u32 s31, s6  }
.Ltmp2:
0x34: {  	_ = 	snop;
	(pc) =	sbr.rel @p0 .LBB1_5-.Ltmp2, $1  }
0x35: {  	_ =	sdelay $0x3  }
0x36: {  	s18 =	sand.u32 $0x4000, s10  }
0x37: {  	s19 =	sor.u32 $0x70, s18  }
0x38: {  	v1 =	vmov s19;
	_ =	sdelay $0x1  }
0x39: {  	_ =	swait.ge [sflag:s5], $0x4000  }
0x3a: {  	[sflag:s5] =	ssyncset.done $0x0  }
0x3b: {  	[sflag:s5] =	ssyncadd.s32 $0xFFFFC000;
	s19 =	simm.s32 $0x0  }
0x3c: {  	s18 =	sor.u32 $0x8040, s18;
	v7 =	vld.idx.msk [tilespmem:v1+s19+$0x0 ss:$0x1], $0xffff  }
0x3d: {  	v0 =	vmov s18;
	v8 =	vld.idx.msk [tilespmem:v1+s19+$0xFFFFFF90 ss:$0x1], $0xffff  }
0x3e: {  	v6 =	vld.idx.msk [tilespmem:v1+s19+$0xFFFFFFA0 ss:$0x1], $0xffff  }
0x3f: {  	v4 =	vld.idx.msk [tilespmem:v1+s19+$0xFFFFFFB0 ss:$0x1], $0xffff  }
0x40: {  	v2 =	vld.idx.msk [tilespmem:v1+s19+$0xFFFFFFC0 ss:$0x1], $0xffff  }
0x41: {  	s31 =	sshll.u32 s14, $0xE;
	v3 =	vld.idx.msk [tilespmem:v1+s19+$0xFFFFFFD0 ss:$0x1], $0xffff  }
0x42: {  	s18 =	sand.u32 $0x4000, s31;
	v5 =	vld.idx.msk [tilespmem:v1+s19+$0xFFFFFFE0 ss:$0x1], $0xffff;
	[tilespmem:v0+s19+$0x30 ss:$0x1] =	vst.idx.msk $0xffff, v7  }
0x43: {  	s20 =	simm.s32 $0x80;
	s21 =	simm.s32 $0x400;
	s18 =	sor.u32 $0x8000, s18;
	[tilespmem:v0+s19+$0xFFFFFFC0 ss:$0x1] =	vst.idx.msk $0xffff, v8;
	v7 =	vld.idx.msk [tilespmem:v1+s19+$0xFFFFFFF0 ss:$0x1], $0xffff  }
.LBB1_3:
0x44: {  	p0 =	sne.s32 s21, $0xFE00;
	v8 =	vld.idx.msk [tilespmem:v1+s20+$0x0 ss:$0x1], $0xffff;
	[tilespmem:v0+s19+$0xFFFFFFD0 ss:$0x1] =	vst.idx.msk $0xffff, v6  }
0x45: {  	v9 =	vld.idx.msk [tilespmem:v1+s20+$0xFFFFFF90 ss:$0x1], $0xffff;
	[tilespmem:v0+s19+$0xFFFFFFE0 ss:$0x1] =	vst.idx.msk $0xffff, v4  }
0x46: {  	v6 =	vld.idx.msk [tilespmem:v1+s20+$0xFFFFFFA0 ss:$0x1], $0xffff;
	[tilespmem:v0+s19+$0xFFFFFFF0 ss:$0x1] =	vst.idx.msk $0xffff, v2  }
.Ltmp3:
0x47: {  	v4 =	vld.idx.msk [tilespmem:v1+s20+$0xFFFFFFB0 ss:$0x1], $0xffff;
	[tilespmem:v0+s19+$0x0 ss:$0x1] =	vst.idx.msk $0xffff, v3;
	(pc) =	sbr.rel @p0 .LBB1_3-.Ltmp3, $4  }
0x48: {  	v2 =	vld.idx.msk [tilespmem:v1+s20+$0xFFFFFFC0 ss:$0x1], $0xffff;
	[tilespmem:v0+s19+$0x10 ss:$0x1] =	vst.idx.msk $0xffff, v5  }
0x49: {  	v3 =	vld.idx.msk [tilespmem:v1+s20+$0xFFFFFFD0 ss:$0x1], $0xffff;
	[tilespmem:v0+s19+$0x20 ss:$0x1] =	vst.idx.msk $0xffff, v7;
	s19 =	smov.u32 s20  }
0x4a: {  	v5 =	vld.idx.msk [tilespmem:v1+s19+$0xFFFFFFE0 ss:$0x1], $0xffff;
	[tilespmem:v0+s19+$0x30 ss:$0x1] =	vst.idx.msk $0xffff, v8  }
0x4b: {  	s20 =	sshra.s32 s21, $0x2;
	s21 =	sadd.s32 $0x200, s21;
	[tilespmem:v0+s19+$0xFFFFFFC0 ss:$0x1] =	vst.idx.msk $0xffff, v9;
	v7 =	vld.idx.msk [tilespmem:v1+s19+$0xFFFFFFF0 ss:$0x1], $0xffff  }
.Ltmp4:
0x4c: {  	_ = 	snop;
	(pc) =	sbr.rel .LBB1_4-.Ltmp4, $1  }
0x4d: {  	_ =	sdelay $0x3  }
.LBB1_6:
0x4e: {  	_ =	sfence.sel $0x180000  }
0x4f: {  	s1 =	simm.s32 $0x1;
	[bflag:$0x0] =	sbarrier.arrive $0xFFFF  }
0x50: {  	s31 =	simm.s32 $0x2;
	[sflag:s1] =	ssyncpa.u1 $0x1  }
0x51: {  	[sflag:s31] =	ssyncpa.u1 $0x1  }
0x52: {  	p0 =	sne.s32 s0, $0x0;
	_ =	strace $0x9000004A  }
0x53: {  	s0 =	sadd.s32 @!p0 $0x100000, s2;
	[bflag:$0x2] =	sbarrier.arrive $0xFFFF  }
0x54: {  	[sflag:s0] =	ssyncadd.tile.s32 @!p0 $0x1;
	_ =	shalt  }
.Lfunc_end1:
_tile_overlayer_lowered:
.L_overlay_start_2:
0x55: {  	(tag) =	ssettag $0x2  }
0x56: {  	s0 =	rddreg [dreg:$0x0];
	s2 =	stileid.u32  }
0x57: {  	s1 =	rddreg [dreg:$0x1];
	p0 =	sne.s32 s2, $0x0  }
0x58: {  	s3 =	rddreg [dreg:$0x2];
	[bflag:$0x3] =	sbarrier.arrive $0xFFFF;
	s2 =	simm.s32 @!p0 $0x1C01  }
0x59: {  	[timem:s3], [sflag:s2] =	dma.local @!p0 [hbm:s0], s1  }
0x5a: {  	s0 =	simm.s32 @!p0 $0x1  }
0x5b: {  	_ =	swait.ge @!p0 [sflag:s0], s1  }
0x5c: {  	s1 =	ssub.s32 @!p0 $0x0, s1;
	[sflag:s0] =	ssyncset.done @!p0 $0x0  }
0x5d: {  	[sflag:s0] =	ssyncadd.s32 @!p0 s1  }
0x5e: {  	[bflag:$0x3] =	sbarrier.arrive $0xFFFF  }
0x5f: {  	_ =	shalt  }

</sc_bundles>
